<compile_context>
chip_gen: v7x
topology: tpu7x:2x2x1
jax: 0.10.2.dev20260603
libtpu: 0.0.44.dev20260713+nightly
codegen_flags: <defaults>
</compile_context>

<pallas_src>
import jax
import jax.numpy as jnp
from jax import lax
from jax.experimental import pallas as pl
from jax.experimental.pallas import tpu as pltpu
from jax.experimental.pallas import tpu_sc as plsc

NUM_GENES = 1000000
EMBED_DIM = 64
N_SAMPLES = 16384
N_GENES_PER = 50
B_TOTAL = N_SAMPLES * N_GENES_PER
NW = 32
SAMP_PER_W = N_SAMPLES // NW
PER_W = B_TOTAL // NW
SAMP_PER_CHUNK = 8
CHUNK = SAMP_PER_CHUNK * N_GENES_PER
N_CHUNKS = SAMP_PER_W // SAMP_PER_CHUNK
NBUF = 4
MAIN_ITERS = (N_CHUNKS - NBUF) // NBUF


def _gather_kernel(idx_hbm, table_hbm, out_hbm, idx_v, rows0, rows1, rows2,
                   rows3, gs0, gs1, gs2, gs3, os0, os1, os2, os3):
    rows = [rows0, rows1, rows2, rows3]
    gs = [gs0, gs1, gs2, gs3]
    osm = [os0, os1, os2, os3]
    wid = lax.axis_index("s") * 2 + lax.axis_index("c")
    samp_base = wid * SAMP_PER_W

    pltpu.sync_copy(idx_hbm.at[pl.ds(wid * PER_W, PER_W)], idx_v)

    def gather(c, b):
        src = table_hbm.at[idx_v.at[pl.ds(c * CHUNK, CHUNK)]]
        return pltpu.async_copy(src, rows[b], gs[b])

    def gather_wait(c, b):
        src = table_hbm.at[idx_v.at[pl.ds(c * CHUNK, CHUNK)]]
        pltpu.make_async_copy(src, rows[b], gs[b]).wait()

    def store(c, b):
        s0 = samp_base + c * SAMP_PER_CHUNK
        for k in range(SAMP_PER_CHUNK):
            pltpu.async_copy(
                rows[b].at[pl.ds(k * N_GENES_PER, N_GENES_PER)],
                out_hbm.at[s0 + k], osm[b])

    def store_wait(c, b):
        s0 = samp_base + c * SAMP_PER_CHUNK
        for k in range(SAMP_PER_CHUNK):
            pltpu.make_async_copy(
                rows[b].at[pl.ds(k * N_GENES_PER, N_GENES_PER)],
                out_hbm.at[s0 + k], osm[b]).wait()

    for b in range(NBUF):
        gather(b, b)

    def body(j, carry):
        for b in range(NBUF):
            c = j * NBUF + b
            gather_wait(c, b)
            store(c, b)
        for b in range(NBUF):
            c = j * NBUF + b
            store_wait(c, b)
            gather(c + NBUF, b)
        return carry

    lax.fori_loop(0, MAIN_ITERS, body, 0)

    for b in range(NBUF):
        c = N_CHUNKS - NBUF + b
        gather_wait(c, b)
        store(c, b)
    for b in range(NBUF):
        c = N_CHUNKS - NBUF + b
        store_wait(c, b)


@jax.jit
def _embed(gene_idx, table):
    idx_flat = gene_idx.reshape(-1)
    mesh = plsc.VectorSubcoreMesh(core_axis_name="c", subcore_axis_name="s")
    out = pl.kernel(
        _gather_kernel,
        mesh=mesh,
        out_type=jax.ShapeDtypeStruct((N_SAMPLES, N_GENES_PER, EMBED_DIM),
                                      jnp.float32),
        scratch_types=[
            pltpu.VMEM((PER_W,), jnp.int32),
            pltpu.VMEM((CHUNK, EMBED_DIM), jnp.float32),
            pltpu.VMEM((CHUNK, EMBED_DIM), jnp.float32),
            pltpu.VMEM((CHUNK, EMBED_DIM), jnp.float32),
            pltpu.VMEM((CHUNK, EMBED_DIM), jnp.float32),
            pltpu.SemaphoreType.DMA,
            pltpu.SemaphoreType.DMA,
            pltpu.SemaphoreType.DMA,
            pltpu.SemaphoreType.DMA,
            pltpu.SemaphoreType.DMA,
            pltpu.SemaphoreType.DMA,
            pltpu.SemaphoreType.DMA,
            pltpu.SemaphoreType.DMA,
        ],
        compiler_params=pltpu.CompilerParams(
            use_tc_tiling_on_sc=False, needs_layout_passes=False),
    )(idx_flat, table)
    return out


def kernel(gene_idx, table):
    return _embed(gene_idx, table)

# --- scband reference (transcript-rebuilt; emitter-appended) ---
"""Pipeline reference for scband-gene-embedding-model-83915071030109 (READ-ONLY COPY).

The authoritative reference and input builder live on the scoring server;
editing this copy changes nothing except your own understanding.
"""

import jax, jax.numpy as jnp
import numpy as np

NUM_GENES = 1000000
EMBED_DIM = 64

def setup_inputs(seed: int = 0) -> dict:
    key = jax.random.key(seed)
    k1, k2 = jax.random.split(key)
    gene_idx = jax.random.randint(k1, (16384, 50), 0, NUM_GENES, dtype=jnp.int64 if jax.config.jax_enable_x64 else jnp.int32)
    table = jax.random.normal(k2, (NUM_GENES, EMBED_DIM), dtype=jnp.float32)
    return {"gene_idx": gene_idx, "table": table}

def reference(gene_idx, table):
    # torch.nn.Embedding forward: row gather from the embedding table
    return jnp.take(table, gene_idx, axis=0)

if __name__ == "__main__":
    import jax
    _d = setup_inputs()
    print(jax.jit(kernel)(*tuple(_d.values())))

</pallas_src>

<mosaic_0001>
#map = affine_map<(d0, d1) -> (0)>
#map1 = affine_map<(d0, d1) -> (0, 0)>
#map2 = affine_map<(d0, d1) -> (0, 0, 0)>
module attributes {stable_mosaic.version = 14 : i64} {
  func.func @_gather_kernel(%arg0: i32, %arg1: i32, %arg2: memref<819200xi32, #tpu.memory_space<hbm>>, %arg3: memref<1000000x64xf32, #tpu.memory_space<hbm>>, %arg4: memref<16384x50x64xf32, #tpu.memory_space<hbm>>, %arg5: memref<25600xi32, #tpu.memory_space<vmem>>, %arg6: memref<400x64xf32, #tpu.memory_space<vmem>>, %arg7: memref<400x64xf32, #tpu.memory_space<vmem>>, %arg8: memref<400x64xf32, #tpu.memory_space<vmem>>, %arg9: memref<400x64xf32, #tpu.memory_space<vmem>>, %arg10: memref<!tpu.dma_semaphore, #tpu.memory_space<semaphore_mem>>, %arg11: memref<!tpu.dma_semaphore, #tpu.memory_space<semaphore_mem>>, %arg12: memref<!tpu.dma_semaphore, #tpu.memory_space<semaphore_mem>>, %arg13: memref<!tpu.dma_semaphore, #tpu.memory_space<semaphore_mem>>, %arg14: memref<!tpu.dma_semaphore, #tpu.memory_space<semaphore_mem>>, %arg15: memref<!tpu.dma_semaphore, #tpu.memory_space<semaphore_mem>>, %arg16: memref<!tpu.dma_semaphore, #tpu.memory_space<semaphore_mem>>, %arg17: memref<!tpu.dma_semaphore, #tpu.memory_space<semaphore_mem>>) attributes {dimension_semantics = [#tpu.dimension_semantics<core_parallel>, #tpu.dimension_semantics<subcore_parallel>], iteration_bounds = array<i64: 2, 16>, scalar_prefetch = 0 : i64, scratch_operands = 13 : i64, tpu.core_type = #tpu.core_type<sc_vector_subcore>, window_params = [{transform_indices = #map}, {transform_indices = #map1}, {transform_indices = #map2}]} {
    %mul3A = arith.constant 2 : i32
    %mul3A_0 = arith.muli %arg1, %mul3A : i32
    %add3A = arith.addi %mul3A_0, %arg0 : i32
    %mul3A_1 = arith.constant 512 : i32
    %mul3A_2 = arith.muli %add3A, %mul3A_1 : i32
    %mul3A_3 = arith.constant 25600 : i32
    %mul3A_4 = arith.muli %add3A, %mul3A_3 : i32
    "tpu.region"() ({
      %run_scoped3A = tpu.sem_alloc : memref<!tpu.dma_semaphore, #tpu.memory_space<semaphore_mem>>
      %dma_start3A_1088 = tpu.memref_slice %arg2[%mul3A_4] : memref<819200xi32, #tpu.memory_space<hbm>> -> memref<25600xi32, #tpu.memory_space<hbm>>
      %dma_start3A_1089 = tpu.memref_slice %arg2[%mul3A_4] : memref<819200xi32, #tpu.memory_space<hbm>> -> memref<25600xi32, #tpu.memory_space<hbm>>
      tpu.enqueue_dma source(%dma_start3A_1089 : memref<25600xi32, #tpu.memory_space<hbm>>) target(%arg5 : memref<25600xi32, #tpu.memory_space<vmem>>) target_semaphore(%run_scoped3A : memref<!tpu.dma_semaphore, #tpu.memory_space<semaphore_mem>>)
      %dma_wait3A_1090 = tpu.memref_slice %arg2[%mul3A_4] : memref<819200xi32, #tpu.memory_space<hbm>> -> memref<25600xi32, #tpu.memory_space<hbm>>
      %dma_wait3A_1091 = tpu.memref_slice %arg2[%mul3A_4] : memref<819200xi32, #tpu.memory_space<hbm>> -> memref<25600xi32, #tpu.memory_space<hbm>>
      tpu.wait_dma2 semaphore(%run_scoped3A : memref<!tpu.dma_semaphore, #tpu.memory_space<semaphore_mem>>) src(%dma_wait3A_1091 : memref<25600xi32, #tpu.memory_space<hbm>>) dst(%arg5 : memref<25600xi32, #tpu.memory_space<vmem>>)
      tpu.yield
    }) : () -> ()
    %dma_start3A = arith.constant 0 : i32
    %dma_start3A_5 = tpu.memref_slice %arg5[%dma_start3A] : memref<25600xi32, #tpu.memory_space<vmem>> -> memref<400xi32, #tpu.memory_space<vmem>>
    %dma_start3A_6 = arith.constant 0 : i32
    %dma_start3A_7 = arith.constant 0 : i32
    %dma_start3A_8 = tpu.memref_slice %arg3[%dma_start3A_6, %dma_start3A_7] : memref<1000000x64xf32, #tpu.memory_space<hbm>> -> memref<1000000x64xf32, #tpu.memory_space<hbm>>
    tpu.enqueue_indirect_dma source(%dma_start3A_8 : memref<1000000x64xf32, #tpu.memory_space<hbm>>) target(%arg6 : memref<400x64xf32, #tpu.memory_space<vmem>>) offsets(%dma_start3A_5 : memref<400xi32, #tpu.memory_space<vmem>>) semaphore(%arg10 : memref<!tpu.dma_semaphore, #tpu.memory_space<semaphore_mem>>)
    %dma_start3A_9 = arith.constant 400 : i32
    %dma_start3A_10 = tpu.memref_slice %arg5[%dma_start3A_9] : memref<25600xi32, #tpu.memory_space<vmem>> -> memref<400xi32, #tpu.memory_space<vmem>>
    %dma_start3A_11 = arith.constant 0 : i32
    %dma_start3A_12 = arith.constant 0 : i32
    %dma_start3A_13 = tpu.memref_slice %arg3[%dma_start3A_11, %dma_start3A_12] : memref<1000000x64xf32, #tpu.memory_space<hbm>> -> memref<1000000x64xf32, #tpu.memory_space<hbm>>
    tpu.enqueue_indirect_dma source(%dma_start3A_13 : memref<1000000x64xf32, #tpu.memory_space<hbm>>) target(%arg7 : memref<400x64xf32, #tpu.memory_space<vmem>>) offsets(%dma_start3A_10 : memref<400xi32, #tpu.memory_space<vmem>>) semaphore(%arg11 : memref<!tpu.dma_semaphore, #tpu.memory_space<semaphore_mem>>)
    %dma_start3A_14 = arith.constant 800 : i32
    %dma_start3A_15 = tpu.memref_slice %arg5[%dma_start3A_14] : memref<25600xi32, #tpu.memory_space<vmem>> -> memref<400xi32, #tpu.memory_space<vmem>>
    %dma_start3A_16 = arith.constant 0 : i32
    %dma_start3A_17 = arith.constant 0 : i32
    %dma_start3A_18 = tpu.memref_slice %arg3[%dma_start3A_16, %dma_start3A_17] : memref<1000000x64xf32, #tpu.memory_space<hbm>> -> memref<1000000x64xf32, #tpu.memory_space<hbm>>
    tpu.enqueue_indirect_dma source(%dma_start3A_18 : memref<1000000x64xf32, #tpu.memory_space<hbm>>) target(%arg8 : memref<400x64xf32, #tpu.memory_space<vmem>>) offsets(%dma_start3A_15 : memref<400xi32, #tpu.memory_space<vmem>>) semaphore(%arg12 : memref<!tpu.dma_semaphore, #tpu.memory_space<semaphore_mem>>)
    %dma_start3A_19 = arith.constant 1200 : i32
    %dma_start3A_20 = tpu.memref_slice %arg5[%dma_start3A_19] : memref<25600xi32, #tpu.memory_space<vmem>> -> memref<400xi32, #tpu.memory_space<vmem>>
    %dma_start3A_21 = arith.constant 0 : i32
    %dma_start3A_22 = arith.constant 0 : i32
    %dma_start3A_23 = tpu.memref_slice %arg3[%dma_start3A_21, %dma_start3A_22] : memref<1000000x64xf32, #tpu.memory_space<hbm>> -> memref<1000000x64xf32, #tpu.memory_space<hbm>>
    tpu.enqueue_indirect_dma source(%dma_start3A_23 : memref<1000000x64xf32, #tpu.memory_space<hbm>>) target(%arg9 : memref<400x64xf32, #tpu.memory_space<vmem>>) offsets(%dma_start3A_20 : memref<400xi32, #tpu.memory_space<vmem>>) semaphore(%arg13 : memref<!tpu.dma_semaphore, #tpu.memory_space<semaphore_mem>>)
    %scan3A = arith.constant 0 : i32
    %scan3A_24 = arith.constant 0 : i32
    %scan3A_25 = arith.constant 15 : i32
    %scan3A_26 = arith.addi %scan3A_24, %scan3A_25 : i32
    %scan3A_27 = arith.constant 1 : i32
    scf.for %scan3A_1088 = %scan3A_24 to %scan3A_26 step %scan3A_27  : i32 {
      %mul3A_1089 = arith.constant 4 : i32
      %mul3A_1090 = arith.muli %scan3A_1088, %mul3A_1089 : i32
      %add3A_1091 = arith.constant 0 : i32
      %add3A_1092 = arith.addi %mul3A_1090, %add3A_1091 : i32
      %mul3A_1093 = arith.constant 400 : i32
      %mul3A_1094 = arith.muli %add3A_1092, %mul3A_1093 : i32
      %dma_wait3A_1095 = tpu.memref_slice %arg5[%mul3A_1094] : memref<25600xi32, #tpu.memory_space<vmem>> -> memref<400xi32, #tpu.memory_space<vmem>>
      %dma_wait3A_1096 = arith.constant 0 : i32
      %dma_wait3A_1097 = arith.constant 0 : i32
      %dma_wait3A_1098 = tpu.memref_slice %arg3[%dma_wait3A_1096, %dma_wait3A_1097] : memref<1000000x64xf32, #tpu.memory_space<hbm>> -> memref<1000000x64xf32, #tpu.memory_space<hbm>>
      tpu.wait_indirect_dma semaphore(%arg10 : memref<!tpu.dma_semaphore, #tpu.memory_space<semaphore_mem>>) src(%dma_wait3A_1098 : memref<1000000x64xf32, #tpu.memory_space<hbm>>) dst(%arg6 : memref<400x64xf32, #tpu.memory_space<vmem>>)
      %mul3A_1099 = arith.constant 8 : i32
      %mul3A_1100 = arith.muli %add3A_1092, %mul3A_1099 : i32
      %add3A_1101 = arith.addi %mul3A_2, %mul3A_1100 : i32
      %add3A_1102 = arith.constant 0 : i32
      %add3A_1103 = arith.addi %add3A_1101, %add3A_1102 : i32
      %dma_start3A_1104 = arith.constant 0 : i32
      %dma_start3A_1105 = arith.constant 0 : i32
      %dma_start3A_1106 = tpu.memref_slice %arg6[%dma_start3A_1104, %dma_start3A_1105] : memref<400x64xf32, #tpu.memory_space<vmem>> -> memref<50x64xf32, #tpu.memory_space<vmem>>
      %dma_start3A_1107 = arith.constant 0 : i32
      %dma_start3A_1108 = arith.constant 0 : i32
      %dma_start3A_1109 = tpu.memref_slice %arg4[%add3A_1103, %dma_start3A_1107, %dma_start3A_1108] : memref<16384x50x64xf32, #tpu.memory_space<hbm>> -> memref<1x50x64xf32, #tpu.memory_space<hbm>>
      %dma_start3A_1110 = tpu.memref_squeeze %dma_start3A_1109 : memref<1x50x64xf32, #tpu.memory_space<hbm>> -> memref<50x64xf32, #tpu.memory_space<hbm>>
      %dma_start3A_1111 = arith.constant 0 : i32
      %dma_start3A_1112 = arith.constant 0 : i32
      %dma_start3A_1113 = tpu.memref_slice %arg4[%add3A_1103, %dma_start3A_1111, %dma_start3A_1112] : memref<16384x50x64xf32, #tpu.memory_space<hbm>> -> memref<1x50x64xf32, #tpu.memory_space<hbm>>
      %dma_start3A_1114 = tpu.memref_squeeze %dma_start3A_1113 : memref<1x50x64xf32, #tpu.memory_space<hbm>> -> memref<50x64xf32, #tpu.memory_space<hbm>>
      %dma_start3A_1115 = arith.constant 0 : i32
      %dma_start3A_1116 = arith.constant 0 : i32
      %dma_start3A_1117 = tpu.memref_slice %arg6[%dma_start3A_1115, %dma_start3A_1116] : memref<400x64xf32, #tpu.memory_space<vmem>> -> memref<50x64xf32, #tpu.memory_space<vmem>>
      tpu.enqueue_dma source(%dma_start3A_1117 : memref<50x64xf32, #tpu.memory_space<vmem>>) target(%dma_start3A_1114 : memref<50x64xf32, #tpu.memory_space<hbm>>) target_semaphore(%arg14 : memref<!tpu.dma_semaphore, #tpu.memory_space<semaphore_mem>>)
      %add3A_1118 = arith.constant 1 : i32
      %add3A_1119 = arith.addi %add3A_1101, %add3A_1118 : i32
      %dma_start3A_1120 = arith.constant 50 : i32
      %dma_start3A_1121 = arith.constant 0 : i32
      %dma_start3A_1122 = tpu.memref_slice %arg6[%dma_start3A_1120, %dma_start3A_1121] : memref<400x64xf32, #tpu.memory_space<vmem>> -> memref<50x64xf32, #tpu.memory_space<vmem>>
      %dma_start3A_1123 = arith.constant 0 : i32
      %dma_start3A_1124 = arith.constant 0 : i32
      %dma_start3A_1125 = tpu.memref_slice %arg4[%add3A_1119, %dma_start3A_1123, %dma_start3A_1124] : memref<16384x50x64xf32, #tpu.memory_space<hbm>> -> memref<1x50x64xf32, #tpu.memory_space<hbm>>
      %dma_start3A_1126 = tpu.memref_squeeze %dma_start3A_1125 : memref<1x50x64xf32, #tpu.memory_space<hbm>> -> memref<50x64xf32, #tpu.memory_space<hbm>>
      %dma_start3A_1127 = arith.constant 0 : i32
      %dma_start3A_1128 = arith.constant 0 : i32
      %dma_start3A_1129 = tpu.memref_slice %arg4[%add3A_1119, %dma_start3A_1127, %dma_start3A_1128] : memref<16384x50x64xf32, #tpu.memory_space<hbm>> -> memref<1x50x64xf32, #tpu.memory_space<hbm>>
      %dma_start3A_1130 = tpu.memref_squeeze %dma_start3A_1129 : memref<1x50x64xf32, #tpu.memory_space<hbm>> -> memref<50x64xf32, #tpu.memory_space<hbm>>
      %dma_start3A_1131 = arith.constant 50 : i32
      %dma_start3A_1132 = arith.constant 0 : i32
      %dma_start3A_1133 = tpu.memref_slice %arg6[%dma_start3A_1131, %dma_start3A_1132] : memref<400x64xf32, #tpu.memory_space<vmem>> -> memref<50x64xf32, #tpu.memory_space<vmem>>
      tpu.enqueue_dma source(%dma_start3A_1133 : memref<50x64xf32, #tpu.memory_space<vmem>>) target(%dma_start3A_1130 : memref<50x64xf32, #tpu.memory_space<hbm>>) target_semaphore(%arg14 : memref<!tpu.dma_semaphore, #tpu.memory_space<semaphore_mem>>)
      %add3A_1134 = arith.constant 2 : i32
      %add3A_1135 = arith.addi %add3A_1101, %add3A_1134 : i32
      %dma_start3A_1136 = arith.constant 100 : i32
      %dma_start3A_1137 = arith.constant 0 : i32
      %dma_start3A_1138 = tpu.memref_slice %arg6[%dma_start3A_1136, %dma_start3A_1137] : memref<400x64xf32, #tpu.memory_space<vmem>> -> memref<50x64xf32, #tpu.memory_space<vmem>>
      %dma_start3A_1139 = arith.constant 0 : i32
      %dma_start3A_1140 = arith.constant 0 : i32
      %dma_start3A_1141 = tpu.memref_slice %arg4[%add3A_1135, %dma_start3A_1139, %dma_start3A_1140] : memref<16384x50x64xf32, #tpu.memory_space<hbm>> -> memref<1x50x64xf32, #tpu.memory_space<hbm>>
      %dma_start3A_1142 = tpu.memref_squeeze %dma_start3A_1141 : memref<1x50x64xf32, #tpu.memory_space<hbm>> -> memref<50x64xf32, #tpu.memory_space<hbm>>
      %dma_start3A_1143 = arith.constant 0 : i32
      %dma_start3A_1144 = arith.constant 0 : i32
      %dma_start3A_1145 = tpu.memref_slice %arg4[%add3A_1135, %dma_start3A_1143, %dma_start3A_1144] : memref<16384x50x64xf32, #tpu.memory_space<hbm>> -> memref<1x50x64xf32, #tpu.memory_space<hbm>>
      %dma_start3A_1146 = tpu.memref_squeeze %dma_start3A_1145 : memref<1x50x64xf32, #tpu.memory_space<hbm>> -> memref<50x64xf32, #tpu.memory_space<hbm>>
      %dma_start3A_1147 = arith.constant 100 : i32
      %dma_start3A_1148 = arith.constant 0 : i32
      %dma_start3A_1149 = tpu.memref_slice %arg6[%dma_start3A_1147, %dma_start3A_1148] : memref<400x64xf32, #tpu.memory_space<vmem>> -> memref<50x64xf32, #tpu.memory_space<vmem>>
      tpu.enqueue_dma source(%dma_start3A_1149 : memref<50x64xf32, #tpu.memory_space<vmem>>) target(%dma_start3A_1146 : memref<50x64xf32, #tpu.memory_space<hbm>>) target_semaphore(%arg14 : memref<!tpu.dma_semaphore, #tpu.memory_space<semaphore_mem>>)
      %add3A_1150 = arith.constant 3 : i32
      %add3A_1151 = arith.addi %add3A_1101, %add3A_1150 : i32
      %dma_start3A_1152 = arith.constant 150 : i32
      %dma_start3A_1153 = arith.constant 0 : i32
      %dma_start3A_1154 = tpu.memref_slice %arg6[%dma_start3A_1152, %dma_start3A_1153] : memref<400x64xf32, #tpu.memory_space<vmem>> -> memref<50x64xf32, #tpu.memory_space<vmem>>
      %dma_start3A_1155 = arith.constant 0 : i32
      %dma_start3A_1156 = arith.constant 0 : i32
      %dma_start3A_1157 = tpu.memref_slice %arg4[%add3A_1151, %dma_start3A_1155, %dma_start3A_1156] : memref<16384x50x64xf32, #tpu.memory_space<hbm>> -> memref<1x50x64xf32, #tpu.memory_space<hbm>>
      %dma_start3A_1158 = tpu.memref_squeeze %dma_start3A_1157 : memref<1x50x64xf32, #tpu.memory_space<hbm>> -> memref<50x64xf32, #tpu.memory_space<hbm>>
      %dma_start3A_1159 = arith.constant 0 : i32
      %dma_start3A_1160 = arith.constant 0 : i32
      %dma_start3A_1161 = tpu.memref_slice %arg4[%add3A_1151, %dma_start3A_1159, %dma_start3A_1160] : memref<16384x50x64xf32, #tpu.memory_space<hbm>> -> memref<1x50x64xf32, #tpu.memory_space<hbm>>
      %dma_start3A_1162 = tpu.memref_squeeze %dma_start3A_1161 : memref<1x50x64xf32, #tpu.memory_space<hbm>> -> memref<50x64xf32, #tpu.memory_space<hbm>>
      %dma_start3A_1163 = arith.constant 150 : i32
      %dma_start3A_1164 = arith.constant 0 : i32
      %dma_start3A_1165 = tpu.memref_slice %arg6[%dma_start3A_1163, %dma_start3A_1164] : memref<400x64xf32, #tpu.memory_space<vmem>> -> memref<50x64xf32, #tpu.memory_space<vmem>>
      tpu.enqueue_dma source(%dma_start3A_1165 : memref<50x64xf32, #tpu.memory_space<vmem>>) target(%dma_start3A_1162 : memref<50x64xf32, #tpu.memory_space<hbm>>) target_semaphore(%arg14 : memref<!tpu.dma_semaphore, #tpu.memory_space<semaphore_mem>>)
      %add3A_1166 = arith.constant 4 : i32
      %add3A_1167 = arith.addi %add3A_1101, %add3A_1166 : i32
      %dma_start3A_1168 = arith.constant 200 : i32
      %dma_start3A_1169 = arith.constant 0 : i32
      %dma_start3A_1170 = tpu.memref_slice %arg6[%dma_start3A_1168, %dma_start3A_1169] : memref<400x64xf32, #tpu.memory_space<vmem>> -> memref<50x64xf32, #tpu.memory_space<vmem>>
      %dma_start3A_1171 = arith.constant 0 : i32
      %dma_start3A_1172 = arith.constant 0 : i32
      %dma_start3A_1173 = tpu.memref_slice %arg4[%add3A_1167, %dma_start3A_1171, %dma_start3A_1172] : memref<16384x50x64xf32, #tpu.memory_space<hbm>> -> memref<1x50x64xf32, #tpu.memory_space<hbm>>
      %dma_start3A_1174 = tpu.memref_squeeze %dma_start3A_1173 : memref<1x50x64xf32, #tpu.memory_space<hbm>> -> memref<50x64xf32, #tpu.memory_space<hbm>>
      %dma_start3A_1175 = arith.constant 0 : i32
      %dma_start3A_1176 = arith.constant 0 : i32
      %dma_start3A_1177 = tpu.memref_slice %arg4[%add3A_1167, %dma_start3A_1175, %dma_start3A_1176] : memref<16384x50x64xf32, #tpu.memory_space<hbm>> -> memref<1x50x64xf32, #tpu.memory_space<hbm>>
      %dma_start3A_1178 = tpu.memref_squeeze %dma_start3A_1177 : memref<1x50x64xf32, #tpu.memory_space<hbm>> -> memref<50x64xf32, #tpu.memory_space<hbm>>
      %dma_start3A_1179 = arith.constant 200 : i32
      %dma_start3A_1180 = arith.constant 0 : i32
      %dma_start3A_1181 = tpu.memref_slice %arg6[%dma_start3A_1179, %dma_start3A_1180] : memref<400x64xf32, #tpu.memory_space<vmem>> -> memref<50x64xf32, #tpu.memory_space<vmem>>
      tpu.enqueue_dma source(%dma_start3A_1181 : memref<50x64xf32, #tpu.memory_space<vmem>>) target(%dma_start3A_1178 : memref<50x64xf32, #tpu.memory_space<hbm>>) target_semaphore(%arg14 : memref<!tpu.dma_semaphore, #tpu.memory_space<semaphore_mem>>)
      %add3A_1182 = arith.constant 5 : i32
      %add3A_1183 = arith.addi %add3A_1101, %add3A_1182 : i32
      %dma_start3A_1184 = arith.constant 250 : i32
      %dma_start3A_1185 = arith.constant 0 : i32
      %dma_start3A_1186 = tpu.memref_slice %arg6[%dma_start3A_1184, %dma_start3A_1185] : memref<400x64xf32, #tpu.memory_space<vmem>> -> memref<50x64xf32, #tpu.memory_space<vmem>>
      %dma_start3A_1187 = arith.constant 0 : i32
      %dma_start3A_1188 = arith.constant 0 : i32
      %dma_start3A_1189 = tpu.memref_slice %arg4[%add3A_1183, %dma_start3A_1187, %dma_start3A_1188] : memref<16384x50x64xf32, #tpu.memory_space<hbm>> -> memref<1x50x64xf32, #tpu.memory_space<hbm>>
      %dma_start3A_1190 = tpu.memref_squeeze %dma_start3A_1189 : memref<1x50x64xf32, #tpu.memory_space<hbm>> -> memref<50x64xf32, #tpu.memory_space<hbm>>
      %dma_start3A_1191 = arith.constant 0 : i32
      %dma_start3A_1192 = arith.constant 0 : i32
      %dma_start3A_1193 = tpu.memref_slice %arg4[%add3A_1183, %dma_start3A_1191, %dma_start3A_1192] : memref<16384x50x64xf32, #tpu.memory_space<hbm>> -> memref<1x50x64xf32, #tpu.memory_space<hbm>>
      %dma_start3A_1194 = tpu.memref_squeeze %dma_start3A_1193 : memref<1x50x64xf32, #tpu.memory_space<hbm>> -> memref<50x64xf32, #tpu.memory_space<hbm>>
      %dma_start3A_1195 = arith.constant 250 : i32
      %dma_start3A_1196 = arith.constant 0 : i32
      %dma_start3A_1197 = tpu.memref_slice %arg6[%dma_start3A_1195, %dma_start3A_1196] : memref<400x64xf32, #tpu.memory_space<vmem>> -> memref<50x64xf32, #tpu.memory_space<vmem>>
      tpu.enqueue_dma source(%dma_start3A_1197 : memref<50x64xf32, #tpu.memory_space<vmem>>) target(%dma_start3A_1194 : memref<50x64xf32, #tpu.memory_space<hbm>>) target_semaphore(%arg14 : memref<!tpu.dma_semaphore, #tpu.memory_space<semaphore_mem>>)
      %add3A_1198 = arith.constant 6 : i32
      %add3A_1199 = arith.addi %add3A_1101, %add3A_1198 : i32
      %dma_start3A_1200 = arith.constant 300 : i32
      %dma_start3A_1201 = arith.constant 0 : i32
      %dma_start3A_1202 = tpu.memref_slice %arg6[%dma_start3A_1200, %dma_start3A_1201] : memref<400x64xf32, #tpu.memory_space<vmem>> -> memref<50x64xf32, #tpu.memory_space<vmem>>
      %dma_start3A_1203 = arith.constant 0 : i32
      %dma_start3A_1204 = arith.constant 0 : i32
      %dma_start3A_1205 = tpu.memref_slice %arg4[%add3A_1199, %dma_start3A_1203, %dma_start3A_1204] : memref<16384x50x64xf32, #tpu.memory_space<hbm>> -> memref<1x50x64xf32, #tpu.memory_space<hbm>>
      %dma_start3A_1206 = tpu.memref_squeeze %dma_start3A_1205 : memref<1x50x64xf32, #tpu.memory_space<hbm>> -> memref<50x64xf32, #tpu.memory_space<hbm>>
      %dma_start3A_1207 = arith.constant 0 : i32
      %dma_start3A_1208 = arith.constant 0 : i32
      %dma_start3A_1209 = tpu.memref_slice %arg4[%add3A_1199, %dma_start3A_1207, %dma_start3A_1208] : memref<16384x50x64xf32, #tpu.memory_space<hbm>> -> memref<1x50x64xf32, #tpu.memory_space<hbm>>
      %dma_start3A_1210 = tpu.memref_squeeze %dma_start3A_1209 : memref<1x50x64xf32, #tpu.memory_space<hbm>> -> memref<50x64xf32, #tpu.memory_space<hbm>>
      %dma_start3A_1211 = arith.constant 300 : i32
      %dma_start3A_1212 = arith.constant 0 : i32
      %dma_start3A_1213 = tpu.memref_slice %arg6[%dma_start3A_1211, %dma_start3A_1212] : memref<400x64xf32, #tpu.memory_space<vmem>> -> memref<50x64xf32, #tpu.memory_space<vmem>>
      tpu.enqueue_dma source(%dma_start3A_1213 : memref<50x64xf32, #tpu.memory_space<vmem>>) target(%dma_start3A_1210 : memref<50x64xf32, #tpu.memory_space<hbm>>) target_semaphore(%arg14 : memref<!tpu.dma_semaphore, #tpu.memory_space<semaphore_mem>>)
      %add3A_1214 = arith.constant 7 : i32
      %add3A_1215 = arith.addi %add3A_1101, %add3A_1214 : i32
      %dma_start3A_1216 = arith.constant 350 : i32
      %dma_start3A_1217 = arith.constant 0 : i32
      %dma_start3A_1218 = tpu.memref_slice %arg6[%dma_start3A_1216, %dma_start3A_1217] : memref<400x64xf32, #tpu.memory_space<vmem>> -> memref<50x64xf32, #tpu.memory_space<vmem>>
      %dma_start3A_1219 = arith.constant 0 : i32
      %dma_start3A_1220 = arith.constant 0 : i32
      %dma_start3A_1221 = tpu.memref_slice %arg4[%add3A_1215, %dma_start3A_1219, %dma_start3A_1220] : memref<16384x50x64xf32, #tpu.memory_space<hbm>> -> memref<1x50x64xf32, #tpu.memory_space<hbm>>
      %dma_start3A_1222 = tpu.memref_squeeze %dma_start3A_1221 : memref<1x50x64xf32, #tpu.memory_space<hbm>> -> memref<50x64xf32, #tpu.memory_space<hbm>>
      %dma_start3A_1223 = arith.constant 0 : i32
      %dma_start3A_1224 = arith.constant 0 : i32
      %dma_start3A_1225 = tpu.memref_slice %arg4[%add3A_1215, %dma_start3A_1223, %dma_start3A_1224] : memref<16384x50x64xf32, #tpu.memory_space<hbm>> -> memref<1x50x64xf32, #tpu.memory_space<hbm>>
      %dma_start3A_1226 = tpu.memref_squeeze %dma_start3A_1225 : memref<1x50x64xf32, #tpu.memory_space<hbm>> -> memref<50x64xf32, #tpu.memory_space<hbm>>
      %dma_start3A_1227 = arith.constant 350 : i32
      %dma_start3A_1228 = arith.constant 0 : i32
      %dma_start3A_1229 = tpu.memref_slice %arg6[%dma_start3A_1227, %dma_start3A_1228] : memref<400x64xf32, #tpu.memory_space<vmem>> -> memref<50x64xf32, #tpu.memory_space<vmem>>
      tpu.enqueue_dma source(%dma_start3A_1229 : memref<50x64xf32, #tpu.memory_space<vmem>>) target(%dma_start3A_1226 : memref<50x64xf32, #tpu.memory_space<hbm>>) target_semaphore(%arg14 : memref<!tpu.dma_semaphore, #tpu.memory_space<semaphore_mem>>)
      %mul3A_1230 = arith.constant 4 : i32
      %mul3A_1231 = arith.muli %scan3A_1088, %mul3A_1230 : i32
      %add3A_1232 = arith.constant 1 : i32
      %add3A_1233 = arith.addi %mul3A_1231, %add3A_1232 : i32
      %mul3A_1234 = arith.constant 400 : i32
      %mul3A_1235 = arith.muli %add3A_1233, %mul3A_1234 : i32
      %dma_wait3A_1236 = tpu.memref_slice %arg5[%mul3A_1235] : memref<25600xi32, #tpu.memory_space<vmem>> -> memref<400xi32, #tpu.memory_space<vmem>>
      %dma_wait3A_1237 = arith.constant 0 : i32
      %dma_wait3A_1238 = arith.constant 0 : i32
      %dma_wait3A_1239 = tpu.memref_slice %arg3[%dma_wait3A_1237, %dma_wait3A_1238] : memref<1000000x64xf32, #tpu.memory_space<hbm>> -> memref<1000000x64xf32, #tpu.memory_space<hbm>>
      tpu.wait_indirect_dma semaphore(%arg11 : memref<!tpu.dma_semaphore, #tpu.memory_space<semaphore_mem>>) src(%dma_wait3A_1239 : memref<1000000x64xf32, #tpu.memory_space<hbm>>) dst(%arg7 : memref<400x64xf32, #tpu.memory_space<vmem>>)
      %mul3A_1240 = arith.constant 8 : i32
      %mul3A_1241 = arith.muli %add3A_1233, %mul3A_1240 : i32
      %add3A_1242 = arith.addi %mul3A_2, %mul3A_1241 : i32
      %add3A_1243 = arith.constant 0 : i32
      %add3A_1244 = arith.addi %add3A_1242, %add3A_1243 : i32
      %dma_start3A_1245 = arith.constant 0 : i32
      %dma_start3A_1246 = arith.constant 0 : i32
      %dma_start3A_1247 = tpu.memref_slice %arg7[%dma_start3A_1245, %dma_start3A_1246] : memref<400x64xf32, #tpu.memory_space<vmem>> -> memref<50x64xf32, #tpu.memory_space<vmem>>
      %dma_start3A_1248 = arith.constant 0 : i32
      %dma_start3A_1249 = arith.constant 0 : i32
      %dma_start3A_1250 = tpu.memref_slice %arg4[%add3A_1244, %dma_start3A_1248, %dma_start3A_1249] : memref<16384x50x64xf32, #tpu.memory_space<hbm>> -> memref<1x50x64xf32, #tpu.memory_space<hbm>>
      %dma_start3A_1251 = tpu.memref_squeeze %dma_start3A_1250 : memref<1x50x64xf32, #tpu.memory_space<hbm>> -> memref<50x64xf32, #tpu.memory_space<hbm>>
      %dma_start3A_1252 = arith.constant 0 : i32
      %dma_start3A_1253 = arith.constant 0 : i32
      %dma_start3A_1254 = tpu.memref_slice %arg4[%add3A_1244, %dma_start3A_1252, %dma_start3A_1253] : memref<16384x50x64xf32, #tpu.memory_space<hbm>> -> memref<1x50x64xf32, #tpu.memory_space<hbm>>
      %dma_start3A_1255 = tpu.memref_squeeze %dma_start3A_1254 : memref<1x50x64xf32, #tpu.memory_space<hbm>> -> memref<50x64xf32, #tpu.memory_space<hbm>>
      %dma_start3A_1256 = arith.constant 0 : i32
      %dma_start3A_1257 = arith.constant 0 : i32
      %dma_start3A_1258 = tpu.memref_slice %arg7[%dma_start3A_1256, %dma_start3A_1257] : memref<400x64xf32, #tpu.memory_space<vmem>> -> memref<50x64xf32, #tpu.memory_space<vmem>>
      tpu.enqueue_dma source(%dma_start3A_1258 : memref<50x64xf32, #tpu.memory_space<vmem>>) target(%dma_start3A_1255 : memref<50x64xf32, #tpu.memory_space<hbm>>) target_semaphore(%arg15 : memref<!tpu.dma_semaphore, #tpu.memory_space<semaphore_mem>>)
      %add3A_1259 = arith.constant 1 : i32
      %add3A_1260 = arith.addi %add3A_1242, %add3A_1259 : i32
      %dma_start3A_1261 = arith.constant 50 : i32
      %dma_start3A_1262 = arith.constant 0 : i32
      %dma_start3A_1263 = tpu.memref_slice %arg7[%dma_start3A_1261, %dma_start3A_1262] : memref<400x64xf32, #tpu.memory_space<vmem>> -> memref<50x64xf32, #tpu.memory_space<vmem>>
      %dma_start3A_1264 = arith.constant 0 : i32
      %dma_start3A_1265 = arith.constant 0 : i32
      %dma_start3A_1266 = tpu.memref_slice %arg4[%add3A_1260, %dma_start3A_1264, %dma_start3A_1265] : memref<16384x50x64xf32, #tpu.memory_space<hbm>> -> memref<1x50x64xf32, #tpu.memory_space<hbm>>
      %dma_start3A_1267 = tpu.memref_squeeze %dma_start3A_1266 : memref<1x50x64xf32, #tpu.memory_space<hbm>> -> memref<50x64xf32, #tpu.memory_space<hbm>>
      %dma_start3A_1268 = arith.constant 0 : i32
      %dma_start3A_1269 = arith.constant 0 : i32
      %dma_start3A_1270 = tpu.memref_slice %arg4[%add3A_1260, %dma_start3A_1268, %dma_start3A_1269] : memref<16384x50x64xf32, #tpu.memory_space<hbm>> -> memref<1x50x64xf32, #tpu.memory_space<hbm>>
      %dma_start3A_1271 = tpu.memref_squeeze %dma_start3A_1270 : memref<1x50x64xf32, #tpu.memory_space<hbm>> -> memref<50x64xf32, #tpu.memory_space<hbm>>
      %dma_start3A_1272 = arith.constant 50 : i32
      %dma_start3A_1273 = arith.constant 0 : i32
      %dma_start3A_1274 = tpu.memref_slice %arg7[%dma_start3A_1272, %dma_start3A_1273] : memref<400x64xf32, #tpu.memory_space<vmem>> -> memref<50x64xf32, #tpu.memory_space<vmem>>
      tpu.enqueue_dma source(%dma_start3A_1274 : memref<50x64xf32, #tpu.memory_space<vmem>>) target(%dma_start3A_1271 : memref<50x64xf32, #tpu.memory_space<hbm>>) target_semaphore(%arg15 : memref<!tpu.dma_semaphore, #tpu.memory_space<semaphore_mem>>)
      %add3A_1275 = arith.constant 2 : i32
      %add3A_1276 = arith.addi %add3A_1242, %add3A_1275 : i32
      %dma_start3A_1277 = arith.constant 100 : i32
      %dma_start3A_1278 = arith.constant 0 : i32
      %dma_start3A_1279 = tpu.memref_slice %arg7[%dma_start3A_1277, %dma_start3A_1278] : memref<400x64xf32, #tpu.memory_space<vmem>> -> memref<50x64xf32, #tpu.memory_space<vmem>>
      %dma_start3A_1280 = arith.constant 0 : i32
      %dma_start3A_1281 = arith.constant 0 : i32
      %dma_start3A_1282 = tpu.memref_slice %arg4[%add3A_1276, %dma_start3A_1280, %dma_start3A_1281] : memref<16384x50x64xf32, #tpu.memory_space<hbm>> -> memref<1x50x64xf32, #tpu.memory_space<hbm>>
      %dma_start3A_1283 = tpu.memref_squeeze %dma_start3A_1282 : memref<1x50x64xf32, #tpu.memory_space<hbm>> -> memref<50x64xf32, #tpu.memory_space<hbm>>
      %dma_start3A_1284 = arith.constant 0 : i32
      %dma_start3A_1285 = arith.constant 0 : i32
      %dma_start3A_1286 = tpu.memref_slice %arg4[%add3A_1276, %dma_start3A_1284, %dma_start3A_1285] : memref<16384x50x64xf32, #tpu.memory_space<hbm>> -> memref<1x50x64xf32, #tpu.memory_space<hbm>>
      %dma_start3A_1287 = tpu.memref_squeeze %dma_start3A_1286 : memref<1x50x64xf32, #tpu.memory_space<hbm>> -> memref<50x64xf32, #tpu.memory_space<hbm>>
      %dma_start3A_1288 = arith.constant 100 : i32
      %dma_start3A_1289 = arith.constant 0 : i32
      %dma_start3A_1290 = tpu.memref_slice %arg7[%dma_start3A_1288, %dma_start3A_1289] : memref<400x64xf32, #tpu.memory_space<vmem>> -> memref<50x64xf32, #tpu.memory_space<vmem>>
      tpu.enqueue_dma source(%dma_start3A_1290 : memref<50x64xf32, #tpu.memory_space<vmem>>) target(%dma_start3A_1287 : memref<50x64xf32, #tpu.memory_space<hbm>>) target_semaphore(%arg15 : memref<!tpu.dma_semaphore, #tpu.memory_space<semaphore_mem>>)
      %add3A_1291 = arith.constant 3 : i32
      %add3A_1292 = arith.addi %add3A_1242, %add3A_1291 : i32
      %dma_start3A_1293 = arith.constant 150 : i32
      %dma_start3A_1294 = arith.constant 0 : i32
      %dma_start3A_1295 = tpu.memref_slice %arg7[%dma_start3A_1293, %dma_start3A_1294] : memref<400x64xf32, #tpu.memory_space<vmem>> -> memref<50x64xf32, #tpu.memory_space<vmem>>
      %dma_start3A_1296 = arith.constant 0 : i32
      %dma_start3A_1297 = arith.constant 0 : i32
      %dma_start3A_1298 = tpu.memref_slice %arg4[%add3A_1292, %dma_start3A_1296, %dma_start3A_1297] : memref<16384x50x64xf32, #tpu.memory_space<hbm>> -> memref<1x50x64xf32, #tpu.memory_space<hbm>>
      %dma_start3A_1299 = tpu.memref_squeeze %dma_start3A_1298 : memref<1x50x64xf32, #tpu.memory_space<hbm>> -> memref<50x64xf32, #tpu.memory_space<hbm>>
      %dma_start3A_1300 = arith.constant 0 : i32
      %dma_start3A_1301 = arith.constant 0 : i32
      %dma_start3A_1302 = tpu.memref_slice %arg4[%add3A_1292, %dma_start3A_1300, %dma_start3A_1301] : memref<16384x50x64xf32, #tpu.memory_space<hbm>> -> memref<1x50x64xf32, #tpu.memory_space<hbm>>
      %dma_start3A_1303 = tpu.memref_squeeze %dma_start3A_1302 : memref<1x50x64xf32, #tpu.memory_space<hbm>> -> memref<50x64xf32, #tpu.memory_space<hbm>>
      %dma_start3A_1304 = arith.constant 150 : i32
      %dma_start3A_1305 = arith.constant 0 : i32
      %dma_start3A_1306 = tpu.memref_slice %arg7[%dma_start3A_1304, %dma_start3A_1305] : memref<400x64xf32, #tpu.memory_space<vmem>> -> memref<50x64xf32, #tpu.memory_space<vmem>>
      tpu.enqueue_dma source(%dma_start3A_1306 : memref<50x64xf32, #tpu.memory_space<vmem>>) target(%dma_start3A_1303 : memref<50x64xf32, #tpu.memory_space<hbm>>) target_semaphore(%arg15 : memref<!tpu.dma_semaphore, #tpu.memory_space<semaphore_mem>>)
      %add3A_1307 = arith.constant 4 : i32
      %add3A_1308 = arith.addi %add3A_1242, %add3A_1307 : i32
      %dma_start3A_1309 = arith.constant 200 : i32
      %dma_start3A_1310 = arith.constant 0 : i32
      %dma_start3A_1311 = tpu.memref_slice %arg7[%dma_start3A_1309, %dma_start3A_1310] : memref<400x64xf32, #tpu.memory_space<vmem>> -> memref<50x64xf32, #tpu.memory_space<vmem>>
      %dma_start3A_1312 = arith.constant 0 : i32
      %dma_start3A_1313 = arith.constant 0 : i32
      %dma_start3A_1314 = tpu.memref_slice %arg4[%add3A_1308, %dma_start3A_1312, %dma_start3A_1313] : memref<16384x50x64xf32, #tpu.memory_space<hbm>> -> memref<1x50x64xf32, #tpu.memory_space<hbm>>
      %dma_start3A_1315 = tpu.memref_squeeze %dma_start3A_1314 : memref<1x50x64xf32, #tpu.memory_space<hbm>> -> memref<50x64xf32, #tpu.memory_space<hbm>>
      %dma_start3A_1316 = arith.constant 0 : i32
      %dma_start3A_1317 = arith.constant 0 : i32
      %dma_start3A_1318 = tpu.memref_slice %arg4[%add3A_1308, %dma_start3A_1316, %dma_start3A_1317] : memref<16384x50x64xf32, #tpu.memory_space<hbm>> -> memref<1x50x64xf32, #tpu.memory_space<hbm>>
      %dma_start3A_1319 = tpu.memref_squeeze %dma_start3A_1318 : memref<1x50x64xf32, #tpu.memory_space<hbm>> -> memref<50x64xf32, #tpu.memory_space<hbm>>
      %dma_start3A_1320 = arith.constant 200 : i32
      %dma_start3A_1321 = arith.constant 0 : i32
      %dma_start3A_1322 = tpu.memref_slice %arg7[%dma_start3A_1320, %dma_start3A_1321] : memref<400x64xf32, #tpu.memory_space<vmem>> -> memref<50x64xf32, #tpu.memory_space<vmem>>
      tpu.enqueue_dma source(%dma_start3A_1322 : memref<50x64xf32, #tpu.memory_space<vmem>>) target(%dma_start3A_1319 : memref<50x64xf32, #tpu.memory_space<hbm>>) target_semaphore(%arg15 : memref<!tpu.dma_semaphore, #tpu.memory_space<semaphore_mem>>)
      %add3A_1323 = arith.constant 5 : i32
      %add3A_1324 = arith.addi %add3A_1242, %add3A_1323 : i32
      %dma_start3A_1325 = arith.constant 250 : i32
      %dma_start3A_1326 = arith.constant 0 : i32
      %dma_start3A_1327 = tpu.memref_slice %arg7[%dma_start3A_1325, %dma_start3A_1326] : memref<400x64xf32, #tpu.memory_space<vmem>> -> memref<50x64xf32, #tpu.memory_space<vmem>>
      %dma_start3A_1328 = arith.constant 0 : i32
      %dma_start3A_1329 = arith.constant 0 : i32
      %dma_start3A_1330 = tpu.memref_slice %arg4[%add3A_1324, %dma_start3A_1328, %dma_start3A_1329] : memref<16384x50x64xf32, #tpu.memory_space<hbm>> -> memref<1x50x64xf32, #tpu.memory_space<hbm>>
      %dma_start3A_1331 = tpu.memref_squeeze %dma_start3A_1330 : memref<1x50x64xf32, #tpu.memory_space<hbm>> -> memref<50x64xf32, #tpu.memory_space<hbm>>
      %dma_start3A_1332 = arith.constant 0 : i32
      %dma_start3A_1333 = arith.constant 0 : i32
      %dma_start3A_1334 = tpu.memref_slice %arg4[%add3A_1324, %dma_start3A_1332, %dma_start3A_1333] : memref<16384x50x64xf32, #tpu.memory_space<hbm>> -> memref<1x50x64xf32, #tpu.memory_space<hbm>>
      %dma_start3A_1335 = tpu.memref_squeeze %dma_start3A_1334 : memref<1x50x64xf32, #tpu.memory_space<hbm>> -> memref<50x64xf32, #tpu.memory_space<hbm>>
      %dma_start3A_1336 = arith.constant 250 : i32
      %dma_start3A_1337 = arith.constant 0 : i32
      %dma_start3A_1338 = tpu.memref_slice %arg7[%dma_start3A_1336, %dma_start3A_1337] : memref<400x64xf32, #tpu.memory_space<vmem>> -> memref<50x64xf32, #tpu.memory_space<vmem>>
      tpu.enqueue_dma source(%dma_start3A_1338 : memref<50x64xf32, #tpu.memory_space<vmem>>) target(%dma_start3A_1335 : memref<50x64xf32, #tpu.memory_space<hbm>>) target_semaphore(%arg15 : memref<!tpu.dma_semaphore, #tpu.memory_space<semaphore_mem>>)
      %add3A_1339 = arith.constant 6 : i32
      %add3A_1340 = arith.addi %add3A_1242, %add3A_1339 : i32
      %dma_start3A_1341 = arith.constant 300 : i32
      %dma_start3A_1342 = arith.constant 0 : i32
      %dma_start3A_1343 = tpu.memref_slice %arg7[%dma_start3A_1341, %dma_start3A_1342] : memref<400x64xf32, #tpu.memory_space<vmem>> -> memref<50x64xf32, #tpu.memory_space<vmem>>
      %dma_start3A_1344 = arith.constant 0 : i32
      %dma_start3A_1345 = arith.constant 0 : i32
      %dma_start3A_1346 = tpu.memref_slice %arg4[%add3A_1340, %dma_start3A_1344, %dma_start3A_1345] : memref<16384x50x64xf32, #tpu.memory_space<hbm>> -> memref<1x50x64xf32, #tpu.memory_space<hbm>>
      %dma_start3A_1347 = tpu.memref_squeeze %dma_start3A_1346 : memref<1x50x64xf32, #tpu.memory_space<hbm>> -> memref<50x64xf32, #tpu.memory_space<hbm>>
      %dma_start3A_1348 = arith.constant 0 : i32
      %dma_start3A_1349 = arith.constant 0 : i32
      %dma_start3A_1350 = tpu.memref_slice %arg4[%add3A_1340, %dma_start3A_1348, %dma_start3A_1349] : memref<16384x50x64xf32, #tpu.memory_space<hbm>> -> memref<1x50x64xf32, #tpu.memory_space<hbm>>
      %dma_start3A_1351 = tpu.memref_squeeze %dma_start3A_1350 : memref<1x50x64xf32, #tpu.memory_space<hbm>> -> memref<50x64xf32, #tpu.memory_space<hbm>>
      %dma_start3A_1352 = arith.constant 300 : i32
      %dma_start3A_1353 = arith.constant 0 : i32
      %dma_start3A_1354 = tpu.memref_slice %arg7[%dma_start3A_1352, %dma_start3A_1353] : memref<400x64xf32, #tpu.memory_space<vmem>> -> memref<50x64xf32, #tpu.memory_space<vmem>>
      tpu.enqueue_dma source(%dma_start3A_1354 : memref<50x64xf32, #tpu.memory_space<vmem>>) target(%dma_start3A_1351 : memref<50x64xf32, #tpu.memory_space<hbm>>) target_semaphore(%arg15 : memref<!tpu.dma_semaphore, #tpu.memory_space<semaphore_mem>>)
      %add3A_1355 = arith.constant 7 : i32
      %add3A_1356 = arith.addi %add3A_1242, %add3A_1355 : i32
      %dma_start3A_1357 = arith.constant 350 : i32
      %dma_start3A_1358 = arith.constant 0 : i32
      %dma_start3A_1359 = tpu.memref_slice %arg7[%dma_start3A_1357, %dma_start3A_1358] : memref<400x64xf32, #tpu.memory_space<vmem>> -> memref<50x64xf32, #tpu.memory_space<vmem>>
      %dma_start3A_1360 = arith.constant 0 : i32
      %dma_start3A_1361 = arith.constant 0 : i32
      %dma_start3A_1362 = tpu.memref_slice %arg4[%add3A_1356, %dma_start3A_1360, %dma_start3A_1361] : memref<16384x50x64xf32, #tpu.memory_space<hbm>> -> memref<1x50x64xf32, #tpu.memory_space<hbm>>
      %dma_start3A_1363 = tpu.memref_squeeze %dma_start3A_1362 : memref<1x50x64xf32, #tpu.memory_space<hbm>> -> memref<50x64xf32, #tpu.memory_space<hbm>>
      %dma_start3A_1364 = arith.constant 0 : i32
      %dma_start3A_1365 = arith.constant 0 : i32
      %dma_start3A_1366 = tpu.memref_slice %arg4[%add3A_1356, %dma_start3A_1364, %dma_start3A_1365] : memref<16384x50x64xf32, #tpu.memory_space<hbm>> -> memref<1x50x64xf32, #tpu.memory_space<hbm>>
      %dma_start3A_1367 = tpu.memref_squeeze %dma_start3A_1366 : memref<1x50x64xf32, #tpu.memory_space<hbm>> -> memref<50x64xf32, #tpu.memory_space<hbm>>
      %dma_start3A_1368 = arith.constant 350 : i32
      %dma_start3A_1369 = arith.constant 0 : i32
      %dma_start3A_1370 = tpu.memref_slice %arg7[%dma_start3A_1368, %dma_start3A_1369] : memref<400x64xf32, #tpu.memory_space<vmem>> -> memref<50x64xf32, #tpu.memory_space<vmem>>
      tpu.enqueue_dma source(%dma_start3A_1370 : memref<50x64xf32, #tpu.memory_space<vmem>>) target(%dma_start3A_1367 : memref<50x64xf32, #tpu.memory_space<hbm>>) target_semaphore(%arg15 : memref<!tpu.dma_semaphore, #tpu.memory_space<semaphore_mem>>)
      %mul3A_1371 = arith.constant 4 : i32
      %mul3A_1372 = arith.muli %scan3A_1088, %mul3A_1371 : i32
      %add3A_1373 = arith.constant 2 : i32
      %add3A_1374 = arith.addi %mul3A_1372, %add3A_1373 : i32
      %mul3A_1375 = arith.constant 400 : i32
      %mul3A_1376 = arith.muli %add3A_1374, %mul3A_1375 : i32
      %dma_wait3A_1377 = tpu.memref_slice %arg5[%mul3A_1376] : memref<25600xi32, #tpu.memory_space<vmem>> -> memref<400xi32, #tpu.memory_space<vmem>>
      %dma_wait3A_1378 = arith.constant 0 : i32
      %dma_wait3A_1379 = arith.constant 0 : i32
      %dma_wait3A_1380 = tpu.memref_slice %arg3[%dma_wait3A_1378, %dma_wait3A_1379] : memref<1000000x64xf32, #tpu.memory_space<hbm>> -> memref<1000000x64xf32, #tpu.memory_space<hbm>>
      tpu.wait_indirect_dma semaphore(%arg12 : memref<!tpu.dma_semaphore, #tpu.memory_space<semaphore_mem>>) src(%dma_wait3A_1380 : memref<1000000x64xf32, #tpu.memory_space<hbm>>) dst(%arg8 : memref<400x64xf32, #tpu.memory_space<vmem>>)
      %mul3A_1381 = arith.constant 8 : i32
      %mul3A_1382 = arith.muli %add3A_1374, %mul3A_1381 : i32
      %add3A_1383 = arith.addi %mul3A_2, %mul3A_1382 : i32
      %add3A_1384 = arith.constant 0 : i32
      %add3A_1385 = arith.addi %add3A_1383, %add3A_1384 : i32
      %dma_start3A_1386 = arith.constant 0 : i32
      %dma_start3A_1387 = arith.constant 0 : i32
      %dma_start3A_1388 = tpu.memref_slice %arg8[%dma_start3A_1386, %dma_start3A_1387] : memref<400x64xf32, #tpu.memory_space<vmem>> -> memref<50x64xf32, #tpu.memory_space<vmem>>
      %dma_start3A_1389 = arith.constant 0 : i32
      %dma_start3A_1390 = arith.constant 0 : i32
      %dma_start3A_1391 = tpu.memref_slice %arg4[%add3A_1385, %dma_start3A_1389, %dma_start3A_1390] : memref<16384x50x64xf32, #tpu.memory_space<hbm>> -> memref<1x50x64xf32, #tpu.memory_space<hbm>>
      %dma_start3A_1392 = tpu.memref_squeeze %dma_start3A_1391 : memref<1x50x64xf32, #tpu.memory_space<hbm>> -> memref<50x64xf32, #tpu.memory_space<hbm>>
      %dma_start3A_1393 = arith.constant 0 : i32
      %dma_start3A_1394 = arith.constant 0 : i32
      %dma_start3A_1395 = tpu.memref_slice %arg4[%add3A_1385, %dma_start3A_1393, %dma_start3A_1394] : memref<16384x50x64xf32, #tpu.memory_space<hbm>> -> memref<1x50x64xf32, #tpu.memory_space<hbm>>
      %dma_start3A_1396 = tpu.memref_squeeze %dma_start3A_1395 : memref<1x50x64xf32, #tpu.memory_space<hbm>> -> memref<50x64xf32, #tpu.memory_space<hbm>>
      %dma_start3A_1397 = arith.constant 0 : i32
      %dma_start3A_1398 = arith.constant 0 : i32
      %dma_start3A_1399 = tpu.memref_slice %arg8[%dma_start3A_1397, %dma_start3A_1398] : memref<400x64xf32, #tpu.memory_space<vmem>> -> memref<50x64xf32, #tpu.memory_space<vmem>>
      tpu.enqueue_dma source(%dma_start3A_1399 : memref<50x64xf32, #tpu.memory_space<vmem>>) target(%dma_start3A_1396 : memref<50x64xf32, #tpu.memory_space<hbm>>) target_semaphore(%arg16 : memref<!tpu.dma_semaphore, #tpu.memory_space<semaphore_mem>>)
      %add3A_1400 = arith.constant 1 : i32
      %add3A_1401 = arith.addi %add3A_1383, %add3A_1400 : i32
      %dma_start3A_1402 = arith.constant 50 : i32
      %dma_start3A_1403 = arith.constant 0 : i32
      %dma_start3A_1404 = tpu.memref_slice %arg8[%dma_start3A_1402, %dma_start3A_1403] : memref<400x64xf32, #tpu.memory_space<vmem>> -> memref<50x64xf32, #tpu.memory_space<vmem>>
      %dma_start3A_1405 = arith.constant 0 : i32
      %dma_start3A_1406 = arith.constant 0 : i32
      %dma_start3A_1407 = tpu.memref_slice %arg4[%add3A_1401, %dma_start3A_1405, %dma_start3A_1406] : memref<16384x50x64xf32, #tpu.memory_space<hbm>> -> memref<1x50x64xf32, #tpu.memory_space<hbm>>
      %dma_start3A_1408 = tpu.memref_squeeze %dma_start3A_1407 : memref<1x50x64xf32, #tpu.memory_space<hbm>> -> memref<50x64xf32, #tpu.memory_space<hbm>>
      %dma_start3A_1409 = arith.constant 0 : i32
      %dma_start3A_1410 = arith.constant 0 : i32
      %dma_start3A_1411 = tpu.memref_slice %arg4[%add3A_1401, %dma_start3A_1409, %dma_start3A_1410] : memref<16384x50x64xf32, #tpu.memory_space<hbm>> -> memref<1x50x64xf32, #tpu.memory_space<hbm>>
      %dma_start3A_1412 = tpu.memref_squeeze %dma_start3A_1411 : memref<1x50x64xf32, #tpu.memory_space<hbm>> -> memref<50x64xf32, #tpu.memory_space<hbm>>
      %dma_start3A_1413 = arith.constant 50 : i32
      %dma_start3A_1414 = arith.constant 0 : i32
      %dma_start3A_1415 = tpu.memref_slice %arg8[%dma_start3A_1413, %dma_start3A_1414] : memref<400x64xf32, #tpu.memory_space<vmem>> -> memref<50x64xf32, #tpu.memory_space<vmem>>
      tpu.enqueue_dma source(%dma_start3A_1415 : memref<50x64xf32, #tpu.memory_space<vmem>>) target(%dma_start3A_1412 : memref<50x64xf32, #tpu.memory_space<hbm>>) target_semaphore(%arg16 : memref<!tpu.dma_semaphore, #tpu.memory_space<semaphore_mem>>)
      %add3A_1416 = arith.constant 2 : i32
      %add3A_1417 = arith.addi %add3A_1383, %add3A_1416 : i32
      %dma_start3A_1418 = arith.constant 100 : i32
      %dma_start3A_1419 = arith.constant 0 : i32
      %dma_start3A_1420 = tpu.memref_slice %arg8[%dma_start3A_1418, %dma_start3A_1419] : memref<400x64xf32, #tpu.memory_space<vmem>> -> memref<50x64xf32, #tpu.memory_space<vmem>>
      %dma_start3A_1421 = arith.constant 0 : i32
      %dma_start3A_1422 = arith.constant 0 : i32
      %dma_start3A_1423 = tpu.memref_slice %arg4[%add3A_1417, %dma_start3A_1421, %dma_start3A_1422] : memref<16384x50x64xf32, #tpu.memory_space<hbm>> -> memref<1x50x64xf32, #tpu.memory_space<hbm>>
      %dma_start3A_1424 = tpu.memref_squeeze %dma_start3A_1423 : memref<1x50x64xf32, #tpu.memory_space<hbm>> -> memref<50x64xf32, #tpu.memory_space<hbm>>
      %dma_start3A_1425 = arith.constant 0 : i32
      %dma_start3A_1426 = arith.constant 0 : i32
      %dma_start3A_1427 = tpu.memref_slice %arg4[%add3A_1417, %dma_start3A_1425, %dma_start3A_1426] : memref<16384x50x64xf32, #tpu.memory_space<hbm>> -> memref<1x50x64xf32, #tpu.memory_space<hbm>>
      %dma_start3A_1428 = tpu.memref_squeeze %dma_start3A_1427 : memref<1x50x64xf32, #tpu.memory_space<hbm>> -> memref<50x64xf32, #tpu.memory_space<hbm>>
      %dma_start3A_1429 = arith.constant 100 : i32
      %dma_start3A_1430 = arith.constant 0 : i32
      %dma_start3A_1431 = tpu.memref_slice %arg8[%dma_start3A_1429, %dma_start3A_1430] : memref<400x64xf32, #tpu.memory_space<vmem>> -> memref<50x64xf32, #tpu.memory_space<vmem>>
      tpu.enqueue_dma source(%dma_start3A_1431 : memref<50x64xf32, #tpu.memory_space<vmem>>) target(%dma_start3A_1428 : memref<50x64xf32, #tpu.memory_space<hbm>>) target_semaphore(%arg16 : memref<!tpu.dma_semaphore, #tpu.memory_space<semaphore_mem>>)
      %add3A_1432 = arith.constant 3 : i32
      %add3A_1433 = arith.addi %add3A_1383, %add3A_1432 : i32
      %dma_start3A_1434 = arith.constant 150 : i32
      %dma_start3A_1435 = arith.constant 0 : i32
      %dma_start3A_1436 = tpu.memref_slice %arg8[%dma_start3A_1434, %dma_start3A_1435] : memref<400x64xf32, #tpu.memory_space<vmem>> -> memref<50x64xf32, #tpu.memory_space<vmem>>
      %dma_start3A_1437 = arith.constant 0 : i32
      %dma_start3A_1438 = arith.constant 0 : i32
      %dma_start3A_1439 = tpu.memref_slice %arg4[%add3A_1433, %dma_start3A_1437, %dma_start3A_1438] : memref<16384x50x64xf32, #tpu.memory_space<hbm>> -> memref<1x50x64xf32, #tpu.memory_space<hbm>>
      %dma_start3A_1440 = tpu.memref_squeeze %dma_start3A_1439 : memref<1x50x64xf32, #tpu.memory_space<hbm>> -> memref<50x64xf32, #tpu.memory_space<hbm>>
      %dma_start3A_1441 = arith.constant 0 : i32
      %dma_start3A_1442 = arith.constant 0 : i32
      %dma_start3A_1443 = tpu.memref_slice %arg4[%add3A_1433, %dma_start3A_1441, %dma_start3A_1442] : memref<16384x50x64xf32, #tpu.memory_space<hbm>> -> memref<1x50x64xf32, #tpu.memory_space<hbm>>
      %dma_start3A_1444 = tpu.memref_squeeze %dma_start3A_1443 : memref<1x50x64xf32, #tpu.memory_space<hbm>> -> memref<50x64xf32, #tpu.memory_space<hbm>>
      %dma_start3A_1445 = arith.constant 150 : i32
      %dma_start3A_1446 = arith.constant 0 : i32
      %dma_start3A_1447 = tpu.memref_slice %arg8[%dma_start3A_1445, %dma_start3A_1446] : memref<400x64xf32, #tpu.memory_space<vmem>> -> memref<50x64xf32, #tpu.memory_space<vmem>>
      tpu.enqueue_dma source(%dma_start3A_1447 : memref<50x64xf32, #tpu.memory_space<vmem>>) target(%dma_start3A_1444 : memref<50x64xf32, #tpu.memory_space<hbm>>) target_semaphore(%arg16 : memref<!tpu.dma_semaphore, #tpu.memory_space<semaphore_mem>>)
      %add3A_1448 = arith.constant 4 : i32
      %add3A_1449 = arith.addi %add3A_1383, %add3A_1448 : i32
      %dma_start3A_1450 = arith.constant 200 : i32
      %dma_start3A_1451 = arith.constant 0 : i32
      %dma_start3A_1452 = tpu.memref_slice %arg8[%dma_start3A_1450, %dma_start3A_1451] : memref<400x64xf32, #tpu.memory_space<vmem>> -> memref<50x64xf32, #tpu.memory_space<vmem>>
      %dma_start3A_1453 = arith.constant 0 : i32
      %dma_start3A_1454 = arith.constant 0 : i32
      %dma_start3A_1455 = tpu.memref_slice %arg4[%add3A_1449, %dma_start3A_1453, %dma_start3A_1454] : memref<16384x50x64xf32, #tpu.memory_space<hbm>> -> memref<1x50x64xf32, #tpu.memory_space<hbm>>
      %dma_start3A_1456 = tpu.memref_squeeze %dma_start3A_1455 : memref<1x50x64xf32, #tpu.memory_space<hbm>> -> memref<50x64xf32, #tpu.memory_space<hbm>>
      %dma_start3A_1457 = arith.constant 0 : i32
      %dma_start3A_1458 = arith.constant 0 : i32
      %dma_start3A_1459 = tpu.memref_slice %arg4[%add3A_1449, %dma_start3A_1457, %dma_start3A_1458] : memref<16384x50x64xf32, #tpu.memory_space<hbm>> -> memref<1x50x64xf32, #tpu.memory_space<hbm>>
      %dma_start3A_1460 = tpu.memref_squeeze %dma_start3A_1459 : memref<1x50x64xf32, #tpu.memory_space<hbm>> -> memref<50x64xf32, #tpu.memory_space<hbm>>
      %dma_start3A_1461 = arith.constant 200 : i32
      %dma_start3A_1462 = arith.constant 0 : i32
      %dma_start3A_1463 = tpu.memref_slice %arg8[%dma_start3A_1461, %dma_start3A_1462] : memref<400x64xf32, #tpu.memory_space<vmem>> -> memref<50x64xf32, #tpu.memory_space<vmem>>
      tpu.enqueue_dma source(%dma_start3A_1463 : memref<50x64xf32, #tpu.memory_space<vmem>>) target(%dma_start3A_1460 : memref<50x64xf32, #tpu.memory_space<hbm>>) target_semaphore(%arg16 : memref<!tpu.dma_semaphore, #tpu.memory_space<semaphore_mem>>)
      %add3A_1464 = arith.constant 5 : i32
      %add3A_1465 = arith.addi %add3A_1383, %add3A_1464 : i32
      %dma_start3A_1466 = arith.constant 250 : i32
      %dma_start3A_1467 = arith.constant 0 : i32
      %dma_start3A_1468 = tpu.memref_slice %arg8[%dma_start3A_1466, %dma_start3A_1467] : memref<400x64xf32, #tpu.memory_space<vmem>> -> memref<50x64xf32, #tpu.memory_space<vmem>>
      %dma_start3A_1469 = arith.constant 0 : i32
      %dma_start3A_1470 = arith.constant 0 : i32
      %dma_start3A_1471 = tpu.memref_slice %arg4[%add3A_1465, %dma_start3A_1469, %dma_start3A_1470] : memref<16384x50x64xf32, #tpu.memory_space<hbm>> -> memref<1x50x64xf32, #tpu.memory_space<hbm>>
      %dma_start3A_1472 = tpu.memref_squeeze %dma_start3A_1471 : memref<1x50x64xf32, #tpu.memory_space<hbm>> -> memref<50x64xf32, #tpu.memory_space<hbm>>
      %dma_start3A_1473 = arith.constant 0 : i32
      %dma_start3A_1474 = arith.constant 0 : i32
      %dma_start3A_1475 = tpu.memref_slice %arg4[%add3A_1465, %dma_start3A_1473, %dma_start3A_1474] : memref<16384x50x64xf32, #tpu.memory_space<hbm>> -> memref<1x50x64xf32, #tpu.memory_space<hbm>>
      %dma_start3A_1476 = tpu.memref_squeeze %dma_start3A_1475 : memref<1x50x64xf32, #tpu.memory_space<hbm>> -> memref<50x64xf32, #tpu.memory_space<hbm>>
      %dma_start3A_1477 = arith.constant 250 : i32
      %dma_start3A_1478 = arith.constant 0 : i32
      %dma_start3A_1479 = tpu.memref_slice %arg8[%dma_start3A_1477, %dma_start3A_1478] : memref<400x64xf32, #tpu.memory_space<vmem>> -> memref<50x64xf32, #tpu.memory_space<vmem>>
      tpu.enqueue_dma source(%dma_start3A_1479 : memref<50x64xf32, #tpu.memory_space<vmem>>) target(%dma_start3A_1476 : memref<50x64xf32, #tpu.memory_space<hbm>>) target_semaphore(%arg16 : memref<!tpu.dma_semaphore, #tpu.memory_space<semaphore_mem>>)
      %add3A_1480 = arith.constant 6 : i32
      %add3A_1481 = arith.addi %add3A_1383, %add3A_1480 : i32
      %dma_start3A_1482 = arith.constant 300 : i32
      %dma_start3A_1483 = arith.constant 0 : i32
      %dma_start3A_1484 = tpu.memref_slice %arg8[%dma_start3A_1482, %dma_start3A_1483] : memref<400x64xf32, #tpu.memory_space<vmem>> -> memref<50x64xf32, #tpu.memory_space<vmem>>
      %dma_start3A_1485 = arith.constant 0 : i32
      %dma_start3A_1486 = arith.constant 0 : i32
      %dma_start3A_1487 = tpu.memref_slice %arg4[%add3A_1481, %dma_start3A_1485, %dma_start3A_1486] : memref<16384x50x64xf32, #tpu.memory_space<hbm>> -> memref<1x50x64xf32, #tpu.memory_space<hbm>>
      %dma_start3A_1488 = tpu.memref_squeeze %dma_start3A_1487 : memref<1x50x64xf32, #tpu.memory_space<hbm>> -> memref<50x64xf32, #tpu.memory_space<hbm>>
      %dma_start3A_1489 = arith.constant 0 : i32
      %dma_start3A_1490 = arith.constant 0 : i32
      %dma_start3A_1491 = tpu.memref_slice %arg4[%add3A_1481, %dma_start3A_1489, %dma_start3A_1490] : memref<16384x50x64xf32, #tpu.memory_space<hbm>> -> memref<1x50x64xf32, #tpu.memory_space<hbm>>
      %dma_start3A_1492 = tpu.memref_squeeze %dma_start3A_1491 : memref<1x50x64xf32, #tpu.memory_space<hbm>> -> memref<50x64xf32, #tpu.memory_space<hbm>>
      %dma_start3A_1493 = arith.constant 300 : i32
      %dma_start3A_1494 = arith.constant 0 : i32
      %dma_start3A_1495 = tpu.memref_slice %arg8[%dma_start3A_1493, %dma_start3A_1494] : memref<400x64xf32, #tpu.memory_space<vmem>> -> memref<50x64xf32, #tpu.memory_space<vmem>>
      tpu.enqueue_dma source(%dma_start3A_1495 : memref<50x64xf32, #tpu.memory_space<vmem>>) target(%dma_start3A_1492 : memref<50x64xf32, #tpu.memory_space<hbm>>) target_semaphore(%arg16 : memref<!tpu.dma_semaphore, #tpu.memory_space<semaphore_mem>>)
      %add3A_1496 = arith.constant 7 : i32
      %add3A_1497 = arith.addi %add3A_1383, %add3A_1496 : i32
      %dma_start3A_1498 = arith.constant 350 : i32
      %dma_start3A_1499 = arith.constant 0 : i32
      %dma_start3A_1500 = tpu.memref_slice %arg8[%dma_start3A_1498, %dma_start3A_1499] : memref<400x64xf32, #tpu.memory_space<vmem>> -> memref<50x64xf32, #tpu.memory_space<vmem>>
      %dma_start3A_1501 = arith.constant 0 : i32
      %dma_start3A_1502 = arith.constant 0 : i32
      %dma_start3A_1503 = tpu.memref_slice %arg4[%add3A_1497, %dma_start3A_1501, %dma_start3A_1502] : memref<16384x50x64xf32, #tpu.memory_space<hbm>> -> memref<1x50x64xf32, #tpu.memory_space<hbm>>
      %dma_start3A_1504 = tpu.memref_squeeze %dma_start3A_1503 : memref<1x50x64xf32, #tpu.memory_space<hbm>> -> memref<50x64xf32, #tpu.memory_space<hbm>>
      %dma_start3A_1505 = arith.constant 0 : i32
      %dma_start3A_1506 = arith.constant 0 : i32
      %dma_start3A_1507 = tpu.memref_slice %arg4[%add3A_1497, %dma_start3A_1505, %dma_start3A_1506] : memref<16384x50x64xf32, #tpu.memory_space<hbm>> -> memref<1x50x64xf32, #tpu.memory_space<hbm>>
      %dma_start3A_1508 = tpu.memref_squeeze %dma_start3A_1507 : memref<1x50x64xf32, #tpu.memory_space<hbm>> -> memref<50x64xf32, #tpu.memory_space<hbm>>
      %dma_start3A_1509 = arith.constant 350 : i32
      %dma_start3A_1510 = arith.constant 0 : i32
      %dma_start3A_1511 = tpu.memref_slice %arg8[%dma_start3A_1509, %dma_start3A_1510] : memref<400x64xf32, #tpu.memory_space<vmem>> -> memref<50x64xf32, #tpu.memory_space<vmem>>
      tpu.enqueue_dma source(%dma_start3A_1511 : memref<50x64xf32, #tpu.memory_space<vmem>>) target(%dma_start3A_1508 : memref<50x64xf32, #tpu.memory_space<hbm>>) target_semaphore(%arg16 : memref<!tpu.dma_semaphore, #tpu.memory_space<semaphore_mem>>)
      %mul3A_1512 = arith.constant 4 : i32
      %mul3A_1513 = arith.muli %scan3A_1088, %mul3A_1512 : i32
      %add3A_1514 = arith.constant 3 : i32
      %add3A_1515 = arith.addi %mul3A_1513, %add3A_1514 : i32
      %mul3A_1516 = arith.constant 400 : i32
      %mul3A_1517 = arith.muli %add3A_1515, %mul3A_1516 : i32
      %dma_wait3A_1518 = tpu.memref_slice %arg5[%mul3A_1517] : memref<25600xi32, #tpu.memory_space<vmem>> -> memref<400xi32, #tpu.memory_space<vmem>>
      %dma_wait3A_1519 = arith.constant 0 : i32
      %dma_wait3A_1520 = arith.constant 0 : i32
      %dma_wait3A_1521 = tpu.memref_slice %arg3[%dma_wait3A_1519, %dma_wait3A_1520] : memref<1000000x64xf32, #tpu.memory_space<hbm>> -> memref<1000000x64xf32, #tpu.memory_space<hbm>>
      tpu.wait_indirect_dma semaphore(%arg13 : memref<!tpu.dma_semaphore, #tpu.memory_space<semaphore_mem>>) src(%dma_wait3A_1521 : memref<1000000x64xf32, #tpu.memory_space<hbm>>) dst(%arg9 : memref<400x64xf32, #tpu.memory_space<vmem>>)
      %mul3A_1522 = arith.constant 8 : i32
      %mul3A_1523 = arith.muli %add3A_1515, %mul3A_1522 : i32
      %add3A_1524 = arith.addi %mul3A_2, %mul3A_1523 : i32
      %add3A_1525 = arith.constant 0 : i32
      %add3A_1526 = arith.addi %add3A_1524, %add3A_1525 : i32
      %dma_start3A_1527 = arith.constant 0 : i32
      %dma_start3A_1528 = arith.constant 0 : i32
      %dma_start3A_1529 = tpu.memref_slice %arg9[%dma_start3A_1527, %dma_start3A_1528] : memref<400x64xf32, #tpu.memory_space<vmem>> -> memref<50x64xf32, #tpu.memory_space<vmem>>
      %dma_start3A_1530 = arith.constant 0 : i32
      %dma_start3A_1531 = arith.constant 0 : i32
      %dma_start3A_1532 = tpu.memref_slice %arg4[%add3A_1526, %dma_start3A_1530, %dma_start3A_1531] : memref<16384x50x64xf32, #tpu.memory_space<hbm>> -> memref<1x50x64xf32, #tpu.memory_space<hbm>>
      %dma_start3A_1533 = tpu.memref_squeeze %dma_start3A_1532 : memref<1x50x64xf32, #tpu.memory_space<hbm>> -> memref<50x64xf32, #tpu.memory_space<hbm>>
      %dma_start3A_1534 = arith.constant 0 : i32
      %dma_start3A_1535 = arith.constant 0 : i32
      %dma_start3A_1536 = tpu.memref_slice %arg4[%add3A_1526, %dma_start3A_1534, %dma_start3A_1535] : memref<16384x50x64xf32, #tpu.memory_space<hbm>> -> memref<1x50x64xf32, #tpu.memory_space<hbm>>
      %dma_start3A_1537 = tpu.memref_squeeze %dma_start3A_1536 : memref<1x50x64xf32, #tpu.memory_space<hbm>> -> memref<50x64xf32, #tpu.memory_space<hbm>>
      %dma_start3A_1538 = arith.constant 0 : i32
      %dma_start3A_1539 = arith.constant 0 : i32
      %dma_start3A_1540 = tpu.memref_slice %arg9[%dma_start3A_1538, %dma_start3A_1539] : memref<400x64xf32, #tpu.memory_space<vmem>> -> memref<50x64xf32, #tpu.memory_space<vmem>>
      tpu.enqueue_dma source(%dma_start3A_1540 : memref<50x64xf32, #tpu.memory_space<vmem>>) target(%dma_start3A_1537 : memref<50x64xf32, #tpu.memory_space<hbm>>) target_semaphore(%arg17 : memref<!tpu.dma_semaphore, #tpu.memory_space<semaphore_mem>>)
      %add3A_1541 = arith.constant 1 : i32
      %add3A_1542 = arith.addi %add3A_1524, %add3A_1541 : i32
      %dma_start3A_1543 = arith.constant 50 : i32
      %dma_start3A_1544 = arith.constant 0 : i32
      %dma_start3A_1545 = tpu.memref_slice %arg9[%dma_start3A_1543, %dma_start3A_1544] : memref<400x64xf32, #tpu.memory_space<vmem>> -> memref<50x64xf32, #tpu.memory_space<vmem>>
      %dma_start3A_1546 = arith.constant 0 : i32
      %dma_start3A_1547 = arith.constant 0 : i32
      %dma_start3A_1548 = tpu.memref_slice %arg4[%add3A_1542, %dma_start3A_1546, %dma_start3A_1547] : memref<16384x50x64xf32, #tpu.memory_space<hbm>> -> memref<1x50x64xf32, #tpu.memory_space<hbm>>
      %dma_start3A_1549 = tpu.memref_squeeze %dma_start3A_1548 : memref<1x50x64xf32, #tpu.memory_space<hbm>> -> memref<50x64xf32, #tpu.memory_space<hbm>>
      %dma_start3A_1550 = arith.constant 0 : i32
      %dma_start3A_1551 = arith.constant 0 : i32
      %dma_start3A_1552 = tpu.memref_slice %arg4[%add3A_1542, %dma_start3A_1550, %dma_start3A_1551] : memref<16384x50x64xf32, #tpu.memory_space<hbm>> -> memref<1x50x64xf32, #tpu.memory_space<hbm>>
      %dma_start3A_1553 = tpu.memref_squeeze %dma_start3A_1552 : memref<1x50x64xf32, #tpu.memory_space<hbm>> -> memref<50x64xf32, #tpu.memory_space<hbm>>
      %dma_start3A_1554 = arith.constant 50 : i32
      %dma_start3A_1555 = arith.constant 0 : i32
      %dma_start3A_1556 = tpu.memref_slice %arg9[%dma_start3A_1554, %dma_start3A_1555] : memref<400x64xf32, #tpu.memory_space<vmem>> -> memref<50x64xf32, #tpu.memory_space<vmem>>
      tpu.enqueue_dma source(%dma_start3A_1556 : memref<50x64xf32, #tpu.memory_space<vmem>>) target(%dma_start3A_1553 : memref<50x64xf32, #tpu.memory_space<hbm>>) target_semaphore(%arg17 : memref<!tpu.dma_semaphore, #tpu.memory_space<semaphore_mem>>)
      %add3A_1557 = arith.constant 2 : i32
      %add3A_1558 = arith.addi %add3A_1524, %add3A_1557 : i32
      %dma_start3A_1559 = arith.constant 100 : i32
      %dma_start3A_1560 = arith.constant 0 : i32
      %dma_start3A_1561 = tpu.memref_slice %arg9[%dma_start3A_1559, %dma_start3A_1560] : memref<400x64xf32, #tpu.memory_space<vmem>> -> memref<50x64xf32, #tpu.memory_space<vmem>>
      %dma_start3A_1562 = arith.constant 0 : i32
      %dma_start3A_1563 = arith.constant 0 : i32
      %dma_start3A_1564 = tpu.memref_slice %arg4[%add3A_1558, %dma_start3A_1562, %dma_start3A_1563] : memref<16384x50x64xf32, #tpu.memory_space<hbm>> -> memref<1x50x64xf32, #tpu.memory_space<hbm>>
      %dma_start3A_1565 = tpu.memref_squeeze %dma_start3A_1564 : memref<1x50x64xf32, #tpu.memory_space<hbm>> -> memref<50x64xf32, #tpu.memory_space<hbm>>
      %dma_start3A_1566 = arith.constant 0 : i32
      %dma_start3A_1567 = arith.constant 0 : i32
      %dma_start3A_1568 = tpu.memref_slice %arg4[%add3A_1558, %dma_start3A_1566, %dma_start3A_1567] : memref<16384x50x64xf32, #tpu.memory_space<hbm>> -> memref<1x50x64xf32, #tpu.memory_space<hbm>>
      %dma_start3A_1569 = tpu.memref_squeeze %dma_start3A_1568 : memref<1x50x64xf32, #tpu.memory_space<hbm>> -> memref<50x64xf32, #tpu.memory_space<hbm>>
      %dma_start3A_1570 = arith.constant 100 : i32
      %dma_start3A_1571 = arith.constant 0 : i32
      %dma_start3A_1572 = tpu.memref_slice %arg9[%dma_start3A_1570, %dma_start3A_1571] : memref<400x64xf32, #tpu.memory_space<vmem>> -> memref<50x64xf32, #tpu.memory_space<vmem>>
      tpu.enqueue_dma source(%dma_start3A_1572 : memref<50x64xf32, #tpu.memory_space<vmem>>) target(%dma_start3A_1569 : memref<50x64xf32, #tpu.memory_space<hbm>>) target_semaphore(%arg17 : memref<!tpu.dma_semaphore, #tpu.memory_space<semaphore_mem>>)
      %add3A_1573 = arith.constant 3 : i32
      %add3A_1574 = arith.addi %add3A_1524, %add3A_1573 : i32
      %dma_start3A_1575 = arith.constant 150 : i32
      %dma_start3A_1576 = arith.constant 0 : i32
      %dma_start3A_1577 = tpu.memref_slice %arg9[%dma_start3A_1575, %dma_start3A_1576] : memref<400x64xf32, #tpu.memory_space<vmem>> -> memref<50x64xf32, #tpu.memory_space<vmem>>
      %dma_start3A_1578 = arith.constant 0 : i32
      %dma_start3A_1579 = arith.constant 0 : i32
      %dma_start3A_1580 = tpu.memref_slice %arg4[%add3A_1574, %dma_start3A_1578, %dma_start3A_1579] : memref<16384x50x64xf32, #tpu.memory_space<hbm>> -> memref<1x50x64xf32, #tpu.memory_space<hbm>>
      %dma_start3A_1581 = tpu.memref_squeeze %dma_start3A_1580 : memref<1x50x64xf32, #tpu.memory_space<hbm>> -> memref<50x64xf32, #tpu.memory_space<hbm>>
      %dma_start3A_1582 = arith.constant 0 : i32
      %dma_start3A_1583 = arith.constant 0 : i32
      %dma_start3A_1584 = tpu.memref_slice %arg4[%add3A_1574, %dma_start3A_1582, %dma_start3A_1583] : memref<16384x50x64xf32, #tpu.memory_space<hbm>> -> memref<1x50x64xf32, #tpu.memory_space<hbm>>
      %dma_start3A_1585 = tpu.memref_squeeze %dma_start3A_1584 : memref<1x50x64xf32, #tpu.memory_space<hbm>> -> memref<50x64xf32, #tpu.memory_space<hbm>>
      %dma_start3A_1586 = arith.constant 150 : i32
      %dma_start3A_1587 = arith.constant 0 : i32
      %dma_start3A_1588 = tpu.memref_slice %arg9[%dma_start3A_1586, %dma_start3A_1587] : memref<400x64xf32, #tpu.memory_space<vmem>> -> memref<50x64xf32, #tpu.memory_space<vmem>>
      tpu.enqueue_dma source(%dma_start3A_1588 : memref<50x64xf32, #tpu.memory_space<vmem>>) target(%dma_start3A_1585 : memref<50x64xf32, #tpu.memory_space<hbm>>) target_semaphore(%arg17 : memref<!tpu.dma_semaphore, #tpu.memory_space<semaphore_mem>>)
      %add3A_1589 = arith.constant 4 : i32
      %add3A_1590 = arith.addi %add3A_1524, %add3A_1589 : i32
      %dma_start3A_1591 = arith.constant 200 : i32
      %dma_start3A_1592 = arith.constant 0 : i32
      %dma_start3A_1593 = tpu.memref_slice %arg9[%dma_start3A_1591, %dma_start3A_1592] : memref<400x64xf32, #tpu.memory_space<vmem>> -> memref<50x64xf32, #tpu.memory_space<vmem>>
      %dma_start3A_1594 = arith.constant 0 : i32
      %dma_start3A_1595 = arith.constant 0 : i32
      %dma_start3A_1596 = tpu.memref_slice %arg4[%add3A_1590, %dma_start3A_1594, %dma_start3A_1595] : memref<16384x50x64xf32, #tpu.memory_space<hbm>> -> memref<1x50x64xf32, #tpu.memory_space<hbm>>
      %dma_start3A_1597 = tpu.memref_squeeze %dma_start3A_1596 : memref<1x50x64xf32, #tpu.memory_space<hbm>> -> memref<50x64xf32, #tpu.memory_space<hbm>>
      %dma_start3A_1598 = arith.constant 0 : i32
      %dma_start3A_1599 = arith.constant 0 : i32
      %dma_start3A_1600 = tpu.memref_slice %arg4[%add3A_1590, %dma_start3A_1598, %dma_start3A_1599] : memref<16384x50x64xf32, #tpu.memory_space<hbm>> -> memref<1x50x64xf32, #tpu.memory_space<hbm>>
      %dma_start3A_1601 = tpu.memref_squeeze %dma_start3A_1600 : memref<1x50x64xf32, #tpu.memory_space<hbm>> -> memref<50x64xf32, #tpu.memory_space<hbm>>
      %dma_start3A_1602 = arith.constant 200 : i32
      %dma_start3A_1603 = arith.constant 0 : i32
      %dma_start3A_1604 = tpu.memref_slice %arg9[%dma_start3A_1602, %dma_start3A_1603] : memref<400x64xf32, #tpu.memory_space<vmem>> -> memref<50x64xf32, #tpu.memory_space<vmem>>
      tpu.enqueue_dma source(%dma_start3A_1604 : memref<50x64xf32, #tpu.memory_space<vmem>>) target(%dma_start3A_1601 : memref<50x64xf32, #tpu.memory_space<hbm>>) target_semaphore(%arg17 : memref<!tpu.dma_semaphore, #tpu.memory_space<semaphore_mem>>)
      %add3A_1605 = arith.constant 5 : i32
      %add3A_1606 = arith.addi %add3A_1524, %add3A_1605 : i32
      %dma_start3A_1607 = arith.constant 250 : i32
      %dma_start3A_1608 = arith.constant 0 : i32
      %dma_start3A_1609 = tpu.memref_slice %arg9[%dma_start3A_1607, %dma_start3A_1608] : memref<400x64xf32, #tpu.memory_space<vmem>> -> memref<50x64xf32, #tpu.memory_space<vmem>>
      %dma_start3A_1610 = arith.constant 0 : i32
      %dma_start3A_1611 = arith.constant 0 : i32
      %dma_start3A_1612 = tpu.memref_slice %arg4[%add3A_1606, %dma_start3A_1610, %dma_start3A_1611] : memref<16384x50x64xf32, #tpu.memory_space<hbm>> -> memref<1x50x64xf32, #tpu.memory_space<hbm>>
      %dma_start3A_1613 = tpu.memref_squeeze %dma_start3A_1612 : memref<1x50x64xf32, #tpu.memory_space<hbm>> -> memref<50x64xf32, #tpu.memory_space<hbm>>
      %dma_start3A_1614 = arith.constant 0 : i32
      %dma_start3A_1615 = arith.constant 0 : i32
      %dma_start3A_1616 = tpu.memref_slice %arg4[%add3A_1606, %dma_start3A_1614, %dma_start3A_1615] : memref<16384x50x64xf32, #tpu.memory_space<hbm>> -> memref<1x50x64xf32, #tpu.memory_space<hbm>>
      %dma_start3A_1617 = tpu.memref_squeeze %dma_start3A_1616 : memref<1x50x64xf32, #tpu.memory_space<hbm>> -> memref<50x64xf32, #tpu.memory_space<hbm>>
      %dma_start3A_1618 = arith.constant 250 : i32
      %dma_start3A_1619 = arith.constant 0 : i32
      %dma_start3A_1620 = tpu.memref_slice %arg9[%dma_start3A_1618, %dma_start3A_1619] : memref<400x64xf32, #tpu.memory_space<vmem>> -> memref<50x64xf32, #tpu.memory_space<vmem>>
      tpu.enqueue_dma source(%dma_start3A_1620 : memref<50x64xf32, #tpu.memory_space<vmem>>) target(%dma_start3A_1617 : memref<50x64xf32, #tpu.memory_space<hbm>>) target_semaphore(%arg17 : memref<!tpu.dma_semaphore, #tpu.memory_space<semaphore_mem>>)
      %add3A_1621 = arith.constant 6 : i32
      %add3A_1622 = arith.addi %add3A_1524, %add3A_1621 : i32
      %dma_start3A_1623 = arith.constant 300 : i32
      %dma_start3A_1624 = arith.constant 0 : i32
      %dma_start3A_1625 = tpu.memref_slice %arg9[%dma_start3A_1623, %dma_start3A_1624] : memref<400x64xf32, #tpu.memory_space<vmem>> -> memref<50x64xf32, #tpu.memory_space<vmem>>
      %dma_start3A_1626 = arith.constant 0 : i32
      %dma_start3A_1627 = arith.constant 0 : i32
      %dma_start3A_1628 = tpu.memref_slice %arg4[%add3A_1622, %dma_start3A_1626, %dma_start3A_1627] : memref<16384x50x64xf32, #tpu.memory_space<hbm>> -> memref<1x50x64xf32, #tpu.memory_space<hbm>>
      %dma_start3A_1629 = tpu.memref_squeeze %dma_start3A_1628 : memref<1x50x64xf32, #tpu.memory_space<hbm>> -> memref<50x64xf32, #tpu.memory_space<hbm>>
      %dma_start3A_1630 = arith.constant 0 : i32
      %dma_start3A_1631 = arith.constant 0 : i32
      %dma_start3A_1632 = tpu.memref_slice %arg4[%add3A_1622, %dma_start3A_1630, %dma_start3A_1631] : memref<16384x50x64xf32, #tpu.memory_space<hbm>> -> memref<1x50x64xf32, #tpu.memory_space<hbm>>
      %dma_start3A_1633 = tpu.memref_squeeze %dma_start3A_1632 : memref<1x50x64xf32, #tpu.memory_space<hbm>> -> memref<50x64xf32, #tpu.memory_space<hbm>>
      %dma_start3A_1634 = arith.constant 300 : i32
      %dma_start3A_1635 = arith.constant 0 : i32
      %dma_start3A_1636 = tpu.memref_slice %arg9[%dma_start3A_1634, %dma_start3A_1635] : memref<400x64xf32, #tpu.memory_space<vmem>> -> memref<50x64xf32, #tpu.memory_space<vmem>>
      tpu.enqueue_dma source(%dma_start3A_1636 : memref<50x64xf32, #tpu.memory_space<vmem>>) target(%dma_start3A_1633 : memref<50x64xf32, #tpu.memory_space<hbm>>) target_semaphore(%arg17 : memref<!tpu.dma_semaphore, #tpu.memory_space<semaphore_mem>>)
      %add3A_1637 = arith.constant 7 : i32
      %add3A_1638 = arith.addi %add3A_1524, %add3A_1637 : i32
      %dma_start3A_1639 = arith.constant 350 : i32
      %dma_start3A_1640 = arith.constant 0 : i32
      %dma_start3A_1641 = tpu.memref_slice %arg9[%dma_start3A_1639, %dma_start3A_1640] : memref<400x64xf32, #tpu.memory_space<vmem>> -> memref<50x64xf32, #tpu.memory_space<vmem>>
      %dma_start3A_1642 = arith.constant 0 : i32
      %dma_start3A_1643 = arith.constant 0 : i32
      %dma_start3A_1644 = tpu.memref_slice %arg4[%add3A_1638, %dma_start3A_1642, %dma_start3A_1643] : memref<16384x50x64xf32, #tpu.memory_space<hbm>> -> memref<1x50x64xf32, #tpu.memory_space<hbm>>
      %dma_start3A_1645 = tpu.memref_squeeze %dma_start3A_1644 : memref<1x50x64xf32, #tpu.memory_space<hbm>> -> memref<50x64xf32, #tpu.memory_space<hbm>>
      %dma_start3A_1646 = arith.constant 0 : i32
      %dma_start3A_1647 = arith.constant 0 : i32
      %dma_start3A_1648 = tpu.memref_slice %arg4[%add3A_1638, %dma_start3A_1646, %dma_start3A_1647] : memref<16384x50x64xf32, #tpu.memory_space<hbm>> -> memref<1x50x64xf32, #tpu.memory_space<hbm>>
      %dma_start3A_1649 = tpu.memref_squeeze %dma_start3A_1648 : memref<1x50x64xf32, #tpu.memory_space<hbm>> -> memref<50x64xf32, #tpu.memory_space<hbm>>
      %dma_start3A_1650 = arith.constant 350 : i32
      %dma_start3A_1651 = arith.constant 0 : i32
      %dma_start3A_1652 = tpu.memref_slice %arg9[%dma_start3A_1650, %dma_start3A_1651] : memref<400x64xf32, #tpu.memory_space<vmem>> -> memref<50x64xf32, #tpu.memory_space<vmem>>
      tpu.enqueue_dma source(%dma_start3A_1652 : memref<50x64xf32, #tpu.memory_space<vmem>>) target(%dma_start3A_1649 : memref<50x64xf32, #tpu.memory_space<hbm>>) target_semaphore(%arg17 : memref<!tpu.dma_semaphore, #tpu.memory_space<semaphore_mem>>)
      %mul3A_1653 = arith.constant 4 : i32
      %mul3A_1654 = arith.muli %scan3A_1088, %mul3A_1653 : i32
      %add3A_1655 = arith.constant 0 : i32
      %add3A_1656 = arith.addi %mul3A_1654, %add3A_1655 : i32
      %mul3A_1657 = arith.constant 8 : i32
      %mul3A_1658 = arith.muli %add3A_1656, %mul3A_1657 : i32
      %add3A_1659 = arith.addi %mul3A_2, %mul3A_1658 : i32
      %add3A_1660 = arith.constant 0 : i32
      %add3A_1661 = arith.addi %add3A_1659, %add3A_1660 : i32
      %dma_wait3A_1662 = arith.constant 0 : i32
      %dma_wait3A_1663 = arith.constant 0 : i32
      %dma_wait3A_1664 = tpu.memref_slice %arg6[%dma_wait3A_1662, %dma_wait3A_1663] : memref<400x64xf32, #tpu.memory_space<vmem>> -> memref<50x64xf32, #tpu.memory_space<vmem>>
      %dma_wait3A_1665 = arith.constant 0 : i32
      %dma_wait3A_1666 = arith.constant 0 : i32
      %dma_wait3A_1667 = tpu.memref_slice %arg4[%add3A_1661, %dma_wait3A_1665, %dma_wait3A_1666] : memref<16384x50x64xf32, #tpu.memory_space<hbm>> -> memref<1x50x64xf32, #tpu.memory_space<hbm>>
      %dma_wait3A_1668 = tpu.memref_squeeze %dma_wait3A_1667 : memref<1x50x64xf32, #tpu.memory_space<hbm>> -> memref<50x64xf32, #tpu.memory_space<hbm>>
      %dma_wait3A_1669 = arith.constant 0 : i32
      %dma_wait3A_1670 = arith.constant 0 : i32
      %dma_wait3A_1671 = tpu.memref_slice %arg4[%add3A_1661, %dma_wait3A_1669, %dma_wait3A_1670] : memref<16384x50x64xf32, #tpu.memory_space<hbm>> -> memref<1x50x64xf32, #tpu.memory_space<hbm>>
      %dma_wait3A_1672 = tpu.memref_squeeze %dma_wait3A_1671 : memref<1x50x64xf32, #tpu.memory_space<hbm>> -> memref<50x64xf32, #tpu.memory_space<hbm>>
      %dma_wait3A_1673 = arith.constant 0 : i32
      %dma_wait3A_1674 = arith.constant 0 : i32
      %dma_wait3A_1675 = tpu.memref_slice %arg6[%dma_wait3A_1673, %dma_wait3A_1674] : memref<400x64xf32, #tpu.memory_space<vmem>> -> memref<50x64xf32, #tpu.memory_space<vmem>>
      tpu.wait_dma2 semaphore(%arg14 : memref<!tpu.dma_semaphore, #tpu.memory_space<semaphore_mem>>) src(%dma_wait3A_1675 : memref<50x64xf32, #tpu.memory_space<vmem>>) dst(%dma_wait3A_1672 : memref<50x64xf32, #tpu.memory_space<hbm>>)
      %add3A_1676 = arith.constant 1 : i32
      %add3A_1677 = arith.addi %add3A_1659, %add3A_1676 : i32
      %dma_wait3A_1678 = arith.constant 50 : i32
      %dma_wait3A_1679 = arith.constant 0 : i32
      %dma_wait3A_1680 = tpu.memref_slice %arg6[%dma_wait3A_1678, %dma_wait3A_1679] : memref<400x64xf32, #tpu.memory_space<vmem>> -> memref<50x64xf32, #tpu.memory_space<vmem>>
      %dma_wait3A_1681 = arith.constant 0 : i32
      %dma_wait3A_1682 = arith.constant 0 : i32
      %dma_wait3A_1683 = tpu.memref_slice %arg4[%add3A_1677, %dma_wait3A_1681, %dma_wait3A_1682] : memref<16384x50x64xf32, #tpu.memory_space<hbm>> -> memref<1x50x64xf32, #tpu.memory_space<hbm>>
      %dma_wait3A_1684 = tpu.memref_squeeze %dma_wait3A_1683 : memref<1x50x64xf32, #tpu.memory_space<hbm>> -> memref<50x64xf32, #tpu.memory_space<hbm>>
      %dma_wait3A_1685 = arith.constant 0 : i32
      %dma_wait3A_1686 = arith.constant 0 : i32
      %dma_wait3A_1687 = tpu.memref_slice %arg4[%add3A_1677, %dma_wait3A_1685, %dma_wait3A_1686] : memref<16384x50x64xf32, #tpu.memory_space<hbm>> -> memref<1x50x64xf32, #tpu.memory_space<hbm>>
      %dma_wait3A_1688 = tpu.memref_squeeze %dma_wait3A_1687 : memref<1x50x64xf32, #tpu.memory_space<hbm>> -> memref<50x64xf32, #tpu.memory_space<hbm>>
      %dma_wait3A_1689 = arith.constant 50 : i32
      %dma_wait3A_1690 = arith.constant 0 : i32
      %dma_wait3A_1691 = tpu.memref_slice %arg6[%dma_wait3A_1689, %dma_wait3A_1690] : memref<400x64xf32, #tpu.memory_space<vmem>> -> memref<50x64xf32, #tpu.memory_space<vmem>>
      tpu.wait_dma2 semaphore(%arg14 : memref<!tpu.dma_semaphore, #tpu.memory_space<semaphore_mem>>) src(%dma_wait3A_1691 : memref<50x64xf32, #tpu.memory_space<vmem>>) dst(%dma_wait3A_1688 : memref<50x64xf32, #tpu.memory_space<hbm>>)
      %add3A_1692 = arith.constant 2 : i32
      %add3A_1693 = arith.addi %add3A_1659, %add3A_1692 : i32
      %dma_wait3A_1694 = arith.constant 100 : i32
      %dma_wait3A_1695 = arith.constant 0 : i32
      %dma_wait3A_1696 = tpu.memref_slice %arg6[%dma_wait3A_1694, %dma_wait3A_1695] : memref<400x64xf32, #tpu.memory_space<vmem>> -> memref<50x64xf32, #tpu.memory_space<vmem>>
      %dma_wait3A_1697 = arith.constant 0 : i32
      %dma_wait3A_1698 = arith.constant 0 : i32
      %dma_wait3A_1699 = tpu.memref_slice %arg4[%add3A_1693, %dma_wait3A_1697, %dma_wait3A_1698] : memref<16384x50x64xf32, #tpu.memory_space<hbm>> -> memref<1x50x64xf32, #tpu.memory_space<hbm>>
      %dma_wait3A_1700 = tpu.memref_squeeze %dma_wait3A_1699 : memref<1x50x64xf32, #tpu.memory_space<hbm>> -> memref<50x64xf32, #tpu.memory_space<hbm>>
      %dma_wait3A_1701 = arith.constant 0 : i32
      %dma_wait3A_1702 = arith.constant 0 : i32
      %dma_wait3A_1703 = tpu.memref_slice %arg4[%add3A_1693, %dma_wait3A_1701, %dma_wait3A_1702] : memref<16384x50x64xf32, #tpu.memory_space<hbm>> -> memref<1x50x64xf32, #tpu.memory_space<hbm>>
      %dma_wait3A_1704 = tpu.memref_squeeze %dma_wait3A_1703 : memref<1x50x64xf32, #tpu.memory_space<hbm>> -> memref<50x64xf32, #tpu.memory_space<hbm>>
      %dma_wait3A_1705 = arith.constant 100 : i32
      %dma_wait3A_1706 = arith.constant 0 : i32
      %dma_wait3A_1707 = tpu.memref_slice %arg6[%dma_wait3A_1705, %dma_wait3A_1706] : memref<400x64xf32, #tpu.memory_space<vmem>> -> memref<50x64xf32, #tpu.memory_space<vmem>>
      tpu.wait_dma2 semaphore(%arg14 : memref<!tpu.dma_semaphore, #tpu.memory_space<semaphore_mem>>) src(%dma_wait3A_1707 : memref<50x64xf32, #tpu.memory_space<vmem>>) dst(%dma_wait3A_1704 : memref<50x64xf32, #tpu.memory_space<hbm>>)
      %add3A_1708 = arith.constant 3 : i32
      %add3A_1709 = arith.addi %add3A_1659, %add3A_1708 : i32
      %dma_wait3A_1710 = arith.constant 150 : i32
      %dma_wait3A_1711 = arith.constant 0 : i32
      %dma_wait3A_1712 = tpu.memref_slice %arg6[%dma_wait3A_1710, %dma_wait3A_1711] : memref<400x64xf32, #tpu.memory_space<vmem>> -> memref<50x64xf32, #tpu.memory_space<vmem>>
      %dma_wait3A_1713 = arith.constant 0 : i32
      %dma_wait3A_1714 = arith.constant 0 : i32
      %dma_wait3A_1715 = tpu.memref_slice %arg4[%add3A_1709, %dma_wait3A_1713, %dma_wait3A_1714] : memref<16384x50x64xf32, #tpu.memory_space<hbm>> -> memref<1x50x64xf32, #tpu.memory_space<hbm>>
      %dma_wait3A_1716 = tpu.memref_squeeze %dma_wait3A_1715 : memref<1x50x64xf32, #tpu.memory_space<hbm>> -> memref<50x64xf32, #tpu.memory_space<hbm>>
      %dma_wait3A_1717 = arith.constant 0 : i32
      %dma_wait3A_1718 = arith.constant 0 : i32
      %dma_wait3A_1719 = tpu.memref_slice %arg4[%add3A_1709, %dma_wait3A_1717, %dma_wait3A_1718] : memref<16384x50x64xf32, #tpu.memory_space<hbm>> -> memref<1x50x64xf32, #tpu.memory_space<hbm>>
      %dma_wait3A_1720 = tpu.memref_squeeze %dma_wait3A_1719 : memref<1x50x64xf32, #tpu.memory_space<hbm>> -> memref<50x64xf32, #tpu.memory_space<hbm>>
      %dma_wait3A_1721 = arith.constant 150 : i32
      %dma_wait3A_1722 = arith.constant 0 : i32
      %dma_wait3A_1723 = tpu.memref_slice %arg6[%dma_wait3A_1721, %dma_wait3A_1722] : memref<400x64xf32, #tpu.memory_space<vmem>> -> memref<50x64xf32, #tpu.memory_space<vmem>>
      tpu.wait_dma2 semaphore(%arg14 : memref<!tpu.dma_semaphore, #tpu.memory_space<semaphore_mem>>) src(%dma_wait3A_1723 : memref<50x64xf32, #tpu.memory_space<vmem>>) dst(%dma_wait3A_1720 : memref<50x64xf32, #tpu.memory_space<hbm>>)
      %add3A_1724 = arith.constant 4 : i32
      %add3A_1725 = arith.addi %add3A_1659, %add3A_1724 : i32
      %dma_wait3A_1726 = arith.constant 200 : i32
      %dma_wait3A_1727 = arith.constant 0 : i32
      %dma_wait3A_1728 = tpu.memref_slice %arg6[%dma_wait3A_1726, %dma_wait3A_1727] : memref<400x64xf32, #tpu.memory_space<vmem>> -> memref<50x64xf32, #tpu.memory_space<vmem>>
      %dma_wait3A_1729 = arith.constant 0 : i32
      %dma_wait3A_1730 = arith.constant 0 : i32
      %dma_wait3A_1731 = tpu.memref_slice %arg4[%add3A_1725, %dma_wait3A_1729, %dma_wait3A_1730] : memref<16384x50x64xf32, #tpu.memory_space<hbm>> -> memref<1x50x64xf32, #tpu.memory_space<hbm>>
      %dma_wait3A_1732 = tpu.memref_squeeze %dma_wait3A_1731 : memref<1x50x64xf32, #tpu.memory_space<hbm>> -> memref<50x64xf32, #tpu.memory_space<hbm>>
      %dma_wait3A_1733 = arith.constant 0 : i32
      %dma_wait3A_1734 = arith.constant 0 : i32
      %dma_wait3A_1735 = tpu.memref_slice %arg4[%add3A_1725, %dma_wait3A_1733, %dma_wait3A_1734] : memref<16384x50x64xf32, #tpu.memory_space<hbm>> -> memref<1x50x64xf32, #tpu.memory_space<hbm>>
      %dma_wait3A_1736 = tpu.memref_squeeze %dma_wait3A_1735 : memref<1x50x64xf32, #tpu.memory_space<hbm>> -> memref<50x64xf32, #tpu.memory_space<hbm>>
      %dma_wait3A_1737 = arith.constant 200 : i32
      %dma_wait3A_1738 = arith.constant 0 : i32
      %dma_wait3A_1739 = tpu.memref_slice %arg6[%dma_wait3A_1737, %dma_wait3A_1738] : memref<400x64xf32, #tpu.memory_space<vmem>> -> memref<50x64xf32, #tpu.memory_space<vmem>>
      tpu.wait_dma2 semaphore(%arg14 : memref<!tpu.dma_semaphore, #tpu.memory_space<semaphore_mem>>) src(%dma_wait3A_1739 : memref<50x64xf32, #tpu.memory_space<vmem>>) dst(%dma_wait3A_1736 : memref<50x64xf32, #tpu.memory_space<hbm>>)
      %add3A_1740 = arith.constant 5 : i32
      %add3A_1741 = arith.addi %add3A_1659, %add3A_1740 : i32
      %dma_wait3A_1742 = arith.constant 250 : i32
      %dma_wait3A_1743 = arith.constant 0 : i32
      %dma_wait3A_1744 = tpu.memref_slice %arg6[%dma_wait3A_1742, %dma_wait3A_1743] : memref<400x64xf32, #tpu.memory_space<vmem>> -> memref<50x64xf32, #tpu.memory_space<vmem>>
      %dma_wait3A_1745 = arith.constant 0 : i32
      %dma_wait3A_1746 = arith.constant 0 : i32
      %dma_wait3A_1747 = tpu.memref_slice %arg4[%add3A_1741, %dma_wait3A_1745, %dma_wait3A_1746] : memref<16384x50x64xf32, #tpu.memory_space<hbm>> -> memref<1x50x64xf32, #tpu.memory_space<hbm>>
      %dma_wait3A_1748 = tpu.memref_squeeze %dma_wait3A_1747 : memref<1x50x64xf32, #tpu.memory_space<hbm>> -> memref<50x64xf32, #tpu.memory_space<hbm>>
      %dma_wait3A_1749 = arith.constant 0 : i32
      %dma_wait3A_1750 = arith.constant 0 : i32
      %dma_wait3A_1751 = tpu.memref_slice %arg4[%add3A_1741, %dma_wait3A_1749, %dma_wait3A_1750] : memref<16384x50x64xf32, #tpu.memory_space<hbm>> -> memref<1x50x64xf32, #tpu.memory_space<hbm>>
      %dma_wait3A_1752 = tpu.memref_squeeze %dma_wait3A_1751 : memref<1x50x64xf32, #tpu.memory_space<hbm>> -> memref<50x64xf32, #tpu.memory_space<hbm>>
      %dma_wait3A_1753 = arith.constant 250 : i32
      %dma_wait3A_1754 = arith.constant 0 : i32
      %dma_wait3A_1755 = tpu.memref_slice %arg6[%dma_wait3A_1753, %dma_wait3A_1754] : memref<400x64xf32, #tpu.memory_space<vmem>> -> memref<50x64xf32, #tpu.memory_space<vmem>>
      tpu.wait_dma2 semaphore(%arg14 : memref<!tpu.dma_semaphore, #tpu.memory_space<semaphore_mem>>) src(%dma_wait3A_1755 : memref<50x64xf32, #tpu.memory_space<vmem>>) dst(%dma_wait3A_1752 : memref<50x64xf32, #tpu.memory_space<hbm>>)
      %add3A_1756 = arith.constant 6 : i32
      %add3A_1757 = arith.addi %add3A_1659, %add3A_1756 : i32
      %dma_wait3A_1758 = arith.constant 300 : i32
      %dma_wait3A_1759 = arith.constant 0 : i32
      %dma_wait3A_1760 = tpu.memref_slice %arg6[%dma_wait3A_1758, %dma_wait3A_1759] : memref<400x64xf32, #tpu.memory_space<vmem>> -> memref<50x64xf32, #tpu.memory_space<vmem>>
      %dma_wait3A_1761 = arith.constant 0 : i32
      %dma_wait3A_1762 = arith.constant 0 : i32
      %dma_wait3A_1763 = tpu.memref_slice %arg4[%add3A_1757, %dma_wait3A_1761, %dma_wait3A_1762] : memref<16384x50x64xf32, #tpu.memory_space<hbm>> -> memref<1x50x64xf32, #tpu.memory_space<hbm>>
      %dma_wait3A_1764 = tpu.memref_squeeze %dma_wait3A_1763 : memref<1x50x64xf32, #tpu.memory_space<hbm>> -> memref<50x64xf32, #tpu.memory_space<hbm>>
      %dma_wait3A_1765 = arith.constant 0 : i32
      %dma_wait3A_1766 = arith.constant 0 : i32
      %dma_wait3A_1767 = tpu.memref_slice %arg4[%add3A_1757, %dma_wait3A_1765, %dma_wait3A_1766] : memref<16384x50x64xf32, #tpu.memory_space<hbm>> -> memref<1x50x64xf32, #tpu.memory_space<hbm>>
      %dma_wait3A_1768 = tpu.memref_squeeze %dma_wait3A_1767 : memref<1x50x64xf32, #tpu.memory_space<hbm>> -> memref<50x64xf32, #tpu.memory_space<hbm>>
      %dma_wait3A_1769 = arith.constant 300 : i32
      %dma_wait3A_1770 = arith.constant 0 : i32
      %dma_wait3A_1771 = tpu.memref_slice %arg6[%dma_wait3A_1769, %dma_wait3A_1770] : memref<400x64xf32, #tpu.memory_space<vmem>> -> memref<50x64xf32, #tpu.memory_space<vmem>>
      tpu.wait_dma2 semaphore(%arg14 : memref<!tpu.dma_semaphore, #tpu.memory_space<semaphore_mem>>) src(%dma_wait3A_1771 : memref<50x64xf32, #tpu.memory_space<vmem>>) dst(%dma_wait3A_1768 : memref<50x64xf32, #tpu.memory_space<hbm>>)
      %add3A_1772 = arith.constant 7 : i32
      %add3A_1773 = arith.addi %add3A_1659, %add3A_1772 : i32
      %dma_wait3A_1774 = arith.constant 350 : i32
      %dma_wait3A_1775 = arith.constant 0 : i32
      %dma_wait3A_1776 = tpu.memref_slice %arg6[%dma_wait3A_1774, %dma_wait3A_1775] : memref<400x64xf32, #tpu.memory_space<vmem>> -> memref<50x64xf32, #tpu.memory_space<vmem>>
      %dma_wait3A_1777 = arith.constant 0 : i32
      %dma_wait3A_1778 = arith.constant 0 : i32
      %dma_wait3A_1779 = tpu.memref_slice %arg4[%add3A_1773, %dma_wait3A_1777, %dma_wait3A_1778] : memref<16384x50x64xf32, #tpu.memory_space<hbm>> -> memref<1x50x64xf32, #tpu.memory_space<hbm>>
      %dma_wait3A_1780 = tpu.memref_squeeze %dma_wait3A_1779 : memref<1x50x64xf32, #tpu.memory_space<hbm>> -> memref<50x64xf32, #tpu.memory_space<hbm>>
      %dma_wait3A_1781 = arith.constant 0 : i32
      %dma_wait3A_1782 = arith.constant 0 : i32
      %dma_wait3A_1783 = tpu.memref_slice %arg4[%add3A_1773, %dma_wait3A_1781, %dma_wait3A_1782] : memref<16384x50x64xf32, #tpu.memory_space<hbm>> -> memref<1x50x64xf32, #tpu.memory_space<hbm>>
      %dma_wait3A_1784 = tpu.memref_squeeze %dma_wait3A_1783 : memref<1x50x64xf32, #tpu.memory_space<hbm>> -> memref<50x64xf32, #tpu.memory_space<hbm>>
      %dma_wait3A_1785 = arith.constant 350 : i32
      %dma_wait3A_1786 = arith.constant 0 : i32
      %dma_wait3A_1787 = tpu.memref_slice %arg6[%dma_wait3A_1785, %dma_wait3A_1786] : memref<400x64xf32, #tpu.memory_space<vmem>> -> memref<50x64xf32, #tpu.memory_space<vmem>>
      tpu.wait_dma2 semaphore(%arg14 : memref<!tpu.dma_semaphore, #tpu.memory_space<semaphore_mem>>) src(%dma_wait3A_1787 : memref<50x64xf32, #tpu.memory_space<vmem>>) dst(%dma_wait3A_1784 : memref<50x64xf32, #tpu.memory_space<hbm>>)
      %add3A_1788 = arith.constant 4 : i32
      %add3A_1789 = arith.addi %add3A_1656, %add3A_1788 : i32
      %mul3A_1790 = arith.constant 400 : i32
      %mul3A_1791 = arith.muli %add3A_1789, %mul3A_1790 : i32
      %dma_start3A_1792 = tpu.memref_slice %arg5[%mul3A_1791] : memref<25600xi32, #tpu.memory_space<vmem>> -> memref<400xi32, #tpu.memory_space<vmem>>
      %dma_start3A_1793 = arith.constant 0 : i32
      %dma_start3A_1794 = arith.constant 0 : i32
      %dma_start3A_1795 = tpu.memref_slice %arg3[%dma_start3A_1793, %dma_start3A_1794] : memref<1000000x64xf32, #tpu.memory_space<hbm>> -> memref<1000000x64xf32, #tpu.memory_space<hbm>>
      tpu.enqueue_indirect_dma source(%dma_start3A_1795 : memref<1000000x64xf32, #tpu.memory_space<hbm>>) target(%arg6 : memref<400x64xf32, #tpu.memory_space<vmem>>) offsets(%dma_start3A_1792 : memref<400xi32, #tpu.memory_space<vmem>>) semaphore(%arg10 : memref<!tpu.dma_semaphore, #tpu.memory_space<semaphore_mem>>)
      %mul3A_1796 = arith.constant 4 : i32
      %mul3A_1797 = arith.muli %scan3A_1088, %mul3A_1796 : i32
      %add3A_1798 = arith.constant 1 : i32
      %add3A_1799 = arith.addi %mul3A_1797, %add3A_1798 : i32
      %mul3A_1800 = arith.constant 8 : i32
      %mul3A_1801 = arith.muli %add3A_1799, %mul3A_1800 : i32
      %add3A_1802 = arith.addi %mul3A_2, %mul3A_1801 : i32
      %add3A_1803 = arith.constant 0 : i32
      %add3A_1804 = arith.addi %add3A_1802, %add3A_1803 : i32
      %dma_wait3A_1805 = arith.constant 0 : i32
      %dma_wait3A_1806 = arith.constant 0 : i32
      %dma_wait3A_1807 = tpu.memref_slice %arg7[%dma_wait3A_1805, %dma_wait3A_1806] : memref<400x64xf32, #tpu.memory_space<vmem>> -> memref<50x64xf32, #tpu.memory_space<vmem>>
      %dma_wait3A_1808 = arith.constant 0 : i32
      %dma_wait3A_1809 = arith.constant 0 : i32
      %dma_wait3A_1810 = tpu.memref_slice %arg4[%add3A_1804, %dma_wait3A_1808, %dma_wait3A_1809] : memref<16384x50x64xf32, #tpu.memory_space<hbm>> -> memref<1x50x64xf32, #tpu.memory_space<hbm>>
      %dma_wait3A_1811 = tpu.memref_squeeze %dma_wait3A_1810 : memref<1x50x64xf32, #tpu.memory_space<hbm>> -> memref<50x64xf32, #tpu.memory_space<hbm>>
      %dma_wait3A_1812 = arith.constant 0 : i32
      %dma_wait3A_1813 = arith.constant 0 : i32
      %dma_wait3A_1814 = tpu.memref_slice %arg4[%add3A_1804, %dma_wait3A_1812, %dma_wait3A_1813] : memref<16384x50x64xf32, #tpu.memory_space<hbm>> -> memref<1x50x64xf32, #tpu.memory_space<hbm>>
      %dma_wait3A_1815 = tpu.memref_squeeze %dma_wait3A_1814 : memref<1x50x64xf32, #tpu.memory_space<hbm>> -> memref<50x64xf32, #tpu.memory_space<hbm>>
      %dma_wait3A_1816 = arith.constant 0 : i32
      %dma_wait3A_1817 = arith.constant 0 : i32
      %dma_wait3A_1818 = tpu.memref_slice %arg7[%dma_wait3A_1816, %dma_wait3A_1817] : memref<400x64xf32, #tpu.memory_space<vmem>> -> memref<50x64xf32, #tpu.memory_space<vmem>>
      tpu.wait_dma2 semaphore(%arg15 : memref<!tpu.dma_semaphore, #tpu.memory_space<semaphore_mem>>) src(%dma_wait3A_1818 : memref<50x64xf32, #tpu.memory_space<vmem>>) dst(%dma_wait3A_1815 : memref<50x64xf32, #tpu.memory_space<hbm>>)
      %add3A_1819 = arith.constant 1 : i32
      %add3A_1820 = arith.addi %add3A_1802, %add3A_1819 : i32
      %dma_wait3A_1821 = arith.constant 50 : i32
      %dma_wait3A_1822 = arith.constant 0 : i32
      %dma_wait3A_1823 = tpu.memref_slice %arg7[%dma_wait3A_1821, %dma_wait3A_1822] : memref<400x64xf32, #tpu.memory_space<vmem>> -> memref<50x64xf32, #tpu.memory_space<vmem>>
      %dma_wait3A_1824 = arith.constant 0 : i32
      %dma_wait3A_1825 = arith.constant 0 : i32
      %dma_wait3A_1826 = tpu.memref_slice %arg4[%add3A_1820, %dma_wait3A_1824, %dma_wait3A_1825] : memref<16384x50x64xf32, #tpu.memory_space<hbm>> -> memref<1x50x64xf32, #tpu.memory_space<hbm>>
      %dma_wait3A_1827 = tpu.memref_squeeze %dma_wait3A_1826 : memref<1x50x64xf32, #tpu.memory_space<hbm>> -> memref<50x64xf32, #tpu.memory_space<hbm>>
      %dma_wait3A_1828 = arith.constant 0 : i32
      %dma_wait3A_1829 = arith.constant 0 : i32
      %dma_wait3A_1830 = tpu.memref_slice %arg4[%add3A_1820, %dma_wait3A_1828, %dma_wait3A_1829] : memref<16384x50x64xf32, #tpu.memory_space<hbm>> -> memref<1x50x64xf32, #tpu.memory_space<hbm>>
      %dma_wait3A_1831 = tpu.memref_squeeze %dma_wait3A_1830 : memref<1x50x64xf32, #tpu.memory_space<hbm>> -> memref<50x64xf32, #tpu.memory_space<hbm>>
      %dma_wait3A_1832 = arith.constant 50 : i32
      %dma_wait3A_1833 = arith.constant 0 : i32
      %dma_wait3A_1834 = tpu.memref_slice %arg7[%dma_wait3A_1832, %dma_wait3A_1833] : memref<400x64xf32, #tpu.memory_space<vmem>> -> memref<50x64xf32, #tpu.memory_space<vmem>>
      tpu.wait_dma2 semaphore(%arg15 : memref<!tpu.dma_semaphore, #tpu.memory_space<semaphore_mem>>) src(%dma_wait3A_1834 : memref<50x64xf32, #tpu.memory_space<vmem>>) dst(%dma_wait3A_1831 : memref<50x64xf32, #tpu.memory_space<hbm>>)
      %add3A_1835 = arith.constant 2 : i32
      %add3A_1836 = arith.addi %add3A_1802, %add3A_1835 : i32
      %dma_wait3A_1837 = arith.constant 100 : i32
      %dma_wait3A_1838 = arith.constant 0 : i32
      %dma_wait3A_1839 = tpu.memref_slice %arg7[%dma_wait3A_1837, %dma_wait3A_1838] : memref<400x64xf32, #tpu.memory_space<vmem>> -> memref<50x64xf32, #tpu.memory_space<vmem>>
      %dma_wait3A_1840 = arith.constant 0 : i32
      %dma_wait3A_1841 = arith.constant 0 : i32
      %dma_wait3A_1842 = tpu.memref_slice %arg4[%add3A_1836, %dma_wait3A_1840, %dma_wait3A_1841] : memref<16384x50x64xf32, #tpu.memory_space<hbm>> -> memref<1x50x64xf32, #tpu.memory_space<hbm>>
      %dma_wait3A_1843 = tpu.memref_squeeze %dma_wait3A_1842 : memref<1x50x64xf32, #tpu.memory_space<hbm>> -> memref<50x64xf32, #tpu.memory_space<hbm>>
      %dma_wait3A_1844 = arith.constant 0 : i32
      %dma_wait3A_1845 = arith.constant 0 : i32
      %dma_wait3A_1846 = tpu.memref_slice %arg4[%add3A_1836, %dma_wait3A_1844, %dma_wait3A_1845] : memref<16384x50x64xf32, #tpu.memory_space<hbm>> -> memref<1x50x64xf32, #tpu.memory_space<hbm>>
      %dma_wait3A_1847 = tpu.memref_squeeze %dma_wait3A_1846 : memref<1x50x64xf32, #tpu.memory_space<hbm>> -> memref<50x64xf32, #tpu.memory_space<hbm>>
      %dma_wait3A_1848 = arith.constant 100 : i32
      %dma_wait3A_1849 = arith.constant 0 : i32
      %dma_wait3A_1850 = tpu.memref_slice %arg7[%dma_wait3A_1848, %dma_wait3A_1849] : memref<400x64xf32, #tpu.memory_space<vmem>> -> memref<50x64xf32, #tpu.memory_space<vmem>>
      tpu.wait_dma2 semaphore(%arg15 : memref<!tpu.dma_semaphore, #tpu.memory_space<semaphore_mem>>) src(%dma_wait3A_1850 : memref<50x64xf32, #tpu.memory_space<vmem>>) dst(%dma_wait3A_1847 : memref<50x64xf32, #tpu.memory_space<hbm>>)
      %add3A_1851 = arith.constant 3 : i32
      %add3A_1852 = arith.addi %add3A_1802, %add3A_1851 : i32
      %dma_wait3A_1853 = arith.constant 150 : i32
      %dma_wait3A_1854 = arith.constant 0 : i32
      %dma_wait3A_1855 = tpu.memref_slice %arg7[%dma_wait3A_1853, %dma_wait3A_1854] : memref<400x64xf32, #tpu.memory_space<vmem>> -> memref<50x64xf32, #tpu.memory_space<vmem>>
      %dma_wait3A_1856 = arith.constant 0 : i32
      %dma_wait3A_1857 = arith.constant 0 : i32
      %dma_wait3A_1858 = tpu.memref_slice %arg4[%add3A_1852, %dma_wait3A_1856, %dma_wait3A_1857] : memref<16384x50x64xf32, #tpu.memory_space<hbm>> -> memref<1x50x64xf32, #tpu.memory_space<hbm>>
      %dma_wait3A_1859 = tpu.memref_squeeze %dma_wait3A_1858 : memref<1x50x64xf32, #tpu.memory_space<hbm>> -> memref<50x64xf32, #tpu.memory_space<hbm>>
      %dma_wait3A_1860 = arith.constant 0 : i32
      %dma_wait3A_1861 = arith.constant 0 : i32
      %dma_wait3A_1862 = tpu.memref_slice %arg4[%add3A_1852, %dma_wait3A_1860, %dma_wait3A_1861] : memref<16384x50x64xf32, #tpu.memory_space<hbm>> -> memref<1x50x64xf32, #tpu.memory_space<hbm>>
      %dma_wait3A_1863 = tpu.memref_squeeze %dma_wait3A_1862 : memref<1x50x64xf32, #tpu.memory_space<hbm>> -> memref<50x64xf32, #tpu.memory_space<hbm>>
      %dma_wait3A_1864 = arith.constant 150 : i32
      %dma_wait3A_1865 = arith.constant 0 : i32
      %dma_wait3A_1866 = tpu.memref_slice %arg7[%dma_wait3A_1864, %dma_wait3A_1865] : memref<400x64xf32, #tpu.memory_space<vmem>> -> memref<50x64xf32, #tpu.memory_space<vmem>>
      tpu.wait_dma2 semaphore(%arg15 : memref<!tpu.dma_semaphore, #tpu.memory_space<semaphore_mem>>) src(%dma_wait3A_1866 : memref<50x64xf32, #tpu.memory_space<vmem>>) dst(%dma_wait3A_1863 : memref<50x64xf32, #tpu.memory_space<hbm>>)
      %add3A_1867 = arith.constant 4 : i32
      %add3A_1868 = arith.addi %add3A_1802, %add3A_1867 : i32
      %dma_wait3A_1869 = arith.constant 200 : i32
      %dma_wait3A_1870 = arith.constant 0 : i32
      %dma_wait3A_1871 = tpu.memref_slice %arg7[%dma_wait3A_1869, %dma_wait3A_1870] : memref<400x64xf32, #tpu.memory_space<vmem>> -> memref<50x64xf32, #tpu.memory_space<vmem>>
      %dma_wait3A_1872 = arith.constant 0 : i32
      %dma_wait3A_1873 = arith.constant 0 : i32
      %dma_wait3A_1874 = tpu.memref_slice %arg4[%add3A_1868, %dma_wait3A_1872, %dma_wait3A_1873] : memref<16384x50x64xf32, #tpu.memory_space<hbm>> -> memref<1x50x64xf32, #tpu.memory_space<hbm>>
      %dma_wait3A_1875 = tpu.memref_squeeze %dma_wait3A_1874 : memref<1x50x64xf32, #tpu.memory_space<hbm>> -> memref<50x64xf32, #tpu.memory_space<hbm>>
      %dma_wait3A_1876 = arith.constant 0 : i32
      %dma_wait3A_1877 = arith.constant 0 : i32
      %dma_wait3A_1878 = tpu.memref_slice %arg4[%add3A_1868, %dma_wait3A_1876, %dma_wait3A_1877] : memref<16384x50x64xf32, #tpu.memory_space<hbm>> -> memref<1x50x64xf32, #tpu.memory_space<hbm>>
      %dma_wait3A_1879 = tpu.memref_squeeze %dma_wait3A_1878 : memref<1x50x64xf32, #tpu.memory_space<hbm>> -> memref<50x64xf32, #tpu.memory_space<hbm>>
      %dma_wait3A_1880 = arith.constant 200 : i32
      %dma_wait3A_1881 = arith.constant 0 : i32
      %dma_wait3A_1882 = tpu.memref_slice %arg7[%dma_wait3A_1880, %dma_wait3A_1881] : memref<400x64xf32, #tpu.memory_space<vmem>> -> memref<50x64xf32, #tpu.memory_space<vmem>>
      tpu.wait_dma2 semaphore(%arg15 : memref<!tpu.dma_semaphore, #tpu.memory_space<semaphore_mem>>) src(%dma_wait3A_1882 : memref<50x64xf32, #tpu.memory_space<vmem>>) dst(%dma_wait3A_1879 : memref<50x64xf32, #tpu.memory_space<hbm>>)
      %add3A_1883 = arith.constant 5 : i32
      %add3A_1884 = arith.addi %add3A_1802, %add3A_1883 : i32
      %dma_wait3A_1885 = arith.constant 250 : i32
      %dma_wait3A_1886 = arith.constant 0 : i32
      %dma_wait3A_1887 = tpu.memref_slice %arg7[%dma_wait3A_1885, %dma_wait3A_1886] : memref<400x64xf32, #tpu.memory_space<vmem>> -> memref<50x64xf32, #tpu.memory_space<vmem>>
      %dma_wait3A_1888 = arith.constant 0 : i32
      %dma_wait3A_1889 = arith.constant 0 : i32
      %dma_wait3A_1890 = tpu.memref_slice %arg4[%add3A_1884, %dma_wait3A_1888, %dma_wait3A_1889] : memref<16384x50x64xf32, #tpu.memory_space<hbm>> -> memref<1x50x64xf32, #tpu.memory_space<hbm>>
      %dma_wait3A_1891 = tpu.memref_squeeze %dma_wait3A_1890 : memref<1x50x64xf32, #tpu.memory_space<hbm>> -> memref<50x64xf32, #tpu.memory_space<hbm>>
      %dma_wait3A_1892 = arith.constant 0 : i32
      %dma_wait3A_1893 = arith.constant 0 : i32
      %dma_wait3A_1894 = tpu.memref_slice %arg4[%add3A_1884, %dma_wait3A_1892, %dma_wait3A_1893] : memref<16384x50x64xf32, #tpu.memory_space<hbm>> -> memref<1x50x64xf32, #tpu.memory_space<hbm>>
      %dma_wait3A_1895 = tpu.memref_squeeze %dma_wait3A_1894 : memref<1x50x64xf32, #tpu.memory_space<hbm>> -> memref<50x64xf32, #tpu.memory_space<hbm>>
      %dma_wait3A_1896 = arith.constant 250 : i32
      %dma_wait3A_1897 = arith.constant 0 : i32
      %dma_wait3A_1898 = tpu.memref_slice %arg7[%dma_wait3A_1896, %dma_wait3A_1897] : memref<400x64xf32, #tpu.memory_space<vmem>> -> memref<50x64xf32, #tpu.memory_space<vmem>>
      tpu.wait_dma2 semaphore(%arg15 : memref<!tpu.dma_semaphore, #tpu.memory_space<semaphore_mem>>) src(%dma_wait3A_1898 : memref<50x64xf32, #tpu.memory_space<vmem>>) dst(%dma_wait3A_1895 : memref<50x64xf32, #tpu.memory_space<hbm>>)
      %add3A_1899 = arith.constant 6 : i32
      %add3A_1900 = arith.addi %add3A_1802, %add3A_1899 : i32
      %dma_wait3A_1901 = arith.constant 300 : i32
      %dma_wait3A_1902 = arith.constant 0 : i32
      %dma_wait3A_1903 = tpu.memref_slice %arg7[%dma_wait3A_1901, %dma_wait3A_1902] : memref<400x64xf32, #tpu.memory_space<vmem>> -> memref<50x64xf32, #tpu.memory_space<vmem>>
      %dma_wait3A_1904 = arith.constant 0 : i32
      %dma_wait3A_1905 = arith.constant 0 : i32
      %dma_wait3A_1906 = tpu.memref_slice %arg4[%add3A_1900, %dma_wait3A_1904, %dma_wait3A_1905] : memref<16384x50x64xf32, #tpu.memory_space<hbm>> -> memref<1x50x64xf32, #tpu.memory_space<hbm>>
      %dma_wait3A_1907 = tpu.memref_squeeze %dma_wait3A_1906 : memref<1x50x64xf32, #tpu.memory_space<hbm>> -> memref<50x64xf32, #tpu.memory_space<hbm>>
      %dma_wait3A_1908 = arith.constant 0 : i32
      %dma_wait3A_1909 = arith.constant 0 : i32
      %dma_wait3A_1910 = tpu.memref_slice %arg4[%add3A_1900, %dma_wait3A_1908, %dma_wait3A_1909] : memref<16384x50x64xf32, #tpu.memory_space<hbm>> -> memref<1x50x64xf32, #tpu.memory_space<hbm>>
      %dma_wait3A_1911 = tpu.memref_squeeze %dma_wait3A_1910 : memref<1x50x64xf32, #tpu.memory_space<hbm>> -> memref<50x64xf32, #tpu.memory_space<hbm>>
      %dma_wait3A_1912 = arith.constant 300 : i32
      %dma_wait3A_1913 = arith.constant 0 : i32
      %dma_wait3A_1914 = tpu.memref_slice %arg7[%dma_wait3A_1912, %dma_wait3A_1913] : memref<400x64xf32, #tpu.memory_space<vmem>> -> memref<50x64xf32, #tpu.memory_space<vmem>>
      tpu.wait_dma2 semaphore(%arg15 : memref<!tpu.dma_semaphore, #tpu.memory_space<semaphore_mem>>) src(%dma_wait3A_1914 : memref<50x64xf32, #tpu.memory_space<vmem>>) dst(%dma_wait3A_1911 : memref<50x64xf32, #tpu.memory_space<hbm>>)
      %add3A_1915 = arith.constant 7 : i32
      %add3A_1916 = arith.addi %add3A_1802, %add3A_1915 : i32
      %dma_wait3A_1917 = arith.constant 350 : i32
      %dma_wait3A_1918 = arith.constant 0 : i32
      %dma_wait3A_1919 = tpu.memref_slice %arg7[%dma_wait3A_1917, %dma_wait3A_1918] : memref<400x64xf32, #tpu.memory_space<vmem>> -> memref<50x64xf32, #tpu.memory_space<vmem>>
      %dma_wait3A_1920 = arith.constant 0 : i32
      %dma_wait3A_1921 = arith.constant 0 : i32
      %dma_wait3A_1922 = tpu.memref_slice %arg4[%add3A_1916, %dma_wait3A_1920, %dma_wait3A_1921] : memref<16384x50x64xf32, #tpu.memory_space<hbm>> -> memref<1x50x64xf32, #tpu.memory_space<hbm>>
      %dma_wait3A_1923 = tpu.memref_squeeze %dma_wait3A_1922 : memref<1x50x64xf32, #tpu.memory_space<hbm>> -> memref<50x64xf32, #tpu.memory_space<hbm>>
      %dma_wait3A_1924 = arith.constant 0 : i32
      %dma_wait3A_1925 = arith.constant 0 : i32
      %dma_wait3A_1926 = tpu.memref_slice %arg4[%add3A_1916, %dma_wait3A_1924, %dma_wait3A_1925] : memref<16384x50x64xf32, #tpu.memory_space<hbm>> -> memref<1x50x64xf32, #tpu.memory_space<hbm>>
      %dma_wait3A_1927 = tpu.memref_squeeze %dma_wait3A_1926 : memref<1x50x64xf32, #tpu.memory_space<hbm>> -> memref<50x64xf32, #tpu.memory_space<hbm>>
      %dma_wait3A_1928 = arith.constant 350 : i32
      %dma_wait3A_1929 = arith.constant 0 : i32
      %dma_wait3A_1930 = tpu.memref_slice %arg7[%dma_wait3A_1928, %dma_wait3A_1929] : memref<400x64xf32, #tpu.memory_space<vmem>> -> memref<50x64xf32, #tpu.memory_space<vmem>>
      tpu.wait_dma2 semaphore(%arg15 : memref<!tpu.dma_semaphore, #tpu.memory_space<semaphore_mem>>) src(%dma_wait3A_1930 : memref<50x64xf32, #tpu.memory_space<vmem>>) dst(%dma_wait3A_1927 : memref<50x64xf32, #tpu.memory_space<hbm>>)
      %add3A_1931 = arith.constant 4 : i32
      %add3A_1932 = arith.addi %add3A_1799, %add3A_1931 : i32
      %mul3A_1933 = arith.constant 400 : i32
      %mul3A_1934 = arith.muli %add3A_1932, %mul3A_1933 : i32
      %dma_start3A_1935 = tpu.memref_slice %arg5[%mul3A_1934] : memref<25600xi32, #tpu.memory_space<vmem>> -> memref<400xi32, #tpu.memory_space<vmem>>
      %dma_start3A_1936 = arith.constant 0 : i32
      %dma_start3A_1937 = arith.constant 0 : i32
      %dma_start3A_1938 = tpu.memref_slice %arg3[%dma_start3A_1936, %dma_start3A_1937] : memref<1000000x64xf32, #tpu.memory_space<hbm>> -> memref<1000000x64xf32, #tpu.memory_space<hbm>>
      tpu.enqueue_indirect_dma source(%dma_start3A_1938 : memref<1000000x64xf32, #tpu.memory_space<hbm>>) target(%arg7 : memref<400x64xf32, #tpu.memory_space<vmem>>) offsets(%dma_start3A_1935 : memref<400xi32, #tpu.memory_space<vmem>>) semaphore(%arg11 : memref<!tpu.dma_semaphore, #tpu.memory_space<semaphore_mem>>)
      %mul3A_1939 = arith.constant 4 : i32
      %mul3A_1940 = arith.muli %scan3A_1088, %mul3A_1939 : i32
      %add3A_1941 = arith.constant 2 : i32
      %add3A_1942 = arith.addi %mul3A_1940, %add3A_1941 : i32
      %mul3A_1943 = arith.constant 8 : i32
      %mul3A_1944 = arith.muli %add3A_1942, %mul3A_1943 : i32
      %add3A_1945 = arith.addi %mul3A_2, %mul3A_1944 : i32
      %add3A_1946 = arith.constant 0 : i32
      %add3A_1947 = arith.addi %add3A_1945, %add3A_1946 : i32
      %dma_wait3A_1948 = arith.constant 0 : i32
      %dma_wait3A_1949 = arith.constant 0 : i32
      %dma_wait3A_1950 = tpu.memref_slice %arg8[%dma_wait3A_1948, %dma_wait3A_1949] : memref<400x64xf32, #tpu.memory_space<vmem>> -> memref<50x64xf32, #tpu.memory_space<vmem>>
      %dma_wait3A_1951 = arith.constant 0 : i32
      %dma_wait3A_1952 = arith.constant 0 : i32
      %dma_wait3A_1953 = tpu.memref_slice %arg4[%add3A_1947, %dma_wait3A_1951, %dma_wait3A_1952] : memref<16384x50x64xf32, #tpu.memory_space<hbm>> -> memref<1x50x64xf32, #tpu.memory_space<hbm>>
      %dma_wait3A_1954 = tpu.memref_squeeze %dma_wait3A_1953 : memref<1x50x64xf32, #tpu.memory_space<hbm>> -> memref<50x64xf32, #tpu.memory_space<hbm>>
      %dma_wait3A_1955 = arith.constant 0 : i32
      %dma_wait3A_1956 = arith.constant 0 : i32
      %dma_wait3A_1957 = tpu.memref_slice %arg4[%add3A_1947, %dma_wait3A_1955, %dma_wait3A_1956] : memref<16384x50x64xf32, #tpu.memory_space<hbm>> -> memref<1x50x64xf32, #tpu.memory_space<hbm>>
      %dma_wait3A_1958 = tpu.memref_squeeze %dma_wait3A_1957 : memref<1x50x64xf32, #tpu.memory_space<hbm>> -> memref<50x64xf32, #tpu.memory_space<hbm>>
      %dma_wait3A_1959 = arith.constant 0 : i32
      %dma_wait3A_1960 = arith.constant 0 : i32
      %dma_wait3A_1961 = tpu.memref_slice %arg8[%dma_wait3A_1959, %dma_wait3A_1960] : memref<400x64xf32, #tpu.memory_space<vmem>> -> memref<50x64xf32, #tpu.memory_space<vmem>>
      tpu.wait_dma2 semaphore(%arg16 : memref<!tpu.dma_semaphore, #tpu.memory_space<semaphore_mem>>) src(%dma_wait3A_1961 : memref<50x64xf32, #tpu.memory_space<vmem>>) dst(%dma_wait3A_1958 : memref<50x64xf32, #tpu.memory_space<hbm>>)
      %add3A_1962 = arith.constant 1 : i32
      %add3A_1963 = arith.addi %add3A_1945, %add3A_1962 : i32
      %dma_wait3A_1964 = arith.constant 50 : i32
      %dma_wait3A_1965 = arith.constant 0 : i32
      %dma_wait3A_1966 = tpu.memref_slice %arg8[%dma_wait3A_1964, %dma_wait3A_1965] : memref<400x64xf32, #tpu.memory_space<vmem>> -> memref<50x64xf32, #tpu.memory_space<vmem>>
      %dma_wait3A_1967 = arith.constant 0 : i32
      %dma_wait3A_1968 = arith.constant 0 : i32
      %dma_wait3A_1969 = tpu.memref_slice %arg4[%add3A_1963, %dma_wait3A_1967, %dma_wait3A_1968] : memref<16384x50x64xf32, #tpu.memory_space<hbm>> -> memref<1x50x64xf32, #tpu.memory_space<hbm>>
      %dma_wait3A_1970 = tpu.memref_squeeze %dma_wait3A_1969 : memref<1x50x64xf32, #tpu.memory_space<hbm>> -> memref<50x64xf32, #tpu.memory_space<hbm>>
      %dma_wait3A_1971 = arith.constant 0 : i32
      %dma_wait3A_1972 = arith.constant 0 : i32
      %dma_wait3A_1973 = tpu.memref_slice %arg4[%add3A_1963, %dma_wait3A_1971, %dma_wait3A_1972] : memref<16384x50x64xf32, #tpu.memory_space<hbm>> -> memref<1x50x64xf32, #tpu.memory_space<hbm>>
      %dma_wait3A_1974 = tpu.memref_squeeze %dma_wait3A_1973 : memref<1x50x64xf32, #tpu.memory_space<hbm>> -> memref<50x64xf32, #tpu.memory_space<hbm>>
      %dma_wait3A_1975 = arith.constant 50 : i32
      %dma_wait3A_1976 = arith.constant 0 : i32
      %dma_wait3A_1977 = tpu.memref_slice %arg8[%dma_wait3A_1975, %dma_wait3A_1976] : memref<400x64xf32, #tpu.memory_space<vmem>> -> memref<50x64xf32, #tpu.memory_space<vmem>>
      tpu.wait_dma2 semaphore(%arg16 : memref<!tpu.dma_semaphore, #tpu.memory_space<semaphore_mem>>) src(%dma_wait3A_1977 : memref<50x64xf32, #tpu.memory_space<vmem>>) dst(%dma_wait3A_1974 : memref<50x64xf32, #tpu.memory_space<hbm>>)
      %add3A_1978 = arith.constant 2 : i32
      %add3A_1979 = arith.addi %add3A_1945, %add3A_1978 : i32
      %dma_wait3A_1980 = arith.constant 100 : i32
      %dma_wait3A_1981 = arith.constant 0 : i32
      %dma_wait3A_1982 = tpu.memref_slice %arg8[%dma_wait3A_1980, %dma_wait3A_1981] : memref<400x64xf32, #tpu.memory_space<vmem>> -> memref<50x64xf32, #tpu.memory_space<vmem>>
      %dma_wait3A_1983 = arith.constant 0 : i32
      %dma_wait3A_1984 = arith.constant 0 : i32
      %dma_wait3A_1985 = tpu.memref_slice %arg4[%add3A_1979, %dma_wait3A_1983, %dma_wait3A_1984] : memref<16384x50x64xf32, #tpu.memory_space<hbm>> -> memref<1x50x64xf32, #tpu.memory_space<hbm>>
      %dma_wait3A_1986 = tpu.memref_squeeze %dma_wait3A_1985 : memref<1x50x64xf32, #tpu.memory_space<hbm>> -> memref<50x64xf32, #tpu.memory_space<hbm>>
      %dma_wait3A_1987 = arith.constant 0 : i32
      %dma_wait3A_1988 = arith.constant 0 : i32
      %dma_wait3A_1989 = tpu.memref_slice %arg4[%add3A_1979, %dma_wait3A_1987, %dma_wait3A_1988] : memref<16384x50x64xf32, #tpu.memory_space<hbm>> -> memref<1x50x64xf32, #tpu.memory_space<hbm>>
      %dma_wait3A_1990 = tpu.memref_squeeze %dma_wait3A_1989 : memref<1x50x64xf32, #tpu.memory_space<hbm>> -> memref<50x64xf32, #tpu.memory_space<hbm>>
      %dma_wait3A_1991 = arith.constant 100 : i32
      %dma_wait3A_1992 = arith.constant 0 : i32
      %dma_wait3A_1993 = tpu.memref_slice %arg8[%dma_wait3A_1991, %dma_wait3A_1992] : memref<400x64xf32, #tpu.memory_space<vmem>> -> memref<50x64xf32, #tpu.memory_space<vmem>>
      tpu.wait_dma2 semaphore(%arg16 : memref<!tpu.dma_semaphore, #tpu.memory_space<semaphore_mem>>) src(%dma_wait3A_1993 : memref<50x64xf32, #tpu.memory_space<vmem>>) dst(%dma_wait3A_1990 : memref<50x64xf32, #tpu.memory_space<hbm>>)
      %add3A_1994 = arith.constant 3 : i32
      %add3A_1995 = arith.addi %add3A_1945, %add3A_1994 : i32
      %dma_wait3A_1996 = arith.constant 150 : i32
      %dma_wait3A_1997 = arith.constant 0 : i32
      %dma_wait3A_1998 = tpu.memref_slice %arg8[%dma_wait3A_1996, %dma_wait3A_1997] : memref<400x64xf32, #tpu.memory_space<vmem>> -> memref<50x64xf32, #tpu.memory_space<vmem>>
      %dma_wait3A_1999 = arith.constant 0 : i32
      %dma_wait3A_2000 = arith.constant 0 : i32
      %dma_wait3A_2001 = tpu.memref_slice %arg4[%add3A_1995, %dma_wait3A_1999, %dma_wait3A_2000] : memref<16384x50x64xf32, #tpu.memory_space<hbm>> -> memref<1x50x64xf32, #tpu.memory_space<hbm>>
      %dma_wait3A_2002 = tpu.memref_squeeze %dma_wait3A_2001 : memref<1x50x64xf32, #tpu.memory_space<hbm>> -> memref<50x64xf32, #tpu.memory_space<hbm>>
      %dma_wait3A_2003 = arith.constant 0 : i32
      %dma_wait3A_2004 = arith.constant 0 : i32
      %dma_wait3A_2005 = tpu.memref_slice %arg4[%add3A_1995, %dma_wait3A_2003, %dma_wait3A_2004] : memref<16384x50x64xf32, #tpu.memory_space<hbm>> -> memref<1x50x64xf32, #tpu.memory_space<hbm>>
      %dma_wait3A_2006 = tpu.memref_squeeze %dma_wait3A_2005 : memref<1x50x64xf32, #tpu.memory_space<hbm>> -> memref<50x64xf32, #tpu.memory_space<hbm>>
      %dma_wait3A_2007 = arith.constant 150 : i32
      %dma_wait3A_2008 = arith.constant 0 : i32
      %dma_wait3A_2009 = tpu.memref_slice %arg8[%dma_wait3A_2007, %dma_wait3A_2008] : memref<400x64xf32, #tpu.memory_space<vmem>> -> memref<50x64xf32, #tpu.memory_space<vmem>>
      tpu.wait_dma2 semaphore(%arg16 : memref<!tpu.dma_semaphore, #tpu.memory_space<semaphore_mem>>) src(%dma_wait3A_2009 : memref<50x64xf32, #tpu.memory_space<vmem>>) dst(%dma_wait3A_2006 : memref<50x64xf32, #tpu.memory_space<hbm>>)
      %add3A_2010 = arith.constant 4 : i32
      %add3A_2011 = arith.addi %add3A_1945, %add3A_2010 : i32
      %dma_wait3A_2012 = arith.constant 200 : i32
      %dma_wait3A_2013 = arith.constant 0 : i32
      %dma_wait3A_2014 = tpu.memref_slice %arg8[%dma_wait3A_2012, %dma_wait3A_2013] : memref<400x64xf32, #tpu.memory_space<vmem>> -> memref<50x64xf32, #tpu.memory_space<vmem>>
      %dma_wait3A_2015 = arith.constant 0 : i32
      %dma_wait3A_2016 = arith.constant 0 : i32
      %dma_wait3A_2017 = tpu.memref_slice %arg4[%add3A_2011, %dma_wait3A_2015, %dma_wait3A_2016] : memref<16384x50x64xf32, #tpu.memory_space<hbm>> -> memref<1x50x64xf32, #tpu.memory_space<hbm>>
      %dma_wait3A_2018 = tpu.memref_squeeze %dma_wait3A_2017 : memref<1x50x64xf32, #tpu.memory_space<hbm>> -> memref<50x64xf32, #tpu.memory_space<hbm>>
      %dma_wait3A_2019 = arith.constant 0 : i32
      %dma_wait3A_2020 = arith.constant 0 : i32
      %dma_wait3A_2021 = tpu.memref_slice %arg4[%add3A_2011, %dma_wait3A_2019, %dma_wait3A_2020] : memref<16384x50x64xf32, #tpu.memory_space<hbm>> -> memref<1x50x64xf32, #tpu.memory_space<hbm>>
      %dma_wait3A_2022 = tpu.memref_squeeze %dma_wait3A_2021 : memref<1x50x64xf32, #tpu.memory_space<hbm>> -> memref<50x64xf32, #tpu.memory_space<hbm>>
      %dma_wait3A_2023 = arith.constant 200 : i32
      %dma_wait3A_2024 = arith.constant 0 : i32
      %dma_wait3A_2025 = tpu.memref_slice %arg8[%dma_wait3A_2023, %dma_wait3A_2024] : memref<400x64xf32, #tpu.memory_space<vmem>> -> memref<50x64xf32, #tpu.memory_space<vmem>>
      tpu.wait_dma2 semaphore(%arg16 : memref<!tpu.dma_semaphore, #tpu.memory_space<semaphore_mem>>) src(%dma_wait3A_2025 : memref<50x64xf32, #tpu.memory_space<vmem>>) dst(%dma_wait3A_2022 : memref<50x64xf32, #tpu.memory_space<hbm>>)
      %add3A_2026 = arith.constant 5 : i32
      %add3A_2027 = arith.addi %add3A_1945, %add3A_2026 : i32
      %dma_wait3A_2028 = arith.constant 250 : i32
      %dma_wait3A_2029 = arith.constant 0 : i32
      %dma_wait3A_2030 = tpu.memref_slice %arg8[%dma_wait3A_2028, %dma_wait3A_2029] : memref<400x64xf32, #tpu.memory_space<vmem>> -> memref<50x64xf32, #tpu.memory_space<vmem>>
      %dma_wait3A_2031 = arith.constant 0 : i32
      %dma_wait3A_2032 = arith.constant 0 : i32
      %dma_wait3A_2033 = tpu.memref_slice %arg4[%add3A_2027, %dma_wait3A_2031, %dma_wait3A_2032] : memref<16384x50x64xf32, #tpu.memory_space<hbm>> -> memref<1x50x64xf32, #tpu.memory_space<hbm>>
      %dma_wait3A_2034 = tpu.memref_squeeze %dma_wait3A_2033 : memref<1x50x64xf32, #tpu.memory_space<hbm>> -> memref<50x64xf32, #tpu.memory_space<hbm>>
      %dma_wait3A_2035 = arith.constant 0 : i32
      %dma_wait3A_2036 = arith.constant 0 : i32
      %dma_wait3A_2037 = tpu.memref_slice %arg4[%add3A_2027, %dma_wait3A_2035, %dma_wait3A_2036] : memref<16384x50x64xf32, #tpu.memory_space<hbm>> -> memref<1x50x64xf32, #tpu.memory_space<hbm>>
      %dma_wait3A_2038 = tpu.memref_squeeze %dma_wait3A_2037 : memref<1x50x64xf32, #tpu.memory_space<hbm>> -> memref<50x64xf32, #tpu.memory_space<hbm>>
      %dma_wait3A_2039 = arith.constant 250 : i32
      %dma_wait3A_2040 = arith.constant 0 : i32
      %dma_wait3A_2041 = tpu.memref_slice %arg8[%dma_wait3A_2039, %dma_wait3A_2040] : memref<400x64xf32, #tpu.memory_space<vmem>> -> memref<50x64xf32, #tpu.memory_space<vmem>>
      tpu.wait_dma2 semaphore(%arg16 : memref<!tpu.dma_semaphore, #tpu.memory_space<semaphore_mem>>) src(%dma_wait3A_2041 : memref<50x64xf32, #tpu.memory_space<vmem>>) dst(%dma_wait3A_2038 : memref<50x64xf32, #tpu.memory_space<hbm>>)
      %add3A_2042 = arith.constant 6 : i32
      %add3A_2043 = arith.addi %add3A_1945, %add3A_2042 : i32
      %dma_wait3A_2044 = arith.constant 300 : i32
      %dma_wait3A_2045 = arith.constant 0 : i32
      %dma_wait3A_2046 = tpu.memref_slice %arg8[%dma_wait3A_2044, %dma_wait3A_2045] : memref<400x64xf32, #tpu.memory_space<vmem>> -> memref<50x64xf32, #tpu.memory_space<vmem>>
      %dma_wait3A_2047 = arith.constant 0 : i32
      %dma_wait3A_2048 = arith.constant 0 : i32
      %dma_wait3A_2049 = tpu.memref_slice %arg4[%add3A_2043, %dma_wait3A_2047, %dma_wait3A_2048] : memref<16384x50x64xf32, #tpu.memory_space<hbm>> -> memref<1x50x64xf32, #tpu.memory_space<hbm>>
      %dma_wait3A_2050 = tpu.memref_squeeze %dma_wait3A_2049 : memref<1x50x64xf32, #tpu.memory_space<hbm>> -> memref<50x64xf32, #tpu.memory_space<hbm>>
      %dma_wait3A_2051 = arith.constant 0 : i32
      %dma_wait3A_2052 = arith.constant 0 : i32
      %dma_wait3A_2053 = tpu.memref_slice %arg4[%add3A_2043, %dma_wait3A_2051, %dma_wait3A_2052] : memref<16384x50x64xf32, #tpu.memory_space<hbm>> -> memref<1x50x64xf32, #tpu.memory_space<hbm>>
      %dma_wait3A_2054 = tpu.memref_squeeze %dma_wait3A_2053 : memref<1x50x64xf32, #tpu.memory_space<hbm>> -> memref<50x64xf32, #tpu.memory_space<hbm>>
      %dma_wait3A_2055 = arith.constant 300 : i32
      %dma_wait3A_2056 = arith.constant 0 : i32
      %dma_wait3A_2057 = tpu.memref_slice %arg8[%dma_wait3A_2055, %dma_wait3A_2056] : memref<400x64xf32, #tpu.memory_space<vmem>> -> memref<50x64xf32, #tpu.memory_space<vmem>>
      tpu.wait_dma2 semaphore(%arg16 : memref<!tpu.dma_semaphore, #tpu.memory_space<semaphore_mem>>) src(%dma_wait3A_2057 : memref<50x64xf32, #tpu.memory_space<vmem>>) dst(%dma_wait3A_2054 : memref<50x64xf32, #tpu.memory_space<hbm>>)
      %add3A_2058 = arith.constant 7 : i32
      %add3A_2059 = arith.addi %add3A_1945, %add3A_2058 : i32
      %dma_wait3A_2060 = arith.constant 350 : i32
      %dma_wait3A_2061 = arith.constant 0 : i32
      %dma_wait3A_2062 = tpu.memref_slice %arg8[%dma_wait3A_2060, %dma_wait3A_2061] : memref<400x64xf32, #tpu.memory_space<vmem>> -> memref<50x64xf32, #tpu.memory_space<vmem>>
      %dma_wait3A_2063 = arith.constant 0 : i32
      %dma_wait3A_2064 = arith.constant 0 : i32
      %dma_wait3A_2065 = tpu.memref_slice %arg4[%add3A_2059, %dma_wait3A_2063, %dma_wait3A_2064] : memref<16384x50x64xf32, #tpu.memory_space<hbm>> -> memref<1x50x64xf32, #tpu.memory_space<hbm>>
      %dma_wait3A_2066 = tpu.memref_squeeze %dma_wait3A_2065 : memref<1x50x64xf32, #tpu.memory_space<hbm>> -> memref<50x64xf32, #tpu.memory_space<hbm>>
      %dma_wait3A_2067 = arith.constant 0 : i32
      %dma_wait3A_2068 = arith.constant 0 : i32
      %dma_wait3A_2069 = tpu.memref_slice %arg4[%add3A_2059, %dma_wait3A_2067, %dma_wait3A_2068] : memref<16384x50x64xf32, #tpu.memory_space<hbm>> -> memref<1x50x64xf32, #tpu.memory_space<hbm>>
      %dma_wait3A_2070 = tpu.memref_squeeze %dma_wait3A_2069 : memref<1x50x64xf32, #tpu.memory_space<hbm>> -> memref<50x64xf32, #tpu.memory_space<hbm>>
      %dma_wait3A_2071 = arith.constant 350 : i32
      %dma_wait3A_2072 = arith.constant 0 : i32
      %dma_wait3A_2073 = tpu.memref_slice %arg8[%dma_wait3A_2071, %dma_wait3A_2072] : memref<400x64xf32, #tpu.memory_space<vmem>> -> memref<50x64xf32, #tpu.memory_space<vmem>>
      tpu.wait_dma2 semaphore(%arg16 : memref<!tpu.dma_semaphore, #tpu.memory_space<semaphore_mem>>) src(%dma_wait3A_2073 : memref<50x64xf32, #tpu.memory_space<vmem>>) dst(%dma_wait3A_2070 : memref<50x64xf32, #tpu.memory_space<hbm>>)
      %add3A_2074 = arith.constant 4 : i32
      %add3A_2075 = arith.addi %add3A_1942, %add3A_2074 : i32
      %mul3A_2076 = arith.constant 400 : i32
      %mul3A_2077 = arith.muli %add3A_2075, %mul3A_2076 : i32
      %dma_start3A_2078 = tpu.memref_slice %arg5[%mul3A_2077] : memref<25600xi32, #tpu.memory_space<vmem>> -> memref<400xi32, #tpu.memory_space<vmem>>
      %dma_start3A_2079 = arith.constant 0 : i32
      %dma_start3A_2080 = arith.constant 0 : i32
      %dma_start3A_2081 = tpu.memref_slice %arg3[%dma_start3A_2079, %dma_start3A_2080] : memref<1000000x64xf32, #tpu.memory_space<hbm>> -> memref<1000000x64xf32, #tpu.memory_space<hbm>>
      tpu.enqueue_indirect_dma source(%dma_start3A_2081 : memref<1000000x64xf32, #tpu.memory_space<hbm>>) target(%arg8 : memref<400x64xf32, #tpu.memory_space<vmem>>) offsets(%dma_start3A_2078 : memref<400xi32, #tpu.memory_space<vmem>>) semaphore(%arg12 : memref<!tpu.dma_semaphore, #tpu.memory_space<semaphore_mem>>)
      %mul3A_2082 = arith.constant 4 : i32
      %mul3A_2083 = arith.muli %scan3A_1088, %mul3A_2082 : i32
      %add3A_2084 = arith.constant 3 : i32
      %add3A_2085 = arith.addi %mul3A_2083, %add3A_2084 : i32
      %mul3A_2086 = arith.constant 8 : i32
      %mul3A_2087 = arith.muli %add3A_2085, %mul3A_2086 : i32
      %add3A_2088 = arith.addi %mul3A_2, %mul3A_2087 : i32
      %add3A_2089 = arith.constant 0 : i32
      %add3A_2090 = arith.addi %add3A_2088, %add3A_2089 : i32
      %dma_wait3A_2091 = arith.constant 0 : i32
      %dma_wait3A_2092 = arith.constant 0 : i32
      %dma_wait3A_2093 = tpu.memref_slice %arg9[%dma_wait3A_2091, %dma_wait3A_2092] : memref<400x64xf32, #tpu.memory_space<vmem>> -> memref<50x64xf32, #tpu.memory_space<vmem>>
      %dma_wait3A_2094 = arith.constant 0 : i32
      %dma_wait3A_2095 = arith.constant 0 : i32
      %dma_wait3A_2096 = tpu.memref_slice %arg4[%add3A_2090, %dma_wait3A_2094, %dma_wait3A_2095] : memref<16384x50x64xf32, #tpu.memory_space<hbm>> -> memref<1x50x64xf32, #tpu.memory_space<hbm>>
      %dma_wait3A_2097 = tpu.memref_squeeze %dma_wait3A_2096 : memref<1x50x64xf32, #tpu.memory_space<hbm>> -> memref<50x64xf32, #tpu.memory_space<hbm>>
      %dma_wait3A_2098 = arith.constant 0 : i32
      %dma_wait3A_2099 = arith.constant 0 : i32
      %dma_wait3A_2100 = tpu.memref_slice %arg4[%add3A_2090, %dma_wait3A_2098, %dma_wait3A_2099] : memref<16384x50x64xf32, #tpu.memory_space<hbm>> -> memref<1x50x64xf32, #tpu.memory_space<hbm>>
      %dma_wait3A_2101 = tpu.memref_squeeze %dma_wait3A_2100 : memref<1x50x64xf32, #tpu.memory_space<hbm>> -> memref<50x64xf32, #tpu.memory_space<hbm>>
      %dma_wait3A_2102 = arith.constant 0 : i32
      %dma_wait3A_2103 = arith.constant 0 : i32
      %dma_wait3A_2104 = tpu.memref_slice %arg9[%dma_wait3A_2102, %dma_wait3A_2103] : memref<400x64xf32, #tpu.memory_space<vmem>> -> memref<50x64xf32, #tpu.memory_space<vmem>>
      tpu.wait_dma2 semaphore(%arg17 : memref<!tpu.dma_semaphore, #tpu.memory_space<semaphore_mem>>) src(%dma_wait3A_2104 : memref<50x64xf32, #tpu.memory_space<vmem>>) dst(%dma_wait3A_2101 : memref<50x64xf32, #tpu.memory_space<hbm>>)
      %add3A_2105 = arith.constant 1 : i32
      %add3A_2106 = arith.addi %add3A_2088, %add3A_2105 : i32
      %dma_wait3A_2107 = arith.constant 50 : i32
      %dma_wait3A_2108 = arith.constant 0 : i32
      %dma_wait3A_2109 = tpu.memref_slice %arg9[%dma_wait3A_2107, %dma_wait3A_2108] : memref<400x64xf32, #tpu.memory_space<vmem>> -> memref<50x64xf32, #tpu.memory_space<vmem>>
      %dma_wait3A_2110 = arith.constant 0 : i32
      %dma_wait3A_2111 = arith.constant 0 : i32
      %dma_wait3A_2112 = tpu.memref_slice %arg4[%add3A_2106, %dma_wait3A_2110, %dma_wait3A_2111] : memref<16384x50x64xf32, #tpu.memory_space<hbm>> -> memref<1x50x64xf32, #tpu.memory_space<hbm>>
      %dma_wait3A_2113 = tpu.memref_squeeze %dma_wait3A_2112 : memref<1x50x64xf32, #tpu.memory_space<hbm>> -> memref<50x64xf32, #tpu.memory_space<hbm>>
      %dma_wait3A_2114 = arith.constant 0 : i32
      %dma_wait3A_2115 = arith.constant 0 : i32
      %dma_wait3A_2116 = tpu.memref_slice %arg4[%add3A_2106, %dma_wait3A_2114, %dma_wait3A_2115] : memref<16384x50x64xf32, #tpu.memory_space<hbm>> -> memref<1x50x64xf32, #tpu.memory_space<hbm>>
      %dma_wait3A_2117 = tpu.memref_squeeze %dma_wait3A_2116 : memref<1x50x64xf32, #tpu.memory_space<hbm>> -> memref<50x64xf32, #tpu.memory_space<hbm>>
      %dma_wait3A_2118 = arith.constant 50 : i32
      %dma_wait3A_2119 = arith.constant 0 : i32
      %dma_wait3A_2120 = tpu.memref_slice %arg9[%dma_wait3A_2118, %dma_wait3A_2119] : memref<400x64xf32, #tpu.memory_space<vmem>> -> memref<50x64xf32, #tpu.memory_space<vmem>>
      tpu.wait_dma2 semaphore(%arg17 : memref<!tpu.dma_semaphore, #tpu.memory_space<semaphore_mem>>) src(%dma_wait3A_2120 : memref<50x64xf32, #tpu.memory_space<vmem>>) dst(%dma_wait3A_2117 : memref<50x64xf32, #tpu.memory_space<hbm>>)
      %add3A_2121 = arith.constant 2 : i32
      %add3A_2122 = arith.addi %add3A_2088, %add3A_2121 : i32
      %dma_wait3A_2123 = arith.constant 100 : i32
      %dma_wait3A_2124 = arith.constant 0 : i32
      %dma_wait3A_2125 = tpu.memref_slice %arg9[%dma_wait3A_2123, %dma_wait3A_2124] : memref<400x64xf32, #tpu.memory_space<vmem>> -> memref<50x64xf32, #tpu.memory_space<vmem>>
      %dma_wait3A_2126 = arith.constant 0 : i32
      %dma_wait3A_2127 = arith.constant 0 : i32
      %dma_wait3A_2128 = tpu.memref_slice %arg4[%add3A_2122, %dma_wait3A_2126, %dma_wait3A_2127] : memref<16384x50x64xf32, #tpu.memory_space<hbm>> -> memref<1x50x64xf32, #tpu.memory_space<hbm>>
      %dma_wait3A_2129 = tpu.memref_squeeze %dma_wait3A_2128 : memref<1x50x64xf32, #tpu.memory_space<hbm>> -> memref<50x64xf32, #tpu.memory_space<hbm>>
      %dma_wait3A_2130 = arith.constant 0 : i32
      %dma_wait3A_2131 = arith.constant 0 : i32
      %dma_wait3A_2132 = tpu.memref_slice %arg4[%add3A_2122, %dma_wait3A_2130, %dma_wait3A_2131] : memref<16384x50x64xf32, #tpu.memory_space<hbm>> -> memref<1x50x64xf32, #tpu.memory_space<hbm>>
      %dma_wait3A_2133 = tpu.memref_squeeze %dma_wait3A_2132 : memref<1x50x64xf32, #tpu.memory_space<hbm>> -> memref<50x64xf32, #tpu.memory_space<hbm>>
      %dma_wait3A_2134 = arith.constant 100 : i32
      %dma_wait3A_2135 = arith.constant 0 : i32
      %dma_wait3A_2136 = tpu.memref_slice %arg9[%dma_wait3A_2134, %dma_wait3A_2135] : memref<400x64xf32, #tpu.memory_space<vmem>> -> memref<50x64xf32, #tpu.memory_space<vmem>>
      tpu.wait_dma2 semaphore(%arg17 : memref<!tpu.dma_semaphore, #tpu.memory_space<semaphore_mem>>) src(%dma_wait3A_2136 : memref<50x64xf32, #tpu.memory_space<vmem>>) dst(%dma_wait3A_2133 : memref<50x64xf32, #tpu.memory_space<hbm>>)
      %add3A_2137 = arith.constant 3 : i32
      %add3A_2138 = arith.addi %add3A_2088, %add3A_2137 : i32
      %dma_wait3A_2139 = arith.constant 150 : i32
      %dma_wait3A_2140 = arith.constant 0 : i32
      %dma_wait3A_2141 = tpu.memref_slice %arg9[%dma_wait3A_2139, %dma_wait3A_2140] : memref<400x64xf32, #tpu.memory_space<vmem>> -> memref<50x64xf32, #tpu.memory_space<vmem>>
      %dma_wait3A_2142 = arith.constant 0 : i32
      %dma_wait3A_2143 = arith.constant 0 : i32
      %dma_wait3A_2144 = tpu.memref_slice %arg4[%add3A_2138, %dma_wait3A_2142, %dma_wait3A_2143] : memref<16384x50x64xf32, #tpu.memory_space<hbm>> -> memref<1x50x64xf32, #tpu.memory_space<hbm>>
      %dma_wait3A_2145 = tpu.memref_squeeze %dma_wait3A_2144 : memref<1x50x64xf32, #tpu.memory_space<hbm>> -> memref<50x64xf32, #tpu.memory_space<hbm>>
      %dma_wait3A_2146 = arith.constant 0 : i32
      %dma_wait3A_2147 = arith.constant 0 : i32
      %dma_wait3A_2148 = tpu.memref_slice %arg4[%add3A_2138, %dma_wait3A_2146, %dma_wait3A_2147] : memref<16384x50x64xf32, #tpu.memory_space<hbm>> -> memref<1x50x64xf32, #tpu.memory_space<hbm>>
      %dma_wait3A_2149 = tpu.memref_squeeze %dma_wait3A_2148 : memref<1x50x64xf32, #tpu.memory_space<hbm>> -> memref<50x64xf32, #tpu.memory_space<hbm>>
      %dma_wait3A_2150 = arith.constant 150 : i32
      %dma_wait3A_2151 = arith.constant 0 : i32
      %dma_wait3A_2152 = tpu.memref_slice %arg9[%dma_wait3A_2150, %dma_wait3A_2151] : memref<400x64xf32, #tpu.memory_space<vmem>> -> memref<50x64xf32, #tpu.memory_space<vmem>>
      tpu.wait_dma2 semaphore(%arg17 : memref<!tpu.dma_semaphore, #tpu.memory_space<semaphore_mem>>) src(%dma_wait3A_2152 : memref<50x64xf32, #tpu.memory_space<vmem>>) dst(%dma_wait3A_2149 : memref<50x64xf32, #tpu.memory_space<hbm>>)
      %add3A_2153 = arith.constant 4 : i32
      %add3A_2154 = arith.addi %add3A_2088, %add3A_2153 : i32
      %dma_wait3A_2155 = arith.constant 200 : i32
      %dma_wait3A_2156 = arith.constant 0 : i32
      %dma_wait3A_2157 = tpu.memref_slice %arg9[%dma_wait3A_2155, %dma_wait3A_2156] : memref<400x64xf32, #tpu.memory_space<vmem>> -> memref<50x64xf32, #tpu.memory_space<vmem>>
      %dma_wait3A_2158 = arith.constant 0 : i32
      %dma_wait3A_2159 = arith.constant 0 : i32
      %dma_wait3A_2160 = tpu.memref_slice %arg4[%add3A_2154, %dma_wait3A_2158, %dma_wait3A_2159] : memref<16384x50x64xf32, #tpu.memory_space<hbm>> -> memref<1x50x64xf32, #tpu.memory_space<hbm>>
      %dma_wait3A_2161 = tpu.memref_squeeze %dma_wait3A_2160 : memref<1x50x64xf32, #tpu.memory_space<hbm>> -> memref<50x64xf32, #tpu.memory_space<hbm>>
      %dma_wait3A_2162 = arith.constant 0 : i32
      %dma_wait3A_2163 = arith.constant 0 : i32
      %dma_wait3A_2164 = tpu.memref_slice %arg4[%add3A_2154, %dma_wait3A_2162, %dma_wait3A_2163] : memref<16384x50x64xf32, #tpu.memory_space<hbm>> -> memref<1x50x64xf32, #tpu.memory_space<hbm>>
      %dma_wait3A_2165 = tpu.memref_squeeze %dma_wait3A_2164 : memref<1x50x64xf32, #tpu.memory_space<hbm>> -> memref<50x64xf32, #tpu.memory_space<hbm>>
      %dma_wait3A_2166 = arith.constant 200 : i32
      %dma_wait3A_2167 = arith.constant 0 : i32
      %dma_wait3A_2168 = tpu.memref_slice %arg9[%dma_wait3A_2166, %dma_wait3A_2167] : memref<400x64xf32, #tpu.memory_space<vmem>> -> memref<50x64xf32, #tpu.memory_space<vmem>>
      tpu.wait_dma2 semaphore(%arg17 : memref<!tpu.dma_semaphore, #tpu.memory_space<semaphore_mem>>) src(%dma_wait3A_2168 : memref<50x64xf32, #tpu.memory_space<vmem>>) dst(%dma_wait3A_2165 : memref<50x64xf32, #tpu.memory_space<hbm>>)
      %add3A_2169 = arith.constant 5 : i32
      %add3A_2170 = arith.addi %add3A_2088, %add3A_2169 : i32
      %dma_wait3A_2171 = arith.constant 250 : i32
      %dma_wait3A_2172 = arith.constant 0 : i32
      %dma_wait3A_2173 = tpu.memref_slice %arg9[%dma_wait3A_2171, %dma_wait3A_2172] : memref<400x64xf32, #tpu.memory_space<vmem>> -> memref<50x64xf32, #tpu.memory_space<vmem>>
      %dma_wait3A_2174 = arith.constant 0 : i32
      %dma_wait3A_2175 = arith.constant 0 : i32
      %dma_wait3A_2176 = tpu.memref_slice %arg4[%add3A_2170, %dma_wait3A_2174, %dma_wait3A_2175] : memref<16384x50x64xf32, #tpu.memory_space<hbm>> -> memref<1x50x64xf32, #tpu.memory_space<hbm>>
      %dma_wait3A_2177 = tpu.memref_squeeze %dma_wait3A_2176 : memref<1x50x64xf32, #tpu.memory_space<hbm>> -> memref<50x64xf32, #tpu.memory_space<hbm>>
      %dma_wait3A_2178 = arith.constant 0 : i32
      %dma_wait3A_2179 = arith.constant 0 : i32
      %dma_wait3A_2180 = tpu.memref_slice %arg4[%add3A_2170, %dma_wait3A_2178, %dma_wait3A_2179] : memref<16384x50x64xf32, #tpu.memory_space<hbm>> -> memref<1x50x64xf32, #tpu.memory_space<hbm>>
      %dma_wait3A_2181 = tpu.memref_squeeze %dma_wait3A_2180 : memref<1x50x64xf32, #tpu.memory_space<hbm>> -> memref<50x64xf32, #tpu.memory_space<hbm>>
      %dma_wait3A_2182 = arith.constant 250 : i32
      %dma_wait3A_2183 = arith.constant 0 : i32
      %dma_wait3A_2184 = tpu.memref_slice %arg9[%dma_wait3A_2182, %dma_wait3A_2183] : memref<400x64xf32, #tpu.memory_space<vmem>> -> memref<50x64xf32, #tpu.memory_space<vmem>>
      tpu.wait_dma2 semaphore(%arg17 : memref<!tpu.dma_semaphore, #tpu.memory_space<semaphore_mem>>) src(%dma_wait3A_2184 : memref<50x64xf32, #tpu.memory_space<vmem>>) dst(%dma_wait3A_2181 : memref<50x64xf32, #tpu.memory_space<hbm>>)
      %add3A_2185 = arith.constant 6 : i32
      %add3A_2186 = arith.addi %add3A_2088, %add3A_2185 : i32
      %dma_wait3A_2187 = arith.constant 300 : i32
      %dma_wait3A_2188 = arith.constant 0 : i32
      %dma_wait3A_2189 = tpu.memref_slice %arg9[%dma_wait3A_2187, %dma_wait3A_2188] : memref<400x64xf32, #tpu.memory_space<vmem>> -> memref<50x64xf32, #tpu.memory_space<vmem>>
      %dma_wait3A_2190 = arith.constant 0 : i32
      %dma_wait3A_2191 = arith.constant 0 : i32
      %dma_wait3A_2192 = tpu.memref_slice %arg4[%add3A_2186, %dma_wait3A_2190, %dma_wait3A_2191] : memref<16384x50x64xf32, #tpu.memory_space<hbm>> -> memref<1x50x64xf32, #tpu.memory_space<hbm>>
      %dma_wait3A_2193 = tpu.memref_squeeze %dma_wait3A_2192 : memref<1x50x64xf32, #tpu.memory_space<hbm>> -> memref<50x64xf32, #tpu.memory_space<hbm>>
      %dma_wait3A_2194 = arith.constant 0 : i32
      %dma_wait3A_2195 = arith.constant 0 : i32
      %dma_wait3A_2196 = tpu.memref_slice %arg4[%add3A_2186, %dma_wait3A_2194, %dma_wait3A_2195] : memref<16384x50x64xf32, #tpu.memory_space<hbm>> -> memref<1x50x64xf32, #tpu.memory_space<hbm>>
      %dma_wait3A_2197 = tpu.memref_squeeze %dma_wait3A_2196 : memref<1x50x64xf32, #tpu.memory_space<hbm>> -> memref<50x64xf32, #tpu.memory_space<hbm>>
      %dma_wait3A_2198 = arith.constant 300 : i32
      %dma_wait3A_2199 = arith.constant 0 : i32
      %dma_wait3A_2200 = tpu.memref_slice %arg9[%dma_wait3A_2198, %dma_wait3A_2199] : memref<400x64xf32, #tpu.memory_space<vmem>> -> memref<50x64xf32, #tpu.memory_space<vmem>>
      tpu.wait_dma2 semaphore(%arg17 : memref<!tpu.dma_semaphore, #tpu.memory_space<semaphore_mem>>) src(%dma_wait3A_2200 : memref<50x64xf32, #tpu.memory_space<vmem>>) dst(%dma_wait3A_2197 : memref<50x64xf32, #tpu.memory_space<hbm>>)
      %add3A_2201 = arith.constant 7 : i32
      %add3A_2202 = arith.addi %add3A_2088, %add3A_2201 : i32
      %dma_wait3A_2203 = arith.constant 350 : i32
      %dma_wait3A_2204 = arith.constant 0 : i32
      %dma_wait3A_2205 = tpu.memref_slice %arg9[%dma_wait3A_2203, %dma_wait3A_2204] : memref<400x64xf32, #tpu.memory_space<vmem>> -> memref<50x64xf32, #tpu.memory_space<vmem>>
      %dma_wait3A_2206 = arith.constant 0 : i32
      %dma_wait3A_2207 = arith.constant 0 : i32
      %dma_wait3A_2208 = tpu.memref_slice %arg4[%add3A_2202, %dma_wait3A_2206, %dma_wait3A_2207] : memref<16384x50x64xf32, #tpu.memory_space<hbm>> -> memref<1x50x64xf32, #tpu.memory_space<hbm>>
      %dma_wait3A_2209 = tpu.memref_squeeze %dma_wait3A_2208 : memref<1x50x64xf32, #tpu.memory_space<hbm>> -> memref<50x64xf32, #tpu.memory_space<hbm>>
      %dma_wait3A_2210 = arith.constant 0 : i32
      %dma_wait3A_2211 = arith.constant 0 : i32
      %dma_wait3A_2212 = tpu.memref_slice %arg4[%add3A_2202, %dma_wait3A_2210, %dma_wait3A_2211] : memref<16384x50x64xf32, #tpu.memory_space<hbm>> -> memref<1x50x64xf32, #tpu.memory_space<hbm>>
      %dma_wait3A_2213 = tpu.memref_squeeze %dma_wait3A_2212 : memref<1x50x64xf32, #tpu.memory_space<hbm>> -> memref<50x64xf32, #tpu.memory_space<hbm>>
      %dma_wait3A_2214 = arith.constant 350 : i32
      %dma_wait3A_2215 = arith.constant 0 : i32
      %dma_wait3A_2216 = tpu.memref_slice %arg9[%dma_wait3A_2214, %dma_wait3A_2215] : memref<400x64xf32, #tpu.memory_space<vmem>> -> memref<50x64xf32, #tpu.memory_space<vmem>>
      tpu.wait_dma2 semaphore(%arg17 : memref<!tpu.dma_semaphore, #tpu.memory_space<semaphore_mem>>) src(%dma_wait3A_2216 : memref<50x64xf32, #tpu.memory_space<vmem>>) dst(%dma_wait3A_2213 : memref<50x64xf32, #tpu.memory_space<hbm>>)
      %add3A_2217 = arith.constant 4 : i32
      %add3A_2218 = arith.addi %add3A_2085, %add3A_2217 : i32
      %mul3A_2219 = arith.constant 400 : i32
      %mul3A_2220 = arith.muli %add3A_2218, %mul3A_2219 : i32
      %dma_start3A_2221 = tpu.memref_slice %arg5[%mul3A_2220] : memref<25600xi32, #tpu.memory_space<vmem>> -> memref<400xi32, #tpu.memory_space<vmem>>
      %dma_start3A_2222 = arith.constant 0 : i32
      %dma_start3A_2223 = arith.constant 0 : i32
      %dma_start3A_2224 = tpu.memref_slice %arg3[%dma_start3A_2222, %dma_start3A_2223] : memref<1000000x64xf32, #tpu.memory_space<hbm>> -> memref<1000000x64xf32, #tpu.memory_space<hbm>>
      tpu.enqueue_indirect_dma source(%dma_start3A_2224 : memref<1000000x64xf32, #tpu.memory_space<hbm>>) target(%arg9 : memref<400x64xf32, #tpu.memory_space<vmem>>) offsets(%dma_start3A_2221 : memref<400xi32, #tpu.memory_space<vmem>>) semaphore(%arg13 : memref<!tpu.dma_semaphore, #tpu.memory_space<semaphore_mem>>)
    }
    %scan3A_28 = arith.constant 15 : i32
    %dma_wait3A = arith.constant 24000 : i32
    %dma_wait3A_29 = tpu.memref_slice %arg5[%dma_wait3A] : memref<25600xi32, #tpu.memory_space<vmem>> -> memref<400xi32, #tpu.memory_space<vmem>>
    %dma_wait3A_30 = arith.constant 0 : i32
    %dma_wait3A_31 = arith.constant 0 : i32
    %dma_wait3A_32 = tpu.memref_slice %arg3[%dma_wait3A_30, %dma_wait3A_31] : memref<1000000x64xf32, #tpu.memory_space<hbm>> -> memref<1000000x64xf32, #tpu.memory_space<hbm>>
    tpu.wait_indirect_dma semaphore(%arg10 : memref<!tpu.dma_semaphore, #tpu.memory_space<semaphore_mem>>) src(%dma_wait3A_32 : memref<1000000x64xf32, #tpu.memory_space<hbm>>) dst(%arg6 : memref<400x64xf32, #tpu.memory_space<vmem>>)
    %add3A_33 = arith.constant 480 : i32
    %add3A_34 = arith.addi %mul3A_2, %add3A_33 : i32
    %add3A_35 = arith.constant 0 : i32
    %add3A_36 = arith.addi %add3A_34, %add3A_35 : i32
    %dma_start3A_37 = arith.constant 0 : i32
    %dma_start3A_38 = arith.constant 0 : i32
    %dma_start3A_39 = tpu.memref_slice %arg6[%dma_start3A_37, %dma_start3A_38] : memref<400x64xf32, #tpu.memory_space<vmem>> -> memref<50x64xf32, #tpu.memory_space<vmem>>
    %dma_start3A_40 = arith.constant 0 : i32
    %dma_start3A_41 = arith.constant 0 : i32
    %dma_start3A_42 = tpu.memref_slice %arg4[%add3A_36, %dma_start3A_40, %dma_start3A_41] : memref<16384x50x64xf32, #tpu.memory_space<hbm>> -> memref<1x50x64xf32, #tpu.memory_space<hbm>>
    %dma_start3A_43 = tpu.memref_squeeze %dma_start3A_42 : memref<1x50x64xf32, #tpu.memory_space<hbm>> -> memref<50x64xf32, #tpu.memory_space<hbm>>
    %dma_start3A_44 = arith.constant 0 : i32
    %dma_start3A_45 = arith.constant 0 : i32
    %dma_start3A_46 = tpu.memref_slice %arg4[%add3A_36, %dma_start3A_44, %dma_start3A_45] : memref<16384x50x64xf32, #tpu.memory_space<hbm>> -> memref<1x50x64xf32, #tpu.memory_space<hbm>>
    %dma_start3A_47 = tpu.memref_squeeze %dma_start3A_46 : memref<1x50x64xf32, #tpu.memory_space<hbm>> -> memref<50x64xf32, #tpu.memory_space<hbm>>
    %dma_start3A_48 = arith.constant 0 : i32
    %dma_start3A_49 = arith.constant 0 : i32
    %dma_start3A_50 = tpu.memref_slice %arg6[%dma_start3A_48, %dma_start3A_49] : memref<400x64xf32, #tpu.memory_space<vmem>> -> memref<50x64xf32, #tpu.memory_space<vmem>>
    tpu.enqueue_dma source(%dma_start3A_50 : memref<50x64xf32, #tpu.memory_space<vmem>>) target(%dma_start3A_47 : memref<50x64xf32, #tpu.memory_space<hbm>>) target_semaphore(%arg14 : memref<!tpu.dma_semaphore, #tpu.memory_space<semaphore_mem>>)
    %add3A_51 = arith.constant 1 : i32
    %add3A_52 = arith.addi %add3A_34, %add3A_51 : i32
    %dma_start3A_53 = arith.constant 50 : i32
    %dma_start3A_54 = arith.constant 0 : i32
    %dma_start3A_55 = tpu.memref_slice %arg6[%dma_start3A_53, %dma_start3A_54] : memref<400x64xf32, #tpu.memory_space<vmem>> -> memref<50x64xf32, #tpu.memory_space<vmem>>
    %dma_start3A_56 = arith.constant 0 : i32
    %dma_start3A_57 = arith.constant 0 : i32
    %dma_start3A_58 = tpu.memref_slice %arg4[%add3A_52, %dma_start3A_56, %dma_start3A_57] : memref<16384x50x64xf32, #tpu.memory_space<hbm>> -> memref<1x50x64xf32, #tpu.memory_space<hbm>>
    %dma_start3A_59 = tpu.memref_squeeze %dma_start3A_58 : memref<1x50x64xf32, #tpu.memory_space<hbm>> -> memref<50x64xf32, #tpu.memory_space<hbm>>
    %dma_start3A_60 = arith.constant 0 : i32
    %dma_start3A_61 = arith.constant 0 : i32
    %dma_start3A_62 = tpu.memref_slice %arg4[%add3A_52, %dma_start3A_60, %dma_start3A_61] : memref<16384x50x64xf32, #tpu.memory_space<hbm>> -> memref<1x50x64xf32, #tpu.memory_space<hbm>>
    %dma_start3A_63 = tpu.memref_squeeze %dma_start3A_62 : memref<1x50x64xf32, #tpu.memory_space<hbm>> -> memref<50x64xf32, #tpu.memory_space<hbm>>
    %dma_start3A_64 = arith.constant 50 : i32
    %dma_start3A_65 = arith.constant 0 : i32
    %dma_start3A_66 = tpu.memref_slice %arg6[%dma_start3A_64, %dma_start3A_65] : memref<400x64xf32, #tpu.memory_space<vmem>> -> memref<50x64xf32, #tpu.memory_space<vmem>>
    tpu.enqueue_dma source(%dma_start3A_66 : memref<50x64xf32, #tpu.memory_space<vmem>>) target(%dma_start3A_63 : memref<50x64xf32, #tpu.memory_space<hbm>>) target_semaphore(%arg14 : memref<!tpu.dma_semaphore, #tpu.memory_space<semaphore_mem>>)
    %add3A_67 = arith.constant 2 : i32
    %add3A_68 = arith.addi %add3A_34, %add3A_67 : i32
    %dma_start3A_69 = arith.constant 100 : i32
    %dma_start3A_70 = arith.constant 0 : i32
    %dma_start3A_71 = tpu.memref_slice %arg6[%dma_start3A_69, %dma_start3A_70] : memref<400x64xf32, #tpu.memory_space<vmem>> -> memref<50x64xf32, #tpu.memory_space<vmem>>
    %dma_start3A_72 = arith.constant 0 : i32
    %dma_start3A_73 = arith.constant 0 : i32
    %dma_start3A_74 = tpu.memref_slice %arg4[%add3A_68, %dma_start3A_72, %dma_start3A_73] : memref<16384x50x64xf32, #tpu.memory_space<hbm>> -> memref<1x50x64xf32, #tpu.memory_space<hbm>>
    %dma_start3A_75 = tpu.memref_squeeze %dma_start3A_74 : memref<1x50x64xf32, #tpu.memory_space<hbm>> -> memref<50x64xf32, #tpu.memory_space<hbm>>
    %dma_start3A_76 = arith.constant 0 : i32
    %dma_start3A_77 = arith.constant 0 : i32
    %dma_start3A_78 = tpu.memref_slice %arg4[%add3A_68, %dma_start3A_76, %dma_start3A_77] : memref<16384x50x64xf32, #tpu.memory_space<hbm>> -> memref<1x50x64xf32, #tpu.memory_space<hbm>>
    %dma_start3A_79 = tpu.memref_squeeze %dma_start3A_78 : memref<1x50x64xf32, #tpu.memory_space<hbm>> -> memref<50x64xf32, #tpu.memory_space<hbm>>
    %dma_start3A_80 = arith.constant 100 : i32
    %dma_start3A_81 = arith.constant 0 : i32
    %dma_start3A_82 = tpu.memref_slice %arg6[%dma_start3A_80, %dma_start3A_81] : memref<400x64xf32, #tpu.memory_space<vmem>> -> memref<50x64xf32, #tpu.memory_space<vmem>>
    tpu.enqueue_dma source(%dma_start3A_82 : memref<50x64xf32, #tpu.memory_space<vmem>>) target(%dma_start3A_79 : memref<50x64xf32, #tpu.memory_space<hbm>>) target_semaphore(%arg14 : memref<!tpu.dma_semaphore, #tpu.memory_space<semaphore_mem>>)
    %add3A_83 = arith.constant 3 : i32
    %add3A_84 = arith.addi %add3A_34, %add3A_83 : i32
    %dma_start3A_85 = arith.constant 150 : i32
    %dma_start3A_86 = arith.constant 0 : i32
    %dma_start3A_87 = tpu.memref_slice %arg6[%dma_start3A_85, %dma_start3A_86] : memref<400x64xf32, #tpu.memory_space<vmem>> -> memref<50x64xf32, #tpu.memory_space<vmem>>
    %dma_start3A_88 = arith.constant 0 : i32
    %dma_start3A_89 = arith.constant 0 : i32
    %dma_start3A_90 = tpu.memref_slice %arg4[%add3A_84, %dma_start3A_88, %dma_start3A_89] : memref<16384x50x64xf32, #tpu.memory_space<hbm>> -> memref<1x50x64xf32, #tpu.memory_space<hbm>>
    %dma_start3A_91 = tpu.memref_squeeze %dma_start3A_90 : memref<1x50x64xf32, #tpu.memory_space<hbm>> -> memref<50x64xf32, #tpu.memory_space<hbm>>
    %dma_start3A_92 = arith.constant 0 : i32
    %dma_start3A_93 = arith.constant 0 : i32
    %dma_start3A_94 = tpu.memref_slice %arg4[%add3A_84, %dma_start3A_92, %dma_start3A_93] : memref<16384x50x64xf32, #tpu.memory_space<hbm>> -> memref<1x50x64xf32, #tpu.memory_space<hbm>>
    %dma_start3A_95 = tpu.memref_squeeze %dma_start3A_94 : memref<1x50x64xf32, #tpu.memory_space<hbm>> -> memref<50x64xf32, #tpu.memory_space<hbm>>
    %dma_start3A_96 = arith.constant 150 : i32
    %dma_start3A_97 = arith.constant 0 : i32
    %dma_start3A_98 = tpu.memref_slice %arg6[%dma_start3A_96, %dma_start3A_97] : memref<400x64xf32, #tpu.memory_space<vmem>> -> memref<50x64xf32, #tpu.memory_space<vmem>>
    tpu.enqueue_dma source(%dma_start3A_98 : memref<50x64xf32, #tpu.memory_space<vmem>>) target(%dma_start3A_95 : memref<50x64xf32, #tpu.memory_space<hbm>>) target_semaphore(%arg14 : memref<!tpu.dma_semaphore, #tpu.memory_space<semaphore_mem>>)
    %add3A_99 = arith.constant 4 : i32
    %add3A_100 = arith.addi %add3A_34, %add3A_99 : i32
    %dma_start3A_101 = arith.constant 200 : i32
    %dma_start3A_102 = arith.constant 0 : i32
    %dma_start3A_103 = tpu.memref_slice %arg6[%dma_start3A_101, %dma_start3A_102] : memref<400x64xf32, #tpu.memory_space<vmem>> -> memref<50x64xf32, #tpu.memory_space<vmem>>
    %dma_start3A_104 = arith.constant 0 : i32
    %dma_start3A_105 = arith.constant 0 : i32
    %dma_start3A_106 = tpu.memref_slice %arg4[%add3A_100, %dma_start3A_104, %dma_start3A_105] : memref<16384x50x64xf32, #tpu.memory_space<hbm>> -> memref<1x50x64xf32, #tpu.memory_space<hbm>>
    %dma_start3A_107 = tpu.memref_squeeze %dma_start3A_106 : memref<1x50x64xf32, #tpu.memory_space<hbm>> -> memref<50x64xf32, #tpu.memory_space<hbm>>
    %dma_start3A_108 = arith.constant 0 : i32
    %dma_start3A_109 = arith.constant 0 : i32
    %dma_start3A_110 = tpu.memref_slice %arg4[%add3A_100, %dma_start3A_108, %dma_start3A_109] : memref<16384x50x64xf32, #tpu.memory_space<hbm>> -> memref<1x50x64xf32, #tpu.memory_space<hbm>>
    %dma_start3A_111 = tpu.memref_squeeze %dma_start3A_110 : memref<1x50x64xf32, #tpu.memory_space<hbm>> -> memref<50x64xf32, #tpu.memory_space<hbm>>
    %dma_start3A_112 = arith.constant 200 : i32
    %dma_start3A_113 = arith.constant 0 : i32
    %dma_start3A_114 = tpu.memref_slice %arg6[%dma_start3A_112, %dma_start3A_113] : memref<400x64xf32, #tpu.memory_space<vmem>> -> memref<50x64xf32, #tpu.memory_space<vmem>>
    tpu.enqueue_dma source(%dma_start3A_114 : memref<50x64xf32, #tpu.memory_space<vmem>>) target(%dma_start3A_111 : memref<50x64xf32, #tpu.memory_space<hbm>>) target_semaphore(%arg14 : memref<!tpu.dma_semaphore, #tpu.memory_space<semaphore_mem>>)
    %add3A_115 = arith.constant 5 : i32
    %add3A_116 = arith.addi %add3A_34, %add3A_115 : i32
    %dma_start3A_117 = arith.constant 250 : i32
    %dma_start3A_118 = arith.constant 0 : i32
    %dma_start3A_119 = tpu.memref_slice %arg6[%dma_start3A_117, %dma_start3A_118] : memref<400x64xf32, #tpu.memory_space<vmem>> -> memref<50x64xf32, #tpu.memory_space<vmem>>
    %dma_start3A_120 = arith.constant 0 : i32
    %dma_start3A_121 = arith.constant 0 : i32
    %dma_start3A_122 = tpu.memref_slice %arg4[%add3A_116, %dma_start3A_120, %dma_start3A_121] : memref<16384x50x64xf32, #tpu.memory_space<hbm>> -> memref<1x50x64xf32, #tpu.memory_space<hbm>>
    %dma_start3A_123 = tpu.memref_squeeze %dma_start3A_122 : memref<1x50x64xf32, #tpu.memory_space<hbm>> -> memref<50x64xf32, #tpu.memory_space<hbm>>
    %dma_start3A_124 = arith.constant 0 : i32
    %dma_start3A_125 = arith.constant 0 : i32
    %dma_start3A_126 = tpu.memref_slice %arg4[%add3A_116, %dma_start3A_124, %dma_start3A_125] : memref<16384x50x64xf32, #tpu.memory_space<hbm>> -> memref<1x50x64xf32, #tpu.memory_space<hbm>>
    %dma_start3A_127 = tpu.memref_squeeze %dma_start3A_126 : memref<1x50x64xf32, #tpu.memory_space<hbm>> -> memref<50x64xf32, #tpu.memory_space<hbm>>
    %dma_start3A_128 = arith.constant 250 : i32
    %dma_start3A_129 = arith.constant 0 : i32
    %dma_start3A_130 = tpu.memref_slice %arg6[%dma_start3A_128, %dma_start3A_129] : memref<400x64xf32, #tpu.memory_space<vmem>> -> memref<50x64xf32, #tpu.memory_space<vmem>>
    tpu.enqueue_dma source(%dma_start3A_130 : memref<50x64xf32, #tpu.memory_space<vmem>>) target(%dma_start3A_127 : memref<50x64xf32, #tpu.memory_space<hbm>>) target_semaphore(%arg14 : memref<!tpu.dma_semaphore, #tpu.memory_space<semaphore_mem>>)
    %add3A_131 = arith.constant 6 : i32
    %add3A_132 = arith.addi %add3A_34, %add3A_131 : i32
    %dma_start3A_133 = arith.constant 300 : i32
    %dma_start3A_134 = arith.constant 0 : i32
    %dma_start3A_135 = tpu.memref_slice %arg6[%dma_start3A_133, %dma_start3A_134] : memref<400x64xf32, #tpu.memory_space<vmem>> -> memref<50x64xf32, #tpu.memory_space<vmem>>
    %dma_start3A_136 = arith.constant 0 : i32
    %dma_start3A_137 = arith.constant 0 : i32
    %dma_start3A_138 = tpu.memref_slice %arg4[%add3A_132, %dma_start3A_136, %dma_start3A_137] : memref<16384x50x64xf32, #tpu.memory_space<hbm>> -> memref<1x50x64xf32, #tpu.memory_space<hbm>>
    %dma_start3A_139 = tpu.memref_squeeze %dma_start3A_138 : memref<1x50x64xf32, #tpu.memory_space<hbm>> -> memref<50x64xf32, #tpu.memory_space<hbm>>
    %dma_start3A_140 = arith.constant 0 : i32
    %dma_start3A_141 = arith.constant 0 : i32
    %dma_start3A_142 = tpu.memref_slice %arg4[%add3A_132, %dma_start3A_140, %dma_start3A_141] : memref<16384x50x64xf32, #tpu.memory_space<hbm>> -> memref<1x50x64xf32, #tpu.memory_space<hbm>>
    %dma_start3A_143 = tpu.memref_squeeze %dma_start3A_142 : memref<1x50x64xf32, #tpu.memory_space<hbm>> -> memref<50x64xf32, #tpu.memory_space<hbm>>
    %dma_start3A_144 = arith.constant 300 : i32
    %dma_start3A_145 = arith.constant 0 : i32
    %dma_start3A_146 = tpu.memref_slice %arg6[%dma_start3A_144, %dma_start3A_145] : memref<400x64xf32, #tpu.memory_space<vmem>> -> memref<50x64xf32, #tpu.memory_space<vmem>>
    tpu.enqueue_dma source(%dma_start3A_146 : memref<50x64xf32, #tpu.memory_space<vmem>>) target(%dma_start3A_143 : memref<50x64xf32, #tpu.memory_space<hbm>>) target_semaphore(%arg14 : memref<!tpu.dma_semaphore, #tpu.memory_space<semaphore_mem>>)
    %add3A_147 = arith.constant 7 : i32
    %add3A_148 = arith.addi %add3A_34, %add3A_147 : i32
    %dma_start3A_149 = arith.constant 350 : i32
    %dma_start3A_150 = arith.constant 0 : i32
    %dma_start3A_151 = tpu.memref_slice %arg6[%dma_start3A_149, %dma_start3A_150] : memref<400x64xf32, #tpu.memory_space<vmem>> -> memref<50x64xf32, #tpu.memory_space<vmem>>
    %dma_start3A_152 = arith.constant 0 : i32
    %dma_start3A_153 = arith.constant 0 : i32
    %dma_start3A_154 = tpu.memref_slice %arg4[%add3A_148, %dma_start3A_152, %dma_start3A_153] : memref<16384x50x64xf32, #tpu.memory_space<hbm>> -> memref<1x50x64xf32, #tpu.memory_space<hbm>>
    %dma_start3A_155 = tpu.memref_squeeze %dma_start3A_154 : memref<1x50x64xf32, #tpu.memory_space<hbm>> -> memref<50x64xf32, #tpu.memory_space<hbm>>
    %dma_start3A_156 = arith.constant 0 : i32
    %dma_start3A_157 = arith.constant 0 : i32
    %dma_start3A_158 = tpu.memref_slice %arg4[%add3A_148, %dma_start3A_156, %dma_start3A_157] : memref<16384x50x64xf32, #tpu.memory_space<hbm>> -> memref<1x50x64xf32, #tpu.memory_space<hbm>>
    %dma_start3A_159 = tpu.memref_squeeze %dma_start3A_158 : memref<1x50x64xf32, #tpu.memory_space<hbm>> -> memref<50x64xf32, #tpu.memory_space<hbm>>
    %dma_start3A_160 = arith.constant 350 : i32
    %dma_start3A_161 = arith.constant 0 : i32
    %dma_start3A_162 = tpu.memref_slice %arg6[%dma_start3A_160, %dma_start3A_161] : memref<400x64xf32, #tpu.memory_space<vmem>> -> memref<50x64xf32, #tpu.memory_space<vmem>>
    tpu.enqueue_dma source(%dma_start3A_162 : memref<50x64xf32, #tpu.memory_space<vmem>>) target(%dma_start3A_159 : memref<50x64xf32, #tpu.memory_space<hbm>>) target_semaphore(%arg14 : memref<!tpu.dma_semaphore, #tpu.memory_space<semaphore_mem>>)
    %dma_wait3A_163 = arith.constant 24400 : i32
    %dma_wait3A_164 = tpu.memref_slice %arg5[%dma_wait3A_163] : memref<25600xi32, #tpu.memory_space<vmem>> -> memref<400xi32, #tpu.memory_space<vmem>>
    %dma_wait3A_165 = arith.constant 0 : i32
    %dma_wait3A_166 = arith.constant 0 : i32
    %dma_wait3A_167 = tpu.memref_slice %arg3[%dma_wait3A_165, %dma_wait3A_166] : memref<1000000x64xf32, #tpu.memory_space<hbm>> -> memref<1000000x64xf32, #tpu.memory_space<hbm>>
    tpu.wait_indirect_dma semaphore(%arg11 : memref<!tpu.dma_semaphore, #tpu.memory_space<semaphore_mem>>) src(%dma_wait3A_167 : memref<1000000x64xf32, #tpu.memory_space<hbm>>) dst(%arg7 : memref<400x64xf32, #tpu.memory_space<vmem>>)
    %add3A_168 = arith.constant 488 : i32
    %add3A_169 = arith.addi %mul3A_2, %add3A_168 : i32
    %add3A_170 = arith.constant 0 : i32
    %add3A_171 = arith.addi %add3A_169, %add3A_170 : i32
    %dma_start3A_172 = arith.constant 0 : i32
    %dma_start3A_173 = arith.constant 0 : i32
    %dma_start3A_174 = tpu.memref_slice %arg7[%dma_start3A_172, %dma_start3A_173] : memref<400x64xf32, #tpu.memory_space<vmem>> -> memref<50x64xf32, #tpu.memory_space<vmem>>
    %dma_start3A_175 = arith.constant 0 : i32
    %dma_start3A_176 = arith.constant 0 : i32
    %dma_start3A_177 = tpu.memref_slice %arg4[%add3A_171, %dma_start3A_175, %dma_start3A_176] : memref<16384x50x64xf32, #tpu.memory_space<hbm>> -> memref<1x50x64xf32, #tpu.memory_space<hbm>>
    %dma_start3A_178 = tpu.memref_squeeze %dma_start3A_177 : memref<1x50x64xf32, #tpu.memory_space<hbm>> -> memref<50x64xf32, #tpu.memory_space<hbm>>
    %dma_start3A_179 = arith.constant 0 : i32
    %dma_start3A_180 = arith.constant 0 : i32
    %dma_start3A_181 = tpu.memref_slice %arg4[%add3A_171, %dma_start3A_179, %dma_start3A_180] : memref<16384x50x64xf32, #tpu.memory_space<hbm>> -> memref<1x50x64xf32, #tpu.memory_space<hbm>>
    %dma_start3A_182 = tpu.memref_squeeze %dma_start3A_181 : memref<1x50x64xf32, #tpu.memory_space<hbm>> -> memref<50x64xf32, #tpu.memory_space<hbm>>
    %dma_start3A_183 = arith.constant 0 : i32
    %dma_start3A_184 = arith.constant 0 : i32
    %dma_start3A_185 = tpu.memref_slice %arg7[%dma_start3A_183, %dma_start3A_184] : memref<400x64xf32, #tpu.memory_space<vmem>> -> memref<50x64xf32, #tpu.memory_space<vmem>>
    tpu.enqueue_dma source(%dma_start3A_185 : memref<50x64xf32, #tpu.memory_space<vmem>>) target(%dma_start3A_182 : memref<50x64xf32, #tpu.memory_space<hbm>>) target_semaphore(%arg15 : memref<!tpu.dma_semaphore, #tpu.memory_space<semaphore_mem>>)
    %add3A_186 = arith.constant 1 : i32
    %add3A_187 = arith.addi %add3A_169, %add3A_186 : i32
    %dma_start3A_188 = arith.constant 50 : i32
    %dma_start3A_189 = arith.constant 0 : i32
    %dma_start3A_190 = tpu.memref_slice %arg7[%dma_start3A_188, %dma_start3A_189] : memref<400x64xf32, #tpu.memory_space<vmem>> -> memref<50x64xf32, #tpu.memory_space<vmem>>
    %dma_start3A_191 = arith.constant 0 : i32
    %dma_start3A_192 = arith.constant 0 : i32
    %dma_start3A_193 = tpu.memref_slice %arg4[%add3A_187, %dma_start3A_191, %dma_start3A_192] : memref<16384x50x64xf32, #tpu.memory_space<hbm>> -> memref<1x50x64xf32, #tpu.memory_space<hbm>>
    %dma_start3A_194 = tpu.memref_squeeze %dma_start3A_193 : memref<1x50x64xf32, #tpu.memory_space<hbm>> -> memref<50x64xf32, #tpu.memory_space<hbm>>
    %dma_start3A_195 = arith.constant 0 : i32
    %dma_start3A_196 = arith.constant 0 : i32
    %dma_start3A_197 = tpu.memref_slice %arg4[%add3A_187, %dma_start3A_195, %dma_start3A_196] : memref<16384x50x64xf32, #tpu.memory_space<hbm>> -> memref<1x50x64xf32, #tpu.memory_space<hbm>>
    %dma_start3A_198 = tpu.memref_squeeze %dma_start3A_197 : memref<1x50x64xf32, #tpu.memory_space<hbm>> -> memref<50x64xf32, #tpu.memory_space<hbm>>
    %dma_start3A_199 = arith.constant 50 : i32
    %dma_start3A_200 = arith.constant 0 : i32
    %dma_start3A_201 = tpu.memref_slice %arg7[%dma_start3A_199, %dma_start3A_200] : memref<400x64xf32, #tpu.memory_space<vmem>> -> memref<50x64xf32, #tpu.memory_space<vmem>>
    tpu.enqueue_dma source(%dma_start3A_201 : memref<50x64xf32, #tpu.memory_space<vmem>>) target(%dma_start3A_198 : memref<50x64xf32, #tpu.memory_space<hbm>>) target_semaphore(%arg15 : memref<!tpu.dma_semaphore, #tpu.memory_space<semaphore_mem>>)
    %add3A_202 = arith.constant 2 : i32
    %add3A_203 = arith.addi %add3A_169, %add3A_202 : i32
    %dma_start3A_204 = arith.constant 100 : i32
    %dma_start3A_205 = arith.constant 0 : i32
    %dma_start3A_206 = tpu.memref_slice %arg7[%dma_start3A_204, %dma_start3A_205] : memref<400x64xf32, #tpu.memory_space<vmem>> -> memref<50x64xf32, #tpu.memory_space<vmem>>
    %dma_start3A_207 = arith.constant 0 : i32
    %dma_start3A_208 = arith.constant 0 : i32
    %dma_start3A_209 = tpu.memref_slice %arg4[%add3A_203, %dma_start3A_207, %dma_start3A_208] : memref<16384x50x64xf32, #tpu.memory_space<hbm>> -> memref<1x50x64xf32, #tpu.memory_space<hbm>>
    %dma_start3A_210 = tpu.memref_squeeze %dma_start3A_209 : memref<1x50x64xf32, #tpu.memory_space<hbm>> -> memref<50x64xf32, #tpu.memory_space<hbm>>
    %dma_start3A_211 = arith.constant 0 : i32
    %dma_start3A_212 = arith.constant 0 : i32
    %dma_start3A_213 = tpu.memref_slice %arg4[%add3A_203, %dma_start3A_211, %dma_start3A_212] : memref<16384x50x64xf32, #tpu.memory_space<hbm>> -> memref<1x50x64xf32, #tpu.memory_space<hbm>>
    %dma_start3A_214 = tpu.memref_squeeze %dma_start3A_213 : memref<1x50x64xf32, #tpu.memory_space<hbm>> -> memref<50x64xf32, #tpu.memory_space<hbm>>
    %dma_start3A_215 = arith.constant 100 : i32
    %dma_start3A_216 = arith.constant 0 : i32
    %dma_start3A_217 = tpu.memref_slice %arg7[%dma_start3A_215, %dma_start3A_216] : memref<400x64xf32, #tpu.memory_space<vmem>> -> memref<50x64xf32, #tpu.memory_space<vmem>>
    tpu.enqueue_dma source(%dma_start3A_217 : memref<50x64xf32, #tpu.memory_space<vmem>>) target(%dma_start3A_214 : memref<50x64xf32, #tpu.memory_space<hbm>>) target_semaphore(%arg15 : memref<!tpu.dma_semaphore, #tpu.memory_space<semaphore_mem>>)
    %add3A_218 = arith.constant 3 : i32
    %add3A_219 = arith.addi %add3A_169, %add3A_218 : i32
    %dma_start3A_220 = arith.constant 150 : i32
    %dma_start3A_221 = arith.constant 0 : i32
    %dma_start3A_222 = tpu.memref_slice %arg7[%dma_start3A_220, %dma_start3A_221] : memref<400x64xf32, #tpu.memory_space<vmem>> -> memref<50x64xf32, #tpu.memory_space<vmem>>
    %dma_start3A_223 = arith.constant 0 : i32
    %dma_start3A_224 = arith.constant 0 : i32
    %dma_start3A_225 = tpu.memref_slice %arg4[%add3A_219, %dma_start3A_223, %dma_start3A_224] : memref<16384x50x64xf32, #tpu.memory_space<hbm>> -> memref<1x50x64xf32, #tpu.memory_space<hbm>>
    %dma_start3A_226 = tpu.memref_squeeze %dma_start3A_225 : memref<1x50x64xf32, #tpu.memory_space<hbm>> -> memref<50x64xf32, #tpu.memory_space<hbm>>
    %dma_start3A_227 = arith.constant 0 : i32
    %dma_start3A_228 = arith.constant 0 : i32
    %dma_start3A_229 = tpu.memref_slice %arg4[%add3A_219, %dma_start3A_227, %dma_start3A_228] : memref<16384x50x64xf32, #tpu.memory_space<hbm>> -> memref<1x50x64xf32, #tpu.memory_space<hbm>>
    %dma_start3A_230 = tpu.memref_squeeze %dma_start3A_229 : memref<1x50x64xf32, #tpu.memory_space<hbm>> -> memref<50x64xf32, #tpu.memory_space<hbm>>
    %dma_start3A_231 = arith.constant 150 : i32
    %dma_start3A_232 = arith.constant 0 : i32
    %dma_start3A_233 = tpu.memref_slice %arg7[%dma_start3A_231, %dma_start3A_232] : memref<400x64xf32, #tpu.memory_space<vmem>> -> memref<50x64xf32, #tpu.memory_space<vmem>>
    tpu.enqueue_dma source(%dma_start3A_233 : memref<50x64xf32, #tpu.memory_space<vmem>>) target(%dma_start3A_230 : memref<50x64xf32, #tpu.memory_space<hbm>>) target_semaphore(%arg15 : memref<!tpu.dma_semaphore, #tpu.memory_space<semaphore_mem>>)
    %add3A_234 = arith.constant 4 : i32
    %add3A_235 = arith.addi %add3A_169, %add3A_234 : i32
    %dma_start3A_236 = arith.constant 200 : i32
    %dma_start3A_237 = arith.constant 0 : i32
    %dma_start3A_238 = tpu.memref_slice %arg7[%dma_start3A_236, %dma_start3A_237] : memref<400x64xf32, #tpu.memory_space<vmem>> -> memref<50x64xf32, #tpu.memory_space<vmem>>
    %dma_start3A_239 = arith.constant 0 : i32
    %dma_start3A_240 = arith.constant 0 : i32
    %dma_start3A_241 = tpu.memref_slice %arg4[%add3A_235, %dma_start3A_239, %dma_start3A_240] : memref<16384x50x64xf32, #tpu.memory_space<hbm>> -> memref<1x50x64xf32, #tpu.memory_space<hbm>>
    %dma_start3A_242 = tpu.memref_squeeze %dma_start3A_241 : memref<1x50x64xf32, #tpu.memory_space<hbm>> -> memref<50x64xf32, #tpu.memory_space<hbm>>
    %dma_start3A_243 = arith.constant 0 : i32
    %dma_start3A_244 = arith.constant 0 : i32
    %dma_start3A_245 = tpu.memref_slice %arg4[%add3A_235, %dma_start3A_243, %dma_start3A_244] : memref<16384x50x64xf32, #tpu.memory_space<hbm>> -> memref<1x50x64xf32, #tpu.memory_space<hbm>>
    %dma_start3A_246 = tpu.memref_squeeze %dma_start3A_245 : memref<1x50x64xf32, #tpu.memory_space<hbm>> -> memref<50x64xf32, #tpu.memory_space<hbm>>
    %dma_start3A_247 = arith.constant 200 : i32
    %dma_start3A_248 = arith.constant 0 : i32
    %dma_start3A_249 = tpu.memref_slice %arg7[%dma_start3A_247, %dma_start3A_248] : memref<400x64xf32, #tpu.memory_space<vmem>> -> memref<50x64xf32, #tpu.memory_space<vmem>>
    tpu.enqueue_dma source(%dma_start3A_249 : memref<50x64xf32, #tpu.memory_space<vmem>>) target(%dma_start3A_246 : memref<50x64xf32, #tpu.memory_space<hbm>>) target_semaphore(%arg15 : memref<!tpu.dma_semaphore, #tpu.memory_space<semaphore_mem>>)
    %add3A_250 = arith.constant 5 : i32
    %add3A_251 = arith.addi %add3A_169, %add3A_250 : i32
    %dma_start3A_252 = arith.constant 250 : i32
    %dma_start3A_253 = arith.constant 0 : i32
    %dma_start3A_254 = tpu.memref_slice %arg7[%dma_start3A_252, %dma_start3A_253] : memref<400x64xf32, #tpu.memory_space<vmem>> -> memref<50x64xf32, #tpu.memory_space<vmem>>
    %dma_start3A_255 = arith.constant 0 : i32
    %dma_start3A_256 = arith.constant 0 : i32
    %dma_start3A_257 = tpu.memref_slice %arg4[%add3A_251, %dma_start3A_255, %dma_start3A_256] : memref<16384x50x64xf32, #tpu.memory_space<hbm>> -> memref<1x50x64xf32, #tpu.memory_space<hbm>>
    %dma_start3A_258 = tpu.memref_squeeze %dma_start3A_257 : memref<1x50x64xf32, #tpu.memory_space<hbm>> -> memref<50x64xf32, #tpu.memory_space<hbm>>
    %dma_start3A_259 = arith.constant 0 : i32
    %dma_start3A_260 = arith.constant 0 : i32
    %dma_start3A_261 = tpu.memref_slice %arg4[%add3A_251, %dma_start3A_259, %dma_start3A_260] : memref<16384x50x64xf32, #tpu.memory_space<hbm>> -> memref<1x50x64xf32, #tpu.memory_space<hbm>>
    %dma_start3A_262 = tpu.memref_squeeze %dma_start3A_261 : memref<1x50x64xf32, #tpu.memory_space<hbm>> -> memref<50x64xf32, #tpu.memory_space<hbm>>
    %dma_start3A_263 = arith.constant 250 : i32
    %dma_start3A_264 = arith.constant 0 : i32
    %dma_start3A_265 = tpu.memref_slice %arg7[%dma_start3A_263, %dma_start3A_264] : memref<400x64xf32, #tpu.memory_space<vmem>> -> memref<50x64xf32, #tpu.memory_space<vmem>>
    tpu.enqueue_dma source(%dma_start3A_265 : memref<50x64xf32, #tpu.memory_space<vmem>>) target(%dma_start3A_262 : memref<50x64xf32, #tpu.memory_space<hbm>>) target_semaphore(%arg15 : memref<!tpu.dma_semaphore, #tpu.memory_space<semaphore_mem>>)
    %add3A_266 = arith.constant 6 : i32
    %add3A_267 = arith.addi %add3A_169, %add3A_266 : i32
    %dma_start3A_268 = arith.constant 300 : i32
    %dma_start3A_269 = arith.constant 0 : i32
    %dma_start3A_270 = tpu.memref_slice %arg7[%dma_start3A_268, %dma_start3A_269] : memref<400x64xf32, #tpu.memory_space<vmem>> -> memref<50x64xf32, #tpu.memory_space<vmem>>
    %dma_start3A_271 = arith.constant 0 : i32
    %dma_start3A_272 = arith.constant 0 : i32
    %dma_start3A_273 = tpu.memref_slice %arg4[%add3A_267, %dma_start3A_271, %dma_start3A_272] : memref<16384x50x64xf32, #tpu.memory_space<hbm>> -> memref<1x50x64xf32, #tpu.memory_space<hbm>>
    %dma_start3A_274 = tpu.memref_squeeze %dma_start3A_273 : memref<1x50x64xf32, #tpu.memory_space<hbm>> -> memref<50x64xf32, #tpu.memory_space<hbm>>
    %dma_start3A_275 = arith.constant 0 : i32
    %dma_start3A_276 = arith.constant 0 : i32
    %dma_start3A_277 = tpu.memref_slice %arg4[%add3A_267, %dma_start3A_275, %dma_start3A_276] : memref<16384x50x64xf32, #tpu.memory_space<hbm>> -> memref<1x50x64xf32, #tpu.memory_space<hbm>>
    %dma_start3A_278 = tpu.memref_squeeze %dma_start3A_277 : memref<1x50x64xf32, #tpu.memory_space<hbm>> -> memref<50x64xf32, #tpu.memory_space<hbm>>
    %dma_start3A_279 = arith.constant 300 : i32
    %dma_start3A_280 = arith.constant 0 : i32
    %dma_start3A_281 = tpu.memref_slice %arg7[%dma_start3A_279, %dma_start3A_280] : memref<400x64xf32, #tpu.memory_space<vmem>> -> memref<50x64xf32, #tpu.memory_space<vmem>>
    tpu.enqueue_dma source(%dma_start3A_281 : memref<50x64xf32, #tpu.memory_space<vmem>>) target(%dma_start3A_278 : memref<50x64xf32, #tpu.memory_space<hbm>>) target_semaphore(%arg15 : memref<!tpu.dma_semaphore, #tpu.memory_space<semaphore_mem>>)
    %add3A_282 = arith.constant 7 : i32
    %add3A_283 = arith.addi %add3A_169, %add3A_282 : i32
    %dma_start3A_284 = arith.constant 350 : i32
    %dma_start3A_285 = arith.constant 0 : i32
    %dma_start3A_286 = tpu.memref_slice %arg7[%dma_start3A_284, %dma_start3A_285] : memref<400x64xf32, #tpu.memory_space<vmem>> -> memref<50x64xf32, #tpu.memory_space<vmem>>
    %dma_start3A_287 = arith.constant 0 : i32
    %dma_start3A_288 = arith.constant 0 : i32
    %dma_start3A_289 = tpu.memref_slice %arg4[%add3A_283, %dma_start3A_287, %dma_start3A_288] : memref<16384x50x64xf32, #tpu.memory_space<hbm>> -> memref<1x50x64xf32, #tpu.memory_space<hbm>>
    %dma_start3A_290 = tpu.memref_squeeze %dma_start3A_289 : memref<1x50x64xf32, #tpu.memory_space<hbm>> -> memref<50x64xf32, #tpu.memory_space<hbm>>
    %dma_start3A_291 = arith.constant 0 : i32
    %dma_start3A_292 = arith.constant 0 : i32
    %dma_start3A_293 = tpu.memref_slice %arg4[%add3A_283, %dma_start3A_291, %dma_start3A_292] : memref<16384x50x64xf32, #tpu.memory_space<hbm>> -> memref<1x50x64xf32, #tpu.memory_space<hbm>>
    %dma_start3A_294 = tpu.memref_squeeze %dma_start3A_293 : memref<1x50x64xf32, #tpu.memory_space<hbm>> -> memref<50x64xf32, #tpu.memory_space<hbm>>
    %dma_start3A_295 = arith.constant 350 : i32
    %dma_start3A_296 = arith.constant 0 : i32
    %dma_start3A_297 = tpu.memref_slice %arg7[%dma_start3A_295, %dma_start3A_296] : memref<400x64xf32, #tpu.memory_space<vmem>> -> memref<50x64xf32, #tpu.memory_space<vmem>>
    tpu.enqueue_dma source(%dma_start3A_297 : memref<50x64xf32, #tpu.memory_space<vmem>>) target(%dma_start3A_294 : memref<50x64xf32, #tpu.memory_space<hbm>>) target_semaphore(%arg15 : memref<!tpu.dma_semaphore, #tpu.memory_space<semaphore_mem>>)
    %dma_wait3A_298 = arith.constant 24800 : i32
    %dma_wait3A_299 = tpu.memref_slice %arg5[%dma_wait3A_298] : memref<25600xi32, #tpu.memory_space<vmem>> -> memref<400xi32, #tpu.memory_space<vmem>>
    %dma_wait3A_300 = arith.constant 0 : i32
    %dma_wait3A_301 = arith.constant 0 : i32
    %dma_wait3A_302 = tpu.memref_slice %arg3[%dma_wait3A_300, %dma_wait3A_301] : memref<1000000x64xf32, #tpu.memory_space<hbm>> -> memref<1000000x64xf32, #tpu.memory_space<hbm>>
    tpu.wait_indirect_dma semaphore(%arg12 : memref<!tpu.dma_semaphore, #tpu.memory_space<semaphore_mem>>) src(%dma_wait3A_302 : memref<1000000x64xf32, #tpu.memory_space<hbm>>) dst(%arg8 : memref<400x64xf32, #tpu.memory_space<vmem>>)
    %add3A_303 = arith.constant 496 : i32
    %add3A_304 = arith.addi %mul3A_2, %add3A_303 : i32
    %add3A_305 = arith.constant 0 : i32
    %add3A_306 = arith.addi %add3A_304, %add3A_305 : i32
    %dma_start3A_307 = arith.constant 0 : i32
    %dma_start3A_308 = arith.constant 0 : i32
    %dma_start3A_309 = tpu.memref_slice %arg8[%dma_start3A_307, %dma_start3A_308] : memref<400x64xf32, #tpu.memory_space<vmem>> -> memref<50x64xf32, #tpu.memory_space<vmem>>
    %dma_start3A_310 = arith.constant 0 : i32
    %dma_start3A_311 = arith.constant 0 : i32
    %dma_start3A_312 = tpu.memref_slice %arg4[%add3A_306, %dma_start3A_310, %dma_start3A_311] : memref<16384x50x64xf32, #tpu.memory_space<hbm>> -> memref<1x50x64xf32, #tpu.memory_space<hbm>>
    %dma_start3A_313 = tpu.memref_squeeze %dma_start3A_312 : memref<1x50x64xf32, #tpu.memory_space<hbm>> -> memref<50x64xf32, #tpu.memory_space<hbm>>
    %dma_start3A_314 = arith.constant 0 : i32
    %dma_start3A_315 = arith.constant 0 : i32
    %dma_start3A_316 = tpu.memref_slice %arg4[%add3A_306, %dma_start3A_314, %dma_start3A_315] : memref<16384x50x64xf32, #tpu.memory_space<hbm>> -> memref<1x50x64xf32, #tpu.memory_space<hbm>>
    %dma_start3A_317 = tpu.memref_squeeze %dma_start3A_316 : memref<1x50x64xf32, #tpu.memory_space<hbm>> -> memref<50x64xf32, #tpu.memory_space<hbm>>
    %dma_start3A_318 = arith.constant 0 : i32
    %dma_start3A_319 = arith.constant 0 : i32
    %dma_start3A_320 = tpu.memref_slice %arg8[%dma_start3A_318, %dma_start3A_319] : memref<400x64xf32, #tpu.memory_space<vmem>> -> memref<50x64xf32, #tpu.memory_space<vmem>>
    tpu.enqueue_dma source(%dma_start3A_320 : memref<50x64xf32, #tpu.memory_space<vmem>>) target(%dma_start3A_317 : memref<50x64xf32, #tpu.memory_space<hbm>>) target_semaphore(%arg16 : memref<!tpu.dma_semaphore, #tpu.memory_space<semaphore_mem>>)
    %add3A_321 = arith.constant 1 : i32
    %add3A_322 = arith.addi %add3A_304, %add3A_321 : i32
    %dma_start3A_323 = arith.constant 50 : i32
    %dma_start3A_324 = arith.constant 0 : i32
    %dma_start3A_325 = tpu.memref_slice %arg8[%dma_start3A_323, %dma_start3A_324] : memref<400x64xf32, #tpu.memory_space<vmem>> -> memref<50x64xf32, #tpu.memory_space<vmem>>
    %dma_start3A_326 = arith.constant 0 : i32
    %dma_start3A_327 = arith.constant 0 : i32
    %dma_start3A_328 = tpu.memref_slice %arg4[%add3A_322, %dma_start3A_326, %dma_start3A_327] : memref<16384x50x64xf32, #tpu.memory_space<hbm>> -> memref<1x50x64xf32, #tpu.memory_space<hbm>>
    %dma_start3A_329 = tpu.memref_squeeze %dma_start3A_328 : memref<1x50x64xf32, #tpu.memory_space<hbm>> -> memref<50x64xf32, #tpu.memory_space<hbm>>
    %dma_start3A_330 = arith.constant 0 : i32
    %dma_start3A_331 = arith.constant 0 : i32
    %dma_start3A_332 = tpu.memref_slice %arg4[%add3A_322, %dma_start3A_330, %dma_start3A_331] : memref<16384x50x64xf32, #tpu.memory_space<hbm>> -> memref<1x50x64xf32, #tpu.memory_space<hbm>>
    %dma_start3A_333 = tpu.memref_squeeze %dma_start3A_332 : memref<1x50x64xf32, #tpu.memory_space<hbm>> -> memref<50x64xf32, #tpu.memory_space<hbm>>
    %dma_start3A_334 = arith.constant 50 : i32
    %dma_start3A_335 = arith.constant 0 : i32
    %dma_start3A_336 = tpu.memref_slice %arg8[%dma_start3A_334, %dma_start3A_335] : memref<400x64xf32, #tpu.memory_space<vmem>> -> memref<50x64xf32, #tpu.memory_space<vmem>>
    tpu.enqueue_dma source(%dma_start3A_336 : memref<50x64xf32, #tpu.memory_space<vmem>>) target(%dma_start3A_333 : memref<50x64xf32, #tpu.memory_space<hbm>>) target_semaphore(%arg16 : memref<!tpu.dma_semaphore, #tpu.memory_space<semaphore_mem>>)
    %add3A_337 = arith.constant 2 : i32
    %add3A_338 = arith.addi %add3A_304, %add3A_337 : i32
    %dma_start3A_339 = arith.constant 100 : i32
    %dma_start3A_340 = arith.constant 0 : i32
    %dma_start3A_341 = tpu.memref_slice %arg8[%dma_start3A_339, %dma_start3A_340] : memref<400x64xf32, #tpu.memory_space<vmem>> -> memref<50x64xf32, #tpu.memory_space<vmem>>
    %dma_start3A_342 = arith.constant 0 : i32
    %dma_start3A_343 = arith.constant 0 : i32
    %dma_start3A_344 = tpu.memref_slice %arg4[%add3A_338, %dma_start3A_342, %dma_start3A_343] : memref<16384x50x64xf32, #tpu.memory_space<hbm>> -> memref<1x50x64xf32, #tpu.memory_space<hbm>>
    %dma_start3A_345 = tpu.memref_squeeze %dma_start3A_344 : memref<1x50x64xf32, #tpu.memory_space<hbm>> -> memref<50x64xf32, #tpu.memory_space<hbm>>
    %dma_start3A_346 = arith.constant 0 : i32
    %dma_start3A_347 = arith.constant 0 : i32
    %dma_start3A_348 = tpu.memref_slice %arg4[%add3A_338, %dma_start3A_346, %dma_start3A_347] : memref<16384x50x64xf32, #tpu.memory_space<hbm>> -> memref<1x50x64xf32, #tpu.memory_space<hbm>>
    %dma_start3A_349 = tpu.memref_squeeze %dma_start3A_348 : memref<1x50x64xf32, #tpu.memory_space<hbm>> -> memref<50x64xf32, #tpu.memory_space<hbm>>
    %dma_start3A_350 = arith.constant 100 : i32
    %dma_start3A_351 = arith.constant 0 : i32
    %dma_start3A_352 = tpu.memref_slice %arg8[%dma_start3A_350, %dma_start3A_351] : memref<400x64xf32, #tpu.memory_space<vmem>> -> memref<50x64xf32, #tpu.memory_space<vmem>>
    tpu.enqueue_dma source(%dma_start3A_352 : memref<50x64xf32, #tpu.memory_space<vmem>>) target(%dma_start3A_349 : memref<50x64xf32, #tpu.memory_space<hbm>>) target_semaphore(%arg16 : memref<!tpu.dma_semaphore, #tpu.memory_space<semaphore_mem>>)
    %add3A_353 = arith.constant 3 : i32
    %add3A_354 = arith.addi %add3A_304, %add3A_353 : i32
    %dma_start3A_355 = arith.constant 150 : i32
    %dma_start3A_356 = arith.constant 0 : i32
    %dma_start3A_357 = tpu.memref_slice %arg8[%dma_start3A_355, %dma_start3A_356] : memref<400x64xf32, #tpu.memory_space<vmem>> -> memref<50x64xf32, #tpu.memory_space<vmem>>
    %dma_start3A_358 = arith.constant 0 : i32
    %dma_start3A_359 = arith.constant 0 : i32
    %dma_start3A_360 = tpu.memref_slice %arg4[%add3A_354, %dma_start3A_358, %dma_start3A_359] : memref<16384x50x64xf32, #tpu.memory_space<hbm>> -> memref<1x50x64xf32, #tpu.memory_space<hbm>>
    %dma_start3A_361 = tpu.memref_squeeze %dma_start3A_360 : memref<1x50x64xf32, #tpu.memory_space<hbm>> -> memref<50x64xf32, #tpu.memory_space<hbm>>
    %dma_start3A_362 = arith.constant 0 : i32
    %dma_start3A_363 = arith.constant 0 : i32
    %dma_start3A_364 = tpu.memref_slice %arg4[%add3A_354, %dma_start3A_362, %dma_start3A_363] : memref<16384x50x64xf32, #tpu.memory_space<hbm>> -> memref<1x50x64xf32, #tpu.memory_space<hbm>>
    %dma_start3A_365 = tpu.memref_squeeze %dma_start3A_364 : memref<1x50x64xf32, #tpu.memory_space<hbm>> -> memref<50x64xf32, #tpu.memory_space<hbm>>
    %dma_start3A_366 = arith.constant 150 : i32
    %dma_start3A_367 = arith.constant 0 : i32
    %dma_start3A_368 = tpu.memref_slice %arg8[%dma_start3A_366, %dma_start3A_367] : memref<400x64xf32, #tpu.memory_space<vmem>> -> memref<50x64xf32, #tpu.memory_space<vmem>>
    tpu.enqueue_dma source(%dma_start3A_368 : memref<50x64xf32, #tpu.memory_space<vmem>>) target(%dma_start3A_365 : memref<50x64xf32, #tpu.memory_space<hbm>>) target_semaphore(%arg16 : memref<!tpu.dma_semaphore, #tpu.memory_space<semaphore_mem>>)
    %add3A_369 = arith.constant 4 : i32
    %add3A_370 = arith.addi %add3A_304, %add3A_369 : i32
    %dma_start3A_371 = arith.constant 200 : i32
    %dma_start3A_372 = arith.constant 0 : i32
    %dma_start3A_373 = tpu.memref_slice %arg8[%dma_start3A_371, %dma_start3A_372] : memref<400x64xf32, #tpu.memory_space<vmem>> -> memref<50x64xf32, #tpu.memory_space<vmem>>
    %dma_start3A_374 = arith.constant 0 : i32
    %dma_start3A_375 = arith.constant 0 : i32
    %dma_start3A_376 = tpu.memref_slice %arg4[%add3A_370, %dma_start3A_374, %dma_start3A_375] : memref<16384x50x64xf32, #tpu.memory_space<hbm>> -> memref<1x50x64xf32, #tpu.memory_space<hbm>>
    %dma_start3A_377 = tpu.memref_squeeze %dma_start3A_376 : memref<1x50x64xf32, #tpu.memory_space<hbm>> -> memref<50x64xf32, #tpu.memory_space<hbm>>
    %dma_start3A_378 = arith.constant 0 : i32
    %dma_start3A_379 = arith.constant 0 : i32
    %dma_start3A_380 = tpu.memref_slice %arg4[%add3A_370, %dma_start3A_378, %dma_start3A_379] : memref<16384x50x64xf32, #tpu.memory_space<hbm>> -> memref<1x50x64xf32, #tpu.memory_space<hbm>>
    %dma_start3A_381 = tpu.memref_squeeze %dma_start3A_380 : memref<1x50x64xf32, #tpu.memory_space<hbm>> -> memref<50x64xf32, #tpu.memory_space<hbm>>
    %dma_start3A_382 = arith.constant 200 : i32
    %dma_start3A_383 = arith.constant 0 : i32
    %dma_start3A_384 = tpu.memref_slice %arg8[%dma_start3A_382, %dma_start3A_383] : memref<400x64xf32, #tpu.memory_space<vmem>> -> memref<50x64xf32, #tpu.memory_space<vmem>>
    tpu.enqueue_dma source(%dma_start3A_384 : memref<50x64xf32, #tpu.memory_space<vmem>>) target(%dma_start3A_381 : memref<50x64xf32, #tpu.memory_space<hbm>>) target_semaphore(%arg16 : memref<!tpu.dma_semaphore, #tpu.memory_space<semaphore_mem>>)
    %add3A_385 = arith.constant 5 : i32
    %add3A_386 = arith.addi %add3A_304, %add3A_385 : i32
    %dma_start3A_387 = arith.constant 250 : i32
    %dma_start3A_388 = arith.constant 0 : i32
    %dma_start3A_389 = tpu.memref_slice %arg8[%dma_start3A_387, %dma_start3A_388] : memref<400x64xf32, #tpu.memory_space<vmem>> -> memref<50x64xf32, #tpu.memory_space<vmem>>
    %dma_start3A_390 = arith.constant 0 : i32
    %dma_start3A_391 = arith.constant 0 : i32
    %dma_start3A_392 = tpu.memref_slice %arg4[%add3A_386, %dma_start3A_390, %dma_start3A_391] : memref<16384x50x64xf32, #tpu.memory_space<hbm>> -> memref<1x50x64xf32, #tpu.memory_space<hbm>>
    %dma_start3A_393 = tpu.memref_squeeze %dma_start3A_392 : memref<1x50x64xf32, #tpu.memory_space<hbm>> -> memref<50x64xf32, #tpu.memory_space<hbm>>
    %dma_start3A_394 = arith.constant 0 : i32
    %dma_start3A_395 = arith.constant 0 : i32
    %dma_start3A_396 = tpu.memref_slice %arg4[%add3A_386, %dma_start3A_394, %dma_start3A_395] : memref<16384x50x64xf32, #tpu.memory_space<hbm>> -> memref<1x50x64xf32, #tpu.memory_space<hbm>>
    %dma_start3A_397 = tpu.memref_squeeze %dma_start3A_396 : memref<1x50x64xf32, #tpu.memory_space<hbm>> -> memref<50x64xf32, #tpu.memory_space<hbm>>
    %dma_start3A_398 = arith.constant 250 : i32
    %dma_start3A_399 = arith.constant 0 : i32
    %dma_start3A_400 = tpu.memref_slice %arg8[%dma_start3A_398, %dma_start3A_399] : memref<400x64xf32, #tpu.memory_space<vmem>> -> memref<50x64xf32, #tpu.memory_space<vmem>>
    tpu.enqueue_dma source(%dma_start3A_400 : memref<50x64xf32, #tpu.memory_space<vmem>>) target(%dma_start3A_397 : memref<50x64xf32, #tpu.memory_space<hbm>>) target_semaphore(%arg16 : memref<!tpu.dma_semaphore, #tpu.memory_space<semaphore_mem>>)
    %add3A_401 = arith.constant 6 : i32
    %add3A_402 = arith.addi %add3A_304, %add3A_401 : i32
    %dma_start3A_403 = arith.constant 300 : i32
    %dma_start3A_404 = arith.constant 0 : i32
    %dma_start3A_405 = tpu.memref_slice %arg8[%dma_start3A_403, %dma_start3A_404] : memref<400x64xf32, #tpu.memory_space<vmem>> -> memref<50x64xf32, #tpu.memory_space<vmem>>
    %dma_start3A_406 = arith.constant 0 : i32
    %dma_start3A_407 = arith.constant 0 : i32
    %dma_start3A_408 = tpu.memref_slice %arg4[%add3A_402, %dma_start3A_406, %dma_start3A_407] : memref<16384x50x64xf32, #tpu.memory_space<hbm>> -> memref<1x50x64xf32, #tpu.memory_space<hbm>>
    %dma_start3A_409 = tpu.memref_squeeze %dma_start3A_408 : memref<1x50x64xf32, #tpu.memory_space<hbm>> -> memref<50x64xf32, #tpu.memory_space<hbm>>
    %dma_start3A_410 = arith.constant 0 : i32
    %dma_start3A_411 = arith.constant 0 : i32
    %dma_start3A_412 = tpu.memref_slice %arg4[%add3A_402, %dma_start3A_410, %dma_start3A_411] : memref<16384x50x64xf32, #tpu.memory_space<hbm>> -> memref<1x50x64xf32, #tpu.memory_space<hbm>>
    %dma_start3A_413 = tpu.memref_squeeze %dma_start3A_412 : memref<1x50x64xf32, #tpu.memory_space<hbm>> -> memref<50x64xf32, #tpu.memory_space<hbm>>
    %dma_start3A_414 = arith.constant 300 : i32
    %dma_start3A_415 = arith.constant 0 : i32
    %dma_start3A_416 = tpu.memref_slice %arg8[%dma_start3A_414, %dma_start3A_415] : memref<400x64xf32, #tpu.memory_space<vmem>> -> memref<50x64xf32, #tpu.memory_space<vmem>>
    tpu.enqueue_dma source(%dma_start3A_416 : memref<50x64xf32, #tpu.memory_space<vmem>>) target(%dma_start3A_413 : memref<50x64xf32, #tpu.memory_space<hbm>>) target_semaphore(%arg16 : memref<!tpu.dma_semaphore, #tpu.memory_space<semaphore_mem>>)
    %add3A_417 = arith.constant 7 : i32
    %add3A_418 = arith.addi %add3A_304, %add3A_417 : i32
    %dma_start3A_419 = arith.constant 350 : i32
    %dma_start3A_420 = arith.constant 0 : i32
    %dma_start3A_421 = tpu.memref_slice %arg8[%dma_start3A_419, %dma_start3A_420] : memref<400x64xf32, #tpu.memory_space<vmem>> -> memref<50x64xf32, #tpu.memory_space<vmem>>
    %dma_start3A_422 = arith.constant 0 : i32
    %dma_start3A_423 = arith.constant 0 : i32
    %dma_start3A_424 = tpu.memref_slice %arg4[%add3A_418, %dma_start3A_422, %dma_start3A_423] : memref<16384x50x64xf32, #tpu.memory_space<hbm>> -> memref<1x50x64xf32, #tpu.memory_space<hbm>>
    %dma_start3A_425 = tpu.memref_squeeze %dma_start3A_424 : memref<1x50x64xf32, #tpu.memory_space<hbm>> -> memref<50x64xf32, #tpu.memory_space<hbm>>
    %dma_start3A_426 = arith.constant 0 : i32
    %dma_start3A_427 = arith.constant 0 : i32
    %dma_start3A_428 = tpu.memref_slice %arg4[%add3A_418, %dma_start3A_426, %dma_start3A_427] : memref<16384x50x64xf32, #tpu.memory_space<hbm>> -> memref<1x50x64xf32, #tpu.memory_space<hbm>>
    %dma_start3A_429 = tpu.memref_squeeze %dma_start3A_428 : memref<1x50x64xf32, #tpu.memory_space<hbm>> -> memref<50x64xf32, #tpu.memory_space<hbm>>
    %dma_start3A_430 = arith.constant 350 : i32
    %dma_start3A_431 = arith.constant 0 : i32
    %dma_start3A_432 = tpu.memref_slice %arg8[%dma_start3A_430, %dma_start3A_431] : memref<400x64xf32, #tpu.memory_space<vmem>> -> memref<50x64xf32, #tpu.memory_space<vmem>>
    tpu.enqueue_dma source(%dma_start3A_432 : memref<50x64xf32, #tpu.memory_space<vmem>>) target(%dma_start3A_429 : memref<50x64xf32, #tpu.memory_space<hbm>>) target_semaphore(%arg16 : memref<!tpu.dma_semaphore, #tpu.memory_space<semaphore_mem>>)
    %dma_wait3A_433 = arith.constant 25200 : i32
    %dma_wait3A_434 = tpu.memref_slice %arg5[%dma_wait3A_433] : memref<25600xi32, #tpu.memory_space<vmem>> -> memref<400xi32, #tpu.memory_space<vmem>>
    %dma_wait3A_435 = arith.constant 0 : i32
    %dma_wait3A_436 = arith.constant 0 : i32
    %dma_wait3A_437 = tpu.memref_slice %arg3[%dma_wait3A_435, %dma_wait3A_436] : memref<1000000x64xf32, #tpu.memory_space<hbm>> -> memref<1000000x64xf32, #tpu.memory_space<hbm>>
    tpu.wait_indirect_dma semaphore(%arg13 : memref<!tpu.dma_semaphore, #tpu.memory_space<semaphore_mem>>) src(%dma_wait3A_437 : memref<1000000x64xf32, #tpu.memory_space<hbm>>) dst(%arg9 : memref<400x64xf32, #tpu.memory_space<vmem>>)
    %add3A_438 = arith.constant 504 : i32
    %add3A_439 = arith.addi %mul3A_2, %add3A_438 : i32
    %add3A_440 = arith.constant 0 : i32
    %add3A_441 = arith.addi %add3A_439, %add3A_440 : i32
    %dma_start3A_442 = arith.constant 0 : i32
    %dma_start3A_443 = arith.constant 0 : i32
    %dma_start3A_444 = tpu.memref_slice %arg9[%dma_start3A_442, %dma_start3A_443] : memref<400x64xf32, #tpu.memory_space<vmem>> -> memref<50x64xf32, #tpu.memory_space<vmem>>
    %dma_start3A_445 = arith.constant 0 : i32
    %dma_start3A_446 = arith.constant 0 : i32
    %dma_start3A_447 = tpu.memref_slice %arg4[%add3A_441, %dma_start3A_445, %dma_start3A_446] : memref<16384x50x64xf32, #tpu.memory_space<hbm>> -> memref<1x50x64xf32, #tpu.memory_space<hbm>>
    %dma_start3A_448 = tpu.memref_squeeze %dma_start3A_447 : memref<1x50x64xf32, #tpu.memory_space<hbm>> -> memref<50x64xf32, #tpu.memory_space<hbm>>
    %dma_start3A_449 = arith.constant 0 : i32
    %dma_start3A_450 = arith.constant 0 : i32
    %dma_start3A_451 = tpu.memref_slice %arg4[%add3A_441, %dma_start3A_449, %dma_start3A_450] : memref<16384x50x64xf32, #tpu.memory_space<hbm>> -> memref<1x50x64xf32, #tpu.memory_space<hbm>>
    %dma_start3A_452 = tpu.memref_squeeze %dma_start3A_451 : memref<1x50x64xf32, #tpu.memory_space<hbm>> -> memref<50x64xf32, #tpu.memory_space<hbm>>
    %dma_start3A_453 = arith.constant 0 : i32
    %dma_start3A_454 = arith.constant 0 : i32
    %dma_start3A_455 = tpu.memref_slice %arg9[%dma_start3A_453, %dma_start3A_454] : memref<400x64xf32, #tpu.memory_space<vmem>> -> memref<50x64xf32, #tpu.memory_space<vmem>>
    tpu.enqueue_dma source(%dma_start3A_455 : memref<50x64xf32, #tpu.memory_space<vmem>>) target(%dma_start3A_452 : memref<50x64xf32, #tpu.memory_space<hbm>>) target_semaphore(%arg17 : memref<!tpu.dma_semaphore, #tpu.memory_space<semaphore_mem>>)
    %add3A_456 = arith.constant 1 : i32
    %add3A_457 = arith.addi %add3A_439, %add3A_456 : i32
    %dma_start3A_458 = arith.constant 50 : i32
    %dma_start3A_459 = arith.constant 0 : i32
    %dma_start3A_460 = tpu.memref_slice %arg9[%dma_start3A_458, %dma_start3A_459] : memref<400x64xf32, #tpu.memory_space<vmem>> -> memref<50x64xf32, #tpu.memory_space<vmem>>
    %dma_start3A_461 = arith.constant 0 : i32
    %dma_start3A_462 = arith.constant 0 : i32
    %dma_start3A_463 = tpu.memref_slice %arg4[%add3A_457, %dma_start3A_461, %dma_start3A_462] : memref<16384x50x64xf32, #tpu.memory_space<hbm>> -> memref<1x50x64xf32, #tpu.memory_space<hbm>>
    %dma_start3A_464 = tpu.memref_squeeze %dma_start3A_463 : memref<1x50x64xf32, #tpu.memory_space<hbm>> -> memref<50x64xf32, #tpu.memory_space<hbm>>
    %dma_start3A_465 = arith.constant 0 : i32
    %dma_start3A_466 = arith.constant 0 : i32
    %dma_start3A_467 = tpu.memref_slice %arg4[%add3A_457, %dma_start3A_465, %dma_start3A_466] : memref<16384x50x64xf32, #tpu.memory_space<hbm>> -> memref<1x50x64xf32, #tpu.memory_space<hbm>>
    %dma_start3A_468 = tpu.memref_squeeze %dma_start3A_467 : memref<1x50x64xf32, #tpu.memory_space<hbm>> -> memref<50x64xf32, #tpu.memory_space<hbm>>
    %dma_start3A_469 = arith.constant 50 : i32
    %dma_start3A_470 = arith.constant 0 : i32
    %dma_start3A_471 = tpu.memref_slice %arg9[%dma_start3A_469, %dma_start3A_470] : memref<400x64xf32, #tpu.memory_space<vmem>> -> memref<50x64xf32, #tpu.memory_space<vmem>>
    tpu.enqueue_dma source(%dma_start3A_471 : memref<50x64xf32, #tpu.memory_space<vmem>>) target(%dma_start3A_468 : memref<50x64xf32, #tpu.memory_space<hbm>>) target_semaphore(%arg17 : memref<!tpu.dma_semaphore, #tpu.memory_space<semaphore_mem>>)
    %add3A_472 = arith.constant 2 : i32
    %add3A_473 = arith.addi %add3A_439, %add3A_472 : i32
    %dma_start3A_474 = arith.constant 100 : i32
    %dma_start3A_475 = arith.constant 0 : i32
    %dma_start3A_476 = tpu.memref_slice %arg9[%dma_start3A_474, %dma_start3A_475] : memref<400x64xf32, #tpu.memory_space<vmem>> -> memref<50x64xf32, #tpu.memory_space<vmem>>
    %dma_start3A_477 = arith.constant 0 : i32
    %dma_start3A_478 = arith.constant 0 : i32
    %dma_start3A_479 = tpu.memref_slice %arg4[%add3A_473, %dma_start3A_477, %dma_start3A_478] : memref<16384x50x64xf32, #tpu.memory_space<hbm>> -> memref<1x50x64xf32, #tpu.memory_space<hbm>>
    %dma_start3A_480 = tpu.memref_squeeze %dma_start3A_479 : memref<1x50x64xf32, #tpu.memory_space<hbm>> -> memref<50x64xf32, #tpu.memory_space<hbm>>
    %dma_start3A_481 = arith.constant 0 : i32
    %dma_start3A_482 = arith.constant 0 : i32
    %dma_start3A_483 = tpu.memref_slice %arg4[%add3A_473, %dma_start3A_481, %dma_start3A_482] : memref<16384x50x64xf32, #tpu.memory_space<hbm>> -> memref<1x50x64xf32, #tpu.memory_space<hbm>>
    %dma_start3A_484 = tpu.memref_squeeze %dma_start3A_483 : memref<1x50x64xf32, #tpu.memory_space<hbm>> -> memref<50x64xf32, #tpu.memory_space<hbm>>
    %dma_start3A_485 = arith.constant 100 : i32
    %dma_start3A_486 = arith.constant 0 : i32
    %dma_start3A_487 = tpu.memref_slice %arg9[%dma_start3A_485, %dma_start3A_486] : memref<400x64xf32, #tpu.memory_space<vmem>> -> memref<50x64xf32, #tpu.memory_space<vmem>>
    tpu.enqueue_dma source(%dma_start3A_487 : memref<50x64xf32, #tpu.memory_space<vmem>>) target(%dma_start3A_484 : memref<50x64xf32, #tpu.memory_space<hbm>>) target_semaphore(%arg17 : memref<!tpu.dma_semaphore, #tpu.memory_space<semaphore_mem>>)
    %add3A_488 = arith.constant 3 : i32
    %add3A_489 = arith.addi %add3A_439, %add3A_488 : i32
    %dma_start3A_490 = arith.constant 150 : i32
    %dma_start3A_491 = arith.constant 0 : i32
    %dma_start3A_492 = tpu.memref_slice %arg9[%dma_start3A_490, %dma_start3A_491] : memref<400x64xf32, #tpu.memory_space<vmem>> -> memref<50x64xf32, #tpu.memory_space<vmem>>
    %dma_start3A_493 = arith.constant 0 : i32
    %dma_start3A_494 = arith.constant 0 : i32
    %dma_start3A_495 = tpu.memref_slice %arg4[%add3A_489, %dma_start3A_493, %dma_start3A_494] : memref<16384x50x64xf32, #tpu.memory_space<hbm>> -> memref<1x50x64xf32, #tpu.memory_space<hbm>>
    %dma_start3A_496 = tpu.memref_squeeze %dma_start3A_495 : memref<1x50x64xf32, #tpu.memory_space<hbm>> -> memref<50x64xf32, #tpu.memory_space<hbm>>
    %dma_start3A_497 = arith.constant 0 : i32
    %dma_start3A_498 = arith.constant 0 : i32
    %dma_start3A_499 = tpu.memref_slice %arg4[%add3A_489, %dma_start3A_497, %dma_start3A_498] : memref<16384x50x64xf32, #tpu.memory_space<hbm>> -> memref<1x50x64xf32, #tpu.memory_space<hbm>>
    %dma_start3A_500 = tpu.memref_squeeze %dma_start3A_499 : memref<1x50x64xf32, #tpu.memory_space<hbm>> -> memref<50x64xf32, #tpu.memory_space<hbm>>
    %dma_start3A_501 = arith.constant 150 : i32
    %dma_start3A_502 = arith.constant 0 : i32
    %dma_start3A_503 = tpu.memref_slice %arg9[%dma_start3A_501, %dma_start3A_502] : memref<400x64xf32, #tpu.memory_space<vmem>> -> memref<50x64xf32, #tpu.memory_space<vmem>>
    tpu.enqueue_dma source(%dma_start3A_503 : memref<50x64xf32, #tpu.memory_space<vmem>>) target(%dma_start3A_500 : memref<50x64xf32, #tpu.memory_space<hbm>>) target_semaphore(%arg17 : memref<!tpu.dma_semaphore, #tpu.memory_space<semaphore_mem>>)
    %add3A_504 = arith.constant 4 : i32
    %add3A_505 = arith.addi %add3A_439, %add3A_504 : i32
    %dma_start3A_506 = arith.constant 200 : i32
    %dma_start3A_507 = arith.constant 0 : i32
    %dma_start3A_508 = tpu.memref_slice %arg9[%dma_start3A_506, %dma_start3A_507] : memref<400x64xf32, #tpu.memory_space<vmem>> -> memref<50x64xf32, #tpu.memory_space<vmem>>
    %dma_start3A_509 = arith.constant 0 : i32
    %dma_start3A_510 = arith.constant 0 : i32
    %dma_start3A_511 = tpu.memref_slice %arg4[%add3A_505, %dma_start3A_509, %dma_start3A_510] : memref<16384x50x64xf32, #tpu.memory_space<hbm>> -> memref<1x50x64xf32, #tpu.memory_space<hbm>>
    %dma_start3A_512 = tpu.memref_squeeze %dma_start3A_511 : memref<1x50x64xf32, #tpu.memory_space<hbm>> -> memref<50x64xf32, #tpu.memory_space<hbm>>
    %dma_start3A_513 = arith.constant 0 : i32
    %dma_start3A_514 = arith.constant 0 : i32
    %dma_start3A_515 = tpu.memref_slice %arg4[%add3A_505, %dma_start3A_513, %dma_start3A_514] : memref<16384x50x64xf32, #tpu.memory_space<hbm>> -> memref<1x50x64xf32, #tpu.memory_space<hbm>>
    %dma_start3A_516 = tpu.memref_squeeze %dma_start3A_515 : memref<1x50x64xf32, #tpu.memory_space<hbm>> -> memref<50x64xf32, #tpu.memory_space<hbm>>
    %dma_start3A_517 = arith.constant 200 : i32
    %dma_start3A_518 = arith.constant 0 : i32
    %dma_start3A_519 = tpu.memref_slice %arg9[%dma_start3A_517, %dma_start3A_518] : memref<400x64xf32, #tpu.memory_space<vmem>> -> memref<50x64xf32, #tpu.memory_space<vmem>>
    tpu.enqueue_dma source(%dma_start3A_519 : memref<50x64xf32, #tpu.memory_space<vmem>>) target(%dma_start3A_516 : memref<50x64xf32, #tpu.memory_space<hbm>>) target_semaphore(%arg17 : memref<!tpu.dma_semaphore, #tpu.memory_space<semaphore_mem>>)
    %add3A_520 = arith.constant 5 : i32
    %add3A_521 = arith.addi %add3A_439, %add3A_520 : i32
    %dma_start3A_522 = arith.constant 250 : i32
    %dma_start3A_523 = arith.constant 0 : i32
    %dma_start3A_524 = tpu.memref_slice %arg9[%dma_start3A_522, %dma_start3A_523] : memref<400x64xf32, #tpu.memory_space<vmem>> -> memref<50x64xf32, #tpu.memory_space<vmem>>
    %dma_start3A_525 = arith.constant 0 : i32
    %dma_start3A_526 = arith.constant 0 : i32
    %dma_start3A_527 = tpu.memref_slice %arg4[%add3A_521, %dma_start3A_525, %dma_start3A_526] : memref<16384x50x64xf32, #tpu.memory_space<hbm>> -> memref<1x50x64xf32, #tpu.memory_space<hbm>>
    %dma_start3A_528 = tpu.memref_squeeze %dma_start3A_527 : memref<1x50x64xf32, #tpu.memory_space<hbm>> -> memref<50x64xf32, #tpu.memory_space<hbm>>
    %dma_start3A_529 = arith.constant 0 : i32
    %dma_start3A_530 = arith.constant 0 : i32
    %dma_start3A_531 = tpu.memref_slice %arg4[%add3A_521, %dma_start3A_529, %dma_start3A_530] : memref<16384x50x64xf32, #tpu.memory_space<hbm>> -> memref<1x50x64xf32, #tpu.memory_space<hbm>>
    %dma_start3A_532 = tpu.memref_squeeze %dma_start3A_531 : memref<1x50x64xf32, #tpu.memory_space<hbm>> -> memref<50x64xf32, #tpu.memory_space<hbm>>
    %dma_start3A_533 = arith.constant 250 : i32
    %dma_start3A_534 = arith.constant 0 : i32
    %dma_start3A_535 = tpu.memref_slice %arg9[%dma_start3A_533, %dma_start3A_534] : memref<400x64xf32, #tpu.memory_space<vmem>> -> memref<50x64xf32, #tpu.memory_space<vmem>>
    tpu.enqueue_dma source(%dma_start3A_535 : memref<50x64xf32, #tpu.memory_space<vmem>>) target(%dma_start3A_532 : memref<50x64xf32, #tpu.memory_space<hbm>>) target_semaphore(%arg17 : memref<!tpu.dma_semaphore, #tpu.memory_space<semaphore_mem>>)
    %add3A_536 = arith.constant 6 : i32
    %add3A_537 = arith.addi %add3A_439, %add3A_536 : i32
    %dma_start3A_538 = arith.constant 300 : i32
    %dma_start3A_539 = arith.constant 0 : i32
    %dma_start3A_540 = tpu.memref_slice %arg9[%dma_start3A_538, %dma_start3A_539] : memref<400x64xf32, #tpu.memory_space<vmem>> -> memref<50x64xf32, #tpu.memory_space<vmem>>
    %dma_start3A_541 = arith.constant 0 : i32
    %dma_start3A_542 = arith.constant 0 : i32
    %dma_start3A_543 = tpu.memref_slice %arg4[%add3A_537, %dma_start3A_541, %dma_start3A_542] : memref<16384x50x64xf32, #tpu.memory_space<hbm>> -> memref<1x50x64xf32, #tpu.memory_space<hbm>>
    %dma_start3A_544 = tpu.memref_squeeze %dma_start3A_543 : memref<1x50x64xf32, #tpu.memory_space<hbm>> -> memref<50x64xf32, #tpu.memory_space<hbm>>
    %dma_start3A_545 = arith.constant 0 : i32
    %dma_start3A_546 = arith.constant 0 : i32
    %dma_start3A_547 = tpu.memref_slice %arg4[%add3A_537, %dma_start3A_545, %dma_start3A_546] : memref<16384x50x64xf32, #tpu.memory_space<hbm>> -> memref<1x50x64xf32, #tpu.memory_space<hbm>>
    %dma_start3A_548 = tpu.memref_squeeze %dma_start3A_547 : memref<1x50x64xf32, #tpu.memory_space<hbm>> -> memref<50x64xf32, #tpu.memory_space<hbm>>
    %dma_start3A_549 = arith.constant 300 : i32
    %dma_start3A_550 = arith.constant 0 : i32
    %dma_start3A_551 = tpu.memref_slice %arg9[%dma_start3A_549, %dma_start3A_550] : memref<400x64xf32, #tpu.memory_space<vmem>> -> memref<50x64xf32, #tpu.memory_space<vmem>>
    tpu.enqueue_dma source(%dma_start3A_551 : memref<50x64xf32, #tpu.memory_space<vmem>>) target(%dma_start3A_548 : memref<50x64xf32, #tpu.memory_space<hbm>>) target_semaphore(%arg17 : memref<!tpu.dma_semaphore, #tpu.memory_space<semaphore_mem>>)
    %add3A_552 = arith.constant 7 : i32
    %add3A_553 = arith.addi %add3A_439, %add3A_552 : i32
    %dma_start3A_554 = arith.constant 350 : i32
    %dma_start3A_555 = arith.constant 0 : i32
    %dma_start3A_556 = tpu.memref_slice %arg9[%dma_start3A_554, %dma_start3A_555] : memref<400x64xf32, #tpu.memory_space<vmem>> -> memref<50x64xf32, #tpu.memory_space<vmem>>
    %dma_start3A_557 = arith.constant 0 : i32
    %dma_start3A_558 = arith.constant 0 : i32
    %dma_start3A_559 = tpu.memref_slice %arg4[%add3A_553, %dma_start3A_557, %dma_start3A_558] : memref<16384x50x64xf32, #tpu.memory_space<hbm>> -> memref<1x50x64xf32, #tpu.memory_space<hbm>>
    %dma_start3A_560 = tpu.memref_squeeze %dma_start3A_559 : memref<1x50x64xf32, #tpu.memory_space<hbm>> -> memref<50x64xf32, #tpu.memory_space<hbm>>
    %dma_start3A_561 = arith.constant 0 : i32
    %dma_start3A_562 = arith.constant 0 : i32
    %dma_start3A_563 = tpu.memref_slice %arg4[%add3A_553, %dma_start3A_561, %dma_start3A_562] : memref<16384x50x64xf32, #tpu.memory_space<hbm>> -> memref<1x50x64xf32, #tpu.memory_space<hbm>>
    %dma_start3A_564 = tpu.memref_squeeze %dma_start3A_563 : memref<1x50x64xf32, #tpu.memory_space<hbm>> -> memref<50x64xf32, #tpu.memory_space<hbm>>
    %dma_start3A_565 = arith.constant 350 : i32
    %dma_start3A_566 = arith.constant 0 : i32
    %dma_start3A_567 = tpu.memref_slice %arg9[%dma_start3A_565, %dma_start3A_566] : memref<400x64xf32, #tpu.memory_space<vmem>> -> memref<50x64xf32, #tpu.memory_space<vmem>>
    tpu.enqueue_dma source(%dma_start3A_567 : memref<50x64xf32, #tpu.memory_space<vmem>>) target(%dma_start3A_564 : memref<50x64xf32, #tpu.memory_space<hbm>>) target_semaphore(%arg17 : memref<!tpu.dma_semaphore, #tpu.memory_space<semaphore_mem>>)
    %add3A_568 = arith.constant 480 : i32
    %add3A_569 = arith.addi %mul3A_2, %add3A_568 : i32
    %add3A_570 = arith.constant 0 : i32
    %add3A_571 = arith.addi %add3A_569, %add3A_570 : i32
    %dma_wait3A_572 = arith.constant 0 : i32
    %dma_wait3A_573 = arith.constant 0 : i32
    %dma_wait3A_574 = tpu.memref_slice %arg6[%dma_wait3A_572, %dma_wait3A_573] : memref<400x64xf32, #tpu.memory_space<vmem>> -> memref<50x64xf32, #tpu.memory_space<vmem>>
    %dma_wait3A_575 = arith.constant 0 : i32
    %dma_wait3A_576 = arith.constant 0 : i32
    %dma_wait3A_577 = tpu.memref_slice %arg4[%add3A_571, %dma_wait3A_575, %dma_wait3A_576] : memref<16384x50x64xf32, #tpu.memory_space<hbm>> -> memref<1x50x64xf32, #tpu.memory_space<hbm>>
    %dma_wait3A_578 = tpu.memref_squeeze %dma_wait3A_577 : memref<1x50x64xf32, #tpu.memory_space<hbm>> -> memref<50x64xf32, #tpu.memory_space<hbm>>
    %dma_wait3A_579 = arith.constant 0 : i32
    %dma_wait3A_580 = arith.constant 0 : i32
    %dma_wait3A_581 = tpu.memref_slice %arg4[%add3A_571, %dma_wait3A_579, %dma_wait3A_580] : memref<16384x50x64xf32, #tpu.memory_space<hbm>> -> memref<1x50x64xf32, #tpu.memory_space<hbm>>
    %dma_wait3A_582 = tpu.memref_squeeze %dma_wait3A_581 : memref<1x50x64xf32, #tpu.memory_space<hbm>> -> memref<50x64xf32, #tpu.memory_space<hbm>>
    %dma_wait3A_583 = arith.constant 0 : i32
    %dma_wait3A_584 = arith.constant 0 : i32
    %dma_wait3A_585 = tpu.memref_slice %arg6[%dma_wait3A_583, %dma_wait3A_584] : memref<400x64xf32, #tpu.memory_space<vmem>> -> memref<50x64xf32, #tpu.memory_space<vmem>>
    tpu.wait_dma2 semaphore(%arg14 : memref<!tpu.dma_semaphore, #tpu.memory_space<semaphore_mem>>) src(%dma_wait3A_585 : memref<50x64xf32, #tpu.memory_space<vmem>>) dst(%dma_wait3A_582 : memref<50x64xf32, #tpu.memory_space<hbm>>)
    %add3A_586 = arith.constant 1 : i32
    %add3A_587 = arith.addi %add3A_569, %add3A_586 : i32
    %dma_wait3A_588 = arith.constant 50 : i32
    %dma_wait3A_589 = arith.constant 0 : i32
    %dma_wait3A_590 = tpu.memref_slice %arg6[%dma_wait3A_588, %dma_wait3A_589] : memref<400x64xf32, #tpu.memory_space<vmem>> -> memref<50x64xf32, #tpu.memory_space<vmem>>
    %dma_wait3A_591 = arith.constant 0 : i32
    %dma_wait3A_592 = arith.constant 0 : i32
    %dma_wait3A_593 = tpu.memref_slice %arg4[%add3A_587, %dma_wait3A_591, %dma_wait3A_592] : memref<16384x50x64xf32, #tpu.memory_space<hbm>> -> memref<1x50x64xf32, #tpu.memory_space<hbm>>
    %dma_wait3A_594 = tpu.memref_squeeze %dma_wait3A_593 : memref<1x50x64xf32, #tpu.memory_space<hbm>> -> memref<50x64xf32, #tpu.memory_space<hbm>>
    %dma_wait3A_595 = arith.constant 0 : i32
    %dma_wait3A_596 = arith.constant 0 : i32
    %dma_wait3A_597 = tpu.memref_slice %arg4[%add3A_587, %dma_wait3A_595, %dma_wait3A_596] : memref<16384x50x64xf32, #tpu.memory_space<hbm>> -> memref<1x50x64xf32, #tpu.memory_space<hbm>>
    %dma_wait3A_598 = tpu.memref_squeeze %dma_wait3A_597 : memref<1x50x64xf32, #tpu.memory_space<hbm>> -> memref<50x64xf32, #tpu.memory_space<hbm>>
    %dma_wait3A_599 = arith.constant 50 : i32
    %dma_wait3A_600 = arith.constant 0 : i32
    %dma_wait3A_601 = tpu.memref_slice %arg6[%dma_wait3A_599, %dma_wait3A_600] : memref<400x64xf32, #tpu.memory_space<vmem>> -> memref<50x64xf32, #tpu.memory_space<vmem>>
    tpu.wait_dma2 semaphore(%arg14 : memref<!tpu.dma_semaphore, #tpu.memory_space<semaphore_mem>>) src(%dma_wait3A_601 : memref<50x64xf32, #tpu.memory_space<vmem>>) dst(%dma_wait3A_598 : memref<50x64xf32, #tpu.memory_space<hbm>>)
    %add3A_602 = arith.constant 2 : i32
    %add3A_603 = arith.addi %add3A_569, %add3A_602 : i32
    %dma_wait3A_604 = arith.constant 100 : i32
    %dma_wait3A_605 = arith.constant 0 : i32
    %dma_wait3A_606 = tpu.memref_slice %arg6[%dma_wait3A_604, %dma_wait3A_605] : memref<400x64xf32, #tpu.memory_space<vmem>> -> memref<50x64xf32, #tpu.memory_space<vmem>>
    %dma_wait3A_607 = arith.constant 0 : i32
    %dma_wait3A_608 = arith.constant 0 : i32
    %dma_wait3A_609 = tpu.memref_slice %arg4[%add3A_603, %dma_wait3A_607, %dma_wait3A_608] : memref<16384x50x64xf32, #tpu.memory_space<hbm>> -> memref<1x50x64xf32, #tpu.memory_space<hbm>>
    %dma_wait3A_610 = tpu.memref_squeeze %dma_wait3A_609 : memref<1x50x64xf32, #tpu.memory_space<hbm>> -> memref<50x64xf32, #tpu.memory_space<hbm>>
    %dma_wait3A_611 = arith.constant 0 : i32
    %dma_wait3A_612 = arith.constant 0 : i32
    %dma_wait3A_613 = tpu.memref_slice %arg4[%add3A_603, %dma_wait3A_611, %dma_wait3A_612] : memref<16384x50x64xf32, #tpu.memory_space<hbm>> -> memref<1x50x64xf32, #tpu.memory_space<hbm>>
    %dma_wait3A_614 = tpu.memref_squeeze %dma_wait3A_613 : memref<1x50x64xf32, #tpu.memory_space<hbm>> -> memref<50x64xf32, #tpu.memory_space<hbm>>
    %dma_wait3A_615 = arith.constant 100 : i32
    %dma_wait3A_616 = arith.constant 0 : i32
    %dma_wait3A_617 = tpu.memref_slice %arg6[%dma_wait3A_615, %dma_wait3A_616] : memref<400x64xf32, #tpu.memory_space<vmem>> -> memref<50x64xf32, #tpu.memory_space<vmem>>
    tpu.wait_dma2 semaphore(%arg14 : memref<!tpu.dma_semaphore, #tpu.memory_space<semaphore_mem>>) src(%dma_wait3A_617 : memref<50x64xf32, #tpu.memory_space<vmem>>) dst(%dma_wait3A_614 : memref<50x64xf32, #tpu.memory_space<hbm>>)
    %add3A_618 = arith.constant 3 : i32
    %add3A_619 = arith.addi %add3A_569, %add3A_618 : i32
    %dma_wait3A_620 = arith.constant 150 : i32
    %dma_wait3A_621 = arith.constant 0 : i32
    %dma_wait3A_622 = tpu.memref_slice %arg6[%dma_wait3A_620, %dma_wait3A_621] : memref<400x64xf32, #tpu.memory_space<vmem>> -> memref<50x64xf32, #tpu.memory_space<vmem>>
    %dma_wait3A_623 = arith.constant 0 : i32
    %dma_wait3A_624 = arith.constant 0 : i32
    %dma_wait3A_625 = tpu.memref_slice %arg4[%add3A_619, %dma_wait3A_623, %dma_wait3A_624] : memref<16384x50x64xf32, #tpu.memory_space<hbm>> -> memref<1x50x64xf32, #tpu.memory_space<hbm>>
    %dma_wait3A_626 = tpu.memref_squeeze %dma_wait3A_625 : memref<1x50x64xf32, #tpu.memory_space<hbm>> -> memref<50x64xf32, #tpu.memory_space<hbm>>
    %dma_wait3A_627 = arith.constant 0 : i32
    %dma_wait3A_628 = arith.constant 0 : i32
    %dma_wait3A_629 = tpu.memref_slice %arg4[%add3A_619, %dma_wait3A_627, %dma_wait3A_628] : memref<16384x50x64xf32, #tpu.memory_space<hbm>> -> memref<1x50x64xf32, #tpu.memory_space<hbm>>
    %dma_wait3A_630 = tpu.memref_squeeze %dma_wait3A_629 : memref<1x50x64xf32, #tpu.memory_space<hbm>> -> memref<50x64xf32, #tpu.memory_space<hbm>>
    %dma_wait3A_631 = arith.constant 150 : i32
    %dma_wait3A_632 = arith.constant 0 : i32
    %dma_wait3A_633 = tpu.memref_slice %arg6[%dma_wait3A_631, %dma_wait3A_632] : memref<400x64xf32, #tpu.memory_space<vmem>> -> memref<50x64xf32, #tpu.memory_space<vmem>>
    tpu.wait_dma2 semaphore(%arg14 : memref<!tpu.dma_semaphore, #tpu.memory_space<semaphore_mem>>) src(%dma_wait3A_633 : memref<50x64xf32, #tpu.memory_space<vmem>>) dst(%dma_wait3A_630 : memref<50x64xf32, #tpu.memory_space<hbm>>)
    %add3A_634 = arith.constant 4 : i32
    %add3A_635 = arith.addi %add3A_569, %add3A_634 : i32
    %dma_wait3A_636 = arith.constant 200 : i32
    %dma_wait3A_637 = arith.constant 0 : i32
    %dma_wait3A_638 = tpu.memref_slice %arg6[%dma_wait3A_636, %dma_wait3A_637] : memref<400x64xf32, #tpu.memory_space<vmem>> -> memref<50x64xf32, #tpu.memory_space<vmem>>
    %dma_wait3A_639 = arith.constant 0 : i32
    %dma_wait3A_640 = arith.constant 0 : i32
    %dma_wait3A_641 = tpu.memref_slice %arg4[%add3A_635, %dma_wait3A_639, %dma_wait3A_640] : memref<16384x50x64xf32, #tpu.memory_space<hbm>> -> memref<1x50x64xf32, #tpu.memory_space<hbm>>
    %dma_wait3A_642 = tpu.memref_squeeze %dma_wait3A_641 : memref<1x50x64xf32, #tpu.memory_space<hbm>> -> memref<50x64xf32, #tpu.memory_space<hbm>>
    %dma_wait3A_643 = arith.constant 0 : i32
    %dma_wait3A_644 = arith.constant 0 : i32
    %dma_wait3A_645 = tpu.memref_slice %arg4[%add3A_635, %dma_wait3A_643, %dma_wait3A_644] : memref<16384x50x64xf32, #tpu.memory_space<hbm>> -> memref<1x50x64xf32, #tpu.memory_space<hbm>>
    %dma_wait3A_646 = tpu.memref_squeeze %dma_wait3A_645 : memref<1x50x64xf32, #tpu.memory_space<hbm>> -> memref<50x64xf32, #tpu.memory_space<hbm>>
    %dma_wait3A_647 = arith.constant 200 : i32
    %dma_wait3A_648 = arith.constant 0 : i32
    %dma_wait3A_649 = tpu.memref_slice %arg6[%dma_wait3A_647, %dma_wait3A_648] : memref<400x64xf32, #tpu.memory_space<vmem>> -> memref<50x64xf32, #tpu.memory_space<vmem>>
    tpu.wait_dma2 semaphore(%arg14 : memref<!tpu.dma_semaphore, #tpu.memory_space<semaphore_mem>>) src(%dma_wait3A_649 : memref<50x64xf32, #tpu.memory_space<vmem>>) dst(%dma_wait3A_646 : memref<50x64xf32, #tpu.memory_space<hbm>>)
    %add3A_650 = arith.constant 5 : i32
    %add3A_651 = arith.addi %add3A_569, %add3A_650 : i32
    %dma_wait3A_652 = arith.constant 250 : i32
    %dma_wait3A_653 = arith.constant 0 : i32
    %dma_wait3A_654 = tpu.memref_slice %arg6[%dma_wait3A_652, %dma_wait3A_653] : memref<400x64xf32, #tpu.memory_space<vmem>> -> memref<50x64xf32, #tpu.memory_space<vmem>>
    %dma_wait3A_655 = arith.constant 0 : i32
    %dma_wait3A_656 = arith.constant 0 : i32
    %dma_wait3A_657 = tpu.memref_slice %arg4[%add3A_651, %dma_wait3A_655, %dma_wait3A_656] : memref<16384x50x64xf32, #tpu.memory_space<hbm>> -> memref<1x50x64xf32, #tpu.memory_space<hbm>>
    %dma_wait3A_658 = tpu.memref_squeeze %dma_wait3A_657 : memref<1x50x64xf32, #tpu.memory_space<hbm>> -> memref<50x64xf32, #tpu.memory_space<hbm>>
    %dma_wait3A_659 = arith.constant 0 : i32
    %dma_wait3A_660 = arith.constant 0 : i32
    %dma_wait3A_661 = tpu.memref_slice %arg4[%add3A_651, %dma_wait3A_659, %dma_wait3A_660] : memref<16384x50x64xf32, #tpu.memory_space<hbm>> -> memref<1x50x64xf32, #tpu.memory_space<hbm>>
    %dma_wait3A_662 = tpu.memref_squeeze %dma_wait3A_661 : memref<1x50x64xf32, #tpu.memory_space<hbm>> -> memref<50x64xf32, #tpu.memory_space<hbm>>
    %dma_wait3A_663 = arith.constant 250 : i32
    %dma_wait3A_664 = arith.constant 0 : i32
    %dma_wait3A_665 = tpu.memref_slice %arg6[%dma_wait3A_663, %dma_wait3A_664] : memref<400x64xf32, #tpu.memory_space<vmem>> -> memref<50x64xf32, #tpu.memory_space<vmem>>
    tpu.wait_dma2 semaphore(%arg14 : memref<!tpu.dma_semaphore, #tpu.memory_space<semaphore_mem>>) src(%dma_wait3A_665 : memref<50x64xf32, #tpu.memory_space<vmem>>) dst(%dma_wait3A_662 : memref<50x64xf32, #tpu.memory_space<hbm>>)
    %add3A_666 = arith.constant 6 : i32
    %add3A_667 = arith.addi %add3A_569, %add3A_666 : i32
    %dma_wait3A_668 = arith.constant 300 : i32
    %dma_wait3A_669 = arith.constant 0 : i32
    %dma_wait3A_670 = tpu.memref_slice %arg6[%dma_wait3A_668, %dma_wait3A_669] : memref<400x64xf32, #tpu.memory_space<vmem>> -> memref<50x64xf32, #tpu.memory_space<vmem>>
    %dma_wait3A_671 = arith.constant 0 : i32
    %dma_wait3A_672 = arith.constant 0 : i32
    %dma_wait3A_673 = tpu.memref_slice %arg4[%add3A_667, %dma_wait3A_671, %dma_wait3A_672] : memref<16384x50x64xf32, #tpu.memory_space<hbm>> -> memref<1x50x64xf32, #tpu.memory_space<hbm>>
    %dma_wait3A_674 = tpu.memref_squeeze %dma_wait3A_673 : memref<1x50x64xf32, #tpu.memory_space<hbm>> -> memref<50x64xf32, #tpu.memory_space<hbm>>
    %dma_wait3A_675 = arith.constant 0 : i32
    %dma_wait3A_676 = arith.constant 0 : i32
    %dma_wait3A_677 = tpu.memref_slice %arg4[%add3A_667, %dma_wait3A_675, %dma_wait3A_676] : memref<16384x50x64xf32, #tpu.memory_space<hbm>> -> memref<1x50x64xf32, #tpu.memory_space<hbm>>
    %dma_wait3A_678 = tpu.memref_squeeze %dma_wait3A_677 : memref<1x50x64xf32, #tpu.memory_space<hbm>> -> memref<50x64xf32, #tpu.memory_space<hbm>>
    %dma_wait3A_679 = arith.constant 300 : i32
    %dma_wait3A_680 = arith.constant 0 : i32
    %dma_wait3A_681 = tpu.memref_slice %arg6[%dma_wait3A_679, %dma_wait3A_680] : memref<400x64xf32, #tpu.memory_space<vmem>> -> memref<50x64xf32, #tpu.memory_space<vmem>>
    tpu.wait_dma2 semaphore(%arg14 : memref<!tpu.dma_semaphore, #tpu.memory_space<semaphore_mem>>) src(%dma_wait3A_681 : memref<50x64xf32, #tpu.memory_space<vmem>>) dst(%dma_wait3A_678 : memref<50x64xf32, #tpu.memory_space<hbm>>)
    %add3A_682 = arith.constant 7 : i32
    %add3A_683 = arith.addi %add3A_569, %add3A_682 : i32
    %dma_wait3A_684 = arith.constant 350 : i32
    %dma_wait3A_685 = arith.constant 0 : i32
    %dma_wait3A_686 = tpu.memref_slice %arg6[%dma_wait3A_684, %dma_wait3A_685] : memref<400x64xf32, #tpu.memory_space<vmem>> -> memref<50x64xf32, #tpu.memory_space<vmem>>
    %dma_wait3A_687 = arith.constant 0 : i32
    %dma_wait3A_688 = arith.constant 0 : i32
    %dma_wait3A_689 = tpu.memref_slice %arg4[%add3A_683, %dma_wait3A_687, %dma_wait3A_688] : memref<16384x50x64xf32, #tpu.memory_space<hbm>> -> memref<1x50x64xf32, #tpu.memory_space<hbm>>
    %dma_wait3A_690 = tpu.memref_squeeze %dma_wait3A_689 : memref<1x50x64xf32, #tpu.memory_space<hbm>> -> memref<50x64xf32, #tpu.memory_space<hbm>>
    %dma_wait3A_691 = arith.constant 0 : i32
    %dma_wait3A_692 = arith.constant 0 : i32
    %dma_wait3A_693 = tpu.memref_slice %arg4[%add3A_683, %dma_wait3A_691, %dma_wait3A_692] : memref<16384x50x64xf32, #tpu.memory_space<hbm>> -> memref<1x50x64xf32, #tpu.memory_space<hbm>>
    %dma_wait3A_694 = tpu.memref_squeeze %dma_wait3A_693 : memref<1x50x64xf32, #tpu.memory_space<hbm>> -> memref<50x64xf32, #tpu.memory_space<hbm>>
    %dma_wait3A_695 = arith.constant 350 : i32
    %dma_wait3A_696 = arith.constant 0 : i32
    %dma_wait3A_697 = tpu.memref_slice %arg6[%dma_wait3A_695, %dma_wait3A_696] : memref<400x64xf32, #tpu.memory_space<vmem>> -> memref<50x64xf32, #tpu.memory_space<vmem>>
    tpu.wait_dma2 semaphore(%arg14 : memref<!tpu.dma_semaphore, #tpu.memory_space<semaphore_mem>>) src(%dma_wait3A_697 : memref<50x64xf32, #tpu.memory_space<vmem>>) dst(%dma_wait3A_694 : memref<50x64xf32, #tpu.memory_space<hbm>>)
    %add3A_698 = arith.constant 488 : i32
    %add3A_699 = arith.addi %mul3A_2, %add3A_698 : i32
    %add3A_700 = arith.constant 0 : i32
    %add3A_701 = arith.addi %add3A_699, %add3A_700 : i32
    %dma_wait3A_702 = arith.constant 0 : i32
    %dma_wait3A_703 = arith.constant 0 : i32
    %dma_wait3A_704 = tpu.memref_slice %arg7[%dma_wait3A_702, %dma_wait3A_703] : memref<400x64xf32, #tpu.memory_space<vmem>> -> memref<50x64xf32, #tpu.memory_space<vmem>>
    %dma_wait3A_705 = arith.constant 0 : i32
    %dma_wait3A_706 = arith.constant 0 : i32
    %dma_wait3A_707 = tpu.memref_slice %arg4[%add3A_701, %dma_wait3A_705, %dma_wait3A_706] : memref<16384x50x64xf32, #tpu.memory_space<hbm>> -> memref<1x50x64xf32, #tpu.memory_space<hbm>>
    %dma_wait3A_708 = tpu.memref_squeeze %dma_wait3A_707 : memref<1x50x64xf32, #tpu.memory_space<hbm>> -> memref<50x64xf32, #tpu.memory_space<hbm>>
    %dma_wait3A_709 = arith.constant 0 : i32
    %dma_wait3A_710 = arith.constant 0 : i32
    %dma_wait3A_711 = tpu.memref_slice %arg4[%add3A_701, %dma_wait3A_709, %dma_wait3A_710] : memref<16384x50x64xf32, #tpu.memory_space<hbm>> -> memref<1x50x64xf32, #tpu.memory_space<hbm>>
    %dma_wait3A_712 = tpu.memref_squeeze %dma_wait3A_711 : memref<1x50x64xf32, #tpu.memory_space<hbm>> -> memref<50x64xf32, #tpu.memory_space<hbm>>
    %dma_wait3A_713 = arith.constant 0 : i32
    %dma_wait3A_714 = arith.constant 0 : i32
    %dma_wait3A_715 = tpu.memref_slice %arg7[%dma_wait3A_713, %dma_wait3A_714] : memref<400x64xf32, #tpu.memory_space<vmem>> -> memref<50x64xf32, #tpu.memory_space<vmem>>
    tpu.wait_dma2 semaphore(%arg15 : memref<!tpu.dma_semaphore, #tpu.memory_space<semaphore_mem>>) src(%dma_wait3A_715 : memref<50x64xf32, #tpu.memory_space<vmem>>) dst(%dma_wait3A_712 : memref<50x64xf32, #tpu.memory_space<hbm>>)
    %add3A_716 = arith.constant 1 : i32
    %add3A_717 = arith.addi %add3A_699, %add3A_716 : i32
    %dma_wait3A_718 = arith.constant 50 : i32
    %dma_wait3A_719 = arith.constant 0 : i32
    %dma_wait3A_720 = tpu.memref_slice %arg7[%dma_wait3A_718, %dma_wait3A_719] : memref<400x64xf32, #tpu.memory_space<vmem>> -> memref<50x64xf32, #tpu.memory_space<vmem>>
    %dma_wait3A_721 = arith.constant 0 : i32
    %dma_wait3A_722 = arith.constant 0 : i32
    %dma_wait3A_723 = tpu.memref_slice %arg4[%add3A_717, %dma_wait3A_721, %dma_wait3A_722] : memref<16384x50x64xf32, #tpu.memory_space<hbm>> -> memref<1x50x64xf32, #tpu.memory_space<hbm>>
    %dma_wait3A_724 = tpu.memref_squeeze %dma_wait3A_723 : memref<1x50x64xf32, #tpu.memory_space<hbm>> -> memref<50x64xf32, #tpu.memory_space<hbm>>
    %dma_wait3A_725 = arith.constant 0 : i32
    %dma_wait3A_726 = arith.constant 0 : i32
    %dma_wait3A_727 = tpu.memref_slice %arg4[%add3A_717, %dma_wait3A_725, %dma_wait3A_726] : memref<16384x50x64xf32, #tpu.memory_space<hbm>> -> memref<1x50x64xf32, #tpu.memory_space<hbm>>
    %dma_wait3A_728 = tpu.memref_squeeze %dma_wait3A_727 : memref<1x50x64xf32, #tpu.memory_space<hbm>> -> memref<50x64xf32, #tpu.memory_space<hbm>>
    %dma_wait3A_729 = arith.constant 50 : i32
    %dma_wait3A_730 = arith.constant 0 : i32
    %dma_wait3A_731 = tpu.memref_slice %arg7[%dma_wait3A_729, %dma_wait3A_730] : memref<400x64xf32, #tpu.memory_space<vmem>> -> memref<50x64xf32, #tpu.memory_space<vmem>>
    tpu.wait_dma2 semaphore(%arg15 : memref<!tpu.dma_semaphore, #tpu.memory_space<semaphore_mem>>) src(%dma_wait3A_731 : memref<50x64xf32, #tpu.memory_space<vmem>>) dst(%dma_wait3A_728 : memref<50x64xf32, #tpu.memory_space<hbm>>)
    %add3A_732 = arith.constant 2 : i32
    %add3A_733 = arith.addi %add3A_699, %add3A_732 : i32
    %dma_wait3A_734 = arith.constant 100 : i32
    %dma_wait3A_735 = arith.constant 0 : i32
    %dma_wait3A_736 = tpu.memref_slice %arg7[%dma_wait3A_734, %dma_wait3A_735] : memref<400x64xf32, #tpu.memory_space<vmem>> -> memref<50x64xf32, #tpu.memory_space<vmem>>
    %dma_wait3A_737 = arith.constant 0 : i32
    %dma_wait3A_738 = arith.constant 0 : i32
    %dma_wait3A_739 = tpu.memref_slice %arg4[%add3A_733, %dma_wait3A_737, %dma_wait3A_738] : memref<16384x50x64xf32, #tpu.memory_space<hbm>> -> memref<1x50x64xf32, #tpu.memory_space<hbm>>
    %dma_wait3A_740 = tpu.memref_squeeze %dma_wait3A_739 : memref<1x50x64xf32, #tpu.memory_space<hbm>> -> memref<50x64xf32, #tpu.memory_space<hbm>>
    %dma_wait3A_741 = arith.constant 0 : i32
    %dma_wait3A_742 = arith.constant 0 : i32
    %dma_wait3A_743 = tpu.memref_slice %arg4[%add3A_733, %dma_wait3A_741, %dma_wait3A_742] : memref<16384x50x64xf32, #tpu.memory_space<hbm>> -> memref<1x50x64xf32, #tpu.memory_space<hbm>>
    %dma_wait3A_744 = tpu.memref_squeeze %dma_wait3A_743 : memref<1x50x64xf32, #tpu.memory_space<hbm>> -> memref<50x64xf32, #tpu.memory_space<hbm>>
    %dma_wait3A_745 = arith.constant 100 : i32
    %dma_wait3A_746 = arith.constant 0 : i32
    %dma_wait3A_747 = tpu.memref_slice %arg7[%dma_wait3A_745, %dma_wait3A_746] : memref<400x64xf32, #tpu.memory_space<vmem>> -> memref<50x64xf32, #tpu.memory_space<vmem>>
    tpu.wait_dma2 semaphore(%arg15 : memref<!tpu.dma_semaphore, #tpu.memory_space<semaphore_mem>>) src(%dma_wait3A_747 : memref<50x64xf32, #tpu.memory_space<vmem>>) dst(%dma_wait3A_744 : memref<50x64xf32, #tpu.memory_space<hbm>>)
    %add3A_748 = arith.constant 3 : i32
    %add3A_749 = arith.addi %add3A_699, %add3A_748 : i32
    %dma_wait3A_750 = arith.constant 150 : i32
    %dma_wait3A_751 = arith.constant 0 : i32
    %dma_wait3A_752 = tpu.memref_slice %arg7[%dma_wait3A_750, %dma_wait3A_751] : memref<400x64xf32, #tpu.memory_space<vmem>> -> memref<50x64xf32, #tpu.memory_space<vmem>>
    %dma_wait3A_753 = arith.constant 0 : i32
    %dma_wait3A_754 = arith.constant 0 : i32
    %dma_wait3A_755 = tpu.memref_slice %arg4[%add3A_749, %dma_wait3A_753, %dma_wait3A_754] : memref<16384x50x64xf32, #tpu.memory_space<hbm>> -> memref<1x50x64xf32, #tpu.memory_space<hbm>>
    %dma_wait3A_756 = tpu.memref_squeeze %dma_wait3A_755 : memref<1x50x64xf32, #tpu.memory_space<hbm>> -> memref<50x64xf32, #tpu.memory_space<hbm>>
    %dma_wait3A_757 = arith.constant 0 : i32
    %dma_wait3A_758 = arith.constant 0 : i32
    %dma_wait3A_759 = tpu.memref_slice %arg4[%add3A_749, %dma_wait3A_757, %dma_wait3A_758] : memref<16384x50x64xf32, #tpu.memory_space<hbm>> -> memref<1x50x64xf32, #tpu.memory_space<hbm>>
    %dma_wait3A_760 = tpu.memref_squeeze %dma_wait3A_759 : memref<1x50x64xf32, #tpu.memory_space<hbm>> -> memref<50x64xf32, #tpu.memory_space<hbm>>
    %dma_wait3A_761 = arith.constant 150 : i32
    %dma_wait3A_762 = arith.constant 0 : i32
    %dma_wait3A_763 = tpu.memref_slice %arg7[%dma_wait3A_761, %dma_wait3A_762] : memref<400x64xf32, #tpu.memory_space<vmem>> -> memref<50x64xf32, #tpu.memory_space<vmem>>
    tpu.wait_dma2 semaphore(%arg15 : memref<!tpu.dma_semaphore, #tpu.memory_space<semaphore_mem>>) src(%dma_wait3A_763 : memref<50x64xf32, #tpu.memory_space<vmem>>) dst(%dma_wait3A_760 : memref<50x64xf32, #tpu.memory_space<hbm>>)
    %add3A_764 = arith.constant 4 : i32
    %add3A_765 = arith.addi %add3A_699, %add3A_764 : i32
    %dma_wait3A_766 = arith.constant 200 : i32
    %dma_wait3A_767 = arith.constant 0 : i32
    %dma_wait3A_768 = tpu.memref_slice %arg7[%dma_wait3A_766, %dma_wait3A_767] : memref<400x64xf32, #tpu.memory_space<vmem>> -> memref<50x64xf32, #tpu.memory_space<vmem>>
    %dma_wait3A_769 = arith.constant 0 : i32
    %dma_wait3A_770 = arith.constant 0 : i32
    %dma_wait3A_771 = tpu.memref_slice %arg4[%add3A_765, %dma_wait3A_769, %dma_wait3A_770] : memref<16384x50x64xf32, #tpu.memory_space<hbm>> -> memref<1x50x64xf32, #tpu.memory_space<hbm>>
    %dma_wait3A_772 = tpu.memref_squeeze %dma_wait3A_771 : memref<1x50x64xf32, #tpu.memory_space<hbm>> -> memref<50x64xf32, #tpu.memory_space<hbm>>
    %dma_wait3A_773 = arith.constant 0 : i32
    %dma_wait3A_774 = arith.constant 0 : i32
    %dma_wait3A_775 = tpu.memref_slice %arg4[%add3A_765, %dma_wait3A_773, %dma_wait3A_774] : memref<16384x50x64xf32, #tpu.memory_space<hbm>> -> memref<1x50x64xf32, #tpu.memory_space<hbm>>
    %dma_wait3A_776 = tpu.memref_squeeze %dma_wait3A_775 : memref<1x50x64xf32, #tpu.memory_space<hbm>> -> memref<50x64xf32, #tpu.memory_space<hbm>>
    %dma_wait3A_777 = arith.constant 200 : i32
    %dma_wait3A_778 = arith.constant 0 : i32
    %dma_wait3A_779 = tpu.memref_slice %arg7[%dma_wait3A_777, %dma_wait3A_778] : memref<400x64xf32, #tpu.memory_space<vmem>> -> memref<50x64xf32, #tpu.memory_space<vmem>>
    tpu.wait_dma2 semaphore(%arg15 : memref<!tpu.dma_semaphore, #tpu.memory_space<semaphore_mem>>) src(%dma_wait3A_779 : memref<50x64xf32, #tpu.memory_space<vmem>>) dst(%dma_wait3A_776 : memref<50x64xf32, #tpu.memory_space<hbm>>)
    %add3A_780 = arith.constant 5 : i32
    %add3A_781 = arith.addi %add3A_699, %add3A_780 : i32
    %dma_wait3A_782 = arith.constant 250 : i32
    %dma_wait3A_783 = arith.constant 0 : i32
    %dma_wait3A_784 = tpu.memref_slice %arg7[%dma_wait3A_782, %dma_wait3A_783] : memref<400x64xf32, #tpu.memory_space<vmem>> -> memref<50x64xf32, #tpu.memory_space<vmem>>
    %dma_wait3A_785 = arith.constant 0 : i32
    %dma_wait3A_786 = arith.constant 0 : i32
    %dma_wait3A_787 = tpu.memref_slice %arg4[%add3A_781, %dma_wait3A_785, %dma_wait3A_786] : memref<16384x50x64xf32, #tpu.memory_space<hbm>> -> memref<1x50x64xf32, #tpu.memory_space<hbm>>
    %dma_wait3A_788 = tpu.memref_squeeze %dma_wait3A_787 : memref<1x50x64xf32, #tpu.memory_space<hbm>> -> memref<50x64xf32, #tpu.memory_space<hbm>>
    %dma_wait3A_789 = arith.constant 0 : i32
    %dma_wait3A_790 = arith.constant 0 : i32
    %dma_wait3A_791 = tpu.memref_slice %arg4[%add3A_781, %dma_wait3A_789, %dma_wait3A_790] : memref<16384x50x64xf32, #tpu.memory_space<hbm>> -> memref<1x50x64xf32, #tpu.memory_space<hbm>>
    %dma_wait3A_792 = tpu.memref_squeeze %dma_wait3A_791 : memref<1x50x64xf32, #tpu.memory_space<hbm>> -> memref<50x64xf32, #tpu.memory_space<hbm>>
    %dma_wait3A_793 = arith.constant 250 : i32
    %dma_wait3A_794 = arith.constant 0 : i32
    %dma_wait3A_795 = tpu.memref_slice %arg7[%dma_wait3A_793, %dma_wait3A_794] : memref<400x64xf32, #tpu.memory_space<vmem>> -> memref<50x64xf32, #tpu.memory_space<vmem>>
    tpu.wait_dma2 semaphore(%arg15 : memref<!tpu.dma_semaphore, #tpu.memory_space<semaphore_mem>>) src(%dma_wait3A_795 : memref<50x64xf32, #tpu.memory_space<vmem>>) dst(%dma_wait3A_792 : memref<50x64xf32, #tpu.memory_space<hbm>>)
    %add3A_796 = arith.constant 6 : i32
    %add3A_797 = arith.addi %add3A_699, %add3A_796 : i32
    %dma_wait3A_798 = arith.constant 300 : i32
    %dma_wait3A_799 = arith.constant 0 : i32
    %dma_wait3A_800 = tpu.memref_slice %arg7[%dma_wait3A_798, %dma_wait3A_799] : memref<400x64xf32, #tpu.memory_space<vmem>> -> memref<50x64xf32, #tpu.memory_space<vmem>>
    %dma_wait3A_801 = arith.constant 0 : i32
    %dma_wait3A_802 = arith.constant 0 : i32
    %dma_wait3A_803 = tpu.memref_slice %arg4[%add3A_797, %dma_wait3A_801, %dma_wait3A_802] : memref<16384x50x64xf32, #tpu.memory_space<hbm>> -> memref<1x50x64xf32, #tpu.memory_space<hbm>>
    %dma_wait3A_804 = tpu.memref_squeeze %dma_wait3A_803 : memref<1x50x64xf32, #tpu.memory_space<hbm>> -> memref<50x64xf32, #tpu.memory_space<hbm>>
    %dma_wait3A_805 = arith.constant 0 : i32
    %dma_wait3A_806 = arith.constant 0 : i32
    %dma_wait3A_807 = tpu.memref_slice %arg4[%add3A_797, %dma_wait3A_805, %dma_wait3A_806] : memref<16384x50x64xf32, #tpu.memory_space<hbm>> -> memref<1x50x64xf32, #tpu.memory_space<hbm>>
    %dma_wait3A_808 = tpu.memref_squeeze %dma_wait3A_807 : memref<1x50x64xf32, #tpu.memory_space<hbm>> -> memref<50x64xf32, #tpu.memory_space<hbm>>
    %dma_wait3A_809 = arith.constant 300 : i32
    %dma_wait3A_810 = arith.constant 0 : i32
    %dma_wait3A_811 = tpu.memref_slice %arg7[%dma_wait3A_809, %dma_wait3A_810] : memref<400x64xf32, #tpu.memory_space<vmem>> -> memref<50x64xf32, #tpu.memory_space<vmem>>
    tpu.wait_dma2 semaphore(%arg15 : memref<!tpu.dma_semaphore, #tpu.memory_space<semaphore_mem>>) src(%dma_wait3A_811 : memref<50x64xf32, #tpu.memory_space<vmem>>) dst(%dma_wait3A_808 : memref<50x64xf32, #tpu.memory_space<hbm>>)
    %add3A_812 = arith.constant 7 : i32
    %add3A_813 = arith.addi %add3A_699, %add3A_812 : i32
    %dma_wait3A_814 = arith.constant 350 : i32
    %dma_wait3A_815 = arith.constant 0 : i32
    %dma_wait3A_816 = tpu.memref_slice %arg7[%dma_wait3A_814, %dma_wait3A_815] : memref<400x64xf32, #tpu.memory_space<vmem>> -> memref<50x64xf32, #tpu.memory_space<vmem>>
    %dma_wait3A_817 = arith.constant 0 : i32
    %dma_wait3A_818 = arith.constant 0 : i32
    %dma_wait3A_819 = tpu.memref_slice %arg4[%add3A_813, %dma_wait3A_817, %dma_wait3A_818] : memref<16384x50x64xf32, #tpu.memory_space<hbm>> -> memref<1x50x64xf32, #tpu.memory_space<hbm>>
    %dma_wait3A_820 = tpu.memref_squeeze %dma_wait3A_819 : memref<1x50x64xf32, #tpu.memory_space<hbm>> -> memref<50x64xf32, #tpu.memory_space<hbm>>
    %dma_wait3A_821 = arith.constant 0 : i32
    %dma_wait3A_822 = arith.constant 0 : i32
    %dma_wait3A_823 = tpu.memref_slice %arg4[%add3A_813, %dma_wait3A_821, %dma_wait3A_822] : memref<16384x50x64xf32, #tpu.memory_space<hbm>> -> memref<1x50x64xf32, #tpu.memory_space<hbm>>
    %dma_wait3A_824 = tpu.memref_squeeze %dma_wait3A_823 : memref<1x50x64xf32, #tpu.memory_space<hbm>> -> memref<50x64xf32, #tpu.memory_space<hbm>>
    %dma_wait3A_825 = arith.constant 350 : i32
    %dma_wait3A_826 = arith.constant 0 : i32
    %dma_wait3A_827 = tpu.memref_slice %arg7[%dma_wait3A_825, %dma_wait3A_826] : memref<400x64xf32, #tpu.memory_space<vmem>> -> memref<50x64xf32, #tpu.memory_space<vmem>>
    tpu.wait_dma2 semaphore(%arg15 : memref<!tpu.dma_semaphore, #tpu.memory_space<semaphore_mem>>) src(%dma_wait3A_827 : memref<50x64xf32, #tpu.memory_space<vmem>>) dst(%dma_wait3A_824 : memref<50x64xf32, #tpu.memory_space<hbm>>)
    %add3A_828 = arith.constant 496 : i32
    %add3A_829 = arith.addi %mul3A_2, %add3A_828 : i32
    %add3A_830 = arith.constant 0 : i32
    %add3A_831 = arith.addi %add3A_829, %add3A_830 : i32
    %dma_wait3A_832 = arith.constant 0 : i32
    %dma_wait3A_833 = arith.constant 0 : i32
    %dma_wait3A_834 = tpu.memref_slice %arg8[%dma_wait3A_832, %dma_wait3A_833] : memref<400x64xf32, #tpu.memory_space<vmem>> -> memref<50x64xf32, #tpu.memory_space<vmem>>
    %dma_wait3A_835 = arith.constant 0 : i32
    %dma_wait3A_836 = arith.constant 0 : i32
    %dma_wait3A_837 = tpu.memref_slice %arg4[%add3A_831, %dma_wait3A_835, %dma_wait3A_836] : memref<16384x50x64xf32, #tpu.memory_space<hbm>> -> memref<1x50x64xf32, #tpu.memory_space<hbm>>
    %dma_wait3A_838 = tpu.memref_squeeze %dma_wait3A_837 : memref<1x50x64xf32, #tpu.memory_space<hbm>> -> memref<50x64xf32, #tpu.memory_space<hbm>>
    %dma_wait3A_839 = arith.constant 0 : i32
    %dma_wait3A_840 = arith.constant 0 : i32
    %dma_wait3A_841 = tpu.memref_slice %arg4[%add3A_831, %dma_wait3A_839, %dma_wait3A_840] : memref<16384x50x64xf32, #tpu.memory_space<hbm>> -> memref<1x50x64xf32, #tpu.memory_space<hbm>>
    %dma_wait3A_842 = tpu.memref_squeeze %dma_wait3A_841 : memref<1x50x64xf32, #tpu.memory_space<hbm>> -> memref<50x64xf32, #tpu.memory_space<hbm>>
    %dma_wait3A_843 = arith.constant 0 : i32
    %dma_wait3A_844 = arith.constant 0 : i32
    %dma_wait3A_845 = tpu.memref_slice %arg8[%dma_wait3A_843, %dma_wait3A_844] : memref<400x64xf32, #tpu.memory_space<vmem>> -> memref<50x64xf32, #tpu.memory_space<vmem>>
    tpu.wait_dma2 semaphore(%arg16 : memref<!tpu.dma_semaphore, #tpu.memory_space<semaphore_mem>>) src(%dma_wait3A_845 : memref<50x64xf32, #tpu.memory_space<vmem>>) dst(%dma_wait3A_842 : memref<50x64xf32, #tpu.memory_space<hbm>>)
    %add3A_846 = arith.constant 1 : i32
    %add3A_847 = arith.addi %add3A_829, %add3A_846 : i32
    %dma_wait3A_848 = arith.constant 50 : i32
    %dma_wait3A_849 = arith.constant 0 : i32
    %dma_wait3A_850 = tpu.memref_slice %arg8[%dma_wait3A_848, %dma_wait3A_849] : memref<400x64xf32, #tpu.memory_space<vmem>> -> memref<50x64xf32, #tpu.memory_space<vmem>>
    %dma_wait3A_851 = arith.constant 0 : i32
    %dma_wait3A_852 = arith.constant 0 : i32
    %dma_wait3A_853 = tpu.memref_slice %arg4[%add3A_847, %dma_wait3A_851, %dma_wait3A_852] : memref<16384x50x64xf32, #tpu.memory_space<hbm>> -> memref<1x50x64xf32, #tpu.memory_space<hbm>>
    %dma_wait3A_854 = tpu.memref_squeeze %dma_wait3A_853 : memref<1x50x64xf32, #tpu.memory_space<hbm>> -> memref<50x64xf32, #tpu.memory_space<hbm>>
    %dma_wait3A_855 = arith.constant 0 : i32
    %dma_wait3A_856 = arith.constant 0 : i32
    %dma_wait3A_857 = tpu.memref_slice %arg4[%add3A_847, %dma_wait3A_855, %dma_wait3A_856] : memref<16384x50x64xf32, #tpu.memory_space<hbm>> -> memref<1x50x64xf32, #tpu.memory_space<hbm>>
    %dma_wait3A_858 = tpu.memref_squeeze %dma_wait3A_857 : memref<1x50x64xf32, #tpu.memory_space<hbm>> -> memref<50x64xf32, #tpu.memory_space<hbm>>
    %dma_wait3A_859 = arith.constant 50 : i32
    %dma_wait3A_860 = arith.constant 0 : i32
    %dma_wait3A_861 = tpu.memref_slice %arg8[%dma_wait3A_859, %dma_wait3A_860] : memref<400x64xf32, #tpu.memory_space<vmem>> -> memref<50x64xf32, #tpu.memory_space<vmem>>
    tpu.wait_dma2 semaphore(%arg16 : memref<!tpu.dma_semaphore, #tpu.memory_space<semaphore_mem>>) src(%dma_wait3A_861 : memref<50x64xf32, #tpu.memory_space<vmem>>) dst(%dma_wait3A_858 : memref<50x64xf32, #tpu.memory_space<hbm>>)
    %add3A_862 = arith.constant 2 : i32
    %add3A_863 = arith.addi %add3A_829, %add3A_862 : i32
    %dma_wait3A_864 = arith.constant 100 : i32
    %dma_wait3A_865 = arith.constant 0 : i32
    %dma_wait3A_866 = tpu.memref_slice %arg8[%dma_wait3A_864, %dma_wait3A_865] : memref<400x64xf32, #tpu.memory_space<vmem>> -> memref<50x64xf32, #tpu.memory_space<vmem>>
    %dma_wait3A_867 = arith.constant 0 : i32
    %dma_wait3A_868 = arith.constant 0 : i32
    %dma_wait3A_869 = tpu.memref_slice %arg4[%add3A_863, %dma_wait3A_867, %dma_wait3A_868] : memref<16384x50x64xf32, #tpu.memory_space<hbm>> -> memref<1x50x64xf32, #tpu.memory_space<hbm>>
    %dma_wait3A_870 = tpu.memref_squeeze %dma_wait3A_869 : memref<1x50x64xf32, #tpu.memory_space<hbm>> -> memref<50x64xf32, #tpu.memory_space<hbm>>
    %dma_wait3A_871 = arith.constant 0 : i32
    %dma_wait3A_872 = arith.constant 0 : i32
    %dma_wait3A_873 = tpu.memref_slice %arg4[%add3A_863, %dma_wait3A_871, %dma_wait3A_872] : memref<16384x50x64xf32, #tpu.memory_space<hbm>> -> memref<1x50x64xf32, #tpu.memory_space<hbm>>
    %dma_wait3A_874 = tpu.memref_squeeze %dma_wait3A_873 : memref<1x50x64xf32, #tpu.memory_space<hbm>> -> memref<50x64xf32, #tpu.memory_space<hbm>>
    %dma_wait3A_875 = arith.constant 100 : i32
    %dma_wait3A_876 = arith.constant 0 : i32
    %dma_wait3A_877 = tpu.memref_slice %arg8[%dma_wait3A_875, %dma_wait3A_876] : memref<400x64xf32, #tpu.memory_space<vmem>> -> memref<50x64xf32, #tpu.memory_space<vmem>>
    tpu.wait_dma2 semaphore(%arg16 : memref<!tpu.dma_semaphore, #tpu.memory_space<semaphore_mem>>) src(%dma_wait3A_877 : memref<50x64xf32, #tpu.memory_space<vmem>>) dst(%dma_wait3A_874 : memref<50x64xf32, #tpu.memory_space<hbm>>)
    %add3A_878 = arith.constant 3 : i32
    %add3A_879 = arith.addi %add3A_829, %add3A_878 : i32
    %dma_wait3A_880 = arith.constant 150 : i32
    %dma_wait3A_881 = arith.constant 0 : i32
    %dma_wait3A_882 = tpu.memref_slice %arg8[%dma_wait3A_880, %dma_wait3A_881] : memref<400x64xf32, #tpu.memory_space<vmem>> -> memref<50x64xf32, #tpu.memory_space<vmem>>
    %dma_wait3A_883 = arith.constant 0 : i32
    %dma_wait3A_884 = arith.constant 0 : i32
    %dma_wait3A_885 = tpu.memref_slice %arg4[%add3A_879, %dma_wait3A_883, %dma_wait3A_884] : memref<16384x50x64xf32, #tpu.memory_space<hbm>> -> memref<1x50x64xf32, #tpu.memory_space<hbm>>
    %dma_wait3A_886 = tpu.memref_squeeze %dma_wait3A_885 : memref<1x50x64xf32, #tpu.memory_space<hbm>> -> memref<50x64xf32, #tpu.memory_space<hbm>>
    %dma_wait3A_887 = arith.constant 0 : i32
    %dma_wait3A_888 = arith.constant 0 : i32
    %dma_wait3A_889 = tpu.memref_slice %arg4[%add3A_879, %dma_wait3A_887, %dma_wait3A_888] : memref<16384x50x64xf32, #tpu.memory_space<hbm>> -> memref<1x50x64xf32, #tpu.memory_space<hbm>>
    %dma_wait3A_890 = tpu.memref_squeeze %dma_wait3A_889 : memref<1x50x64xf32, #tpu.memory_space<hbm>> -> memref<50x64xf32, #tpu.memory_space<hbm>>
    %dma_wait3A_891 = arith.constant 150 : i32
    %dma_wait3A_892 = arith.constant 0 : i32
    %dma_wait3A_893 = tpu.memref_slice %arg8[%dma_wait3A_891, %dma_wait3A_892] : memref<400x64xf32, #tpu.memory_space<vmem>> -> memref<50x64xf32, #tpu.memory_space<vmem>>
    tpu.wait_dma2 semaphore(%arg16 : memref<!tpu.dma_semaphore, #tpu.memory_space<semaphore_mem>>) src(%dma_wait3A_893 : memref<50x64xf32, #tpu.memory_space<vmem>>) dst(%dma_wait3A_890 : memref<50x64xf32, #tpu.memory_space<hbm>>)
    %add3A_894 = arith.constant 4 : i32
    %add3A_895 = arith.addi %add3A_829, %add3A_894 : i32
    %dma_wait3A_896 = arith.constant 200 : i32
    %dma_wait3A_897 = arith.constant 0 : i32
    %dma_wait3A_898 = tpu.memref_slice %arg8[%dma_wait3A_896, %dma_wait3A_897] : memref<400x64xf32, #tpu.memory_space<vmem>> -> memref<50x64xf32, #tpu.memory_space<vmem>>
    %dma_wait3A_899 = arith.constant 0 : i32
    %dma_wait3A_900 = arith.constant 0 : i32
    %dma_wait3A_901 = tpu.memref_slice %arg4[%add3A_895, %dma_wait3A_899, %dma_wait3A_900] : memref<16384x50x64xf32, #tpu.memory_space<hbm>> -> memref<1x50x64xf32, #tpu.memory_space<hbm>>
    %dma_wait3A_902 = tpu.memref_squeeze %dma_wait3A_901 : memref<1x50x64xf32, #tpu.memory_space<hbm>> -> memref<50x64xf32, #tpu.memory_space<hbm>>
    %dma_wait3A_903 = arith.constant 0 : i32
    %dma_wait3A_904 = arith.constant 0 : i32
    %dma_wait3A_905 = tpu.memref_slice %arg4[%add3A_895, %dma_wait3A_903, %dma_wait3A_904] : memref<16384x50x64xf32, #tpu.memory_space<hbm>> -> memref<1x50x64xf32, #tpu.memory_space<hbm>>
    %dma_wait3A_906 = tpu.memref_squeeze %dma_wait3A_905 : memref<1x50x64xf32, #tpu.memory_space<hbm>> -> memref<50x64xf32, #tpu.memory_space<hbm>>
    %dma_wait3A_907 = arith.constant 200 : i32
    %dma_wait3A_908 = arith.constant 0 : i32
    %dma_wait3A_909 = tpu.memref_slice %arg8[%dma_wait3A_907, %dma_wait3A_908] : memref<400x64xf32, #tpu.memory_space<vmem>> -> memref<50x64xf32, #tpu.memory_space<vmem>>
    tpu.wait_dma2 semaphore(%arg16 : memref<!tpu.dma_semaphore, #tpu.memory_space<semaphore_mem>>) src(%dma_wait3A_909 : memref<50x64xf32, #tpu.memory_space<vmem>>) dst(%dma_wait3A_906 : memref<50x64xf32, #tpu.memory_space<hbm>>)
    %add3A_910 = arith.constant 5 : i32
    %add3A_911 = arith.addi %add3A_829, %add3A_910 : i32
    %dma_wait3A_912 = arith.constant 250 : i32
    %dma_wait3A_913 = arith.constant 0 : i32
    %dma_wait3A_914 = tpu.memref_slice %arg8[%dma_wait3A_912, %dma_wait3A_913] : memref<400x64xf32, #tpu.memory_space<vmem>> -> memref<50x64xf32, #tpu.memory_space<vmem>>
    %dma_wait3A_915 = arith.constant 0 : i32
    %dma_wait3A_916 = arith.constant 0 : i32
    %dma_wait3A_917 = tpu.memref_slice %arg4[%add3A_911, %dma_wait3A_915, %dma_wait3A_916] : memref<16384x50x64xf32, #tpu.memory_space<hbm>> -> memref<1x50x64xf32, #tpu.memory_space<hbm>>
    %dma_wait3A_918 = tpu.memref_squeeze %dma_wait3A_917 : memref<1x50x64xf32, #tpu.memory_space<hbm>> -> memref<50x64xf32, #tpu.memory_space<hbm>>
    %dma_wait3A_919 = arith.constant 0 : i32
    %dma_wait3A_920 = arith.constant 0 : i32
    %dma_wait3A_921 = tpu.memref_slice %arg4[%add3A_911, %dma_wait3A_919, %dma_wait3A_920] : memref<16384x50x64xf32, #tpu.memory_space<hbm>> -> memref<1x50x64xf32, #tpu.memory_space<hbm>>
    %dma_wait3A_922 = tpu.memref_squeeze %dma_wait3A_921 : memref<1x50x64xf32, #tpu.memory_space<hbm>> -> memref<50x64xf32, #tpu.memory_space<hbm>>
    %dma_wait3A_923 = arith.constant 250 : i32
    %dma_wait3A_924 = arith.constant 0 : i32
    %dma_wait3A_925 = tpu.memref_slice %arg8[%dma_wait3A_923, %dma_wait3A_924] : memref<400x64xf32, #tpu.memory_space<vmem>> -> memref<50x64xf32, #tpu.memory_space<vmem>>
    tpu.wait_dma2 semaphore(%arg16 : memref<!tpu.dma_semaphore, #tpu.memory_space<semaphore_mem>>) src(%dma_wait3A_925 : memref<50x64xf32, #tpu.memory_space<vmem>>) dst(%dma_wait3A_922 : memref<50x64xf32, #tpu.memory_space<hbm>>)
    %add3A_926 = arith.constant 6 : i32
    %add3A_927 = arith.addi %add3A_829, %add3A_926 : i32
    %dma_wait3A_928 = arith.constant 300 : i32
    %dma_wait3A_929 = arith.constant 0 : i32
    %dma_wait3A_930 = tpu.memref_slice %arg8[%dma_wait3A_928, %dma_wait3A_929] : memref<400x64xf32, #tpu.memory_space<vmem>> -> memref<50x64xf32, #tpu.memory_space<vmem>>
    %dma_wait3A_931 = arith.constant 0 : i32
    %dma_wait3A_932 = arith.constant 0 : i32
    %dma_wait3A_933 = tpu.memref_slice %arg4[%add3A_927, %dma_wait3A_931, %dma_wait3A_932] : memref<16384x50x64xf32, #tpu.memory_space<hbm>> -> memref<1x50x64xf32, #tpu.memory_space<hbm>>
    %dma_wait3A_934 = tpu.memref_squeeze %dma_wait3A_933 : memref<1x50x64xf32, #tpu.memory_space<hbm>> -> memref<50x64xf32, #tpu.memory_space<hbm>>
    %dma_wait3A_935 = arith.constant 0 : i32
    %dma_wait3A_936 = arith.constant 0 : i32
    %dma_wait3A_937 = tpu.memref_slice %arg4[%add3A_927, %dma_wait3A_935, %dma_wait3A_936] : memref<16384x50x64xf32, #tpu.memory_space<hbm>> -> memref<1x50x64xf32, #tpu.memory_space<hbm>>
    %dma_wait3A_938 = tpu.memref_squeeze %dma_wait3A_937 : memref<1x50x64xf32, #tpu.memory_space<hbm>> -> memref<50x64xf32, #tpu.memory_space<hbm>>
    %dma_wait3A_939 = arith.constant 300 : i32
    %dma_wait3A_940 = arith.constant 0 : i32
    %dma_wait3A_941 = tpu.memref_slice %arg8[%dma_wait3A_939, %dma_wait3A_940] : memref<400x64xf32, #tpu.memory_space<vmem>> -> memref<50x64xf32, #tpu.memory_space<vmem>>
    tpu.wait_dma2 semaphore(%arg16 : memref<!tpu.dma_semaphore, #tpu.memory_space<semaphore_mem>>) src(%dma_wait3A_941 : memref<50x64xf32, #tpu.memory_space<vmem>>) dst(%dma_wait3A_938 : memref<50x64xf32, #tpu.memory_space<hbm>>)
    %add3A_942 = arith.constant 7 : i32
    %add3A_943 = arith.addi %add3A_829, %add3A_942 : i32
    %dma_wait3A_944 = arith.constant 350 : i32
    %dma_wait3A_945 = arith.constant 0 : i32
    %dma_wait3A_946 = tpu.memref_slice %arg8[%dma_wait3A_944, %dma_wait3A_945] : memref<400x64xf32, #tpu.memory_space<vmem>> -> memref<50x64xf32, #tpu.memory_space<vmem>>
    %dma_wait3A_947 = arith.constant 0 : i32
    %dma_wait3A_948 = arith.constant 0 : i32
    %dma_wait3A_949 = tpu.memref_slice %arg4[%add3A_943, %dma_wait3A_947, %dma_wait3A_948] : memref<16384x50x64xf32, #tpu.memory_space<hbm>> -> memref<1x50x64xf32, #tpu.memory_space<hbm>>
    %dma_wait3A_950 = tpu.memref_squeeze %dma_wait3A_949 : memref<1x50x64xf32, #tpu.memory_space<hbm>> -> memref<50x64xf32, #tpu.memory_space<hbm>>
    %dma_wait3A_951 = arith.constant 0 : i32
    %dma_wait3A_952 = arith.constant 0 : i32
    %dma_wait3A_953 = tpu.memref_slice %arg4[%add3A_943, %dma_wait3A_951, %dma_wait3A_952] : memref<16384x50x64xf32, #tpu.memory_space<hbm>> -> memref<1x50x64xf32, #tpu.memory_space<hbm>>
    %dma_wait3A_954 = tpu.memref_squeeze %dma_wait3A_953 : memref<1x50x64xf32, #tpu.memory_space<hbm>> -> memref<50x64xf32, #tpu.memory_space<hbm>>
    %dma_wait3A_955 = arith.constant 350 : i32
    %dma_wait3A_956 = arith.constant 0 : i32
    %dma_wait3A_957 = tpu.memref_slice %arg8[%dma_wait3A_955, %dma_wait3A_956] : memref<400x64xf32, #tpu.memory_space<vmem>> -> memref<50x64xf32, #tpu.memory_space<vmem>>
    tpu.wait_dma2 semaphore(%arg16 : memref<!tpu.dma_semaphore, #tpu.memory_space<semaphore_mem>>) src(%dma_wait3A_957 : memref<50x64xf32, #tpu.memory_space<vmem>>) dst(%dma_wait3A_954 : memref<50x64xf32, #tpu.memory_space<hbm>>)
    %add3A_958 = arith.constant 504 : i32
    %add3A_959 = arith.addi %mul3A_2, %add3A_958 : i32
    %add3A_960 = arith.constant 0 : i32
    %add3A_961 = arith.addi %add3A_959, %add3A_960 : i32
    %dma_wait3A_962 = arith.constant 0 : i32
    %dma_wait3A_963 = arith.constant 0 : i32
    %dma_wait3A_964 = tpu.memref_slice %arg9[%dma_wait3A_962, %dma_wait3A_963] : memref<400x64xf32, #tpu.memory_space<vmem>> -> memref<50x64xf32, #tpu.memory_space<vmem>>
    %dma_wait3A_965 = arith.constant 0 : i32
    %dma_wait3A_966 = arith.constant 0 : i32
    %dma_wait3A_967 = tpu.memref_slice %arg4[%add3A_961, %dma_wait3A_965, %dma_wait3A_966] : memref<16384x50x64xf32, #tpu.memory_space<hbm>> -> memref<1x50x64xf32, #tpu.memory_space<hbm>>
    %dma_wait3A_968 = tpu.memref_squeeze %dma_wait3A_967 : memref<1x50x64xf32, #tpu.memory_space<hbm>> -> memref<50x64xf32, #tpu.memory_space<hbm>>
    %dma_wait3A_969 = arith.constant 0 : i32
    %dma_wait3A_970 = arith.constant 0 : i32
    %dma_wait3A_971 = tpu.memref_slice %arg4[%add3A_961, %dma_wait3A_969, %dma_wait3A_970] : memref<16384x50x64xf32, #tpu.memory_space<hbm>> -> memref<1x50x64xf32, #tpu.memory_space<hbm>>
    %dma_wait3A_972 = tpu.memref_squeeze %dma_wait3A_971 : memref<1x50x64xf32, #tpu.memory_space<hbm>> -> memref<50x64xf32, #tpu.memory_space<hbm>>
    %dma_wait3A_973 = arith.constant 0 : i32
    %dma_wait3A_974 = arith.constant 0 : i32
    %dma_wait3A_975 = tpu.memref_slice %arg9[%dma_wait3A_973, %dma_wait3A_974] : memref<400x64xf32, #tpu.memory_space<vmem>> -> memref<50x64xf32, #tpu.memory_space<vmem>>
    tpu.wait_dma2 semaphore(%arg17 : memref<!tpu.dma_semaphore, #tpu.memory_space<semaphore_mem>>) src(%dma_wait3A_975 : memref<50x64xf32, #tpu.memory_space<vmem>>) dst(%dma_wait3A_972 : memref<50x64xf32, #tpu.memory_space<hbm>>)
    %add3A_976 = arith.constant 1 : i32
    %add3A_977 = arith.addi %add3A_959, %add3A_976 : i32
    %dma_wait3A_978 = arith.constant 50 : i32
    %dma_wait3A_979 = arith.constant 0 : i32
    %dma_wait3A_980 = tpu.memref_slice %arg9[%dma_wait3A_978, %dma_wait3A_979] : memref<400x64xf32, #tpu.memory_space<vmem>> -> memref<50x64xf32, #tpu.memory_space<vmem>>
    %dma_wait3A_981 = arith.constant 0 : i32
    %dma_wait3A_982 = arith.constant 0 : i32
    %dma_wait3A_983 = tpu.memref_slice %arg4[%add3A_977, %dma_wait3A_981, %dma_wait3A_982] : memref<16384x50x64xf32, #tpu.memory_space<hbm>> -> memref<1x50x64xf32, #tpu.memory_space<hbm>>
    %dma_wait3A_984 = tpu.memref_squeeze %dma_wait3A_983 : memref<1x50x64xf32, #tpu.memory_space<hbm>> -> memref<50x64xf32, #tpu.memory_space<hbm>>
    %dma_wait3A_985 = arith.constant 0 : i32
    %dma_wait3A_986 = arith.constant 0 : i32
    %dma_wait3A_987 = tpu.memref_slice %arg4[%add3A_977, %dma_wait3A_985, %dma_wait3A_986] : memref<16384x50x64xf32, #tpu.memory_space<hbm>> -> memref<1x50x64xf32, #tpu.memory_space<hbm>>
    %dma_wait3A_988 = tpu.memref_squeeze %dma_wait3A_987 : memref<1x50x64xf32, #tpu.memory_space<hbm>> -> memref<50x64xf32, #tpu.memory_space<hbm>>
    %dma_wait3A_989 = arith.constant 50 : i32
    %dma_wait3A_990 = arith.constant 0 : i32
    %dma_wait3A_991 = tpu.memref_slice %arg9[%dma_wait3A_989, %dma_wait3A_990] : memref<400x64xf32, #tpu.memory_space<vmem>> -> memref<50x64xf32, #tpu.memory_space<vmem>>
    tpu.wait_dma2 semaphore(%arg17 : memref<!tpu.dma_semaphore, #tpu.memory_space<semaphore_mem>>) src(%dma_wait3A_991 : memref<50x64xf32, #tpu.memory_space<vmem>>) dst(%dma_wait3A_988 : memref<50x64xf32, #tpu.memory_space<hbm>>)
    %add3A_992 = arith.constant 2 : i32
    %add3A_993 = arith.addi %add3A_959, %add3A_992 : i32
    %dma_wait3A_994 = arith.constant 100 : i32
    %dma_wait3A_995 = arith.constant 0 : i32
    %dma_wait3A_996 = tpu.memref_slice %arg9[%dma_wait3A_994, %dma_wait3A_995] : memref<400x64xf32, #tpu.memory_space<vmem>> -> memref<50x64xf32, #tpu.memory_space<vmem>>
    %dma_wait3A_997 = arith.constant 0 : i32
    %dma_wait3A_998 = arith.constant 0 : i32
    %dma_wait3A_999 = tpu.memref_slice %arg4[%add3A_993, %dma_wait3A_997, %dma_wait3A_998] : memref<16384x50x64xf32, #tpu.memory_space<hbm>> -> memref<1x50x64xf32, #tpu.memory_space<hbm>>
    %dma_wait3A_1000 = tpu.memref_squeeze %dma_wait3A_999 : memref<1x50x64xf32, #tpu.memory_space<hbm>> -> memref<50x64xf32, #tpu.memory_space<hbm>>
    %dma_wait3A_1001 = arith.constant 0 : i32
    %dma_wait3A_1002 = arith.constant 0 : i32
    %dma_wait3A_1003 = tpu.memref_slice %arg4[%add3A_993, %dma_wait3A_1001, %dma_wait3A_1002] : memref<16384x50x64xf32, #tpu.memory_space<hbm>> -> memref<1x50x64xf32, #tpu.memory_space<hbm>>
    %dma_wait3A_1004 = tpu.memref_squeeze %dma_wait3A_1003 : memref<1x50x64xf32, #tpu.memory_space<hbm>> -> memref<50x64xf32, #tpu.memory_space<hbm>>
    %dma_wait3A_1005 = arith.constant 100 : i32
    %dma_wait3A_1006 = arith.constant 0 : i32
    %dma_wait3A_1007 = tpu.memref_slice %arg9[%dma_wait3A_1005, %dma_wait3A_1006] : memref<400x64xf32, #tpu.memory_space<vmem>> -> memref<50x64xf32, #tpu.memory_space<vmem>>
    tpu.wait_dma2 semaphore(%arg17 : memref<!tpu.dma_semaphore, #tpu.memory_space<semaphore_mem>>) src(%dma_wait3A_1007 : memref<50x64xf32, #tpu.memory_space<vmem>>) dst(%dma_wait3A_1004 : memref<50x64xf32, #tpu.memory_space<hbm>>)
    %add3A_1008 = arith.constant 3 : i32
    %add3A_1009 = arith.addi %add3A_959, %add3A_1008 : i32
    %dma_wait3A_1010 = arith.constant 150 : i32
    %dma_wait3A_1011 = arith.constant 0 : i32
    %dma_wait3A_1012 = tpu.memref_slice %arg9[%dma_wait3A_1010, %dma_wait3A_1011] : memref<400x64xf32, #tpu.memory_space<vmem>> -> memref<50x64xf32, #tpu.memory_space<vmem>>
    %dma_wait3A_1013 = arith.constant 0 : i32
    %dma_wait3A_1014 = arith.constant 0 : i32
    %dma_wait3A_1015 = tpu.memref_slice %arg4[%add3A_1009, %dma_wait3A_1013, %dma_wait3A_1014] : memref<16384x50x64xf32, #tpu.memory_space<hbm>> -> memref<1x50x64xf32, #tpu.memory_space<hbm>>
    %dma_wait3A_1016 = tpu.memref_squeeze %dma_wait3A_1015 : memref<1x50x64xf32, #tpu.memory_space<hbm>> -> memref<50x64xf32, #tpu.memory_space<hbm>>
    %dma_wait3A_1017 = arith.constant 0 : i32
    %dma_wait3A_1018 = arith.constant 0 : i32
    %dma_wait3A_1019 = tpu.memref_slice %arg4[%add3A_1009, %dma_wait3A_1017, %dma_wait3A_1018] : memref<16384x50x64xf32, #tpu.memory_space<hbm>> -> memref<1x50x64xf32, #tpu.memory_space<hbm>>
    %dma_wait3A_1020 = tpu.memref_squeeze %dma_wait3A_1019 : memref<1x50x64xf32, #tpu.memory_space<hbm>> -> memref<50x64xf32, #tpu.memory_space<hbm>>
    %dma_wait3A_1021 = arith.constant 150 : i32
    %dma_wait3A_1022 = arith.constant 0 : i32
    %dma_wait3A_1023 = tpu.memref_slice %arg9[%dma_wait3A_1021, %dma_wait3A_1022] : memref<400x64xf32, #tpu.memory_space<vmem>> -> memref<50x64xf32, #tpu.memory_space<vmem>>
    tpu.wait_dma2 semaphore(%arg17 : memref<!tpu.dma_semaphore, #tpu.memory_space<semaphore_mem>>) src(%dma_wait3A_1023 : memref<50x64xf32, #tpu.memory_space<vmem>>) dst(%dma_wait3A_1020 : memref<50x64xf32, #tpu.memory_space<hbm>>)
    %add3A_1024 = arith.constant 4 : i32
    %add3A_1025 = arith.addi %add3A_959, %add3A_1024 : i32
    %dma_wait3A_1026 = arith.constant 200 : i32
    %dma_wait3A_1027 = arith.constant 0 : i32
    %dma_wait3A_1028 = tpu.memref_slice %arg9[%dma_wait3A_1026, %dma_wait3A_1027] : memref<400x64xf32, #tpu.memory_space<vmem>> -> memref<50x64xf32, #tpu.memory_space<vmem>>
    %dma_wait3A_1029 = arith.constant 0 : i32
    %dma_wait3A_1030 = arith.constant 0 : i32
    %dma_wait3A_1031 = tpu.memref_slice %arg4[%add3A_1025, %dma_wait3A_1029, %dma_wait3A_1030] : memref<16384x50x64xf32, #tpu.memory_space<hbm>> -> memref<1x50x64xf32, #tpu.memory_space<hbm>>
    %dma_wait3A_1032 = tpu.memref_squeeze %dma_wait3A_1031 : memref<1x50x64xf32, #tpu.memory_space<hbm>> -> memref<50x64xf32, #tpu.memory_space<hbm>>
    %dma_wait3A_1033 = arith.constant 0 : i32
    %dma_wait3A_1034 = arith.constant 0 : i32
    %dma_wait3A_1035 = tpu.memref_slice %arg4[%add3A_1025, %dma_wait3A_1033, %dma_wait3A_1034] : memref<16384x50x64xf32, #tpu.memory_space<hbm>> -> memref<1x50x64xf32, #tpu.memory_space<hbm>>
    %dma_wait3A_1036 = tpu.memref_squeeze %dma_wait3A_1035 : memref<1x50x64xf32, #tpu.memory_space<hbm>> -> memref<50x64xf32, #tpu.memory_space<hbm>>
    %dma_wait3A_1037 = arith.constant 200 : i32
    %dma_wait3A_1038 = arith.constant 0 : i32
    %dma_wait3A_1039 = tpu.memref_slice %arg9[%dma_wait3A_1037, %dma_wait3A_1038] : memref<400x64xf32, #tpu.memory_space<vmem>> -> memref<50x64xf32, #tpu.memory_space<vmem>>
    tpu.wait_dma2 semaphore(%arg17 : memref<!tpu.dma_semaphore, #tpu.memory_space<semaphore_mem>>) src(%dma_wait3A_1039 : memref<50x64xf32, #tpu.memory_space<vmem>>) dst(%dma_wait3A_1036 : memref<50x64xf32, #tpu.memory_space<hbm>>)
    %add3A_1040 = arith.constant 5 : i32
    %add3A_1041 = arith.addi %add3A_959, %add3A_1040 : i32
    %dma_wait3A_1042 = arith.constant 250 : i32
    %dma_wait3A_1043 = arith.constant 0 : i32
    %dma_wait3A_1044 = tpu.memref_slice %arg9[%dma_wait3A_1042, %dma_wait3A_1043] : memref<400x64xf32, #tpu.memory_space<vmem>> -> memref<50x64xf32, #tpu.memory_space<vmem>>
    %dma_wait3A_1045 = arith.constant 0 : i32
    %dma_wait3A_1046 = arith.constant 0 : i32
    %dma_wait3A_1047 = tpu.memref_slice %arg4[%add3A_1041, %dma_wait3A_1045, %dma_wait3A_1046] : memref<16384x50x64xf32, #tpu.memory_space<hbm>> -> memref<1x50x64xf32, #tpu.memory_space<hbm>>
    %dma_wait3A_1048 = tpu.memref_squeeze %dma_wait3A_1047 : memref<1x50x64xf32, #tpu.memory_space<hbm>> -> memref<50x64xf32, #tpu.memory_space<hbm>>
    %dma_wait3A_1049 = arith.constant 0 : i32
    %dma_wait3A_1050 = arith.constant 0 : i32
    %dma_wait3A_1051 = tpu.memref_slice %arg4[%add3A_1041, %dma_wait3A_1049, %dma_wait3A_1050] : memref<16384x50x64xf32, #tpu.memory_space<hbm>> -> memref<1x50x64xf32, #tpu.memory_space<hbm>>
    %dma_wait3A_1052 = tpu.memref_squeeze %dma_wait3A_1051 : memref<1x50x64xf32, #tpu.memory_space<hbm>> -> memref<50x64xf32, #tpu.memory_space<hbm>>
    %dma_wait3A_1053 = arith.constant 250 : i32
    %dma_wait3A_1054 = arith.constant 0 : i32
    %dma_wait3A_1055 = tpu.memref_slice %arg9[%dma_wait3A_1053, %dma_wait3A_1054] : memref<400x64xf32, #tpu.memory_space<vmem>> -> memref<50x64xf32, #tpu.memory_space<vmem>>
    tpu.wait_dma2 semaphore(%arg17 : memref<!tpu.dma_semaphore, #tpu.memory_space<semaphore_mem>>) src(%dma_wait3A_1055 : memref<50x64xf32, #tpu.memory_space<vmem>>) dst(%dma_wait3A_1052 : memref<50x64xf32, #tpu.memory_space<hbm>>)
    %add3A_1056 = arith.constant 6 : i32
    %add3A_1057 = arith.addi %add3A_959, %add3A_1056 : i32
    %dma_wait3A_1058 = arith.constant 300 : i32
    %dma_wait3A_1059 = arith.constant 0 : i32
    %dma_wait3A_1060 = tpu.memref_slice %arg9[%dma_wait3A_1058, %dma_wait3A_1059] : memref<400x64xf32, #tpu.memory_space<vmem>> -> memref<50x64xf32, #tpu.memory_space<vmem>>
    %dma_wait3A_1061 = arith.constant 0 : i32
    %dma_wait3A_1062 = arith.constant 0 : i32
    %dma_wait3A_1063 = tpu.memref_slice %arg4[%add3A_1057, %dma_wait3A_1061, %dma_wait3A_1062] : memref<16384x50x64xf32, #tpu.memory_space<hbm>> -> memref<1x50x64xf32, #tpu.memory_space<hbm>>
    %dma_wait3A_1064 = tpu.memref_squeeze %dma_wait3A_1063 : memref<1x50x64xf32, #tpu.memory_space<hbm>> -> memref<50x64xf32, #tpu.memory_space<hbm>>
    %dma_wait3A_1065 = arith.constant 0 : i32
    %dma_wait3A_1066 = arith.constant 0 : i32
    %dma_wait3A_1067 = tpu.memref_slice %arg4[%add3A_1057, %dma_wait3A_1065, %dma_wait3A_1066] : memref<16384x50x64xf32, #tpu.memory_space<hbm>> -> memref<1x50x64xf32, #tpu.memory_space<hbm>>
    %dma_wait3A_1068 = tpu.memref_squeeze %dma_wait3A_1067 : memref<1x50x64xf32, #tpu.memory_space<hbm>> -> memref<50x64xf32, #tpu.memory_space<hbm>>
    %dma_wait3A_1069 = arith.constant 300 : i32
    %dma_wait3A_1070 = arith.constant 0 : i32
    %dma_wait3A_1071 = tpu.memref_slice %arg9[%dma_wait3A_1069, %dma_wait3A_1070] : memref<400x64xf32, #tpu.memory_space<vmem>> -> memref<50x64xf32, #tpu.memory_space<vmem>>
    tpu.wait_dma2 semaphore(%arg17 : memref<!tpu.dma_semaphore, #tpu.memory_space<semaphore_mem>>) src(%dma_wait3A_1071 : memref<50x64xf32, #tpu.memory_space<vmem>>) dst(%dma_wait3A_1068 : memref<50x64xf32, #tpu.memory_space<hbm>>)
    %add3A_1072 = arith.constant 7 : i32
    %add3A_1073 = arith.addi %add3A_959, %add3A_1072 : i32
    %dma_wait3A_1074 = arith.constant 350 : i32
    %dma_wait3A_1075 = arith.constant 0 : i32
    %dma_wait3A_1076 = tpu.memref_slice %arg9[%dma_wait3A_1074, %dma_wait3A_1075] : memref<400x64xf32, #tpu.memory_space<vmem>> -> memref<50x64xf32, #tpu.memory_space<vmem>>
    %dma_wait3A_1077 = arith.constant 0 : i32
    %dma_wait3A_1078 = arith.constant 0 : i32
    %dma_wait3A_1079 = tpu.memref_slice %arg4[%add3A_1073, %dma_wait3A_1077, %dma_wait3A_1078] : memref<16384x50x64xf32, #tpu.memory_space<hbm>> -> memref<1x50x64xf32, #tpu.memory_space<hbm>>
    %dma_wait3A_1080 = tpu.memref_squeeze %dma_wait3A_1079 : memref<1x50x64xf32, #tpu.memory_space<hbm>> -> memref<50x64xf32, #tpu.memory_space<hbm>>
    %dma_wait3A_1081 = arith.constant 0 : i32
    %dma_wait3A_1082 = arith.constant 0 : i32
    %dma_wait3A_1083 = tpu.memref_slice %arg4[%add3A_1073, %dma_wait3A_1081, %dma_wait3A_1082] : memref<16384x50x64xf32, #tpu.memory_space<hbm>> -> memref<1x50x64xf32, #tpu.memory_space<hbm>>
    %dma_wait3A_1084 = tpu.memref_squeeze %dma_wait3A_1083 : memref<1x50x64xf32, #tpu.memory_space<hbm>> -> memref<50x64xf32, #tpu.memory_space<hbm>>
    %dma_wait3A_1085 = arith.constant 350 : i32
    %dma_wait3A_1086 = arith.constant 0 : i32
    %dma_wait3A_1087 = tpu.memref_slice %arg9[%dma_wait3A_1085, %dma_wait3A_1086] : memref<400x64xf32, #tpu.memory_space<vmem>> -> memref<50x64xf32, #tpu.memory_space<vmem>>
    tpu.wait_dma2 semaphore(%arg17 : memref<!tpu.dma_semaphore, #tpu.memory_space<semaphore_mem>>) src(%dma_wait3A_1087 : memref<50x64xf32, #tpu.memory_space<vmem>>) dst(%dma_wait3A_1084 : memref<50x64xf32, #tpu.memory_space<hbm>>)
    return
  }
}

</mosaic_0001>

<sc_bundles>
// kernel: _embed.3.cloned.1.call-start
scs
__scs_entry_jumppad:
0x0: {  	(pc) =	sbr.rel $0x88, $3  }
0x1: {  	(tag) =	ssettag $0x0;
	lr =	simm.s32 $0x1  }
0x2: {  	[smem:$0x3F9F] =	sst lr;
	_ =	strace $0xD0000000  }
0x3: {  	_ = 	snop  }
0x4: {  	_ = 	snop  }
0x5: {  	_ = 	snop  }
0x6: {  	_ = 	snop  }
0x7: {  	_ = 	snop  }
__scs_overlays_trampoline_lowered:
0x8: {  	[smem:$0x3FAE] =	sst s0  }
0x9: {  	[smem:$0x3FAF] =	sst s1  }
0xa: {  	[smem:$0x3FB0] =	sst s2  }
0xb: {  	[smem:$0x3FB1] =	sst s3  }
0xc: {  	[smem:$0x3FB2] =	sst s4  }
0xd: {  	[smem:$0x3FB3] =	sst s5  }
0xe: {  	[smem:$0x3FB4] =	sst s6  }
0xf: {  	[smem:$0x3FB5] =	sst s7  }
0x10: {  	[smem:$0x3FB6] =	sst s8  }
0x11: {  	[smem:$0x3FB7] =	sst s9;
	s0 =	simm.s32 @!p0 $0x0  }
0x12: {  	s1 =	sld [smem:$0x3F9D];
	s0 =	simm.s32 @p0 $0x1  }
0x13: {  	[smem:$0x3FB8] =	sst s0;
	s0 =	simm.s32 @!p1 $0x0  }
0x14: {  	s2 =	sld [smem:$0x3F9C];
	s0 =	simm.s32 @p1 $0x1  }
0x15: {  	[smem:$0x3FB9] =	sst s0;
	s0 =	simm.s32 @!p2 $0x0  }
0x16: {  	s3 =	sld [smem:$0x3FDB];
	s0 =	simm.s32 @p2 $0x1  }
0x17: {  	s4 =	simm.s32 $0x1BF5;
	[smem:$0x3FBB] =	sst s0  }
0x18: {  	s0 =	sld [smem:$0x3F9E];
	_ =	swait.ge [sflag:s4], $0x0  }
0x19: {  	s7 =	sld [smem:$0x3F9F]  }
0x1a: {  	s8 =	sadd.s32 $0xFFFFE003, lr  }
0x1b: {  	s9 =	sadd.s32 $0xFFFFFEF7, lr;
	s5 =	simm.s32 $0xFFFFFFFF;
	p2 =	slt.u32 s8, $0xFFFFF086  }
0x1c: {  	p1 =	slt.u32 s9, $0xF7A;
	s5 =	simm.s32 @!p2 $0x0  }
0x1d: {  	s5 =	simm.s32 @p1 $0x1;
	p0 =	seq.s32 s7, s2  }
0x1e: {  	s7 =	smul.u32 @!p0 $0xF7A, s2;
	p2 =	seq.s32 @!p0 s5, $0x0  }
0x1f: {  	s9 =	smul.u32 $0xF7A, s1;
	s8 =	simm.s32 @!p0 $0x1BF5;
	p2 =	por !p2, p0  }
0x20: {  	[sflag:s8] =	ssyncset.s32 @!p0 $0xFFFFF086;
	s6 =	sadd.s32 @!p0 s3, s7;
	s7 =	simm.s32 @!p0 $0x108  }
0x21: {  	s3 =	sadd.s32 s3, s9;
	s6 =	sadd.s32 @!p0 $0x88, s6;
	s7 =	simm.s32 @p2 $0x1082  }
0x22: {  	[simem:s7], [sflag:s8] =	dma.local @!p0 [hbm:s6], $0xF7A  }
0x23: {  	s9 =	sor.u32 $0xD0000000, s2;
	s6 =	simm.s32 $0x108;
	_ =	swait.ge @!p0 [sflag:s8], $0x0  }
0x24: {  	s3 =	sadd.s32 $0x88, s3;
	s6 =	simm.s32 @!p1 $0x1082;
	[sflag:s4] =	ssyncset.s32 $0xFFFFF086  }
0x25: {  	[simem:s6], [sflag:s4] =	dma.local [hbm:s3], $0xF7A  }
0x26: {  	[smem:$0x3F9F] =	sst s1;
	(tag) =	ssettag s2;
	_ =	strace s9  }
0x27: {  	s1 =	sld [smem:$0x3FAF]  }
0x28: {  	s2 =	sld [smem:$0x3FB0]  }
0x29: {  	s4 =	sld [smem:$0x3FB2]  }
0x2a: {  	p0 =	seq.s32 s5, $0x0;
	s5 =	sld [smem:$0x3FB3]  }
0x2b: {  	s6 =	sld [smem:$0x3FB4]  }
0x2c: {  	s7 =	sld [smem:$0x3FB5]  }
0x2d: {  	s3 =	simm.s32 $0x108;
	s8 =	sld [smem:$0x3FB6]  }
0x2e: {  	s3 =	simm.s32 @!p0 $0x1082;
	s9 =	sld [smem:$0x3FB7]  }
0x2f: {  	lr =	sadd.s32 s0, s3;
	s0 =	sld [smem:$0x3FAE]  }
0x30: {  	s3 =	sld [smem:$0x3FB1]  }
0x31: {  	[smem:$0x3FBA] =	sst s10  }
0x32: {  	s10 =	sld [smem:$0x3FB8];
	_ =	sdelay $0x3  }
0x33: {  	p0 =	seq.s32 s10, $0x1;
	s10 =	sld [smem:$0x3FBA];
	_ =	sdelay $0x3  }
0x34: {  	[smem:$0x3FBA] =	sst s10  }
0x35: {  	s10 =	sld [smem:$0x3FB9];
	_ =	sdelay $0x3  }
0x36: {  	p1 =	seq.s32 s10, $0x1;
	s10 =	sld [smem:$0x3FBA];
	_ =	sdelay $0x3  }
0x37: {  	[smem:$0x3FBA] =	sst s10  }
0x38: {  	s10 =	sld [smem:$0x3FBB]  }
0x39: {  	_ = 	snop;
	(pc) =	sbr.ind lr, $3  }
0x3a: {  	_ = 	snop  }
0x3b: {  	_ = 	snop  }
0x3c: {  	p2 =	seq.s32 s10, $0x1;
	s10 =	sld [smem:$0x3FBA]  }
0x3d: {  	_ =	shalt  }
0x3e: {  	_ =	shalt  }
0x3f: {  	_ =	shalt  }
0x40: {  	_ =	shalt  }
0x41: {  	_ =	shalt  }
0x42: {  	_ =	shalt  }
0x43: {  	_ =	shalt  }
0x44: {  	_ =	shalt  }
0x45: {  	_ =	shalt  }
0x46: {  	_ =	shalt  }
0x47: {  	_ =	shalt  }
0x48: {  	_ =	shalt  }
0x49: {  	_ =	shalt  }
0x4a: {  	_ =	shalt  }
0x4b: {  	_ =	shalt  }
0x4c: {  	_ =	shalt  }
0x4d: {  	_ =	shalt  }
0x4e: {  	_ =	shalt  }
0x4f: {  	_ =	shalt  }
0x50: {  	_ =	shalt  }
0x51: {  	_ =	shalt  }
0x52: {  	_ =	shalt  }
0x53: {  	_ =	shalt  }
0x54: {  	_ =	shalt  }
0x55: {  	_ =	shalt  }
0x56: {  	_ =	shalt  }
0x57: {  	_ =	shalt  }
0x58: {  	_ =	shalt  }
0x59: {  	_ =	shalt  }
0x5a: {  	_ =	shalt  }
0x5b: {  	_ =	shalt  }
0x5c: {  	_ =	shalt  }
0x5d: {  	_ =	shalt  }
0x5e: {  	_ =	shalt  }
0x5f: {  	_ =	shalt  }
0x60: {  	_ =	shalt  }
0x61: {  	_ =	shalt  }
0x62: {  	_ =	shalt  }
0x63: {  	_ =	shalt  }
0x64: {  	_ =	shalt  }
0x65: {  	_ =	shalt  }
0x66: {  	_ =	shalt  }
0x67: {  	_ =	shalt  }
0x68: {  	_ =	shalt  }
0x69: {  	_ =	shalt  }
0x6a: {  	_ =	shalt  }
0x6b: {  	_ =	shalt  }
0x6c: {  	_ =	shalt  }
0x6d: {  	_ =	shalt  }
0x6e: {  	_ =	shalt  }
0x6f: {  	_ =	shalt  }
0x70: {  	_ =	shalt  }
0x71: {  	_ =	shalt  }
0x72: {  	_ =	shalt  }
0x73: {  	_ =	shalt  }
0x74: {  	_ =	shalt  }
0x75: {  	_ =	shalt  }
0x76: {  	_ =	shalt  }
0x77: {  	_ =	shalt  }
0x78: {  	_ =	shalt  }
0x79: {  	_ =	shalt  }
0x7a: {  	_ =	shalt  }
0x7b: {  	_ =	shalt  }
0x7c: {  	_ =	shalt  }
0x7d: {  	_ =	shalt  }
0x7e: {  	_ =	shalt  }
0x7f: {  	_ =	shalt  }
0x80: {  	_ =	shalt  }
0x81: {  	_ =	shalt  }
0x82: {  	_ =	shalt  }
0x83: {  	_ =	shalt  }
0x84: {  	_ =	shalt  }
0x85: {  	_ =	shalt  }
0x86: {  	_ =	shalt  }
0x87: {  	_ =	shalt  }
.Lfunc_end0:
.L_simem_size_0:
called_computation.1_lowered:
.L_overlay_start_0:
0x88: {  	s2 =	sld [smem:$0x3FD9]  }
0x89: {  	s3 =	sld [smem:$0x3FFE];
	_ =	sdelay $0x1  }
0x8a: {  	s1 =	srdreg.scid  }
0x8b: {  	s0 =	sand.u32 $0x1, s1  }
0x8c: {  	s17 =	sshll.u32 s0, $0xA;
	s2 =	sadd.s32 s3, s2  }
0x8d: {  	s2 =	sadd.s32 s2, s17  }
0x8e: {  	[smem:$0x3FC6] =	sst s2  }
0x8f: {  	_ = 	snop  }
0x90: {  	s2 =	sld [smem:$0x3FD0];
	(tm) =	ssettm $0x1  }
0x91: {  	s18 =	sld [smem:$0x3FFB];
	_ =	sdelay $0x3  }
0x92: {  	_ =	strace s18  }
0x93: {  	s3 =	sld [smem:$0x3FFC];
	_ =	sdelay $0x3  }
0x94: {  	_ =	strace s3  }
0x95: {  	s3 =	sld [smem:$0x3FFD];
	_ =	sdelay $0x3  }
0x96: {  	_ =	strace s3  }
0x97: {  	_ =	strace $0x8FFFFFFF  }
0x98: {  	s19 =	sld [smem:$0x3FDB];
	_ =	sdelay $0x1  }
0x99: {  	s4 =	simm.s32 $_scs_section_size  }
0x9a: {  	s5 =	simm.s32 $_size__tile_overlayer_lowered;
	s6 =	simm.s32 $_tile_overlayer_lowered  }
0x9b: {  	s22 =	simm.s32 $0x1BFF;
	s21 =	sshll.u32 s6, $0x1;
	s3 =	sadd.s32 s4, s19  }
0x9c: {  	s7 =	simm.s32 $0x0;
	s20 =	sshll.u32 s5, $0x1;
	s5 =	sadd.s32 s21, s3  }
0x9d: {  	[timem:s7], [sflag:s22] =	dma.local [hbm:s5], s20  }
0x9e: {  	_ =	swait.ge [sflag:s22], s20  }
0x9f: {  	s4 =	ssub.s32 $0x0, s20;
	[sflag:s22] =	ssyncset.done $0x0  }
0xa0: {  	[sflag:s22] =	ssyncadd.s32 s4;
	_ =	sdelay $0x1  }
0xa1: {  	s23 =	simm.s32 $0x1B8B  }
0xa2: {  	_ =	swait.ge [sflag:s23], $0x1  }
0xa3: {  	[sflag:s23] =	ssyncset.done $0x0  }
0xa4: {  	s25 =	simm.s32 $0x1B8E;
	s24 =	sld [smem:$0x3FFE];
	[sflag:s23] =	ssyncadd.s32 $0xFFFFFFFF  }
0xa5: {  	s26 =	simm.s32 $execute0_lowered;
	[smem:$0x3FD2] =	sst s25  }
0xa6: {  	s5 =	sshll.u32 s26, $0x1;
	_ =	strace $0x80000046;
	[dreg:$0x1] =	wrdreg $0xFFFFFFFF  }
0xa7: {  	s28 =	simm.s32 $_size_execute0_lowered;
	s3 =	sadd.s32 s3, s5;
	[dreg:$0x0] =	wrdreg $0x0  }
0xa8: {  	s5 =	sshll.u32 s28, $0x1;
	[dreg:$0x2] =	wrdreg s3  }
0xa9: {  	[dreg:$0x3] =	wrdreg s5  }
0xaa: {  	[dreg:$0x4] =	wrdreg $0xC0  }
0xab: {  	_ =	task [dreg:s7], $0x5FFFF  }
0xac: {  	[dreg:$0x1] =	wrdreg $0xFFFFFFFF  }
0xad: {  	[dreg:$0x0] =	wrdreg $0x60  }
0xae: {  	[dreg:$0x2] =	wrdreg s24  }
0xaf: {  	[dreg:$0x3] =	wrdreg s2  }
0xb0: {  	[dreg:$0x4] =	wrdreg $0x9  }
0xb1: {  	_ =	task.clear_ibuf [dreg:s7], $0x5FFFF;
	_ =	strace $0x90000046  }
0xb2: {  	s29 =	simm.s32 $0x9;
	_ =	strace $0x80000048  }
0xb3: {  	_ =	swait.ge [sflag:s29], $0x1  }
0xb4: {  	[sflag:s29] =	ssyncadd.s32 $0xFFFFFFFF  }
0xb5: {  	_ =	strace $0x90000048  }
0xb6: {  	_ =	sfence  }
0xb7: {  	s30 =	sld [smem:$0x0];
	_ =	sdelay $0x2  }
0xb8: {  	s31 =	sshll.u32 s1, $0xD;
	s1 =	sshrl.u32 s1, $0x2  }
0xb9: {  	s3 =	sand.u32 $0x4000, s31;
	s1 =	sadd.s32 s1, s30  }
0xba: {  	s0 =	sor.u32 s3, s0;
	s1 =	sshll.u32 s1, $0x11  }
0xbb: {  	s0 =	sor.u32 s1, s0  }
0xbc: {  	s0 =	sadd.s32 $0x8F2B, s0  }
0xbd: {  	[sflag:s0] =	ssyncadd.remote.s32 $0x1  }
0xbe: {  	_ =	sfence.sel $0xFFFF  }
0xbf: {  	[dreg:$0x0] =	wrdreg $0xFFFFFFFF;
	(pc) =	sbr.abs _section_cstart, $3  }
0xc0: {  	[dreg:$0x1] =	wrdreg $0xFFFFFFFF  }
0xc1: {  	_ =	task.clear_ibuf [dreg:s7], $0x2FFFF;
	_ =	strace $0x9FFFFFFF  }
0xc2: {  	(tm) =	ssettm $0x7FFFFFFF  }
0xc3: {  	_ =	shalt  }
tec
execute0_lowered:
.L_overlay_start_1:
0x0: {  	(tag) =	ssettag $0x1  }
0x1: {  	s0 =	srdreg.scid;
	s10 =	stileid.u32  }
0x2: {  	s1 =	rddreg [dreg:$0x0];
	s6 =	sand.u32 $0x1, s0;
	s17 =	sshll.u32 s10, $0x1  }
0x3: {  	s4 =	rddreg [dreg:$0x1];
	s20 =	smul.u32 $0x320000, s10;
	s0 =	sor.u32 s6, s17  }
0x4: {  	s2 =	simm.s32 $0x0;
	s28 =	simm.s32 $0x7;
	s3 =	smul.u32 $0xC80, s0  }
0x5: {  	s29 =	simm.s32 $0x8;
	[smem:$0x7FF] =	sst s2;
	s0 =	smul.u32 $0x190000, s0  }
0x6: {  	_ =	strace $0x80000047;
	s5 =	ssub.s32 $0x2, s6;
	s23 =	smul.u32 $0x190000, s6  }
0x7: {  	s8 =	sshrl.u32 s5, $0x1;
	s7 =	sadd.s32 s3, s1;
	s9 =	sshrl.u32 s0, $0x3  }
0x8: {  	s3 =	sadd.s32 $0xF42E00, s1;
	s0 =	ssub.s32 s5, s8;
	s18 =	sadd.s32 $0xA00, s7  }
0x9: {  	s1 =	sadd.s32 s4, s9;
	s0 =	smax.u32 s0, $0x1;
	[dreg:$0x1f] =	wrdreg s18  }
0xa: {  	s6 =	smul.u32 $0x32000, s6;
	s19 =	sadd.s32 $0x2EE00, s1;
	[smem:$0x7FD] =	sst s0  }
0xb: {  	s5 =	sadd.s32 s23, s20;
	s21 =	sadd.s32 $0x2EF90, s1;
	[smem:$0x7DD] =	sst s19  }
0xc: {  	s11 =	sadd.s32 $0x18380, s5;
	s22 =	sadd.s32 $0x2F120, s1;
	[smem:$0x7DE] =	sst s21  }
0xd: {  	s13 =	sadd.s32 $0x17700, s5;
	s24 =	sadd.s32 $0x2F2B0, s1;
	[smem:$0x7DF] =	sst s22  }
0xe: {  	s15 =	sadd.s32 $0x16A80, s5;
	s25 =	sadd.s32 $0x2F440, s1;
	[smem:$0x7E0] =	sst s24  }
0xf: {  	s17 =	sadd.s32 $0x15E00, s5;
	s26 =	sadd.s32 $0x2F5D0, s1;
	[smem:$0x7E1] =	sst s25  }
0x10: {  	s30 =	sadd.s32 $0x2F760, s1;
	s31 =	sadd.s32 $0x2F8F0, s1;
	[smem:$0x7E2] =	sst s26  }
0x11: {  	s8 =	sadd.s32 $0x2FA80, s1;
	s9 =	sadd.s32 $0x2FC10, s1;
	[smem:$0x7E3] =	sst s30  }
0x12: {  	s12 =	sadd.s32 $0x2FDA0, s1;
	s7 =	sshrl.u32 s11, $0x3;
	[smem:$0x7E4] =	sst s31  }
0x13: {  	s16 =	sshrl.u32 s15, $0x3;
	s18 =	sadd.s32 $0x15180, s5;
	[smem:$0x7E5] =	sst s8  }
0x14: {  	s23 =	sadd.s32 $0x300C0, s1;
	s11 =	sadd.s32 $0x11F80, s5;
	[smem:$0x7E6] =	sst s9  }
0x15: {  	[smem:$0x7E7] =	sst s12;
	s9 =	sadd.s32 $0x2FF30, s1;
	s7 =	sadd.s32 s7, s4  }
0x16: {  	s8 =	sshrl.u32 s13, $0x3;
	s20 =	sshrl.u32 s18, $0x3;
	s22 =	sadd.s32 $0x14500, s5  }
0x17: {  	[smem:$0x7E9] =	sst s23;
	s25 =	sadd.s32 $0x13880, s5;
	s26 =	smul.u32 $0x64000, s10  }
0x18: {  	s31 =	sadd.s32 $0x30250, s1;
	s12 =	sshrl.u32 s11, $0x3;
	s13 =	sadd.s32 $0x11300, s5  }
0x19: {  	s18 =	sor.u32 $0xFA00, s5;
	s11 =	sor.u32 $0xA280, s5;
	[smem:$0x7E8] =	sst s9  }
0x1a: {  	[dreg:$0x3] =	wrdreg s7;
	s14 =	sadd.s32 s8, s4;
	s7 =	sadd.s32 s16, s4  }
0x1b: {  	s8 =	sshrl.u32 s17, $0x3;
	s21 =	sadd.s32 s20, s4;
	[smem:$0x7EA] =	sst s31  }
0x1c: {  	s24 =	sshrl.u32 s22, $0x3;
	s30 =	sshrl.u32 s25, $0x3;
	[dreg:$0x4] =	wrdreg s14  }
0x1d: {  	s20 =	sor.u32 $0xED80, s5;
	s25 =	sor.u32 $0xD480, s5;
	[dreg:$0x5] =	wrdreg s7  }
0x1e: {  	s31 =	sor.u32 $0xAF00, s5;
	s19 =	sadd.s32 s8, s4;
	[dreg:$0x7] =	wrdreg s21  }
0x1f: {  	s7 =	sadd.s32 s24, s4;
	s10 =	sadd.s32 s26, s4;
	s14 =	sadd.s32 $0x10680, s5  }
0x20: {  	s21 =	sor.u32 $0xE100, s5;
	s26 =	sshrl.u32 s25, $0x3;
	s9 =	sshrl.u32 s31, $0x3  }
0x21: {  	s25 =	sor.u32 $0x4B00, s5;
	s31 =	sadd.s32 $0x303E0, s1;
	[dreg:$0x6] =	wrdreg s19  }
0x22: {  	[dreg:$0x8] =	wrdreg s7;
	s7 =	sadd.s32 s30, s4;
	s6 =	sadd.s32 s6, s10  }
0x23: {  	s16 =	sshrl.u32 s14, $0x3;
	s19 =	sshrl.u32 s18, $0x3;
	s23 =	sshrl.u32 s21, $0x3  }
0x24: {  	s30 =	sor.u32 $0xBB80, s5;
	s10 =	sadd.s32 s9, s4;
	[smem:$0x7EB] =	sst s31  }
0x25: {  	s14 =	sor.u32 $0x8980, s5;
	s18 =	sor.u32 $0x7D00, s5;
	[dreg:$0x9] =	wrdreg s7  }
0x26: {  	s21 =	sor.u32 $0x5780, s5;
	s9 =	sor.u32 $0x3200, s5;
	[dreg:$0xa] =	wrdreg s6  }
0x27: {  	s31 =	sadd.s32 $0x31CE0, s1;
	s6 =	sadd.s32 s12, s4;
	[dreg:$0x13] =	wrdreg s10  }
0x28: {  	s7 =	sshrl.u32 s13, $0x3;
	s17 =	sadd.s32 s16, s4;
	[smem:$0x7FB] =	sst s31  }
0x29: {  	s24 =	sadd.s32 s23, s4;
	s12 =	sshrl.u32 s11, $0x3;
	[dreg:$0xb] =	wrdreg s6  }
0x2a: {  	s13 =	sor.u32 $0x9600, s5;
	s16 =	sshrl.u32 s14, $0x3;
	[dreg:$0xd] =	wrdreg s17  }
0x2b: {  	s23 =	sshrl.u32 s21, $0x3;
	s14 =	sadd.s32 $0x30700, s1;
	[dreg:$0x10] =	wrdreg s24  }
0x2c: {  	s10 =	sshrl.u32 s9, $0x3;
	s21 =	sadd.s32 $0x311F0, s1;
	[smem:$0x7ED] =	sst s14  }
0x2d: {  	s11 =	sor.u32 $0x2580, s5;
	s15 =	sadd.s32 s7, s4;
	[smem:$0x7F4] =	sst s21  }
0x2e: {  	s6 =	sadd.s32 s19, s4;
	s7 =	sshrl.u32 s20, $0x3;
	[dreg:$0xc] =	wrdreg s15  }
0x2f: {  	s17 =	sadd.s32 s16, s4;
	s19 =	sshrl.u32 s18, $0x3;
	[dreg:$0xe] =	wrdreg s6  }
0x30: {  	s20 =	sor.u32 $0x7080, s5;
	s24 =	sadd.s32 s23, s4;
	[dreg:$0x16] =	wrdreg s17  }
0x31: {  	s16 =	sadd.s32 $0x30A20, s1;
	s18 =	sadd.s32 $0x30D40, s1;
	[dreg:$0x19] =	wrdreg s24  }
0x32: {  	s23 =	sadd.s32 $0x31510, s1;
	s14 =	simm.s32 $0x19000;
	[smem:$0x7EF] =	sst s16  }
0x33: {  	s21 =	simm.s32 $0x1CE80;
	s22 =	sadd.s32 s7, s4;
	[smem:$0x7F1] =	sst s18  }
0x34: {  	s6 =	sadd.s32 s26, s4;
	s7 =	sshrl.u32 s30, $0x3;
	[smem:$0x7F6] =	sst s23  }
0x35: {  	s26 =	sshrl.u32 s25, $0x3;
	s30 =	sor.u32 $0x3E80, s5;
	[dreg:$0xf] =	wrdreg s22  }
0x36: {  	s5 =	sor.u32 $0x1900, s5;
	s17 =	sadd.s32 $0x30BB0, s1;
	[dreg:$0x11] =	wrdreg s6  }
0x37: {  	s24 =	sadd.s32 $0x316A0, s1;
	s25 =	sadd.s32 $0x31830, s1;
	[smem:$0x7F0] =	sst s17  }
0x38: {  	s23 =	simm.s32 $0x2;
	s16 =	simm.s32 $0x4;
	[smem:$0x7F7] =	sst s24  }
0x39: {  	s18 =	simm.s32 $0x1A900;
	s7 =	sadd.s32 s7, s4;
	[smem:$0x7F8] =	sst s25  }
0x3a: {  	s6 =	sadd.s32 s12, s4;
	s5 =	sshrl.u32 s5, $0x3;
	[dreg:$0x12] =	wrdreg s7  }
0x3b: {  	s17 =	simm.s32 $0x19C80;
	[dreg:$0x14] =	wrdreg s6;
	s6 =	sadd.s32 s19, s4  }
0x3c: {  	s7 =	sshrl.u32 s13, $0x3;
	s13 =	sadd.s32 $0x30570, s1;
	[dreg:$0x17] =	wrdreg s6  }
0x3d: {  	s24 =	simm.s32 $0x1E780;
	s19 =	sadd.s32 $0x30ED0, s1;
	[smem:$0x7EC] =	sst s13  }
0x3e: {  	s25 =	simm.s32 $0x5;
	s15 =	sadd.s32 s7, s4;
	[smem:$0x7F2] =	sst s19  }
0x3f: {  	s7 =	sshrl.u32 s20, $0x3;
	s6 =	sadd.s32 s26, s4;
	[dreg:$0x15] =	wrdreg s15  }
0x40: {  	s20 =	sadd.s32 $0x31060, s1;
	s26 =	sadd.s32 $0x319C0, s1;
	[dreg:$0x1a] =	wrdreg s6  }
0x41: {  	s13 =	simm.s32 $0x12C00;
	s19 =	simm.s32 $0x1B580;
	[smem:$0x7F3] =	sst s20  }
0x42: {  	s22 =	sadd.s32 s7, s4;
	s7 =	sshrl.u32 s30, $0x3;
	[smem:$0x7F9] =	sst s26  }
0x43: {  	s6 =	sadd.s32 s10, s4;
	s15 =	sadd.s32 $0x30890, s1;
	[dreg:$0x18] =	wrdreg s22  }
0x44: {  	s30 =	sadd.s32 $0x31B50, s1;
	s10 =	simm.s32 $0x190;
	[dreg:$0x1c] =	wrdreg s6  }
0x45: {  	s20 =	simm.s32 $0x1C200;
	s26 =	simm.s32 $0x6;
	[smem:$0x7EE] =	sst s15  }
0x46: {  	s8 =	sadd.s32 s7, s4;
	s7 =	sshrl.u32 s11, $0x3;
	[smem:$0x7FA] =	sst s30  }
0x47: {  	s22 =	sadd.s32 $0x31380, s1;
	s1 =	sadd.s32 $0x31E70, s1;
	[dreg:$0x1b] =	wrdreg s8  }
0x48: {  	s11 =	simm.s32 $0x6400;
	s15 =	simm.s32 $0x1;
	[smem:$0x7F5] =	sst s22  }
0x49: {  	s12 =	sadd.s32 s7, s4;
	s4 =	sadd.s32 s5, s4;
	[smem:$0x7FC] =	sst s1  }
0x4a: {  	s1 =	simm.s32 $0x3;
	s22 =	simm.s32 $0x1DB00;
	[dreg:$0x1d] =	wrdreg s12  }
0x4b: {  	[dreg:$0x1e] =	wrdreg s4;
	s12 =	simm.s32 $0xC800;
	s4 =	simm.s32 $0x0  }
.LBB2_1:
0x4c: {  	[smem:$0x7DC] =	sst s4  }
0x4d: {  	s0 =	rddreg [dreg:$0x1f];
	s4 =	simm.s32 $0x9  }
0x4e: {  	[tilespmem:s2], [sflag:$0x9] =	stream.linear.gather [hbm4b:s0+s2], $0x6400, $0x38;
	[tilespmem:$0x1F400] =	vst v63  }
0x4f: {  	_ =	swait.ge [sflag:s4], $0x6400  }
0x50: {  	[sflag:s4] =	ssyncset.done $0x0  }
0x51: {  	[sflag:s4] =	ssyncadd.s32 $0xFFFF9C00  }
0x52: {  	[tilespmem:s11], [sflag:$0x1] =	stream.indirect.gather [hbm4b:s3+s10], $0x40, s2, s10, $0xb8;
	[tilespmem:$0x1F400] =	vst v63  }
0x53: {  	_ = 	snop  }
0x54: {  	[tilespmem:s12], [sflag:$0x2] =	stream.indirect.gather [hbm4b:s3+s10], $0x40, s10, s10, $0xb8;
	[tilespmem:$0x1F400] =	vst v63  }
0x55: {  	s5 =	simm.s32 $0x320  }
0x56: {  	[tilespmem:s13], [sflag:$0x3] =	stream.indirect.gather [hbm4b:s3+s10], $0x40, s5, s10, $0xb8;
	[tilespmem:$0x1F400] =	vst v63  }
0x57: {  	s6 =	simm.s32 $0x4B0  }
0x58: {  	[tilespmem:s14], [sflag:$0x4] =	stream.indirect.gather [hbm4b:s3+s10], $0x40, s6, s10, $0xb8;
	[tilespmem:$0x1F400] =	vst v63  }
0x59: {  	_ =	swait.ge [sflag:s15], $0x6400  }
0x5a: {  	s7 =	rddreg [dreg:$0xa];
	[sflag:s15] =	ssyncset.done $0x0  }
0x5b: {  	[sflag:s15] =	ssyncadd.s32 $0xFFFF9C00;
	s0 =	sadd.s32 $0x0, s7  }
0x5c: {  	[hbm4b:s0+s2] =	stream.linear.scatter [tilespmem:s11], [sflag:$0x5], $0xC80, $0x38;
	[tilespmem:$0x1F400] =	vst v63  }
0x5d: {  	s6 =	simm.s32 $0x7080;
	s8 =	rddreg [dreg:$0x1e];
	s5 =	sadd.s32 $0x190, s0  }
0x5e: {  	[hbm4b:s5+s2] =	stream.linear.scatter [tilespmem:s6], [sflag:$0x5], $0xC80, $0x38;
	[tilespmem:$0x1F400] =	vst v63  }
0x5f: {  	s9 =	rddreg [dreg:$0x1d];
	s4 =	sadd.s32 $0x0, s8;
	s7 =	simm.s32 $0x7D00  }
0x60: {  	[hbm4b:s4+s2] =	stream.linear.scatter [tilespmem:s7], [sflag:$0x5], $0xC80, $0x38;
	[tilespmem:$0x1F400] =	vst v63  }
0x61: {  	s8 =	rddreg [dreg:$0x1c];
	s5 =	sadd.s32 $0x0, s9;
	s9 =	simm.s32 $0x8980  }
0x62: {  	[hbm4b:s5+s2] =	stream.linear.scatter [tilespmem:s9], [sflag:$0x5], $0xC80, $0x38;
	[tilespmem:$0x1F400] =	vst v63  }
0x63: {  	s7 =	rddreg [dreg:$0x1b];
	s4 =	sadd.s32 $0x0, s8;
	s8 =	simm.s32 $0x9600  }
0x64: {  	[hbm4b:s4+s2] =	stream.linear.scatter [tilespmem:s8], [sflag:$0x5], $0xC80, $0x38;
	[tilespmem:$0x1F400] =	vst v63  }
0x65: {  	s9 =	rddreg [dreg:$0x1a];
	s5 =	sadd.s32 $0x0, s7;
	s7 =	simm.s32 $0xA280  }
0x66: {  	[hbm4b:s5+s2] =	stream.linear.scatter [tilespmem:s7], [sflag:$0x5], $0xC80, $0x38;
	[tilespmem:$0x1F400] =	vst v63  }
0x67: {  	s8 =	rddreg [dreg:$0x19];
	s4 =	sadd.s32 $0x0, s9;
	s9 =	simm.s32 $0xAF00  }
0x68: {  	[hbm4b:s4+s2] =	stream.linear.scatter [tilespmem:s9], [sflag:$0x5], $0xC80, $0x38;
	[tilespmem:$0x1F400] =	vst v63  }
0x69: {  	s7 =	sadd.s32 $0x0, s8;
	s8 =	simm.s32 $0xBB80  }
0x6a: {  	[hbm4b:s7+s2] =	stream.linear.scatter [tilespmem:s8], [sflag:$0x5], $0xC80, $0x38;
	[tilespmem:$0x1F400] =	vst v63  }
0x6b: {  	_ =	swait.ge [sflag:s23], $0x6400  }
0x6c: {  	[sflag:s23] =	ssyncset.done $0x0  }
0x6d: {  	s6 =	sadd.s32 $0xC80, s0;
	s9 =	rddreg [dreg:$0x18];
	[sflag:s23] =	ssyncadd.s32 $0xFFFF9C00  }
0x6e: {  	[hbm4b:s6+s2] =	stream.linear.scatter [tilespmem:s12], [sflag:$0x6], $0xC80, $0x38;
	[tilespmem:$0x1F400] =	vst v63  }
0x6f: {  	s8 =	simm.s32 $0xD480;
	s7 =	rddreg [dreg:$0x17];
	s4 =	sadd.s32 $0x0, s9  }
0x70: {  	[hbm4b:s4+s2] =	stream.linear.scatter [tilespmem:s8], [sflag:$0x6], $0xC80, $0x38;
	[tilespmem:$0x1F400] =	vst v63  }
0x71: {  	s9 =	rddreg [dreg:$0x16];
	s5 =	sadd.s32 $0x0, s7;
	s7 =	simm.s32 $0xE100  }
0x72: {  	[hbm4b:s5+s2] =	stream.linear.scatter [tilespmem:s7], [sflag:$0x6], $0xC80, $0x38;
	[tilespmem:$0x1F400] =	vst v63  }
0x73: {  	s8 =	rddreg [dreg:$0x15];
	s4 =	sadd.s32 $0x0, s9;
	s9 =	simm.s32 $0xED80  }
0x74: {  	[hbm4b:s4+s2] =	stream.linear.scatter [tilespmem:s9], [sflag:$0x6], $0xC80, $0x38;
	[tilespmem:$0x1F400] =	vst v63  }
0x75: {  	s7 =	rddreg [dreg:$0x14];
	s5 =	sadd.s32 $0x0, s8;
	s8 =	simm.s32 $0xFA00  }
0x76: {  	[hbm4b:s5+s2] =	stream.linear.scatter [tilespmem:s8], [sflag:$0x6], $0xC80, $0x38;
	[tilespmem:$0x1F400] =	vst v63  }
0x77: {  	s9 =	rddreg [dreg:$0x13];
	s4 =	sadd.s32 $0x0, s7;
	s7 =	simm.s32 $0x10680  }
0x78: {  	[hbm4b:s4+s2] =	stream.linear.scatter [tilespmem:s7], [sflag:$0x6], $0xC80, $0x38;
	[tilespmem:$0x1F400] =	vst v63  }
0x79: {  	s8 =	rddreg [dreg:$0x12];
	s5 =	sadd.s32 $0x0, s9;
	s9 =	simm.s32 $0x11300  }
0x7a: {  	[hbm4b:s5+s2] =	stream.linear.scatter [tilespmem:s9], [sflag:$0x6], $0xC80, $0x38;
	[tilespmem:$0x1F400] =	vst v63  }
0x7b: {  	s6 =	simm.s32 $0x11F80;
	s4 =	sadd.s32 $0x0, s8  }
0x7c: {  	[hbm4b:s4+s2] =	stream.linear.scatter [tilespmem:s6], [sflag:$0x6], $0xC80, $0x38;
	[tilespmem:$0x1F400] =	vst v63  }
0x7d: {  	_ =	swait.ge [sflag:s1], $0x6400  }
0x7e: {  	[sflag:s1] =	ssyncset.done $0x0  }
0x7f: {  	s8 =	sadd.s32 $0x1900, s0;
	s7 =	rddreg [dreg:$0x11];
	[sflag:s1] =	ssyncadd.s32 $0xFFFF9C00  }
0x80: {  	[hbm4b:s8+s2] =	stream.linear.scatter [tilespmem:s13], [sflag:$0x7], $0xC80, $0x38;
	[tilespmem:$0x1F400] =	vst v63  }
0x81: {  	s9 =	rddreg [dreg:$0x10];
	s4 =	sadd.s32 $0x0, s7;
	s7 =	simm.s32 $0x13880  }
0x82: {  	[hbm4b:s4+s2] =	stream.linear.scatter [tilespmem:s7], [sflag:$0x7], $0xC80, $0x38;
	[tilespmem:$0x1F400] =	vst v63  }
0x83: {  	s5 =	sadd.s32 $0x0, s9;
	s9 =	simm.s32 $0x14500;
	s8 =	rddreg [dreg:$0xf]  }
0x84: {  	[hbm4b:s5+s2] =	stream.linear.scatter [tilespmem:s9], [sflag:$0x7], $0xC80, $0x38;
	[tilespmem:$0x1F400] =	vst v63  }
0x85: {  	s7 =	rddreg [dreg:$0xe];
	s4 =	sadd.s32 $0x0, s8;
	s8 =	simm.s32 $0x15180  }
0x86: {  	[hbm4b:s4+s2] =	stream.linear.scatter [tilespmem:s8], [sflag:$0x7], $0xC80, $0x38;
	[tilespmem:$0x1F400] =	vst v63  }
0x87: {  	s9 =	rddreg [dreg:$0xd];
	s5 =	sadd.s32 $0x0, s7;
	s7 =	simm.s32 $0x15E00  }
0x88: {  	[hbm4b:s5+s2] =	stream.linear.scatter [tilespmem:s7], [sflag:$0x7], $0xC80, $0x38;
	[tilespmem:$0x1F400] =	vst v63  }
0x89: {  	s8 =	rddreg [dreg:$0xc];
	s4 =	sadd.s32 $0x0, s9;
	s9 =	simm.s32 $0x16A80  }
0x8a: {  	[hbm4b:s4+s2] =	stream.linear.scatter [tilespmem:s9], [sflag:$0x7], $0xC80, $0x38;
	[tilespmem:$0x1F400] =	vst v63  }
0x8b: {  	s7 =	rddreg [dreg:$0xb];
	s5 =	sadd.s32 $0x0, s8;
	s8 =	simm.s32 $0x17700  }
0x8c: {  	[hbm4b:s5+s2] =	stream.linear.scatter [tilespmem:s8], [sflag:$0x7], $0xC80, $0x38;
	[tilespmem:$0x1F400] =	vst v63  }
0x8d: {  	s4 =	sadd.s32 $0x0, s7;
	s9 =	simm.s32 $0x18380  }
0x8e: {  	[hbm4b:s4+s2] =	stream.linear.scatter [tilespmem:s9], [sflag:$0x7], $0xC80, $0x38;
	[tilespmem:$0x1F400] =	vst v63  }
0x8f: {  	_ =	swait.ge [sflag:s16], $0x6400  }
0x90: {  	[sflag:s16] =	ssyncset.done $0x0  }
0x91: {  	s0 =	sadd.s32 $0x2580, s0;
	s6 =	rddreg [dreg:$0x9];
	[sflag:s16] =	ssyncadd.s32 $0xFFFF9C00  }
0x92: {  	[hbm4b:s0+s2] =	stream.linear.scatter [tilespmem:s14], [sflag:$0x8], $0xC80, $0x38;
	[tilespmem:$0x1F400] =	vst v63  }
0x93: {  	s7 =	rddreg [dreg:$0x8];
	s8 =	sadd.s32 $0x0, s6  }
0x94: {  	[hbm4b:s8+s2] =	stream.linear.scatter [tilespmem:s17], [sflag:$0x8], $0xC80, $0x38;
	[tilespmem:$0x1F400] =	vst v63  }
0x95: {  	s9 =	rddreg [dreg:$0x7];
	s6 =	sadd.s32 $0x0, s7  }
0x96: {  	[hbm4b:s6+s2] =	stream.linear.scatter [tilespmem:s18], [sflag:$0x8], $0xC80, $0x38;
	[tilespmem:$0x1F400] =	vst v63  }
0x97: {  	s7 =	rddreg [dreg:$0x6];
	s8 =	sadd.s32 $0x0, s9  }
0x98: {  	[hbm4b:s8+s2] =	stream.linear.scatter [tilespmem:s19], [sflag:$0x8], $0xC80, $0x38;
	[tilespmem:$0x1F400] =	vst v63  }
0x99: {  	s9 =	rddreg [dreg:$0x5];
	s6 =	sadd.s32 $0x0, s7  }
0x9a: {  	[hbm4b:s6+s2] =	stream.linear.scatter [tilespmem:s20], [sflag:$0x8], $0xC80, $0x38;
	[tilespmem:$0x1F400] =	vst v63  }
0x9b: {  	s7 =	rddreg [dreg:$0x4];
	s8 =	sadd.s32 $0x0, s9  }
0x9c: {  	[hbm4b:s8+s2] =	stream.linear.scatter [tilespmem:s21], [sflag:$0x8], $0xC80, $0x38;
	[tilespmem:$0x1F400] =	vst v63  }
0x9d: {  	s5 =	sadd.s32 $0x0, s7;
	s9 =	rddreg [dreg:$0x3]  }
0x9e: {  	[hbm4b:s5+s2] =	stream.linear.scatter [tilespmem:s22], [sflag:$0x8], $0xC80, $0x38;
	[tilespmem:$0x1F400] =	vst v63  }
0x9f: {  	s6 =	sadd.s32 $0x0, s9  }
0xa0: {  	[hbm4b:s6+s2] =	stream.linear.scatter [tilespmem:s24], [sflag:$0x8], $0xC80, $0x38;
	[tilespmem:$0x1F400] =	vst v63  }
0xa1: {  	_ =	swait.ge [sflag:s25], $0xC80  }
0xa2: {  	[sflag:s25] =	ssyncset.done $0x0  }
0xa3: {  	[sflag:s25] =	ssyncadd.s32 $0xFFFFF380  }
0xa4: {  	_ =	swait.ge [sflag:s25], $0xC80  }
0xa5: {  	[sflag:s25] =	ssyncset.done $0x0  }
0xa6: {  	[sflag:s25] =	ssyncadd.s32 $0xFFFFF380  }
0xa7: {  	_ =	swait.ge [sflag:s25], $0xC80  }
0xa8: {  	[sflag:s25] =	ssyncset.done $0x0  }
0xa9: {  	[sflag:s25] =	ssyncadd.s32 $0xFFFFF380  }
0xaa: {  	_ =	swait.ge [sflag:s25], $0xC80  }
0xab: {  	[sflag:s25] =	ssyncset.done $0x0  }
0xac: {  	[sflag:s25] =	ssyncadd.s32 $0xFFFFF380  }
0xad: {  	_ =	swait.ge [sflag:s25], $0xC80  }
0xae: {  	[sflag:s25] =	ssyncset.done $0x0  }
0xaf: {  	[sflag:s25] =	ssyncadd.s32 $0xFFFFF380  }
0xb0: {  	_ =	swait.ge [sflag:s25], $0xC80  }
0xb1: {  	[sflag:s25] =	ssyncset.done $0x0  }
0xb2: {  	[sflag:s25] =	ssyncadd.s32 $0xFFFFF380  }
0xb3: {  	_ =	swait.ge [sflag:s25], $0xC80  }
0xb4: {  	[sflag:s25] =	ssyncset.done $0x0  }
0xb5: {  	[sflag:s25] =	ssyncadd.s32 $0xFFFFF380  }
0xb6: {  	_ =	swait.ge [sflag:s25], $0xC80  }
0xb7: {  	[sflag:s25] =	ssyncset.done $0x0  }
0xb8: {  	s7 =	simm.s32 $0x640;
	[sflag:s25] =	ssyncadd.s32 $0xFFFFF380  }
0xb9: {  	[tilespmem:s11], [sflag:$0x1] =	stream.indirect.gather [hbm4b:s3+s10], $0x40, s7, s10, $0xb8;
	[tilespmem:$0x1F400] =	vst v63  }
0xba: {  	_ =	swait.ge [sflag:s26], $0xC80  }
0xbb: {  	[sflag:s26] =	ssyncset.done $0x0  }
0xbc: {  	[sflag:s26] =	ssyncadd.s32 $0xFFFFF380  }
0xbd: {  	_ =	swait.ge [sflag:s26], $0xC80  }
0xbe: {  	[sflag:s26] =	ssyncset.done $0x0  }
0xbf: {  	[sflag:s26] =	ssyncadd.s32 $0xFFFFF380  }
0xc0: {  	_ =	swait.ge [sflag:s26], $0xC80  }
0xc1: {  	[sflag:s26] =	ssyncset.done $0x0  }
0xc2: {  	[sflag:s26] =	ssyncadd.s32 $0xFFFFF380  }
0xc3: {  	_ =	swait.ge [sflag:s26], $0xC80  }
0xc4: {  	[sflag:s26] =	ssyncset.done $0x0  }
0xc5: {  	[sflag:s26] =	ssyncadd.s32 $0xFFFFF380  }
0xc6: {  	_ =	swait.ge [sflag:s26], $0xC80  }
0xc7: {  	[sflag:s26] =	ssyncset.done $0x0  }
0xc8: {  	[sflag:s26] =	ssyncadd.s32 $0xFFFFF380  }
0xc9: {  	_ =	swait.ge [sflag:s26], $0xC80  }
0xca: {  	[sflag:s26] =	ssyncset.done $0x0  }
0xcb: {  	[sflag:s26] =	ssyncadd.s32 $0xFFFFF380  }
0xcc: {  	_ =	swait.ge [sflag:s26], $0xC80  }
0xcd: {  	[sflag:s26] =	ssyncset.done $0x0  }
0xce: {  	[sflag:s26] =	ssyncadd.s32 $0xFFFFF380  }
0xcf: {  	_ =	swait.ge [sflag:s26], $0xC80  }
0xd0: {  	[sflag:s26] =	ssyncset.done $0x0  }
0xd1: {  	s8 =	simm.s32 $0x7D0;
	[sflag:s26] =	ssyncadd.s32 $0xFFFFF380  }
0xd2: {  	[tilespmem:s12], [sflag:$0x2] =	stream.indirect.gather [hbm4b:s3+s10], $0x40, s8, s10, $0xb8;
	[tilespmem:$0x1F400] =	vst v63  }
0xd3: {  	_ =	swait.ge [sflag:s28], $0xC80  }
0xd4: {  	[sflag:s28] =	ssyncset.done $0x0  }
0xd5: {  	[sflag:s28] =	ssyncadd.s32 $0xFFFFF380  }
0xd6: {  	_ =	swait.ge [sflag:s28], $0xC80  }
0xd7: {  	[sflag:s28] =	ssyncset.done $0x0  }
0xd8: {  	[sflag:s28] =	ssyncadd.s32 $0xFFFFF380  }
0xd9: {  	_ =	swait.ge [sflag:s28], $0xC80  }
0xda: {  	[sflag:s28] =	ssyncset.done $0x0  }
0xdb: {  	[sflag:s28] =	ssyncadd.s32 $0xFFFFF380  }
0xdc: {  	_ =	swait.ge [sflag:s28], $0xC80  }
0xdd: {  	[sflag:s28] =	ssyncset.done $0x0  }
0xde: {  	[sflag:s28] =	ssyncadd.s32 $0xFFFFF380  }
0xdf: {  	_ =	swait.ge [sflag:s28], $0xC80  }
0xe0: {  	[sflag:s28] =	ssyncset.done $0x0  }
0xe1: {  	[sflag:s28] =	ssyncadd.s32 $0xFFFFF380  }
0xe2: {  	_ =	swait.ge [sflag:s28], $0xC80  }
0xe3: {  	[sflag:s28] =	ssyncset.done $0x0  }
0xe4: {  	[sflag:s28] =	ssyncadd.s32 $0xFFFFF380  }
0xe5: {  	_ =	swait.ge [sflag:s28], $0xC80  }
0xe6: {  	[sflag:s28] =	ssyncset.done $0x0  }
0xe7: {  	[sflag:s28] =	ssyncadd.s32 $0xFFFFF380  }
0xe8: {  	_ =	swait.ge [sflag:s28], $0xC80  }
0xe9: {  	[sflag:s28] =	ssyncset.done $0x0  }
0xea: {  	s9 =	simm.s32 $0x960;
	[sflag:s28] =	ssyncadd.s32 $0xFFFFF380  }
0xeb: {  	[tilespmem:s13], [sflag:$0x3] =	stream.indirect.gather [hbm4b:s3+s10], $0x40, s9, s10, $0xb8;
	[tilespmem:$0x1F400] =	vst v63  }
0xec: {  	_ =	swait.ge [sflag:s29], $0xC80  }
0xed: {  	[sflag:s29] =	ssyncset.done $0x0  }
0xee: {  	[sflag:s29] =	ssyncadd.s32 $0xFFFFF380  }
0xef: {  	_ =	swait.ge [sflag:s29], $0xC80  }
0xf0: {  	[sflag:s29] =	ssyncset.done $0x0  }
0xf1: {  	[sflag:s29] =	ssyncadd.s32 $0xFFFFF380  }
0xf2: {  	_ =	swait.ge [sflag:s29], $0xC80  }
0xf3: {  	[sflag:s29] =	ssyncset.done $0x0  }
0xf4: {  	[sflag:s29] =	ssyncadd.s32 $0xFFFFF380  }
0xf5: {  	_ =	swait.ge [sflag:s29], $0xC80  }
0xf6: {  	[sflag:s29] =	ssyncset.done $0x0  }
0xf7: {  	[sflag:s29] =	ssyncadd.s32 $0xFFFFF380  }
0xf8: {  	_ =	swait.ge [sflag:s29], $0xC80  }
0xf9: {  	[sflag:s29] =	ssyncset.done $0x0  }
0xfa: {  	[sflag:s29] =	ssyncadd.s32 $0xFFFFF380  }
0xfb: {  	_ =	swait.ge [sflag:s29], $0xC80  }
0xfc: {  	[sflag:s29] =	ssyncset.done $0x0  }
0xfd: {  	[sflag:s29] =	ssyncadd.s32 $0xFFFFF380  }
0xfe: {  	_ =	swait.ge [sflag:s29], $0xC80  }
0xff: {  	[sflag:s29] =	ssyncset.done $0x0  }
0x100: {  	[sflag:s29] =	ssyncadd.s32 $0xFFFFF380  }
0x101: {  	_ =	swait.ge [sflag:s29], $0xC80  }
0x102: {  	s30 =	simm.s32 $0xAF0;
	[sflag:s29] =	ssyncset.done $0x0  }
0x103: {  	s31 =	simm.s32 $0x3200;
	s0 =	simm.s32 $0x1130;
	[sflag:s29] =	ssyncadd.s32 $0xFFFFF380  }
.LBB2_2:
0x104: {  	[tilespmem:s14], [sflag:$0x4] =	stream.indirect.gather [hbm4b:s3+s10], $0x40, s30, s10, $0xb8;
	[tilespmem:$0x1F400] =	vst v63  }
0x105: {  	_ =	swait.ge [sflag:s15], $0x6400  }
0x106: {  	s4 =	smov.u32 s31;
	s5 =	rddreg [dreg:$0xa];
	[sflag:s15] =	ssyncset.done $0x0  }
0x107: {  	[sflag:s15] =	ssyncadd.s32 $0xFFFF9C00;
	s5 =	sadd.s32 s4, s5  }
0x108: {  	[hbm4b:s5+s2] =	stream.linear.scatter [tilespmem:s11], [sflag:$0x5], $0xC80, $0x38;
	[tilespmem:$0x1F400] =	vst v63  }
0x109: {  	s9 =	simm.s32 $0x7080;
	s6 =	rddreg [dreg:$0x1e];
	s7 =	sadd.s32 $0x190, s5  }
0x10a: {  	[hbm4b:s7+s2] =	stream.linear.scatter [tilespmem:s9], [sflag:$0x5], $0xC80, $0x38;
	[tilespmem:$0x1F400] =	vst v63  }
0x10b: {  	s8 =	rddreg [dreg:$0x1d];
	s6 =	sadd.s32 s4, s6;
	s9 =	simm.s32 $0x7D00  }
0x10c: {  	[hbm4b:s6+s2] =	stream.linear.scatter [tilespmem:s9], [sflag:$0x5], $0xC80, $0x38;
	[tilespmem:$0x1F400] =	vst v63  }
0x10d: {  	s7 =	rddreg [dreg:$0x1c];
	s6 =	sadd.s32 s4, s8;
	s9 =	simm.s32 $0x8980  }
0x10e: {  	[hbm4b:s6+s2] =	stream.linear.scatter [tilespmem:s9], [sflag:$0x5], $0xC80, $0x38;
	[tilespmem:$0x1F400] =	vst v63  }
0x10f: {  	s8 =	rddreg [dreg:$0x1b];
	s6 =	sadd.s32 s4, s7;
	s9 =	simm.s32 $0x9600  }
0x110: {  	[hbm4b:s6+s2] =	stream.linear.scatter [tilespmem:s9], [sflag:$0x5], $0xC80, $0x38;
	[tilespmem:$0x1F400] =	vst v63  }
0x111: {  	s7 =	rddreg [dreg:$0x1a];
	s6 =	sadd.s32 s4, s8;
	s9 =	simm.s32 $0xA280  }
0x112: {  	[hbm4b:s6+s2] =	stream.linear.scatter [tilespmem:s9], [sflag:$0x5], $0xC80, $0x38;
	[tilespmem:$0x1F400] =	vst v63  }
0x113: {  	s7 =	sadd.s32 s4, s7;
	s8 =	rddreg [dreg:$0x19];
	s9 =	simm.s32 $0xAF00  }
0x114: {  	[hbm4b:s7+s2] =	stream.linear.scatter [tilespmem:s9], [sflag:$0x5], $0xC80, $0x38;
	[tilespmem:$0x1F400] =	vst v63  }
0x115: {  	s7 =	sadd.s32 s4, s8;
	s8 =	simm.s32 $0xBB80  }
0x116: {  	[hbm4b:s7+s2] =	stream.linear.scatter [tilespmem:s8], [sflag:$0x5], $0xC80, $0x38;
	[tilespmem:$0x1F400] =	vst v63  }
0x117: {  	_ =	swait.ge [sflag:s23], $0x6400  }
0x118: {  	[sflag:s23] =	ssyncset.done $0x0  }
0x119: {  	s9 =	sadd.s32 $0xC80, s5;
	s6 =	rddreg [dreg:$0x18];
	[sflag:s23] =	ssyncadd.s32 $0xFFFF9C00  }
0x11a: {  	[hbm4b:s9+s2] =	stream.linear.scatter [tilespmem:s12], [sflag:$0x6], $0xC80, $0x38;
	[tilespmem:$0x1F400] =	vst v63  }
0x11b: {  	s8 =	rddreg [dreg:$0x17];
	s6 =	sadd.s32 s4, s6;
	s9 =	simm.s32 $0xD480  }
0x11c: {  	[hbm4b:s6+s2] =	stream.linear.scatter [tilespmem:s9], [sflag:$0x6], $0xC80, $0x38;
	[tilespmem:$0x1F400] =	vst v63  }
0x11d: {  	s7 =	rddreg [dreg:$0x16];
	s6 =	sadd.s32 s4, s8;
	s9 =	simm.s32 $0xE100  }
0x11e: {  	[hbm4b:s6+s2] =	stream.linear.scatter [tilespmem:s9], [sflag:$0x6], $0xC80, $0x38;
	[tilespmem:$0x1F400] =	vst v63  }
0x11f: {  	s8 =	rddreg [dreg:$0x15];
	s6 =	sadd.s32 s4, s7;
	s9 =	simm.s32 $0xED80  }
0x120: {  	[hbm4b:s6+s2] =	stream.linear.scatter [tilespmem:s9], [sflag:$0x6], $0xC80, $0x38;
	[tilespmem:$0x1F400] =	vst v63  }
0x121: {  	s7 =	rddreg [dreg:$0x14];
	s6 =	sadd.s32 s4, s8;
	s9 =	simm.s32 $0xFA00  }
0x122: {  	[hbm4b:s6+s2] =	stream.linear.scatter [tilespmem:s9], [sflag:$0x6], $0xC80, $0x38;
	[tilespmem:$0x1F400] =	vst v63  }
0x123: {  	s8 =	rddreg [dreg:$0x13];
	s6 =	sadd.s32 s4, s7;
	s9 =	simm.s32 $0x10680  }
0x124: {  	[hbm4b:s6+s2] =	stream.linear.scatter [tilespmem:s9], [sflag:$0x6], $0xC80, $0x38;
	[tilespmem:$0x1F400] =	vst v63  }
0x125: {  	s8 =	sadd.s32 s4, s8;
	s7 =	rddreg [dreg:$0x12];
	s9 =	simm.s32 $0x11300  }
0x126: {  	[hbm4b:s8+s2] =	stream.linear.scatter [tilespmem:s9], [sflag:$0x6], $0xC80, $0x38;
	[tilespmem:$0x1F400] =	vst v63  }
0x127: {  	s7 =	sadd.s32 s4, s7;
	s8 =	simm.s32 $0x11F80  }
0x128: {  	[hbm4b:s7+s2] =	stream.linear.scatter [tilespmem:s8], [sflag:$0x6], $0xC80, $0x38;
	[tilespmem:$0x1F400] =	vst v63  }
0x129: {  	_ =	swait.ge [sflag:s1], $0x6400  }
0x12a: {  	[sflag:s1] =	ssyncset.done $0x0  }
0x12b: {  	s9 =	sadd.s32 $0x1900, s5;
	s6 =	rddreg [dreg:$0x11];
	[sflag:s1] =	ssyncadd.s32 $0xFFFF9C00  }
0x12c: {  	[hbm4b:s9+s2] =	stream.linear.scatter [tilespmem:s13], [sflag:$0x7], $0xC80, $0x38;
	[tilespmem:$0x1F400] =	vst v63  }
0x12d: {  	s8 =	rddreg [dreg:$0x10];
	s6 =	sadd.s32 s4, s6;
	s9 =	simm.s32 $0x13880  }
0x12e: {  	[hbm4b:s6+s2] =	stream.linear.scatter [tilespmem:s9], [sflag:$0x7], $0xC80, $0x38;
	[tilespmem:$0x1F400] =	vst v63  }
0x12f: {  	s7 =	rddreg [dreg:$0xf];
	s6 =	sadd.s32 s4, s8;
	s9 =	simm.s32 $0x14500  }
0x130: {  	[hbm4b:s6+s2] =	stream.linear.scatter [tilespmem:s9], [sflag:$0x7], $0xC80, $0x38;
	[tilespmem:$0x1F400] =	vst v63  }
0x131: {  	s8 =	rddreg [dreg:$0xe];
	s6 =	sadd.s32 s4, s7;
	s9 =	simm.s32 $0x15180  }
0x132: {  	[hbm4b:s6+s2] =	stream.linear.scatter [tilespmem:s9], [sflag:$0x7], $0xC80, $0x38;
	[tilespmem:$0x1F400] =	vst v63  }
0x133: {  	s7 =	rddreg [dreg:$0xd];
	s6 =	sadd.s32 s4, s8;
	s9 =	simm.s32 $0x15E00  }
0x134: {  	[hbm4b:s6+s2] =	stream.linear.scatter [tilespmem:s9], [sflag:$0x7], $0xC80, $0x38;
	[tilespmem:$0x1F400] =	vst v63  }
0x135: {  	s8 =	rddreg [dreg:$0xc];
	s6 =	sadd.s32 s4, s7;
	s9 =	simm.s32 $0x16A80  }
0x136: {  	[hbm4b:s6+s2] =	stream.linear.scatter [tilespmem:s9], [sflag:$0x7], $0xC80, $0x38;
	[tilespmem:$0x1F400] =	vst v63  }
0x137: {  	s8 =	sadd.s32 s4, s8;
	s7 =	rddreg [dreg:$0xb];
	s9 =	simm.s32 $0x17700  }
0x138: {  	[hbm4b:s8+s2] =	stream.linear.scatter [tilespmem:s9], [sflag:$0x7], $0xC80, $0x38;
	[tilespmem:$0x1F400] =	vst v63  }
0x139: {  	s7 =	sadd.s32 s4, s7;
	s8 =	simm.s32 $0x18380  }
0x13a: {  	[hbm4b:s7+s2] =	stream.linear.scatter [tilespmem:s8], [sflag:$0x7], $0xC80, $0x38;
	[tilespmem:$0x1F400] =	vst v63  }
0x13b: {  	_ =	swait.ge [sflag:s16], $0x6400  }
0x13c: {  	[sflag:s16] =	ssyncset.done $0x0  }
0x13d: {  	s5 =	sadd.s32 $0x2580, s5;
	s9 =	rddreg [dreg:$0x9];
	[sflag:s16] =	ssyncadd.s32 $0xFFFF9C00  }
0x13e: {  	[hbm4b:s5+s2] =	stream.linear.scatter [tilespmem:s14], [sflag:$0x8], $0xC80, $0x38;
	[tilespmem:$0x1F400] =	vst v63  }
0x13f: {  	s7 =	rddreg [dreg:$0x8];
	s8 =	sadd.s32 s4, s9  }
0x140: {  	[hbm4b:s8+s2] =	stream.linear.scatter [tilespmem:s17], [sflag:$0x8], $0xC80, $0x38;
	[tilespmem:$0x1F400] =	vst v63  }
0x141: {  	s9 =	rddreg [dreg:$0x7];
	s7 =	sadd.s32 s4, s7  }
0x142: {  	[hbm4b:s7+s2] =	stream.linear.scatter [tilespmem:s18], [sflag:$0x8], $0xC80, $0x38;
	[tilespmem:$0x1F400] =	vst v63  }
0x143: {  	s9 =	sadd.s32 s4, s9;
	s8 =	rddreg [dreg:$0x6]  }
0x144: {  	[hbm4b:s9+s2] =	stream.linear.scatter [tilespmem:s19], [sflag:$0x8], $0xC80, $0x38;
	[tilespmem:$0x1F400] =	vst v63  }
0x145: {  	s6 =	rddreg [dreg:$0x5];
	s8 =	sadd.s32 s4, s8  }
0x146: {  	[hbm4b:s8+s2] =	stream.linear.scatter [tilespmem:s20], [sflag:$0x8], $0xC80, $0x38;
	[tilespmem:$0x1F400] =	vst v63  }
0x147: {  	s6 =	sadd.s32 s4, s6;
	s9 =	rddreg [dreg:$0x4]  }
0x148: {  	[hbm4b:s6+s2] =	stream.linear.scatter [tilespmem:s21], [sflag:$0x8], $0xC80, $0x38;
	[tilespmem:$0x1F400] =	vst v63  }
0x149: {  	s9 =	sadd.s32 s4, s9;
	s8 =	rddreg [dreg:$0x3]  }
0x14a: {  	[hbm4b:s9+s2] =	stream.linear.scatter [tilespmem:s22], [sflag:$0x8], $0xC80, $0x38;
	[tilespmem:$0x1F400] =	vst v63  }
0x14b: {  	s4 =	sadd.s32 s4, s8  }
0x14c: {  	[hbm4b:s4+s2] =	stream.linear.scatter [tilespmem:s24], [sflag:$0x8], $0xC80, $0x38;
	[tilespmem:$0x1F400] =	vst v63  }
0x14d: {  	_ =	swait.ge [sflag:s25], $0xC80  }
0x14e: {  	[sflag:s25] =	ssyncset.done $0x0  }
0x14f: {  	[sflag:s25] =	ssyncadd.s32 $0xFFFFF380  }
0x150: {  	_ =	swait.ge [sflag:s25], $0xC80  }
0x151: {  	[sflag:s25] =	ssyncset.done $0x0  }
0x152: {  	[sflag:s25] =	ssyncadd.s32 $0xFFFFF380  }
0x153: {  	_ =	swait.ge [sflag:s25], $0xC80  }
0x154: {  	[sflag:s25] =	ssyncset.done $0x0  }
0x155: {  	[sflag:s25] =	ssyncadd.s32 $0xFFFFF380  }
0x156: {  	_ =	swait.ge [sflag:s25], $0xC80  }
0x157: {  	[sflag:s25] =	ssyncset.done $0x0  }
0x158: {  	[sflag:s25] =	ssyncadd.s32 $0xFFFFF380  }
0x159: {  	_ =	swait.ge [sflag:s25], $0xC80  }
0x15a: {  	[sflag:s25] =	ssyncset.done $0x0  }
0x15b: {  	[sflag:s25] =	ssyncadd.s32 $0xFFFFF380  }
0x15c: {  	_ =	swait.ge [sflag:s25], $0xC80  }
0x15d: {  	[sflag:s25] =	ssyncset.done $0x0  }
0x15e: {  	[sflag:s25] =	ssyncadd.s32 $0xFFFFF380  }
0x15f: {  	_ =	swait.ge [sflag:s25], $0xC80  }
0x160: {  	[sflag:s25] =	ssyncset.done $0x0  }
0x161: {  	[sflag:s25] =	ssyncadd.s32 $0xFFFFF380  }
0x162: {  	_ =	swait.ge [sflag:s25], $0xC80  }
0x163: {  	[sflag:s25] =	ssyncset.done $0x0  }
0x164: {  	s7 =	sadd.s32 $0xFFFFFB50, s0;
	[sflag:s25] =	ssyncadd.s32 $0xFFFFF380  }
0x165: {  	[tilespmem:s11], [sflag:$0x1] =	stream.indirect.gather [hbm4b:s3+s10], $0x40, s7, s10, $0xb8;
	[tilespmem:$0x1F400] =	vst v63  }
0x166: {  	_ =	swait.ge [sflag:s26], $0xC80  }
0x167: {  	[sflag:s26] =	ssyncset.done $0x0  }
0x168: {  	[sflag:s26] =	ssyncadd.s32 $0xFFFFF380  }
0x169: {  	_ =	swait.ge [sflag:s26], $0xC80  }
0x16a: {  	[sflag:s26] =	ssyncset.done $0x0  }
0x16b: {  	[sflag:s26] =	ssyncadd.s32 $0xFFFFF380  }
0x16c: {  	_ =	swait.ge [sflag:s26], $0xC80  }
0x16d: {  	[sflag:s26] =	ssyncset.done $0x0  }
0x16e: {  	[sflag:s26] =	ssyncadd.s32 $0xFFFFF380  }
0x16f: {  	_ =	swait.ge [sflag:s26], $0xC80  }
0x170: {  	[sflag:s26] =	ssyncset.done $0x0  }
0x171: {  	[sflag:s26] =	ssyncadd.s32 $0xFFFFF380  }
0x172: {  	_ =	swait.ge [sflag:s26], $0xC80  }
0x173: {  	[sflag:s26] =	ssyncset.done $0x0  }
0x174: {  	[sflag:s26] =	ssyncadd.s32 $0xFFFFF380  }
0x175: {  	_ =	swait.ge [sflag:s26], $0xC80  }
0x176: {  	[sflag:s26] =	ssyncset.done $0x0  }
0x177: {  	[sflag:s26] =	ssyncadd.s32 $0xFFFFF380  }
0x178: {  	_ =	swait.ge [sflag:s26], $0xC80  }
0x179: {  	[sflag:s26] =	ssyncset.done $0x0  }
0x17a: {  	[sflag:s26] =	ssyncadd.s32 $0xFFFFF380  }
0x17b: {  	_ =	swait.ge [sflag:s26], $0xC80  }
0x17c: {  	[sflag:s26] =	ssyncset.done $0x0  }
0x17d: {  	s8 =	sadd.s32 $0xFFFFFCE0, s0;
	[sflag:s26] =	ssyncadd.s32 $0xFFFFF380  }
0x17e: {  	[tilespmem:s12], [sflag:$0x2] =	stream.indirect.gather [hbm4b:s3+s10], $0x40, s8, s10, $0xb8;
	[tilespmem:$0x1F400] =	vst v63  }
0x17f: {  	_ =	swait.ge [sflag:s28], $0xC80  }
0x180: {  	[sflag:s28] =	ssyncset.done $0x0  }
0x181: {  	[sflag:s28] =	ssyncadd.s32 $0xFFFFF380  }
0x182: {  	_ =	swait.ge [sflag:s28], $0xC80  }
0x183: {  	[sflag:s28] =	ssyncset.done $0x0  }
0x184: {  	[sflag:s28] =	ssyncadd.s32 $0xFFFFF380  }
0x185: {  	_ =	swait.ge [sflag:s28], $0xC80  }
0x186: {  	[sflag:s28] =	ssyncset.done $0x0  }
0x187: {  	[sflag:s28] =	ssyncadd.s32 $0xFFFFF380  }
0x188: {  	_ =	swait.ge [sflag:s28], $0xC80  }
0x189: {  	[sflag:s28] =	ssyncset.done $0x0  }
0x18a: {  	[sflag:s28] =	ssyncadd.s32 $0xFFFFF380  }
0x18b: {  	_ =	swait.ge [sflag:s28], $0xC80  }
0x18c: {  	[sflag:s28] =	ssyncset.done $0x0  }
0x18d: {  	[sflag:s28] =	ssyncadd.s32 $0xFFFFF380  }
0x18e: {  	_ =	swait.ge [sflag:s28], $0xC80  }
0x18f: {  	[sflag:s28] =	ssyncset.done $0x0  }
0x190: {  	[sflag:s28] =	ssyncadd.s32 $0xFFFFF380  }
0x191: {  	_ =	swait.ge [sflag:s28], $0xC80  }
0x192: {  	[sflag:s28] =	ssyncset.done $0x0  }
0x193: {  	[sflag:s28] =	ssyncadd.s32 $0xFFFFF380  }
0x194: {  	_ =	swait.ge [sflag:s28], $0xC80  }
0x195: {  	[sflag:s28] =	ssyncset.done $0x0  }
0x196: {  	s9 =	sadd.s32 $0xFFFFFE70, s0;
	[sflag:s28] =	ssyncadd.s32 $0xFFFFF380  }
0x197: {  	[tilespmem:s13], [sflag:$0x3] =	stream.indirect.gather [hbm4b:s3+s10], $0x40, s9, s10, $0xb8;
	[tilespmem:$0x1F400] =	vst v63  }
0x198: {  	_ =	swait.ge [sflag:s29], $0xC80  }
0x199: {  	[sflag:s29] =	ssyncset.done $0x0  }
0x19a: {  	[sflag:s29] =	ssyncadd.s32 $0xFFFFF380  }
0x19b: {  	_ =	swait.ge [sflag:s29], $0xC80  }
0x19c: {  	[sflag:s29] =	ssyncset.done $0x0  }
0x19d: {  	[sflag:s29] =	ssyncadd.s32 $0xFFFFF380  }
0x19e: {  	_ =	swait.ge [sflag:s29], $0xC80  }
0x19f: {  	[sflag:s29] =	ssyncset.done $0x0  }
0x1a0: {  	[sflag:s29] =	ssyncadd.s32 $0xFFFFF380  }
0x1a1: {  	_ =	swait.ge [sflag:s29], $0xC80  }
0x1a2: {  	[sflag:s29] =	ssyncset.done $0x0  }
0x1a3: {  	[sflag:s29] =	ssyncadd.s32 $0xFFFFF380  }
0x1a4: {  	_ =	swait.ge [sflag:s29], $0xC80  }
0x1a5: {  	[sflag:s29] =	ssyncset.done $0x0  }
0x1a6: {  	[sflag:s29] =	ssyncadd.s32 $0xFFFFF380  }
0x1a7: {  	_ =	swait.ge [sflag:s29], $0xC80  }
0x1a8: {  	[sflag:s29] =	ssyncset.done $0x0  }
0x1a9: {  	[sflag:s29] =	ssyncadd.s32 $0xFFFFF380  }
0x1aa: {  	p0 =	sne.s32 s31, $0x2BC00;
	_ =	swait.ge [sflag:s29], $0xC80  }
.Ltmp0:
0x1ab: {  	[sflag:s29] =	ssyncset.done $0x0;
	(pc) =	sbr.rel @p0 .LBB2_2-.Ltmp0, $4  }
0x1ac: {  	[sflag:s29] =	ssyncadd.s32 $0xFFFFF380  }
0x1ad: {  	_ =	swait.ge [sflag:s29], $0xC80  }
0x1ae: {  	s30 =	smov.u32 s0;
	[sflag:s29] =	ssyncset.done $0x0  }
0x1af: {  	s31 =	sadd.s32 $0x3200, s31;
	s0 =	sadd.s32 $0x640, s0;
	[sflag:s29] =	ssyncadd.s32 $0xFFFFF380  }
0x1b0: {  	[tilespmem:s14], [sflag:$0x4] =	stream.indirect.gather [hbm4b:s3+s10], $0x40, s30, s10, $0xb8;
	[tilespmem:$0x1F400] =	vst v63  }
0x1b1: {  	_ =	swait.ge [sflag:s15], $0x6400  }
0x1b2: {  	s0 =	sld [smem:$0x7DD]  }
0x1b3: {  	[sflag:s15] =	ssyncset.done $0x0  }
0x1b4: {  	s5 =	sld [smem:$0x7DE];
	[sflag:s15] =	ssyncadd.s32 $0xFFFF9C00  }
0x1b5: {  	[hbm4b:s0+s2] =	stream.linear.scatter [tilespmem:s11], [sflag:$0x5], $0xC80, $0x38;
	[tilespmem:$0x1F400] =	vst v63  }
0x1b6: {  	s4 =	simm.s32 $0x7080;
	s6 =	sld [smem:$0x7DF]  }
0x1b7: {  	[hbm4b:s5+s2] =	stream.linear.scatter [tilespmem:s4], [sflag:$0x5], $0xC80, $0x38;
	[tilespmem:$0x1F400] =	vst v63  }
0x1b8: {  	s7 =	simm.s32 $0x7D00;
	s8 =	sld [smem:$0x7E0]  }
0x1b9: {  	[hbm4b:s6+s2] =	stream.linear.scatter [tilespmem:s7], [sflag:$0x5], $0xC80, $0x38;
	[tilespmem:$0x1F400] =	vst v63  }
0x1ba: {  	s9 =	simm.s32 $0x8980;
	s30 =	sld [smem:$0x7E1]  }
0x1bb: {  	[hbm4b:s8+s2] =	stream.linear.scatter [tilespmem:s9], [sflag:$0x5], $0xC80, $0x38;
	[tilespmem:$0x1F400] =	vst v63  }
0x1bc: {  	s31 =	simm.s32 $0x9600;
	s5 =	sld [smem:$0x7E2]  }
0x1bd: {  	[hbm4b:s30+s2] =	stream.linear.scatter [tilespmem:s31], [sflag:$0x5], $0xC80, $0x38;
	[tilespmem:$0x1F400] =	vst v63  }
0x1be: {  	s6 =	simm.s32 $0xA280;
	s7 =	sld [smem:$0x7E3]  }
0x1bf: {  	[hbm4b:s5+s2] =	stream.linear.scatter [tilespmem:s6], [sflag:$0x5], $0xC80, $0x38;
	[tilespmem:$0x1F400] =	vst v63  }
0x1c0: {  	s8 =	simm.s32 $0xAF00;
	s9 =	sld [smem:$0x7E4]  }
0x1c1: {  	[hbm4b:s7+s2] =	stream.linear.scatter [tilespmem:s8], [sflag:$0x5], $0xC80, $0x38;
	[tilespmem:$0x1F400] =	vst v63  }
0x1c2: {  	s30 =	simm.s32 $0xBB80  }
0x1c3: {  	[hbm4b:s9+s2] =	stream.linear.scatter [tilespmem:s30], [sflag:$0x5], $0xC80, $0x38;
	[tilespmem:$0x1F400] =	vst v63  }
0x1c4: {  	_ =	swait.ge [sflag:s23], $0x6400  }
0x1c5: {  	s31 =	sld [smem:$0x7E5]  }
0x1c6: {  	[sflag:s23] =	ssyncset.done $0x0  }
0x1c7: {  	s4 =	sld [smem:$0x7E6];
	[sflag:s23] =	ssyncadd.s32 $0xFFFF9C00  }
0x1c8: {  	[hbm4b:s31+s2] =	stream.linear.scatter [tilespmem:s12], [sflag:$0x6], $0xC80, $0x38;
	[tilespmem:$0x1F400] =	vst v63  }
0x1c9: {  	s5 =	simm.s32 $0xD480;
	s6 =	sld [smem:$0x7E7]  }
0x1ca: {  	[hbm4b:s4+s2] =	stream.linear.scatter [tilespmem:s5], [sflag:$0x6], $0xC80, $0x38;
	[tilespmem:$0x1F400] =	vst v63  }
0x1cb: {  	s7 =	simm.s32 $0xE100;
	s8 =	sld [smem:$0x7E8]  }
0x1cc: {  	[hbm4b:s6+s2] =	stream.linear.scatter [tilespmem:s7], [sflag:$0x6], $0xC80, $0x38;
	[tilespmem:$0x1F400] =	vst v63  }
0x1cd: {  	s9 =	simm.s32 $0xED80;
	s30 =	sld [smem:$0x7E9]  }
0x1ce: {  	[hbm4b:s8+s2] =	stream.linear.scatter [tilespmem:s9], [sflag:$0x6], $0xC80, $0x38;
	[tilespmem:$0x1F400] =	vst v63  }
0x1cf: {  	s31 =	simm.s32 $0xFA00;
	s5 =	sld [smem:$0x7EA]  }
0x1d0: {  	[hbm4b:s30+s2] =	stream.linear.scatter [tilespmem:s31], [sflag:$0x6], $0xC80, $0x38;
	[tilespmem:$0x1F400] =	vst v63  }
0x1d1: {  	s6 =	simm.s32 $0x10680;
	s7 =	sld [smem:$0x7EB]  }
0x1d2: {  	[hbm4b:s5+s2] =	stream.linear.scatter [tilespmem:s6], [sflag:$0x6], $0xC80, $0x38;
	[tilespmem:$0x1F400] =	vst v63  }
0x1d3: {  	s8 =	simm.s32 $0x11300;
	s9 =	sld [smem:$0x7EC]  }
0x1d4: {  	[hbm4b:s7+s2] =	stream.linear.scatter [tilespmem:s8], [sflag:$0x6], $0xC80, $0x38;
	[tilespmem:$0x1F400] =	vst v63  }
0x1d5: {  	s30 =	simm.s32 $0x11F80  }
0x1d6: {  	[hbm4b:s9+s2] =	stream.linear.scatter [tilespmem:s30], [sflag:$0x6], $0xC80, $0x38;
	[tilespmem:$0x1F400] =	vst v63  }
0x1d7: {  	_ =	swait.ge [sflag:s1], $0x6400  }
0x1d8: {  	s31 =	sld [smem:$0x7ED]  }
0x1d9: {  	[sflag:s1] =	ssyncset.done $0x0  }
0x1da: {  	s4 =	sld [smem:$0x7EE];
	[sflag:s1] =	ssyncadd.s32 $0xFFFF9C00  }
0x1db: {  	[hbm4b:s31+s2] =	stream.linear.scatter [tilespmem:s13], [sflag:$0x7], $0xC80, $0x38;
	[tilespmem:$0x1F400] =	vst v63  }
0x1dc: {  	s5 =	simm.s32 $0x13880;
	s6 =	sld [smem:$0x7EF]  }
0x1dd: {  	[hbm4b:s4+s2] =	stream.linear.scatter [tilespmem:s5], [sflag:$0x7], $0xC80, $0x38;
	[tilespmem:$0x1F400] =	vst v63  }
0x1de: {  	s7 =	simm.s32 $0x14500;
	s8 =	sld [smem:$0x7F0]  }
0x1df: {  	[hbm4b:s6+s2] =	stream.linear.scatter [tilespmem:s7], [sflag:$0x7], $0xC80, $0x38;
	[tilespmem:$0x1F400] =	vst v63  }
0x1e0: {  	s9 =	simm.s32 $0x15180;
	s30 =	sld [smem:$0x7F1]  }
0x1e1: {  	[hbm4b:s8+s2] =	stream.linear.scatter [tilespmem:s9], [sflag:$0x7], $0xC80, $0x38;
	[tilespmem:$0x1F400] =	vst v63  }
0x1e2: {  	s31 =	simm.s32 $0x15E00;
	s4 =	sld [smem:$0x7F2]  }
0x1e3: {  	[hbm4b:s30+s2] =	stream.linear.scatter [tilespmem:s31], [sflag:$0x7], $0xC80, $0x38;
	[tilespmem:$0x1F400] =	vst v63  }
0x1e4: {  	s5 =	simm.s32 $0x16A80;
	s6 =	sld [smem:$0x7F3]  }
0x1e5: {  	[hbm4b:s4+s2] =	stream.linear.scatter [tilespmem:s5], [sflag:$0x7], $0xC80, $0x38;
	[tilespmem:$0x1F400] =	vst v63  }
0x1e6: {  	s7 =	simm.s32 $0x17700;
	s8 =	sld [smem:$0x7F4]  }
0x1e7: {  	[hbm4b:s6+s2] =	stream.linear.scatter [tilespmem:s7], [sflag:$0x7], $0xC80, $0x38;
	[tilespmem:$0x1F400] =	vst v63  }
0x1e8: {  	s9 =	simm.s32 $0x18380  }
0x1e9: {  	[hbm4b:s8+s2] =	stream.linear.scatter [tilespmem:s9], [sflag:$0x7], $0xC80, $0x38;
	[tilespmem:$0x1F400] =	vst v63  }
0x1ea: {  	_ =	swait.ge [sflag:s16], $0x6400  }
0x1eb: {  	s30 =	sld [smem:$0x7F5]  }
0x1ec: {  	[sflag:s16] =	ssyncset.done $0x0  }
0x1ed: {  	s31 =	sld [smem:$0x7F6];
	[sflag:s16] =	ssyncadd.s32 $0xFFFF9C00  }
0x1ee: {  	[hbm4b:s30+s2] =	stream.linear.scatter [tilespmem:s14], [sflag:$0x8], $0xC80, $0x38;
	[tilespmem:$0x1F400] =	vst v63  }
0x1ef: {  	s4 =	sld [smem:$0x7F7]  }
0x1f0: {  	[hbm4b:s31+s2] =	stream.linear.scatter [tilespmem:s17], [sflag:$0x8], $0xC80, $0x38;
	[tilespmem:$0x1F400] =	vst v63  }
0x1f1: {  	s5 =	sld [smem:$0x7F8]  }
0x1f2: {  	[hbm4b:s4+s2] =	stream.linear.scatter [tilespmem:s18], [sflag:$0x8], $0xC80, $0x38;
	[tilespmem:$0x1F400] =	vst v63  }
0x1f3: {  	s6 =	sld [smem:$0x7F9]  }
0x1f4: {  	[hbm4b:s5+s2] =	stream.linear.scatter [tilespmem:s19], [sflag:$0x8], $0xC80, $0x38;
	[tilespmem:$0x1F400] =	vst v63  }
0x1f5: {  	s7 =	sld [smem:$0x7FA]  }
0x1f6: {  	[hbm4b:s6+s2] =	stream.linear.scatter [tilespmem:s20], [sflag:$0x8], $0xC80, $0x38;
	[tilespmem:$0x1F400] =	vst v63  }
0x1f7: {  	s8 =	sld [smem:$0x7FB]  }
0x1f8: {  	[hbm4b:s7+s2] =	stream.linear.scatter [tilespmem:s21], [sflag:$0x8], $0xC80, $0x38;
	[tilespmem:$0x1F400] =	vst v63  }
0x1f9: {  	s9 =	sld [smem:$0x7FC]  }
0x1fa: {  	[hbm4b:s8+s2] =	stream.linear.scatter [tilespmem:s22], [sflag:$0x8], $0xC80, $0x38;
	[tilespmem:$0x1F400] =	vst v63  }
0x1fb: {  	_ = 	snop  }
0x1fc: {  	[hbm4b:s9+s2] =	stream.linear.scatter [tilespmem:s24], [sflag:$0x8], $0xC80, $0x38;
	[tilespmem:$0x1F400] =	vst v63  }
0x1fd: {  	_ =	swait.ge [sflag:s25], $0xC80  }
0x1fe: {  	[sflag:s25] =	ssyncset.done $0x0  }
0x1ff: {  	[sflag:s25] =	ssyncadd.s32 $0xFFFFF380  }
0x200: {  	_ =	swait.ge [sflag:s25], $0xC80  }
0x201: {  	[sflag:s25] =	ssyncset.done $0x0  }
0x202: {  	[sflag:s25] =	ssyncadd.s32 $0xFFFFF380  }
0x203: {  	_ =	swait.ge [sflag:s25], $0xC80  }
0x204: {  	[sflag:s25] =	ssyncset.done $0x0  }
0x205: {  	[sflag:s25] =	ssyncadd.s32 $0xFFFFF380  }
0x206: {  	_ =	swait.ge [sflag:s25], $0xC80  }
0x207: {  	[sflag:s25] =	ssyncset.done $0x0  }
0x208: {  	[sflag:s25] =	ssyncadd.s32 $0xFFFFF380  }
0x209: {  	_ =	swait.ge [sflag:s25], $0xC80  }
0x20a: {  	[sflag:s25] =	ssyncset.done $0x0  }
0x20b: {  	[sflag:s25] =	ssyncadd.s32 $0xFFFFF380  }
0x20c: {  	_ =	swait.ge [sflag:s25], $0xC80  }
0x20d: {  	[sflag:s25] =	ssyncset.done $0x0  }
0x20e: {  	[sflag:s25] =	ssyncadd.s32 $0xFFFFF380  }
0x20f: {  	_ =	swait.ge [sflag:s25], $0xC80  }
0x210: {  	[sflag:s25] =	ssyncset.done $0x0  }
0x211: {  	[sflag:s25] =	ssyncadd.s32 $0xFFFFF380  }
0x212: {  	_ =	swait.ge [sflag:s25], $0xC80  }
0x213: {  	[sflag:s25] =	ssyncset.done $0x0  }
0x214: {  	[sflag:s25] =	ssyncadd.s32 $0xFFFFF380  }
0x215: {  	_ =	swait.ge [sflag:s26], $0xC80  }
0x216: {  	[sflag:s26] =	ssyncset.done $0x0  }
0x217: {  	[sflag:s26] =	ssyncadd.s32 $0xFFFFF380  }
0x218: {  	_ =	swait.ge [sflag:s26], $0xC80  }
0x219: {  	[sflag:s26] =	ssyncset.done $0x0  }
0x21a: {  	[sflag:s26] =	ssyncadd.s32 $0xFFFFF380  }
0x21b: {  	_ =	swait.ge [sflag:s26], $0xC80  }
0x21c: {  	[sflag:s26] =	ssyncset.done $0x0  }
0x21d: {  	[sflag:s26] =	ssyncadd.s32 $0xFFFFF380  }
0x21e: {  	_ =	swait.ge [sflag:s26], $0xC80  }
0x21f: {  	[sflag:s26] =	ssyncset.done $0x0  }
0x220: {  	[sflag:s26] =	ssyncadd.s32 $0xFFFFF380  }
0x221: {  	_ =	swait.ge [sflag:s26], $0xC80  }
0x222: {  	[sflag:s26] =	ssyncset.done $0x0  }
0x223: {  	[sflag:s26] =	ssyncadd.s32 $0xFFFFF380  }
0x224: {  	_ =	swait.ge [sflag:s26], $0xC80  }
0x225: {  	[sflag:s26] =	ssyncset.done $0x0  }
0x226: {  	[sflag:s26] =	ssyncadd.s32 $0xFFFFF380  }
0x227: {  	_ =	swait.ge [sflag:s26], $0xC80  }
0x228: {  	[sflag:s26] =	ssyncset.done $0x0  }
0x229: {  	[sflag:s26] =	ssyncadd.s32 $0xFFFFF380  }
0x22a: {  	_ =	swait.ge [sflag:s26], $0xC80  }
0x22b: {  	[sflag:s26] =	ssyncset.done $0x0  }
0x22c: {  	[sflag:s26] =	ssyncadd.s32 $0xFFFFF380  }
0x22d: {  	_ =	swait.ge [sflag:s28], $0xC80  }
0x22e: {  	[sflag:s28] =	ssyncset.done $0x0  }
0x22f: {  	[sflag:s28] =	ssyncadd.s32 $0xFFFFF380  }
0x230: {  	_ =	swait.ge [sflag:s28], $0xC80  }
0x231: {  	[sflag:s28] =	ssyncset.done $0x0  }
0x232: {  	[sflag:s28] =	ssyncadd.s32 $0xFFFFF380  }
0x233: {  	_ =	swait.ge [sflag:s28], $0xC80  }
0x234: {  	[sflag:s28] =	ssyncset.done $0x0  }
0x235: {  	[sflag:s28] =	ssyncadd.s32 $0xFFFFF380  }
0x236: {  	_ =	swait.ge [sflag:s28], $0xC80  }
0x237: {  	[sflag:s28] =	ssyncset.done $0x0  }
0x238: {  	[sflag:s28] =	ssyncadd.s32 $0xFFFFF380  }
0x239: {  	_ =	swait.ge [sflag:s28], $0xC80  }
0x23a: {  	[sflag:s28] =	ssyncset.done $0x0  }
0x23b: {  	[sflag:s28] =	ssyncadd.s32 $0xFFFFF380  }
0x23c: {  	_ =	swait.ge [sflag:s28], $0xC80  }
0x23d: {  	[sflag:s28] =	ssyncset.done $0x0  }
0x23e: {  	[sflag:s28] =	ssyncadd.s32 $0xFFFFF380  }
0x23f: {  	_ =	swait.ge [sflag:s28], $0xC80  }
0x240: {  	[sflag:s28] =	ssyncset.done $0x0  }
0x241: {  	[sflag:s28] =	ssyncadd.s32 $0xFFFFF380  }
0x242: {  	_ =	swait.ge [sflag:s28], $0xC80  }
0x243: {  	[sflag:s28] =	ssyncset.done $0x0  }
0x244: {  	[sflag:s28] =	ssyncadd.s32 $0xFFFFF380  }
0x245: {  	_ =	swait.ge [sflag:s29], $0xC80  }
0x246: {  	[sflag:s29] =	ssyncset.done $0x0  }
0x247: {  	[sflag:s29] =	ssyncadd.s32 $0xFFFFF380  }
0x248: {  	_ =	swait.ge [sflag:s29], $0xC80  }
0x249: {  	[sflag:s29] =	ssyncset.done $0x0  }
0x24a: {  	[sflag:s29] =	ssyncadd.s32 $0xFFFFF380  }
0x24b: {  	_ =	swait.ge [sflag:s29], $0xC80  }
0x24c: {  	[sflag:s29] =	ssyncset.done $0x0  }
0x24d: {  	[sflag:s29] =	ssyncadd.s32 $0xFFFFF380  }
0x24e: {  	_ =	swait.ge [sflag:s29], $0xC80  }
0x24f: {  	[sflag:s29] =	ssyncset.done $0x0  }
0x250: {  	[sflag:s29] =	ssyncadd.s32 $0xFFFFF380  }
0x251: {  	_ =	swait.ge [sflag:s29], $0xC80  }
0x252: {  	[sflag:s29] =	ssyncset.done $0x0  }
0x253: {  	[sflag:s29] =	ssyncadd.s32 $0xFFFFF380  }
0x254: {  	_ =	swait.ge [sflag:s29], $0xC80  }
0x255: {  	[sflag:s29] =	ssyncset.done $0x0  }
0x256: {  	[sflag:s29] =	ssyncadd.s32 $0xFFFFF380  }
0x257: {  	_ =	swait.ge [sflag:s29], $0xC80  }
0x258: {  	[sflag:s29] =	ssyncset.done $0x0  }
0x259: {  	[sflag:s29] =	ssyncadd.s32 $0xFFFFF380  }
0x25a: {  	_ =	swait.ge [sflag:s29], $0xC80  }
0x25b: {  	s30 =	sld [smem:$0x7DC]  }
0x25c: {  	s31 =	sld [smem:$0x7FD];
	_ =	sdelay $0x1  }
0x25d: {  	s4 =	sadd.s32 $0x1, s30  }
0x25e: {  	p0 =	sne.s32 s4, s31  }
.Ltmp1:
0x25f: {  	_ = 	snop;
	(pc) =	sbr.rel @p0 .LBB2_1-.Ltmp1, $3  }
0x260: {  	_ =	sdelay $0x1  }
0x261: {  	[sflag:s29] =	ssyncset.done $0x0  }
0x262: {  	[sflag:s29] =	ssyncadd.s32 $0xFFFFF380  }
0x263: {  	_ =	sfence.sel $0x180000  }
0x264: {  	[bflag:$0x0] =	sbarrier.arrive $0xFFFF  }
0x265: {  	_ =	strace $0x90000047  }
0x266: {  	s0 =	stileid.u32;
	[bflag:$0x2] =	sbarrier.arrive $0xFFFF  }
0x267: {  	p0 =	sne.s32 s0, $0x0;
	s0 =	rddreg [dreg:$0x2]  }
0x268: {  	s0 =	sadd.s32 @!p0 $0x100000, s0  }
0x269: {  	[sflag:s0] =	ssyncadd.tile.s32 @!p0 $0x1;
	_ =	shalt  }
.Lfunc_end2:
_tile_overlayer_lowered:
.L_overlay_start_2:
0x26a: {  	(tag) =	ssettag $0x2  }
0x26b: {  	s0 =	rddreg [dreg:$0x0];
	s2 =	stileid.u32  }
0x26c: {  	s1 =	rddreg [dreg:$0x1];
	p0 =	sne.s32 s2, $0x0  }
0x26d: {  	s3 =	rddreg [dreg:$0x2];
	[bflag:$0x3] =	sbarrier.arrive $0xFFFF;
	s2 =	simm.s32 @!p0 $0x1C09  }
0x26e: {  	[timem:s3], [sflag:s2] =	dma.local @!p0 [hbm:s0], s1  }
0x26f: {  	s0 =	simm.s32 @!p0 $0x9  }
0x270: {  	_ =	swait.ge @!p0 [sflag:s0], s1  }
0x271: {  	s1 =	ssub.s32 @!p0 $0x0, s1;
	[sflag:s0] =	ssyncset.done @!p0 $0x0  }
0x272: {  	[sflag:s0] =	ssyncadd.s32 @!p0 s1  }
0x273: {  	[bflag:$0x3] =	sbarrier.arrive $0xFFFF  }
0x274: {  	_ =	shalt  }

// kernel: sparse-core-data-format-call.cloned.1.call-start
scs
called_computation_lowered:
.L_overlay_start_0:
0x0: {  	s2 =	sld [smem:$0x3FD9]  }
0x1: {  	s3 =	sld [smem:$0x3FFE];
	_ =	sdelay $0x1  }
0x2: {  	s1 =	srdreg.scid  }
0x3: {  	s0 =	sand.u32 $0x1, s1  }
0x4: {  	s18 =	sshll.u32 s0, $0xA;
	s2 =	sadd.s32 s3, s2  }
0x5: {  	s2 =	sadd.s32 s2, s18  }
0x6: {  	[smem:$0x3FC6] =	sst s2  }
0x7: {  	_ = 	snop  }
0x8: {  	s2 =	sld [smem:$0x3FD0];
	(tm) =	ssettm $0x1  }
0x9: {  	s19 =	sld [smem:$0x3FFB];
	_ =	sdelay $0x3  }
0xa: {  	_ =	strace s19  }
0xb: {  	s3 =	sld [smem:$0x3FFC];
	_ =	sdelay $0x3  }
0xc: {  	_ =	strace s3  }
0xd: {  	s3 =	sld [smem:$0x3FFD];
	_ =	sdelay $0x3  }
0xe: {  	_ =	strace s3  }
0xf: {  	_ =	strace $0x8FFFFFFF  }
0x10: {  	s20 =	sld [smem:$0x3FDB];
	_ =	sdelay $0x1  }
0x11: {  	s4 =	simm.s32 $_scs_section_size  }
0x12: {  	s5 =	simm.s32 $_size__tile_overlayer_lowered;
	s6 =	simm.s32 $_tile_overlayer_lowered  }
0x13: {  	s23 =	simm.s32 $0x1BFF;
	s22 =	sshll.u32 s6, $0x1;
	s3 =	sadd.s32 s4, s20  }
0x14: {  	s7 =	simm.s32 $0x0;
	s21 =	sshll.u32 s5, $0x1;
	s5 =	sadd.s32 s22, s3  }
0x15: {  	[timem:s7], [sflag:s23] =	dma.local [hbm:s5], s21  }
0x16: {  	_ =	swait.ge [sflag:s23], s21  }
0x17: {  	s4 =	ssub.s32 $0x0, s21;
	[sflag:s23] =	ssyncset.done $0x0  }
0x18: {  	[sflag:s23] =	ssyncadd.s32 s4;
	_ =	sdelay $0x1  }
0x19: {  	s24 =	simm.s32 $0x1B8B  }
0x1a: {  	_ =	swait.ge [sflag:s24], $0x1  }
0x1b: {  	[sflag:s24] =	ssyncset.done $0x0  }
0x1c: {  	s26 =	simm.s32 $0x1B8E;
	s25 =	sld [smem:$0x3FFE];
	[sflag:s24] =	ssyncadd.s32 $0xFFFFFFFF  }
0x1d: {  	s27 =	simm.s32 $execute0_lowered;
	[smem:$0x3FD2] =	sst s26  }
0x1e: {  	s5 =	sshll.u32 s27, $0x1;
	_ =	strace $0x80000049;
	[dreg:$0x1] =	wrdreg $0xFFFFFFFF  }
0x1f: {  	s28 =	simm.s32 $_size_execute0_lowered;
	s3 =	sadd.s32 s3, s5;
	[dreg:$0x0] =	wrdreg $0x0  }
0x20: {  	s5 =	sshll.u32 s28, $0x1;
	[dreg:$0x2] =	wrdreg s3  }
0x21: {  	[dreg:$0x3] =	wrdreg s5  }
0x22: {  	[dreg:$0x4] =	wrdreg $0xC0  }
0x23: {  	_ =	task [dreg:s7], $0x5FFFF  }
0x24: {  	[dreg:$0x1] =	wrdreg $0xFFFFFFFF  }
0x25: {  	[dreg:$0x0] =	wrdreg $0x60  }
0x26: {  	[dreg:$0x2] =	wrdreg s25  }
0x27: {  	[dreg:$0x3] =	wrdreg s2  }
0x28: {  	[dreg:$0x4] =	wrdreg $0x9  }
0x29: {  	_ =	task.clear_ibuf [dreg:s7], $0x5FFFF;
	_ =	strace $0x90000049  }
0x2a: {  	s29 =	simm.s32 $0x9;
	_ =	strace $0x8000004B  }
0x2b: {  	_ =	swait.ge [sflag:s29], $0x1  }
0x2c: {  	[sflag:s29] =	ssyncadd.s32 $0xFFFFFFFF  }
0x2d: {  	_ =	strace $0x9000004B  }
0x2e: {  	_ =	sfence  }
0x2f: {  	s30 =	sld [smem:$0x0];
	_ =	sdelay $0x2  }
0x30: {  	s31 =	sshll.u32 s1, $0xD;
	s1 =	sshrl.u32 s1, $0x2  }
0x31: {  	s3 =	sand.u32 $0x4000, s31;
	s1 =	sadd.s32 s1, s30  }
0x32: {  	s0 =	sor.u32 s3, s0;
	s1 =	sshll.u32 s1, $0x11  }
0x33: {  	s0 =	sor.u32 s1, s0  }
0x34: {  	s0 =	sadd.s32 $0x8F2B, s0  }
0x35: {  	[sflag:s0] =	ssyncadd.remote.s32 $0x1  }
0x36: {  	_ =	sfence.sel $0xFFFF  }
0x37: {  	[dreg:$0x0] =	wrdreg $0xFFFFFFFF;
	(pc) =	sbr.abs _section_cstart, $3  }
0x38: {  	[dreg:$0x1] =	wrdreg $0xFFFFFFFF  }
0x39: {  	_ =	task.clear_ibuf [dreg:s7], $0x2FFFF;
	_ =	strace $0x9FFFFFFF  }
0x3a: {  	(tm) =	ssettm $0x7FFFFFFF  }
0x3b: {  	_ =	shalt  }
tec
execute0_lowered:
.L_overlay_start_1:
0x0: {  	(tag) =	ssettag $0x1  }
0x1: {  	s0 =	srdreg.scid  }
0x2: {  	s1 =	sshll.u32 s0, $0x4  }
0x3: {  	s0 =	stileid.u32;
	s1 =	sand.u32 $0x10, s1  }
0x4: {  	s1 =	sor.u32 s0, s1  }
0x5: {  	s6 =	rddreg [dreg:$0x0];
	s4 =	simm.s32 $0x1;
	s2 =	sshll.u32 s1, $0x7  }
0x6: {  	s7 =	simm.s32 $0x2;
	s12 =	simm.s32 $0x0;
	s1 =	ssub.s32 $0x4000, s2  }
0x7: {  	s8 =	simm.s32 $0x20000;
	s13 =	simm.s32 $0x0;
	s3 =	sand.u32 $0xF80, s1  }
0x8: {  	s9 =	simm.s32 $0x0;
	s5 =	sshrl.u32 s1, $0xC;
	p0 =	sne.s32 s3, $0x0  }
.Ltmp0:
0x9: {  	s1 =	rddreg [dreg:$0x2];
	s4 =	simm.s32 @!p0 $0x0;
	(pc) =	sbr.rel .LBB1_1-.Ltmp0, $4  }
0xa: {  	s11 =	simm.s32 $0x0;
	s3 =	rddreg [dreg:$0x1];
	s5 =	sadd.s32 s4, s5  }
0xb: {  	_ =	strace $0x8000004A;
	s4 =	simm.s32 $0x1;
	s5 =	smul.u32 $0x32, s5  }
0xc: {  	s6 =	sadd.s32 $0xA00, s6;
	s10 =	smov.u32 s2;
	[sflag:s4] =	ssyncpa.u1 $0x0  }
0xd: {  	p0 =	por $0x0, $0x0;
	[sflag:s7] =	ssyncpa.u1 $0x0;
	s7 =	sor.u32 $0x1, s5  }
.LBB1_4:
0xe: {  	s16 =	sshll.u32 s13, $0x3;
	s17 =	sand.u32 $0x78, s13  }
0xf: {  	s30 =	sand.u32 $0x1F800, s13;
	s12 =	sshll.u32 s12, $0x11;
	s16 =	sand.u32 $0x3C00, s16  }
0x10: {  	[tilespmem:s15+$0x810 ss:$0x81] =	vst.msk $0xffff, v2;
	s31 =	sand.u32 $0x7, s13;
	s16 =	sor.u32 s17, s16;
	s17 =	sadd.s32 s3, s30  }
0x11: {  	[tilespmem:s15+$0x1020 ss:$0x81] =	vst.msk $0xffff, v0;
	s13 =	sshll.u32 s31, $0x12;
	s12 =	sadd.s32 s12, s17;
	s16 =	sshrl.u32 s16, $0x3  }
0x12: {  	[tilespmem:s15+$0x0 ss:$0x81] =	vst.msk $0xffff, v1;
	s13 =	sor.u32 $0x400, s13;
	s12 =	sadd.s32 s16, s12  }
0x13: {  	[hbm4b:s12+s13] =	stream.strided.scatter [tilespmem:s14], [sflag:$0x2], $0x2000, s8, s13, $0x20;
	[tilespmem:$0x8080] =	vst v63  }
.LBB1_5:
0x14: {  	s14 =	sadd.s32 $0x1, s9  }
0x15: {  	s12 =	sadd.s32 $0x1000, s10;
	s16 =	smov.u32 s10;
	p2 =	sgt.s32 s14, $0x31  }
0x16: {  	s16 =	smov.u32 @p2 s12  }
0x17: {  	s14 =	simm.s32 @p2 $0x0;
	p2 =	sgt.s32 s16, $0x3FFF  }
0x18: {  	s16 =	smov.u32 @p2 s2;
	p2 =	sne.s32 s11, s7  }
.Ltmp1:
0x19: {  	p1 =	slt.u32 s11, $0x2;
	(pc) =	sbr.rel @!p2 .LBB1_6-.Ltmp1, $4  }
0x1a: {  	s15 =	simm.s32 @!p1 $0x2  }
0x1b: {  	s13 =	smov.u32 s10;
	p0 =	por !p0, !p0;
	_ =	swait.ge @!p1 [sflag:s15], $0x2000  }
0x1c: {  	s12 =	smov.u32 s9;
	[sflag:s15] =	ssyncset.done @!p1 $0x0;
	s9 =	smov.u32 s14  }
0x1d: {  	s11 =	sadd.s32 $0x1, s11;
	[sflag:s15] =	ssyncadd.s32 @!p1 $0xFFFFE000;
	s10 =	smov.u32 s16  }
.LBB1_1:
0x1e: {  	p1 =	sge.u32 s11, s5  }
0x1f: {  	s14 =	sand.u32 @!p1 $0x1FFFFFF, s9  }
0x20: {  	s15 =	smulhi.u32 @!p1 $0x4924925, s14;
	_ =	sdelay $0x1  }
0x21: {  	s15 =	smul.u32 @!p1 $0x38, s15  }
0x22: {  	s16 =	sxor.u32 @!p1 $0xFFFFFFFF, s11;
	s17 =	smul.u32 @!p1 $0x380, s10  }
0x23: {  	s31 =	sadd.s32 $0xFFFFFFFF, s11;
	s16 =	sshll.u32 @!p1 s16, $0xD;
	s14 =	ssub.s32 @!p1 s14, s15  }
0x24: {  	s15 =	sand.u32 @!p1 $0x2000, s16;
	s16 =	sadd.s32 @!p1 s6, s17;
	s14 =	sshll.u32 @!p1 s14, $0x4  }
0x25: {  	s17 =	simm.s32 @!p1 $0x1C00;
	s14 =	sadd.s32 @!p1 s14, s16;
	s16 =	simm.s32 @!p1 $0x40  }
0x26: {  	[tilespmem:s15], [sflag:$0x1] =	stream.strided.gather @!p1 [hbm4b:s14+s16], $0x2000, s17, s16, $0x38;
	[tilespmem:$0x8080] =	vst v63  }
0x27: {  	p1 =	sge.u32 s31, s5  }
.Ltmp2:
0x28: {  	_ = 	snop;
	(pc) =	sbr.rel @p1 .LBB1_5-.Ltmp2, $1  }
0x29: {  	_ =	sdelay $0x3  }
0x2a: {  	s14 =	simm.s32 $0x1  }
0x2b: {  	_ =	swait.ge [sflag:s4], $0x2000;
	s14 =	simm.s32 @!p0 $0x0  }
0x2c: {  	[sflag:s4] =	ssyncset.done $0x0;
	s15 =	sshll.u32 s14, $0xD  }
0x2d: {  	[sflag:s4] =	ssyncadd.s32 $0xFFFFE000;
	s18 =	sor.u32 $0x20, s15  }
0x2e: {  	s14 =	smul.u32 $0x8100, s14;
	v3 =	vld [tilespmem:s18+$0x10]  }
0x2f: {  	s30 =	sand.u32 $0x1, s11;
	v2 =	vld [tilespmem:s18+$0xFFFFFFF0]  }
0x30: {  	s15 =	smul.u32 $0x8100, s30;
	s14 =	sshrl.u32 s14, $0x2;
	v0 =	vld [tilespmem:s18+$0x0]  }
0x31: {  	v1 =	vld [tilespmem:s18+$0xFFFFFFE0];
	s16 =	sor.u32 $0x4000, s14  }
0x32: {  	s31 =	sshrl.u32 s15, $0x2;
	s15 =	sadd.s32 $0x0, s16  }
0x33: {  	s17 =	simm.s32 $0x4;
	s18 =	sadd.s32 $0x40, s18;
	s14 =	sor.u32 $0x4000, s31;
	[tilespmem:s15+$0x1830 ss:$0x81] =	vst.msk $0xffff, v3  }
.LBB1_3:
0x34: {  	v3 =	vld [tilespmem:s18+$0x10];
	p1 =	sne.s32 s17, $0x1FC;
	[tilespmem:s15+$0x810 ss:$0x81] =	vst.msk $0xffff, v2;
	s19 =	smov.u32 s17;
	s17 =	sadd.s32 $0x4, s17  }
.Ltmp3:
0x35: {  	v2 =	vld [tilespmem:s18+$0xFFFFFFF0];
	[tilespmem:s15+$0x1020 ss:$0x81] =	vst.msk $0xffff, v0;
	(pc) =	sbr.rel @p1 .LBB1_3-.Ltmp3, $4  }
0x36: {  	v0 =	vld [tilespmem:s18+$0x0];
	[tilespmem:s15+$0x0 ss:$0x81] =	vst.msk $0xffff, v1  }
0x37: {  	s15 =	sshra.s32 s19, $0x2;
	v1 =	vld [tilespmem:s18+$0xFFFFFFE0]  }
0x38: {  	s15 =	sadd.s32 s15, s16  }
0x39: {  	s18 =	sadd.s32 $0x40, s18;
	[tilespmem:s15+$0x1830 ss:$0x81] =	vst.msk $0xffff, v3  }
.Ltmp4:
0x3a: {  	_ = 	snop;
	(pc) =	sbr.rel .LBB1_4-.Ltmp4, $1  }
0x3b: {  	_ =	sdelay $0x3  }
.LBB1_6:
0x3c: {  	_ =	sfence.sel $0x180000  }
0x3d: {  	s2 =	simm.s32 $0x1;
	[bflag:$0x0] =	sbarrier.arrive $0xFFFF  }
0x3e: {  	s31 =	simm.s32 $0x2;
	[sflag:s2] =	ssyncpa.u1 $0x1  }
0x3f: {  	[sflag:s31] =	ssyncpa.u1 $0x1  }
0x40: {  	p0 =	sne.s32 s0, $0x0;
	_ =	strace $0x9000004A  }
0x41: {  	s0 =	sadd.s32 @!p0 $0x100000, s1;
	[bflag:$0x2] =	sbarrier.arrive $0xFFFF  }
0x42: {  	[sflag:s0] =	ssyncadd.tile.s32 @!p0 $0x1;
	_ =	shalt  }
.Lfunc_end1:
_tile_overlayer_lowered:
.L_overlay_start_2:
0x43: {  	(tag) =	ssettag $0x2  }
0x44: {  	s0 =	rddreg [dreg:$0x0];
	s2 =	stileid.u32  }
0x45: {  	s1 =	rddreg [dreg:$0x1];
	p0 =	sne.s32 s2, $0x0  }
0x46: {  	s3 =	rddreg [dreg:$0x2];
	[bflag:$0x3] =	sbarrier.arrive $0xFFFF;
	s2 =	simm.s32 @!p0 $0x1C01  }
0x47: {  	[timem:s3], [sflag:s2] =	dma.local @!p0 [hbm:s0], s1  }
0x48: {  	s0 =	simm.s32 @!p0 $0x1  }
0x49: {  	_ =	swait.ge @!p0 [sflag:s0], s1  }
0x4a: {  	s1 =	ssub.s32 @!p0 $0x0, s1;
	[sflag:s0] =	ssyncset.done @!p0 $0x0  }
0x4b: {  	[sflag:s0] =	ssyncadd.s32 @!p0 s1  }
0x4c: {  	[bflag:$0x3] =	sbarrier.arrive $0xFFFF  }
0x4d: {  	_ =	shalt  }

</sc_bundles>
